<compile_context>
chip_gen: v7x
topology: tpu7x:2x2x1
jax: 0.10.2.dev20260603
libtpu: 0.0.44.dev20260713+nightly
codegen_flags: <defaults>
</compile_context>

<pallas_src>
import functools

import jax
import jax.numpy as jnp
from jax import lax
from jax.experimental import pallas as pl
from jax.experimental.pallas import tpu as pltpu
from jax.experimental.pallas import tpu_sc as plsc

N_NODES = 10000
N_EDGES = 320000
D = 128

NC = 2
NS = 16
NW = NC * NS

NROWS = 10240
CHUNK = 96
NCHUNK = 105
EPW = NCHUNK * CHUNK
E_PAD = NW * EPW
BCH = 21
NBLK = NCHUNK // BCH
IDXSTRIDE = 24
RPS = NROWS // NS
SLICES = [(k * 64, 64) for k in range(10)]


def _make_sc_scatter(with_counts: bool):
    out_type = [jax.ShapeDtypeStruct((NC, NROWS, D), jnp.float32)]
    if with_counts:
        out_type.append(jax.ShapeDtypeStruct((NROWS,), jnp.float32))
        out_type.append(jax.ShapeDtypeStruct((NROWS,), jnp.float32))

    scratch = dict(
        acc_sh=pltpu.VMEM_SHARED((NROWS, D), jnp.float32),
        rows_v=pltpu.VMEM((CHUNK, D), jnp.float32),
        rows_b=pltpu.VMEM((CHUNK, D), jnp.float32),
        rows_c=pltpu.VMEM((CHUNK, D), jnp.float32),
        src_v=pltpu.VMEM((IDXSTRIDE, CHUNK), jnp.int32),
        dst_v=pltpu.VMEM((IDXSTRIDE, CHUNK), jnp.int32),
        sem=pltpu.SemaphoreType.DMA,
        sem_b=pltpu.SemaphoreType.DMA,
        sem_c=pltpu.SemaphoreType.DMA,
        sem_sa=pltpu.SemaphoreType.DMA,
        sem_sb=pltpu.SemaphoreType.DMA,
        sem_sc=pltpu.SemaphoreType.DMA,
    )
    if with_counts:
        scratch.update(
            cnt_sh=pltpu.VMEM_SHARED((NROWS,), jnp.float32),
            cbuf_v=pltpu.VMEM((RPS,), jnp.float32),
            ones_v=pltpu.VMEM((CHUNK,), jnp.float32),
        )

    mesh = plsc.VectorSubcoreMesh(
        core_axis_name="c", subcore_axis_name="s", num_cores=NC, num_subcores=NS
    )

    @functools.partial(
        pl.kernel,
        out_type=tuple(out_type),
        mesh=mesh,
        scratch_types=scratch,
    )
    def body(feat_hbm, src_hbm, dst_hbm, z2d_hbm, zcnt_hbm, ones_hbm,
             *rest, acc_sh, rows_v, rows_b, rows_c, src_v, dst_v, sem, sem_b,
             sem_c, sem_sa, sem_sb, sem_sc,
             cnt_sh=None, cbuf_v=None, ones_v=None):
        if with_counts:
            out_hbm, cnt0_hbm, cnt1_hbm = rest
        else:
            (out_hbm,) = rest
        c = lax.axis_index("c")
        s = lax.axis_index("s")
        w = c * NS + s

        pltpu.sync_copy(z2d_hbm, rows_v)
        for o, n in SLICES:
            pltpu.async_copy(rows_v.at[pl.ds(0, n), :],
                             acc_sh.at[pl.ds(s * RPS + o, n), :], sem)
        for o, n in SLICES:
            pltpu.make_async_copy(rows_v.at[pl.ds(0, n), :],
                                  acc_sh.at[pl.ds(s * RPS + o, n), :],
                                  sem).wait()
        if with_counts:
            pltpu.sync_copy(zcnt_hbm, cbuf_v)
            pltpu.sync_copy(cbuf_v, cnt_sh.at[pl.ds(s * RPS, RPS)])
            pltpu.sync_copy(ones_hbm, ones_v)
        plsc.subcore_barrier()

        def start_g(c, buf, s_):
            pltpu.async_copy(feat_hbm.at[src_v.at[c]], buf, s_)

        def wait_g(buf, s_):
            pltpu.make_async_copy(feat_hbm.at[src_v.at[0]], buf, s_).wait()

        def start_s(c, buf, s_):
            pltpu.async_copy(buf, acc_sh.at[dst_v.at[c]], s_, add=True)

        def wait_s(buf, s_):
            pltpu.make_async_copy(buf, acc_sh.at[dst_v.at[0]], s_).wait()

        def cnt_add(c):
            if with_counts:
                pltpu.sync_copy(ones_v, cnt_sh.at[dst_v.at[c]], add=True)

        def block_body(bi, carry):
            r0 = (w * NBLK + bi) * IDXSTRIDE
            pltpu.sync_copy(src_hbm.at[pl.ds(r0, IDXSTRIDE), :], src_v)
            pltpu.sync_copy(dst_hbm.at[pl.ds(r0, IDXSTRIDE), :], dst_v)
            start_g(0, rows_v, sem)
            start_g(1, rows_b, sem_b)

            def triple_body(t, c2):
                c0 = 3 * t

                @pl.when(t > 0)
                def _():
                    wait_s(rows_c, sem_sc)

                start_g(c0 + 2, rows_c, sem_c)
                wait_g(rows_v, sem)
                start_s(c0, rows_v, sem_sa)
                cnt_add(c0)

                wait_s(rows_v, sem_sa)

                @pl.when(t < BCH // 3 - 1)
                def _():
                    start_g(c0 + 3, rows_v, sem)

                wait_g(rows_b, sem_b)
                start_s(c0 + 1, rows_b, sem_sb)
                cnt_add(c0 + 1)

                wait_s(rows_b, sem_sb)

                @pl.when(t < BCH // 3 - 1)
                def _():
                    start_g(c0 + 4, rows_b, sem_b)

                wait_g(rows_c, sem_c)
                start_s(c0 + 2, rows_c, sem_sc)
                cnt_add(c0 + 2)
                return c2

            lax.fori_loop(0, BCH // 3, triple_body, 0)
            wait_s(rows_c, sem_sc)
            return carry

        lax.fori_loop(0, NBLK, block_body, 0)
        plsc.subcore_barrier()

        def _ro_desc(j):
            o, n = SLICES[j]
            base, sh = (rows_v, sem_sa) if j % 2 == 0 else (rows_b, sem_sb)
            buf = base.at[pl.ds(0, n), :]
            dst = out_hbm.at[c, pl.ds(s * RPS + o, n), :]
            return buf, dst, sh

        nslice = len(SLICES)
        for j in range(nslice):
            buf, dstref, sh = _ro_desc(j)
            if j >= 2:
                pbuf, pdst, psh = _ro_desc(j - 2)
                pltpu.make_async_copy(pbuf, pdst, psh).wait()
            o, n = SLICES[j]
            pltpu.sync_copy(acc_sh.at[pl.ds(s * RPS + o, n), :], buf)
            pltpu.async_copy(buf, dstref, sh)
        for j in range(max(0, nslice - 2), nslice):
            buf, dstref, sh = _ro_desc(j)
            pltpu.make_async_copy(buf, dstref, sh).wait()
        if with_counts:
            pltpu.sync_copy(cnt_sh.at[pl.ds(s * RPS, RPS)], cbuf_v)

            @pl.when(c == 0)
            def _():
                pltpu.sync_copy(cbuf_v, cnt0_hbm.at[pl.ds(s * RPS, RPS)])

            @pl.when(c == 1)
            def _():
                pltpu.sync_copy(cbuf_v, cnt1_hbm.at[pl.ds(s * RPS, RPS)])

    return body


_sc_scatter_counts = _make_sc_scatter(with_counts=True)
_sc_scatter = _make_sc_scatter(with_counts=False)


BLK = 1000


def _dense_body(p0_ref, p1_ref, c0_ref, c1_ref, x_ref, wl_ref, wr_ref, b_ref,
                o_ref):
    cnt = c0_ref[...] + c1_ref[...]
    inv = 1.0 / jnp.maximum(cnt, 1.0)
    mean = (p0_ref[...] + p1_ref[...]) * inv
    dims = (((1,), (1,)), ((), ()))
    out = lax.dot_general(mean, wl_ref[...], dims,
                          preferred_element_type=jnp.float32)
    out = out + lax.dot_general(x_ref[...], wr_ref[...], dims,
                                preferred_element_type=jnp.float32)
    out = out + b_ref[...]
    nrm = jnp.sqrt(jnp.sum(out * out, axis=1, keepdims=True))
    out = out / jnp.maximum(nrm, 1e-12)
    o_ref[...] = jnp.where(out >= 0, out, 0.2 * out)


def _dense(p0, p1, c0, c1, x, W_l, W_r, b):
    grid = (N_NODES // BLK,)
    return pl.pallas_call(
        _dense_body,
        grid=grid,
        in_specs=[
            pl.BlockSpec((BLK, D), lambda i: (i, 0)),
            pl.BlockSpec((BLK, D), lambda i: (i, 0)),
            pl.BlockSpec((BLK, 1), lambda i: (i, 0)),
            pl.BlockSpec((BLK, 1), lambda i: (i, 0)),
            pl.BlockSpec((BLK, D), lambda i: (i, 0)),
            pl.BlockSpec((D, D), lambda i: (0, 0)),
            pl.BlockSpec((D, D), lambda i: (0, 0)),
            pl.BlockSpec((1, D), lambda i: (0, 0)),
        ],
        out_specs=pl.BlockSpec((BLK, D), lambda i: (i, 0)),
        out_shape=jax.ShapeDtypeStruct((N_NODES, D), jnp.float32),
    )(p0, p1, c0, c1, x, W_l, W_r, b)


def kernel(x, edge_index, W1_l, W1_r, b1, W2_l, W2_r, b2):
    src = edge_index[0].astype(jnp.int32)
    dst = edge_index[1].astype(jnp.int32)

    npad = E_PAD - N_EDGES
    ar = jnp.arange(npad, dtype=jnp.int32)

    def _blocked(idx):
        b = idx.reshape(NW * NBLK, BCH, CHUNK)
        b = jnp.pad(b, ((0, 0), (0, IDXSTRIDE - BCH), (0, 0)))
        return b.reshape(NW * NBLK * IDXSTRIDE, CHUNK)

    src_p = _blocked(jnp.concatenate([src, (ar * 131) % N_NODES]))
    dst_p = _blocked(
        jnp.concatenate([dst, N_NODES + (ar % (NROWS - N_NODES))]))

    z2d = jnp.zeros((CHUNK, D), jnp.float32)
    zcnt = jnp.zeros((RPS,), jnp.float32)
    ones = jnp.ones((CHUNK,), jnp.float32)
    b1r = b1.reshape(1, D)
    b2r = b2.reshape(1, D)

    sums1, cnt0, cnt1 = _sc_scatter_counts(x, src_p, dst_p, z2d, zcnt, ones)
    c0 = cnt0.reshape(NROWS, 1)
    c1 = cnt1.reshape(NROWS, 1)

    h = _dense(sums1[0], sums1[1], c0, c1, x, W1_l, W1_r, b1r)

    (sums2,) = _sc_scatter(h, src_p, dst_p, z2d, zcnt, ones)
    out = _dense(sums2[0], sums2[1], c0, c1, h, W2_l, W2_r, b2r)
    return out

# --- scband reference (transcript-rebuilt; emitter-appended) ---
"""Pipeline reference for scband-gnn-65747359367497 (READ-ONLY COPY).

The authoritative reference and input builder live on the scoring server;
editing this copy changes nothing except your own understanding.
"""

import jax, jax.numpy as jnp
import numpy as np

N_NODES = 10000
N_EDGES = 320000
D = 128
HIDDEN = 128


def leaky_relu(x, negative_slope=0.2):
    return jnp.where(x >= 0, x, negative_slope * x)


def sage_conv(x, edge_index, W_l, W_r, b, num_nodes):
    # SAGEConv with mean aggregation, root_weight=True, normalize=True
    src = edge_index[0]
    dst = edge_index[1]
    msgs = jnp.take(x, src, axis=0)
    summed = jax.ops.segment_sum(msgs, dst, num_segments=num_nodes)
    counts = jax.ops.segment_sum(jnp.ones((msgs.shape[0],), dtype=x.dtype), dst, num_segments=num_nodes)
    mean = summed / jnp.clip(counts, 1.0, None)[:, None]
    out = mean @ W_l.T + b + x @ W_r.T
    norm = jnp.linalg.norm(out, axis=-1, keepdims=True)
    out = out / jnp.clip(norm, 1e-12, None)
    return out


def setup_inputs(seed: int = 0) -> dict:
    key = jax.random.key(seed)
    k_x, k_e, k1, k2, k3, k4 = jax.random.split(key, 6)
    x = jax.random.normal(k_x, (N_NODES, D), dtype=jnp.float32)
    edge_index = jax.random.randint(k_e, (2, N_EDGES), 0, N_NODES, dtype=jnp.int64)
    s = 1.0 / np.sqrt(D)
    W1_l = jax.random.uniform(k1, (HIDDEN, D), minval=-s, maxval=s, dtype=jnp.float32)
    W1_r = jax.random.uniform(k2, (HIDDEN, D), minval=-s, maxval=s, dtype=jnp.float32)
    b1 = jnp.zeros((HIDDEN,), dtype=jnp.float32)
    s2 = 1.0 / np.sqrt(HIDDEN)
    W2_l = jax.random.uniform(k3, (HIDDEN, HIDDEN), minval=-s2, maxval=s2, dtype=jnp.float32)
    W2_r = jax.random.uniform(k4, (HIDDEN, HIDDEN), minval=-s2, maxval=s2, dtype=jnp.float32)
    b2 = jnp.zeros((HIDDEN,), dtype=jnp.float32)
    return {"x": x, "edge_index": edge_index, "W1_l": W1_l, "W1_r": W1_r, "b1": b1, "W2_l": W2_l, "W2_r": W2_r, "b2": b2}


def reference(x, edge_index, W1_l, W1_r, b1, W2_l, W2_r, b2):
    num_nodes = x.shape[0]
    h = sage_conv(x, edge_index, W1_l, W1_r, b1, num_nodes)
    h = leaky_relu(h, 0.2)
    h = sage_conv(h, edge_index, W2_l, W2_r, b2, num_nodes)
    h = leaky_relu(h, 0.2)
    return h

if __name__ == "__main__":
    import jax
    _d = setup_inputs()
    print(jax.jit(kernel)(*tuple(_d.values())))

</pallas_src>

<mosaic_0001>
#map = affine_map<(d0, d1) -> (0, 0)>
#map1 = affine_map<(d0, d1) -> (0)>
#map2 = affine_map<(d0, d1) -> (0, 0, 0)>
module attributes {stable_mosaic.version = 14 : i64} {
  func.func @body(%arg0: i32, %arg1: i32, %arg2: memref<10000x128xf32, #tpu.memory_space<hbm>>, %arg3: memref<3840x96xi32, #tpu.memory_space<hbm>>, %arg4: memref<3840x96xi32, #tpu.memory_space<hbm>>, %arg5: memref<96x128xf32, #tpu.memory_space<hbm>>, %arg6: memref<640xf32, #tpu.memory_space<hbm>>, %arg7: memref<96xf32, #tpu.memory_space<hbm>>, %arg8: memref<2x10240x128xf32, #tpu.memory_space<hbm>>, %arg9: memref<10240x128xf32, #tpu.memory_space<vmem_shared>>, %arg10: memref<24x96xi32, #tpu.memory_space<vmem>>, %arg11: memref<96x128xf32, #tpu.memory_space<vmem>>, %arg12: memref<96x128xf32, #tpu.memory_space<vmem>>, %arg13: memref<96x128xf32, #tpu.memory_space<vmem>>, %arg14: memref<!tpu.dma_semaphore, #tpu.memory_space<semaphore_mem>>, %arg15: memref<!tpu.dma_semaphore, #tpu.memory_space<semaphore_mem>>, %arg16: memref<!tpu.dma_semaphore, #tpu.memory_space<semaphore_mem>>, %arg17: memref<!tpu.dma_semaphore, #tpu.memory_space<semaphore_mem>>, %arg18: memref<!tpu.dma_semaphore, #tpu.memory_space<semaphore_mem>>, %arg19: memref<!tpu.dma_semaphore, #tpu.memory_space<semaphore_mem>>, %arg20: memref<24x96xi32, #tpu.memory_space<vmem>>) attributes {dimension_semantics = [#tpu.dimension_semantics<core_parallel>, #tpu.dimension_semantics<subcore_parallel>], iteration_bounds = array<i64: 2, 16>, scalar_prefetch = 0 : i64, scratch_operands = 12 : i64, tpu.core_type = #tpu.core_type<sc_vector_subcore>, window_params = [{transform_indices = #map}, {transform_indices = #map}, {transform_indices = #map}, {transform_indices = #map}, {transform_indices = #map1}, {transform_indices = #map1}, {transform_indices = #map2}]} {
    %mul3A = arith.constant 16 : i32
    %mul3A_0 = arith.muli %arg0, %mul3A : i32
    %add3A = arith.addi %mul3A_0, %arg1 : i32
    "tpu.region"() ({
      %run_scoped3A = tpu.sem_alloc : memref<!tpu.dma_semaphore, #tpu.memory_space<semaphore_mem>>
      tpu.enqueue_dma source(%arg5 : memref<96x128xf32, #tpu.memory_space<hbm>>) target(%arg13 : memref<96x128xf32, #tpu.memory_space<vmem>>) target_semaphore(%run_scoped3A : memref<!tpu.dma_semaphore, #tpu.memory_space<semaphore_mem>>)
      tpu.wait_dma2 semaphore(%run_scoped3A : memref<!tpu.dma_semaphore, #tpu.memory_space<semaphore_mem>>) src(%arg5 : memref<96x128xf32, #tpu.memory_space<hbm>>) dst(%arg13 : memref<96x128xf32, #tpu.memory_space<vmem>>)
      tpu.yield
    }) : () -> ()
    %mul3A_1 = arith.constant 640 : i32
    %mul3A_2 = arith.muli %arg1, %mul3A_1 : i32
    %add3A_3 = arith.constant 0 : i32
    %add3A_4 = arith.addi %mul3A_2, %add3A_3 : i32
    %dma_start3A = arith.constant 0 : i32
    %dma_start3A_5 = arith.constant 0 : i32
    %dma_start3A_6 = tpu.memref_slice %arg13[%dma_start3A, %dma_start3A_5] : memref<96x128xf32, #tpu.memory_space<vmem>> -> memref<64x128xf32, #tpu.memory_space<vmem>>
    %dma_start3A_7 = arith.constant 0 : i32
    %dma_start3A_8 = tpu.memref_slice %arg9[%add3A_4, %dma_start3A_7] : memref<10240x128xf32, #tpu.memory_space<vmem_shared>> -> memref<64x128xf32, #tpu.memory_space<vmem_shared>>
    %dma_start3A_9 = arith.constant 0 : i32
    %dma_start3A_10 = tpu.memref_slice %arg9[%add3A_4, %dma_start3A_9] : memref<10240x128xf32, #tpu.memory_space<vmem_shared>> -> memref<64x128xf32, #tpu.memory_space<vmem_shared>>
    %dma_start3A_11 = arith.constant 0 : i32
    %dma_start3A_12 = arith.constant 0 : i32
    %dma_start3A_13 = tpu.memref_slice %arg13[%dma_start3A_11, %dma_start3A_12] : memref<96x128xf32, #tpu.memory_space<vmem>> -> memref<64x128xf32, #tpu.memory_space<vmem>>
    tpu.enqueue_dma source(%dma_start3A_13 : memref<64x128xf32, #tpu.memory_space<vmem>>) target(%dma_start3A_10 : memref<64x128xf32, #tpu.memory_space<vmem_shared>>) target_semaphore(%arg14 : memref<!tpu.dma_semaphore, #tpu.memory_space<semaphore_mem>>)
    %mul3A_14 = arith.constant 640 : i32
    %mul3A_15 = arith.muli %arg1, %mul3A_14 : i32
    %add3A_16 = arith.constant 64 : i32
    %add3A_17 = arith.addi %mul3A_15, %add3A_16 : i32
    %dma_start3A_18 = arith.constant 0 : i32
    %dma_start3A_19 = arith.constant 0 : i32
    %dma_start3A_20 = tpu.memref_slice %arg13[%dma_start3A_18, %dma_start3A_19] : memref<96x128xf32, #tpu.memory_space<vmem>> -> memref<64x128xf32, #tpu.memory_space<vmem>>
    %dma_start3A_21 = arith.constant 0 : i32
    %dma_start3A_22 = tpu.memref_slice %arg9[%add3A_17, %dma_start3A_21] : memref<10240x128xf32, #tpu.memory_space<vmem_shared>> -> memref<64x128xf32, #tpu.memory_space<vmem_shared>>
    %dma_start3A_23 = arith.constant 0 : i32
    %dma_start3A_24 = tpu.memref_slice %arg9[%add3A_17, %dma_start3A_23] : memref<10240x128xf32, #tpu.memory_space<vmem_shared>> -> memref<64x128xf32, #tpu.memory_space<vmem_shared>>
    %dma_start3A_25 = arith.constant 0 : i32
    %dma_start3A_26 = arith.constant 0 : i32
    %dma_start3A_27 = tpu.memref_slice %arg13[%dma_start3A_25, %dma_start3A_26] : memref<96x128xf32, #tpu.memory_space<vmem>> -> memref<64x128xf32, #tpu.memory_space<vmem>>
    tpu.enqueue_dma source(%dma_start3A_27 : memref<64x128xf32, #tpu.memory_space<vmem>>) target(%dma_start3A_24 : memref<64x128xf32, #tpu.memory_space<vmem_shared>>) target_semaphore(%arg14 : memref<!tpu.dma_semaphore, #tpu.memory_space<semaphore_mem>>)
    %mul3A_28 = arith.constant 640 : i32
    %mul3A_29 = arith.muli %arg1, %mul3A_28 : i32
    %add3A_30 = arith.constant 128 : i32
    %add3A_31 = arith.addi %mul3A_29, %add3A_30 : i32
    %dma_start3A_32 = arith.constant 0 : i32
    %dma_start3A_33 = arith.constant 0 : i32
    %dma_start3A_34 = tpu.memref_slice %arg13[%dma_start3A_32, %dma_start3A_33] : memref<96x128xf32, #tpu.memory_space<vmem>> -> memref<64x128xf32, #tpu.memory_space<vmem>>
    %dma_start3A_35 = arith.constant 0 : i32
    %dma_start3A_36 = tpu.memref_slice %arg9[%add3A_31, %dma_start3A_35] : memref<10240x128xf32, #tpu.memory_space<vmem_shared>> -> memref<64x128xf32, #tpu.memory_space<vmem_shared>>
    %dma_start3A_37 = arith.constant 0 : i32
    %dma_start3A_38 = tpu.memref_slice %arg9[%add3A_31, %dma_start3A_37] : memref<10240x128xf32, #tpu.memory_space<vmem_shared>> -> memref<64x128xf32, #tpu.memory_space<vmem_shared>>
    %dma_start3A_39 = arith.constant 0 : i32
    %dma_start3A_40 = arith.constant 0 : i32
    %dma_start3A_41 = tpu.memref_slice %arg13[%dma_start3A_39, %dma_start3A_40] : memref<96x128xf32, #tpu.memory_space<vmem>> -> memref<64x128xf32, #tpu.memory_space<vmem>>
    tpu.enqueue_dma source(%dma_start3A_41 : memref<64x128xf32, #tpu.memory_space<vmem>>) target(%dma_start3A_38 : memref<64x128xf32, #tpu.memory_space<vmem_shared>>) target_semaphore(%arg14 : memref<!tpu.dma_semaphore, #tpu.memory_space<semaphore_mem>>)
    %mul3A_42 = arith.constant 640 : i32
    %mul3A_43 = arith.muli %arg1, %mul3A_42 : i32
    %add3A_44 = arith.constant 192 : i32
    %add3A_45 = arith.addi %mul3A_43, %add3A_44 : i32
    %dma_start3A_46 = arith.constant 0 : i32
    %dma_start3A_47 = arith.constant 0 : i32
    %dma_start3A_48 = tpu.memref_slice %arg13[%dma_start3A_46, %dma_start3A_47] : memref<96x128xf32, #tpu.memory_space<vmem>> -> memref<64x128xf32, #tpu.memory_space<vmem>>
    %dma_start3A_49 = arith.constant 0 : i32
    %dma_start3A_50 = tpu.memref_slice %arg9[%add3A_45, %dma_start3A_49] : memref<10240x128xf32, #tpu.memory_space<vmem_shared>> -> memref<64x128xf32, #tpu.memory_space<vmem_shared>>
    %dma_start3A_51 = arith.constant 0 : i32
    %dma_start3A_52 = tpu.memref_slice %arg9[%add3A_45, %dma_start3A_51] : memref<10240x128xf32, #tpu.memory_space<vmem_shared>> -> memref<64x128xf32, #tpu.memory_space<vmem_shared>>
    %dma_start3A_53 = arith.constant 0 : i32
    %dma_start3A_54 = arith.constant 0 : i32
    %dma_start3A_55 = tpu.memref_slice %arg13[%dma_start3A_53, %dma_start3A_54] : memref<96x128xf32, #tpu.memory_space<vmem>> -> memref<64x128xf32, #tpu.memory_space<vmem>>
    tpu.enqueue_dma source(%dma_start3A_55 : memref<64x128xf32, #tpu.memory_space<vmem>>) target(%dma_start3A_52 : memref<64x128xf32, #tpu.memory_space<vmem_shared>>) target_semaphore(%arg14 : memref<!tpu.dma_semaphore, #tpu.memory_space<semaphore_mem>>)
    %mul3A_56 = arith.constant 640 : i32
    %mul3A_57 = arith.muli %arg1, %mul3A_56 : i32
    %add3A_58 = arith.constant 256 : i32
    %add3A_59 = arith.addi %mul3A_57, %add3A_58 : i32
    %dma_start3A_60 = arith.constant 0 : i32
    %dma_start3A_61 = arith.constant 0 : i32
    %dma_start3A_62 = tpu.memref_slice %arg13[%dma_start3A_60, %dma_start3A_61] : memref<96x128xf32, #tpu.memory_space<vmem>> -> memref<64x128xf32, #tpu.memory_space<vmem>>
    %dma_start3A_63 = arith.constant 0 : i32
    %dma_start3A_64 = tpu.memref_slice %arg9[%add3A_59, %dma_start3A_63] : memref<10240x128xf32, #tpu.memory_space<vmem_shared>> -> memref<64x128xf32, #tpu.memory_space<vmem_shared>>
    %dma_start3A_65 = arith.constant 0 : i32
    %dma_start3A_66 = tpu.memref_slice %arg9[%add3A_59, %dma_start3A_65] : memref<10240x128xf32, #tpu.memory_space<vmem_shared>> -> memref<64x128xf32, #tpu.memory_space<vmem_shared>>
    %dma_start3A_67 = arith.constant 0 : i32
    %dma_start3A_68 = arith.constant 0 : i32
    %dma_start3A_69 = tpu.memref_slice %arg13[%dma_start3A_67, %dma_start3A_68] : memref<96x128xf32, #tpu.memory_space<vmem>> -> memref<64x128xf32, #tpu.memory_space<vmem>>
    tpu.enqueue_dma source(%dma_start3A_69 : memref<64x128xf32, #tpu.memory_space<vmem>>) target(%dma_start3A_66 : memref<64x128xf32, #tpu.memory_space<vmem_shared>>) target_semaphore(%arg14 : memref<!tpu.dma_semaphore, #tpu.memory_space<semaphore_mem>>)
    %mul3A_70 = arith.constant 640 : i32
    %mul3A_71 = arith.muli %arg1, %mul3A_70 : i32
    %add3A_72 = arith.constant 320 : i32
    %add3A_73 = arith.addi %mul3A_71, %add3A_72 : i32
    %dma_start3A_74 = arith.constant 0 : i32
    %dma_start3A_75 = arith.constant 0 : i32
    %dma_start3A_76 = tpu.memref_slice %arg13[%dma_start3A_74, %dma_start3A_75] : memref<96x128xf32, #tpu.memory_space<vmem>> -> memref<64x128xf32, #tpu.memory_space<vmem>>
    %dma_start3A_77 = arith.constant 0 : i32
    %dma_start3A_78 = tpu.memref_slice %arg9[%add3A_73, %dma_start3A_77] : memref<10240x128xf32, #tpu.memory_space<vmem_shared>> -> memref<64x128xf32, #tpu.memory_space<vmem_shared>>
    %dma_start3A_79 = arith.constant 0 : i32
    %dma_start3A_80 = tpu.memref_slice %arg9[%add3A_73, %dma_start3A_79] : memref<10240x128xf32, #tpu.memory_space<vmem_shared>> -> memref<64x128xf32, #tpu.memory_space<vmem_shared>>
    %dma_start3A_81 = arith.constant 0 : i32
    %dma_start3A_82 = arith.constant 0 : i32
    %dma_start3A_83 = tpu.memref_slice %arg13[%dma_start3A_81, %dma_start3A_82] : memref<96x128xf32, #tpu.memory_space<vmem>> -> memref<64x128xf32, #tpu.memory_space<vmem>>
    tpu.enqueue_dma source(%dma_start3A_83 : memref<64x128xf32, #tpu.memory_space<vmem>>) target(%dma_start3A_80 : memref<64x128xf32, #tpu.memory_space<vmem_shared>>) target_semaphore(%arg14 : memref<!tpu.dma_semaphore, #tpu.memory_space<semaphore_mem>>)
    %mul3A_84 = arith.constant 640 : i32
    %mul3A_85 = arith.muli %arg1, %mul3A_84 : i32
    %add3A_86 = arith.constant 384 : i32
    %add3A_87 = arith.addi %mul3A_85, %add3A_86 : i32
    %dma_start3A_88 = arith.constant 0 : i32
    %dma_start3A_89 = arith.constant 0 : i32
    %dma_start3A_90 = tpu.memref_slice %arg13[%dma_start3A_88, %dma_start3A_89] : memref<96x128xf32, #tpu.memory_space<vmem>> -> memref<64x128xf32, #tpu.memory_space<vmem>>
    %dma_start3A_91 = arith.constant 0 : i32
    %dma_start3A_92 = tpu.memref_slice %arg9[%add3A_87, %dma_start3A_91] : memref<10240x128xf32, #tpu.memory_space<vmem_shared>> -> memref<64x128xf32, #tpu.memory_space<vmem_shared>>
    %dma_start3A_93 = arith.constant 0 : i32
    %dma_start3A_94 = tpu.memref_slice %arg9[%add3A_87, %dma_start3A_93] : memref<10240x128xf32, #tpu.memory_space<vmem_shared>> -> memref<64x128xf32, #tpu.memory_space<vmem_shared>>
    %dma_start3A_95 = arith.constant 0 : i32
    %dma_start3A_96 = arith.constant 0 : i32
    %dma_start3A_97 = tpu.memref_slice %arg13[%dma_start3A_95, %dma_start3A_96] : memref<96x128xf32, #tpu.memory_space<vmem>> -> memref<64x128xf32, #tpu.memory_space<vmem>>
    tpu.enqueue_dma source(%dma_start3A_97 : memref<64x128xf32, #tpu.memory_space<vmem>>) target(%dma_start3A_94 : memref<64x128xf32, #tpu.memory_space<vmem_shared>>) target_semaphore(%arg14 : memref<!tpu.dma_semaphore, #tpu.memory_space<semaphore_mem>>)
    %mul3A_98 = arith.constant 640 : i32
    %mul3A_99 = arith.muli %arg1, %mul3A_98 : i32
    %add3A_100 = arith.constant 448 : i32
    %add3A_101 = arith.addi %mul3A_99, %add3A_100 : i32
    %dma_start3A_102 = arith.constant 0 : i32
    %dma_start3A_103 = arith.constant 0 : i32
    %dma_start3A_104 = tpu.memref_slice %arg13[%dma_start3A_102, %dma_start3A_103] : memref<96x128xf32, #tpu.memory_space<vmem>> -> memref<64x128xf32, #tpu.memory_space<vmem>>
    %dma_start3A_105 = arith.constant 0 : i32
    %dma_start3A_106 = tpu.memref_slice %arg9[%add3A_101, %dma_start3A_105] : memref<10240x128xf32, #tpu.memory_space<vmem_shared>> -> memref<64x128xf32, #tpu.memory_space<vmem_shared>>
    %dma_start3A_107 = arith.constant 0 : i32
    %dma_start3A_108 = tpu.memref_slice %arg9[%add3A_101, %dma_start3A_107] : memref<10240x128xf32, #tpu.memory_space<vmem_shared>> -> memref<64x128xf32, #tpu.memory_space<vmem_shared>>
    %dma_start3A_109 = arith.constant 0 : i32
    %dma_start3A_110 = arith.constant 0 : i32
    %dma_start3A_111 = tpu.memref_slice %arg13[%dma_start3A_109, %dma_start3A_110] : memref<96x128xf32, #tpu.memory_space<vmem>> -> memref<64x128xf32, #tpu.memory_space<vmem>>
    tpu.enqueue_dma source(%dma_start3A_111 : memref<64x128xf32, #tpu.memory_space<vmem>>) target(%dma_start3A_108 : memref<64x128xf32, #tpu.memory_space<vmem_shared>>) target_semaphore(%arg14 : memref<!tpu.dma_semaphore, #tpu.memory_space<semaphore_mem>>)
    %mul3A_112 = arith.constant 640 : i32
    %mul3A_113 = arith.muli %arg1, %mul3A_112 : i32
    %add3A_114 = arith.constant 512 : i32
    %add3A_115 = arith.addi %mul3A_113, %add3A_114 : i32
    %dma_start3A_116 = arith.constant 0 : i32
    %dma_start3A_117 = arith.constant 0 : i32
    %dma_start3A_118 = tpu.memref_slice %arg13[%dma_start3A_116, %dma_start3A_117] : memref<96x128xf32, #tpu.memory_space<vmem>> -> memref<64x128xf32, #tpu.memory_space<vmem>>
    %dma_start3A_119 = arith.constant 0 : i32
    %dma_start3A_120 = tpu.memref_slice %arg9[%add3A_115, %dma_start3A_119] : memref<10240x128xf32, #tpu.memory_space<vmem_shared>> -> memref<64x128xf32, #tpu.memory_space<vmem_shared>>
    %dma_start3A_121 = arith.constant 0 : i32
    %dma_start3A_122 = tpu.memref_slice %arg9[%add3A_115, %dma_start3A_121] : memref<10240x128xf32, #tpu.memory_space<vmem_shared>> -> memref<64x128xf32, #tpu.memory_space<vmem_shared>>
    %dma_start3A_123 = arith.constant 0 : i32
    %dma_start3A_124 = arith.constant 0 : i32
    %dma_start3A_125 = tpu.memref_slice %arg13[%dma_start3A_123, %dma_start3A_124] : memref<96x128xf32, #tpu.memory_space<vmem>> -> memref<64x128xf32, #tpu.memory_space<vmem>>
    tpu.enqueue_dma source(%dma_start3A_125 : memref<64x128xf32, #tpu.memory_space<vmem>>) target(%dma_start3A_122 : memref<64x128xf32, #tpu.memory_space<vmem_shared>>) target_semaphore(%arg14 : memref<!tpu.dma_semaphore, #tpu.memory_space<semaphore_mem>>)
    %mul3A_126 = arith.constant 640 : i32
    %mul3A_127 = arith.muli %arg1, %mul3A_126 : i32
    %add3A_128 = arith.constant 576 : i32
    %add3A_129 = arith.addi %mul3A_127, %add3A_128 : i32
    %dma_start3A_130 = arith.constant 0 : i32
    %dma_start3A_131 = arith.constant 0 : i32
    %dma_start3A_132 = tpu.memref_slice %arg13[%dma_start3A_130, %dma_start3A_131] : memref<96x128xf32, #tpu.memory_space<vmem>> -> memref<64x128xf32, #tpu.memory_space<vmem>>
    %dma_start3A_133 = arith.constant 0 : i32
    %dma_start3A_134 = tpu.memref_slice %arg9[%add3A_129, %dma_start3A_133] : memref<10240x128xf32, #tpu.memory_space<vmem_shared>> -> memref<64x128xf32, #tpu.memory_space<vmem_shared>>
    %dma_start3A_135 = arith.constant 0 : i32
    %dma_start3A_136 = tpu.memref_slice %arg9[%add3A_129, %dma_start3A_135] : memref<10240x128xf32, #tpu.memory_space<vmem_shared>> -> memref<64x128xf32, #tpu.memory_space<vmem_shared>>
    %dma_start3A_137 = arith.constant 0 : i32
    %dma_start3A_138 = arith.constant 0 : i32
    %dma_start3A_139 = tpu.memref_slice %arg13[%dma_start3A_137, %dma_start3A_138] : memref<96x128xf32, #tpu.memory_space<vmem>> -> memref<64x128xf32, #tpu.memory_space<vmem>>
    tpu.enqueue_dma source(%dma_start3A_139 : memref<64x128xf32, #tpu.memory_space<vmem>>) target(%dma_start3A_136 : memref<64x128xf32, #tpu.memory_space<vmem_shared>>) target_semaphore(%arg14 : memref<!tpu.dma_semaphore, #tpu.memory_space<semaphore_mem>>)
    %mul3A_140 = arith.constant 640 : i32
    %mul3A_141 = arith.muli %arg1, %mul3A_140 : i32
    %add3A_142 = arith.constant 0 : i32
    %add3A_143 = arith.addi %mul3A_141, %add3A_142 : i32
    %dma_wait3A = arith.constant 0 : i32
    %dma_wait3A_144 = arith.constant 0 : i32
    %dma_wait3A_145 = tpu.memref_slice %arg13[%dma_wait3A, %dma_wait3A_144] : memref<96x128xf32, #tpu.memory_space<vmem>> -> memref<64x128xf32, #tpu.memory_space<vmem>>
    %dma_wait3A_146 = arith.constant 0 : i32
    %dma_wait3A_147 = tpu.memref_slice %arg9[%add3A_143, %dma_wait3A_146] : memref<10240x128xf32, #tpu.memory_space<vmem_shared>> -> memref<64x128xf32, #tpu.memory_space<vmem_shared>>
    %dma_wait3A_148 = arith.constant 0 : i32
    %dma_wait3A_149 = tpu.memref_slice %arg9[%add3A_143, %dma_wait3A_148] : memref<10240x128xf32, #tpu.memory_space<vmem_shared>> -> memref<64x128xf32, #tpu.memory_space<vmem_shared>>
    %dma_wait3A_150 = arith.constant 0 : i32
    %dma_wait3A_151 = arith.constant 0 : i32
    %dma_wait3A_152 = tpu.memref_slice %arg13[%dma_wait3A_150, %dma_wait3A_151] : memref<96x128xf32, #tpu.memory_space<vmem>> -> memref<64x128xf32, #tpu.memory_space<vmem>>
    tpu.wait_dma2 semaphore(%arg14 : memref<!tpu.dma_semaphore, #tpu.memory_space<semaphore_mem>>) src(%dma_wait3A_152 : memref<64x128xf32, #tpu.memory_space<vmem>>) dst(%dma_wait3A_149 : memref<64x128xf32, #tpu.memory_space<vmem_shared>>)
    %mul3A_153 = arith.constant 640 : i32
    %mul3A_154 = arith.muli %arg1, %mul3A_153 : i32
    %add3A_155 = arith.constant 64 : i32
    %add3A_156 = arith.addi %mul3A_154, %add3A_155 : i32
    %dma_wait3A_157 = arith.constant 0 : i32
    %dma_wait3A_158 = arith.constant 0 : i32
    %dma_wait3A_159 = tpu.memref_slice %arg13[%dma_wait3A_157, %dma_wait3A_158] : memref<96x128xf32, #tpu.memory_space<vmem>> -> memref<64x128xf32, #tpu.memory_space<vmem>>
    %dma_wait3A_160 = arith.constant 0 : i32
    %dma_wait3A_161 = tpu.memref_slice %arg9[%add3A_156, %dma_wait3A_160] : memref<10240x128xf32, #tpu.memory_space<vmem_shared>> -> memref<64x128xf32, #tpu.memory_space<vmem_shared>>
    %dma_wait3A_162 = arith.constant 0 : i32
    %dma_wait3A_163 = tpu.memref_slice %arg9[%add3A_156, %dma_wait3A_162] : memref<10240x128xf32, #tpu.memory_space<vmem_shared>> -> memref<64x128xf32, #tpu.memory_space<vmem_shared>>
    %dma_wait3A_164 = arith.constant 0 : i32
    %dma_wait3A_165 = arith.constant 0 : i32
    %dma_wait3A_166 = tpu.memref_slice %arg13[%dma_wait3A_164, %dma_wait3A_165] : memref<96x128xf32, #tpu.memory_space<vmem>> -> memref<64x128xf32, #tpu.memory_space<vmem>>
    tpu.wait_dma2 semaphore(%arg14 : memref<!tpu.dma_semaphore, #tpu.memory_space<semaphore_mem>>) src(%dma_wait3A_166 : memref<64x128xf32, #tpu.memory_space<vmem>>) dst(%dma_wait3A_163 : memref<64x128xf32, #tpu.memory_space<vmem_shared>>)
    %mul3A_167 = arith.constant 640 : i32
    %mul3A_168 = arith.muli %arg1, %mul3A_167 : i32
    %add3A_169 = arith.constant 128 : i32
    %add3A_170 = arith.addi %mul3A_168, %add3A_169 : i32
    %dma_wait3A_171 = arith.constant 0 : i32
    %dma_wait3A_172 = arith.constant 0 : i32
    %dma_wait3A_173 = tpu.memref_slice %arg13[%dma_wait3A_171, %dma_wait3A_172] : memref<96x128xf32, #tpu.memory_space<vmem>> -> memref<64x128xf32, #tpu.memory_space<vmem>>
    %dma_wait3A_174 = arith.constant 0 : i32
    %dma_wait3A_175 = tpu.memref_slice %arg9[%add3A_170, %dma_wait3A_174] : memref<10240x128xf32, #tpu.memory_space<vmem_shared>> -> memref<64x128xf32, #tpu.memory_space<vmem_shared>>
    %dma_wait3A_176 = arith.constant 0 : i32
    %dma_wait3A_177 = tpu.memref_slice %arg9[%add3A_170, %dma_wait3A_176] : memref<10240x128xf32, #tpu.memory_space<vmem_shared>> -> memref<64x128xf32, #tpu.memory_space<vmem_shared>>
    %dma_wait3A_178 = arith.constant 0 : i32
    %dma_wait3A_179 = arith.constant 0 : i32
    %dma_wait3A_180 = tpu.memref_slice %arg13[%dma_wait3A_178, %dma_wait3A_179] : memref<96x128xf32, #tpu.memory_space<vmem>> -> memref<64x128xf32, #tpu.memory_space<vmem>>
    tpu.wait_dma2 semaphore(%arg14 : memref<!tpu.dma_semaphore, #tpu.memory_space<semaphore_mem>>) src(%dma_wait3A_180 : memref<64x128xf32, #tpu.memory_space<vmem>>) dst(%dma_wait3A_177 : memref<64x128xf32, #tpu.memory_space<vmem_shared>>)
    %mul3A_181 = arith.constant 640 : i32
    %mul3A_182 = arith.muli %arg1, %mul3A_181 : i32
    %add3A_183 = arith.constant 192 : i32
    %add3A_184 = arith.addi %mul3A_182, %add3A_183 : i32
    %dma_wait3A_185 = arith.constant 0 : i32
    %dma_wait3A_186 = arith.constant 0 : i32
    %dma_wait3A_187 = tpu.memref_slice %arg13[%dma_wait3A_185, %dma_wait3A_186] : memref<96x128xf32, #tpu.memory_space<vmem>> -> memref<64x128xf32, #tpu.memory_space<vmem>>
    %dma_wait3A_188 = arith.constant 0 : i32
    %dma_wait3A_189 = tpu.memref_slice %arg9[%add3A_184, %dma_wait3A_188] : memref<10240x128xf32, #tpu.memory_space<vmem_shared>> -> memref<64x128xf32, #tpu.memory_space<vmem_shared>>
    %dma_wait3A_190 = arith.constant 0 : i32
    %dma_wait3A_191 = tpu.memref_slice %arg9[%add3A_184, %dma_wait3A_190] : memref<10240x128xf32, #tpu.memory_space<vmem_shared>> -> memref<64x128xf32, #tpu.memory_space<vmem_shared>>
    %dma_wait3A_192 = arith.constant 0 : i32
    %dma_wait3A_193 = arith.constant 0 : i32
    %dma_wait3A_194 = tpu.memref_slice %arg13[%dma_wait3A_192, %dma_wait3A_193] : memref<96x128xf32, #tpu.memory_space<vmem>> -> memref<64x128xf32, #tpu.memory_space<vmem>>
    tpu.wait_dma2 semaphore(%arg14 : memref<!tpu.dma_semaphore, #tpu.memory_space<semaphore_mem>>) src(%dma_wait3A_194 : memref<64x128xf32, #tpu.memory_space<vmem>>) dst(%dma_wait3A_191 : memref<64x128xf32, #tpu.memory_space<vmem_shared>>)
    %mul3A_195 = arith.constant 640 : i32
    %mul3A_196 = arith.muli %arg1, %mul3A_195 : i32
    %add3A_197 = arith.constant 256 : i32
    %add3A_198 = arith.addi %mul3A_196, %add3A_197 : i32
    %dma_wait3A_199 = arith.constant 0 : i32
    %dma_wait3A_200 = arith.constant 0 : i32
    %dma_wait3A_201 = tpu.memref_slice %arg13[%dma_wait3A_199, %dma_wait3A_200] : memref<96x128xf32, #tpu.memory_space<vmem>> -> memref<64x128xf32, #tpu.memory_space<vmem>>
    %dma_wait3A_202 = arith.constant 0 : i32
    %dma_wait3A_203 = tpu.memref_slice %arg9[%add3A_198, %dma_wait3A_202] : memref<10240x128xf32, #tpu.memory_space<vmem_shared>> -> memref<64x128xf32, #tpu.memory_space<vmem_shared>>
    %dma_wait3A_204 = arith.constant 0 : i32
    %dma_wait3A_205 = tpu.memref_slice %arg9[%add3A_198, %dma_wait3A_204] : memref<10240x128xf32, #tpu.memory_space<vmem_shared>> -> memref<64x128xf32, #tpu.memory_space<vmem_shared>>
    %dma_wait3A_206 = arith.constant 0 : i32
    %dma_wait3A_207 = arith.constant 0 : i32
    %dma_wait3A_208 = tpu.memref_slice %arg13[%dma_wait3A_206, %dma_wait3A_207] : memref<96x128xf32, #tpu.memory_space<vmem>> -> memref<64x128xf32, #tpu.memory_space<vmem>>
    tpu.wait_dma2 semaphore(%arg14 : memref<!tpu.dma_semaphore, #tpu.memory_space<semaphore_mem>>) src(%dma_wait3A_208 : memref<64x128xf32, #tpu.memory_space<vmem>>) dst(%dma_wait3A_205 : memref<64x128xf32, #tpu.memory_space<vmem_shared>>)
    %mul3A_209 = arith.constant 640 : i32
    %mul3A_210 = arith.muli %arg1, %mul3A_209 : i32
    %add3A_211 = arith.constant 320 : i32
    %add3A_212 = arith.addi %mul3A_210, %add3A_211 : i32
    %dma_wait3A_213 = arith.constant 0 : i32
    %dma_wait3A_214 = arith.constant 0 : i32
    %dma_wait3A_215 = tpu.memref_slice %arg13[%dma_wait3A_213, %dma_wait3A_214] : memref<96x128xf32, #tpu.memory_space<vmem>> -> memref<64x128xf32, #tpu.memory_space<vmem>>
    %dma_wait3A_216 = arith.constant 0 : i32
    %dma_wait3A_217 = tpu.memref_slice %arg9[%add3A_212, %dma_wait3A_216] : memref<10240x128xf32, #tpu.memory_space<vmem_shared>> -> memref<64x128xf32, #tpu.memory_space<vmem_shared>>
    %dma_wait3A_218 = arith.constant 0 : i32
    %dma_wait3A_219 = tpu.memref_slice %arg9[%add3A_212, %dma_wait3A_218] : memref<10240x128xf32, #tpu.memory_space<vmem_shared>> -> memref<64x128xf32, #tpu.memory_space<vmem_shared>>
    %dma_wait3A_220 = arith.constant 0 : i32
    %dma_wait3A_221 = arith.constant 0 : i32
    %dma_wait3A_222 = tpu.memref_slice %arg13[%dma_wait3A_220, %dma_wait3A_221] : memref<96x128xf32, #tpu.memory_space<vmem>> -> memref<64x128xf32, #tpu.memory_space<vmem>>
    tpu.wait_dma2 semaphore(%arg14 : memref<!tpu.dma_semaphore, #tpu.memory_space<semaphore_mem>>) src(%dma_wait3A_222 : memref<64x128xf32, #tpu.memory_space<vmem>>) dst(%dma_wait3A_219 : memref<64x128xf32, #tpu.memory_space<vmem_shared>>)
    %mul3A_223 = arith.constant 640 : i32
    %mul3A_224 = arith.muli %arg1, %mul3A_223 : i32
    %add3A_225 = arith.constant 384 : i32
    %add3A_226 = arith.addi %mul3A_224, %add3A_225 : i32
    %dma_wait3A_227 = arith.constant 0 : i32
    %dma_wait3A_228 = arith.constant 0 : i32
    %dma_wait3A_229 = tpu.memref_slice %arg13[%dma_wait3A_227, %dma_wait3A_228] : memref<96x128xf32, #tpu.memory_space<vmem>> -> memref<64x128xf32, #tpu.memory_space<vmem>>
    %dma_wait3A_230 = arith.constant 0 : i32
    %dma_wait3A_231 = tpu.memref_slice %arg9[%add3A_226, %dma_wait3A_230] : memref<10240x128xf32, #tpu.memory_space<vmem_shared>> -> memref<64x128xf32, #tpu.memory_space<vmem_shared>>
    %dma_wait3A_232 = arith.constant 0 : i32
    %dma_wait3A_233 = tpu.memref_slice %arg9[%add3A_226, %dma_wait3A_232] : memref<10240x128xf32, #tpu.memory_space<vmem_shared>> -> memref<64x128xf32, #tpu.memory_space<vmem_shared>>
    %dma_wait3A_234 = arith.constant 0 : i32
    %dma_wait3A_235 = arith.constant 0 : i32
    %dma_wait3A_236 = tpu.memref_slice %arg13[%dma_wait3A_234, %dma_wait3A_235] : memref<96x128xf32, #tpu.memory_space<vmem>> -> memref<64x128xf32, #tpu.memory_space<vmem>>
    tpu.wait_dma2 semaphore(%arg14 : memref<!tpu.dma_semaphore, #tpu.memory_space<semaphore_mem>>) src(%dma_wait3A_236 : memref<64x128xf32, #tpu.memory_space<vmem>>) dst(%dma_wait3A_233 : memref<64x128xf32, #tpu.memory_space<vmem_shared>>)
    %mul3A_237 = arith.constant 640 : i32
    %mul3A_238 = arith.muli %arg1, %mul3A_237 : i32
    %add3A_239 = arith.constant 448 : i32
    %add3A_240 = arith.addi %mul3A_238, %add3A_239 : i32
    %dma_wait3A_241 = arith.constant 0 : i32
    %dma_wait3A_242 = arith.constant 0 : i32
    %dma_wait3A_243 = tpu.memref_slice %arg13[%dma_wait3A_241, %dma_wait3A_242] : memref<96x128xf32, #tpu.memory_space<vmem>> -> memref<64x128xf32, #tpu.memory_space<vmem>>
    %dma_wait3A_244 = arith.constant 0 : i32
    %dma_wait3A_245 = tpu.memref_slice %arg9[%add3A_240, %dma_wait3A_244] : memref<10240x128xf32, #tpu.memory_space<vmem_shared>> -> memref<64x128xf32, #tpu.memory_space<vmem_shared>>
    %dma_wait3A_246 = arith.constant 0 : i32
    %dma_wait3A_247 = tpu.memref_slice %arg9[%add3A_240, %dma_wait3A_246] : memref<10240x128xf32, #tpu.memory_space<vmem_shared>> -> memref<64x128xf32, #tpu.memory_space<vmem_shared>>
    %dma_wait3A_248 = arith.constant 0 : i32
    %dma_wait3A_249 = arith.constant 0 : i32
    %dma_wait3A_250 = tpu.memref_slice %arg13[%dma_wait3A_248, %dma_wait3A_249] : memref<96x128xf32, #tpu.memory_space<vmem>> -> memref<64x128xf32, #tpu.memory_space<vmem>>
    tpu.wait_dma2 semaphore(%arg14 : memref<!tpu.dma_semaphore, #tpu.memory_space<semaphore_mem>>) src(%dma_wait3A_250 : memref<64x128xf32, #tpu.memory_space<vmem>>) dst(%dma_wait3A_247 : memref<64x128xf32, #tpu.memory_space<vmem_shared>>)
    %mul3A_251 = arith.constant 640 : i32
    %mul3A_252 = arith.muli %arg1, %mul3A_251 : i32
    %add3A_253 = arith.constant 512 : i32
    %add3A_254 = arith.addi %mul3A_252, %add3A_253 : i32
    %dma_wait3A_255 = arith.constant 0 : i32
    %dma_wait3A_256 = arith.constant 0 : i32
    %dma_wait3A_257 = tpu.memref_slice %arg13[%dma_wait3A_255, %dma_wait3A_256] : memref<96x128xf32, #tpu.memory_space<vmem>> -> memref<64x128xf32, #tpu.memory_space<vmem>>
    %dma_wait3A_258 = arith.constant 0 : i32
    %dma_wait3A_259 = tpu.memref_slice %arg9[%add3A_254, %dma_wait3A_258] : memref<10240x128xf32, #tpu.memory_space<vmem_shared>> -> memref<64x128xf32, #tpu.memory_space<vmem_shared>>
    %dma_wait3A_260 = arith.constant 0 : i32
    %dma_wait3A_261 = tpu.memref_slice %arg9[%add3A_254, %dma_wait3A_260] : memref<10240x128xf32, #tpu.memory_space<vmem_shared>> -> memref<64x128xf32, #tpu.memory_space<vmem_shared>>
    %dma_wait3A_262 = arith.constant 0 : i32
    %dma_wait3A_263 = arith.constant 0 : i32
    %dma_wait3A_264 = tpu.memref_slice %arg13[%dma_wait3A_262, %dma_wait3A_263] : memref<96x128xf32, #tpu.memory_space<vmem>> -> memref<64x128xf32, #tpu.memory_space<vmem>>
    tpu.wait_dma2 semaphore(%arg14 : memref<!tpu.dma_semaphore, #tpu.memory_space<semaphore_mem>>) src(%dma_wait3A_264 : memref<64x128xf32, #tpu.memory_space<vmem>>) dst(%dma_wait3A_261 : memref<64x128xf32, #tpu.memory_space<vmem_shared>>)
    %mul3A_265 = arith.constant 640 : i32
    %mul3A_266 = arith.muli %arg1, %mul3A_265 : i32
    %add3A_267 = arith.constant 576 : i32
    %add3A_268 = arith.addi %mul3A_266, %add3A_267 : i32
    %dma_wait3A_269 = arith.constant 0 : i32
    %dma_wait3A_270 = arith.constant 0 : i32
    %dma_wait3A_271 = tpu.memref_slice %arg13[%dma_wait3A_269, %dma_wait3A_270] : memref<96x128xf32, #tpu.memory_space<vmem>> -> memref<64x128xf32, #tpu.memory_space<vmem>>
    %dma_wait3A_272 = arith.constant 0 : i32
    %dma_wait3A_273 = tpu.memref_slice %arg9[%add3A_268, %dma_wait3A_272] : memref<10240x128xf32, #tpu.memory_space<vmem_shared>> -> memref<64x128xf32, #tpu.memory_space<vmem_shared>>
    %dma_wait3A_274 = arith.constant 0 : i32
    %dma_wait3A_275 = tpu.memref_slice %arg9[%add3A_268, %dma_wait3A_274] : memref<10240x128xf32, #tpu.memory_space<vmem_shared>> -> memref<64x128xf32, #tpu.memory_space<vmem_shared>>
    %dma_wait3A_276 = arith.constant 0 : i32
    %dma_wait3A_277 = arith.constant 0 : i32
    %dma_wait3A_278 = tpu.memref_slice %arg13[%dma_wait3A_276, %dma_wait3A_277] : memref<96x128xf32, #tpu.memory_space<vmem>> -> memref<64x128xf32, #tpu.memory_space<vmem>>
    tpu.wait_dma2 semaphore(%arg14 : memref<!tpu.dma_semaphore, #tpu.memory_space<semaphore_mem>>) src(%dma_wait3A_278 : memref<64x128xf32, #tpu.memory_space<vmem>>) dst(%dma_wait3A_275 : memref<64x128xf32, #tpu.memory_space<vmem_shared>>)
    %barrier3A = arith.constant 0 : index
    tpu.barrier barrier_id(%barrier3A)
    %scan3A = arith.constant 0 : i32
    %scan3A_279 = arith.constant 0 : i32
    %scan3A_280 = arith.constant 5 : i32
    %scan3A_281 = arith.addi %scan3A_279, %scan3A_280 : i32
    %scan3A_282 = arith.constant 1 : i32
    scf.for %scan3A_645 = %scan3A_279 to %scan3A_281 step %scan3A_282  : i32 {
      %mul3A_646 = arith.constant 5 : i32
      %mul3A_647 = arith.muli %add3A, %mul3A_646 : i32
      %add3A_648 = arith.addi %mul3A_647, %scan3A_645 : i32
      %mul3A_649 = arith.constant 24 : i32
      %mul3A_650 = arith.muli %add3A_648, %mul3A_649 : i32
      "tpu.region"() ({
        %run_scoped3A = tpu.sem_alloc : memref<!tpu.dma_semaphore, #tpu.memory_space<semaphore_mem>>
        %dma_start3A_678 = arith.constant 0 : i32
        %dma_start3A_679 = tpu.memref_slice %arg3[%mul3A_650, %dma_start3A_678] : memref<3840x96xi32, #tpu.memory_space<hbm>> -> memref<24x96xi32, #tpu.memory_space<hbm>>
        %dma_start3A_680 = arith.constant 0 : i32
        %dma_start3A_681 = tpu.memref_slice %arg3[%mul3A_650, %dma_start3A_680] : memref<3840x96xi32, #tpu.memory_space<hbm>> -> memref<24x96xi32, #tpu.memory_space<hbm>>
        tpu.enqueue_dma source(%dma_start3A_681 : memref<24x96xi32, #tpu.memory_space<hbm>>) target(%arg20 : memref<24x96xi32, #tpu.memory_space<vmem>>) target_semaphore(%run_scoped3A : memref<!tpu.dma_semaphore, #tpu.memory_space<semaphore_mem>>)
        %dma_wait3A_682 = arith.constant 0 : i32
        %dma_wait3A_683 = tpu.memref_slice %arg3[%mul3A_650, %dma_wait3A_682] : memref<3840x96xi32, #tpu.memory_space<hbm>> -> memref<24x96xi32, #tpu.memory_space<hbm>>
        %dma_wait3A_684 = arith.constant 0 : i32
        %dma_wait3A_685 = tpu.memref_slice %arg3[%mul3A_650, %dma_wait3A_684] : memref<3840x96xi32, #tpu.memory_space<hbm>> -> memref<24x96xi32, #tpu.memory_space<hbm>>
        tpu.wait_dma2 semaphore(%run_scoped3A : memref<!tpu.dma_semaphore, #tpu.memory_space<semaphore_mem>>) src(%dma_wait3A_685 : memref<24x96xi32, #tpu.memory_space<hbm>>) dst(%arg20 : memref<24x96xi32, #tpu.memory_space<vmem>>)
        tpu.yield
      }) : () -> ()
      "tpu.region"() ({
        %run_scoped3A = tpu.sem_alloc : memref<!tpu.dma_semaphore, #tpu.memory_space<semaphore_mem>>
        %dma_start3A_678 = arith.constant 0 : i32
        %dma_start3A_679 = tpu.memref_slice %arg4[%mul3A_650, %dma_start3A_678] : memref<3840x96xi32, #tpu.memory_space<hbm>> -> memref<24x96xi32, #tpu.memory_space<hbm>>
        %dma_start3A_680 = arith.constant 0 : i32
        %dma_start3A_681 = tpu.memref_slice %arg4[%mul3A_650, %dma_start3A_680] : memref<3840x96xi32, #tpu.memory_space<hbm>> -> memref<24x96xi32, #tpu.memory_space<hbm>>
        tpu.enqueue_dma source(%dma_start3A_681 : memref<24x96xi32, #tpu.memory_space<hbm>>) target(%arg10 : memref<24x96xi32, #tpu.memory_space<vmem>>) target_semaphore(%run_scoped3A : memref<!tpu.dma_semaphore, #tpu.memory_space<semaphore_mem>>)
        %dma_wait3A_682 = arith.constant 0 : i32
        %dma_wait3A_683 = tpu.memref_slice %arg4[%mul3A_650, %dma_wait3A_682] : memref<3840x96xi32, #tpu.memory_space<hbm>> -> memref<24x96xi32, #tpu.memory_space<hbm>>
        %dma_wait3A_684 = arith.constant 0 : i32
        %dma_wait3A_685 = tpu.memref_slice %arg4[%mul3A_650, %dma_wait3A_684] : memref<3840x96xi32, #tpu.memory_space<hbm>> -> memref<24x96xi32, #tpu.memory_space<hbm>>
        tpu.wait_dma2 semaphore(%run_scoped3A : memref<!tpu.dma_semaphore, #tpu.memory_space<semaphore_mem>>) src(%dma_wait3A_685 : memref<24x96xi32, #tpu.memory_space<hbm>>) dst(%arg10 : memref<24x96xi32, #tpu.memory_space<vmem>>)
        tpu.yield
      }) : () -> ()
      %dma_start3A_651 = arith.constant 0 : i32
      %dma_start3A_652 = arith.constant 0 : i32
      %dma_start3A_653 = tpu.memref_slice %arg20[%dma_start3A_651, %dma_start3A_652] : memref<24x96xi32, #tpu.memory_space<vmem>> -> memref<1x96xi32, #tpu.memory_space<vmem>>
      %dma_start3A_654 = tpu.memref_squeeze %dma_start3A_653 : memref<1x96xi32, #tpu.memory_space<vmem>> -> memref<96xi32, #tpu.memory_space<vmem>>
      %dma_start3A_655 = arith.constant 0 : i32
      %dma_start3A_656 = arith.constant 0 : i32
      %dma_start3A_657 = tpu.memref_slice %arg2[%dma_start3A_655, %dma_start3A_656] : memref<10000x128xf32, #tpu.memory_space<hbm>> -> memref<10000x128xf32, #tpu.memory_space<hbm>>
      tpu.enqueue_indirect_dma source(%dma_start3A_657 : memref<10000x128xf32, #tpu.memory_space<hbm>>) target(%arg13 : memref<96x128xf32, #tpu.memory_space<vmem>>) offsets(%dma_start3A_654 : memref<96xi32, #tpu.memory_space<vmem>>) semaphore(%arg14 : memref<!tpu.dma_semaphore, #tpu.memory_space<semaphore_mem>>)
      %dma_start3A_658 = arith.constant 1 : i32
      %dma_start3A_659 = arith.constant 0 : i32
      %dma_start3A_660 = tpu.memref_slice %arg20[%dma_start3A_658, %dma_start3A_659] : memref<24x96xi32, #tpu.memory_space<vmem>> -> memref<1x96xi32, #tpu.memory_space<vmem>>
      %dma_start3A_661 = tpu.memref_squeeze %dma_start3A_660 : memref<1x96xi32, #tpu.memory_space<vmem>> -> memref<96xi32, #tpu.memory_space<vmem>>
      %dma_start3A_662 = arith.constant 0 : i32
      %dma_start3A_663 = arith.constant 0 : i32
      %dma_start3A_664 = tpu.memref_slice %arg2[%dma_start3A_662, %dma_start3A_663] : memref<10000x128xf32, #tpu.memory_space<hbm>> -> memref<10000x128xf32, #tpu.memory_space<hbm>>
      tpu.enqueue_indirect_dma source(%dma_start3A_664 : memref<10000x128xf32, #tpu.memory_space<hbm>>) target(%arg11 : memref<96x128xf32, #tpu.memory_space<vmem>>) offsets(%dma_start3A_661 : memref<96xi32, #tpu.memory_space<vmem>>) semaphore(%arg15 : memref<!tpu.dma_semaphore, #tpu.memory_space<semaphore_mem>>)
      %scan3A_665 = arith.constant 0 : i32
      %scan3A_666 = arith.constant 0 : i32
      %scan3A_667 = arith.constant 7 : i32
      %scan3A_668 = arith.addi %scan3A_666, %scan3A_667 : i32
      %scan3A_669 = arith.constant 1 : i32
      scf.for %scan3A_678 = %scan3A_666 to %scan3A_668 step %scan3A_669  : i32 {
        %mul3A_679 = arith.constant 3 : i32
        %mul3A_680 = arith.muli %mul3A_679, %scan3A_678 : i32
        %gt3A = arith.constant 0 : i32
        %gt3A_681 = arith.cmpi sgt, %scan3A_678, %gt3A : i32
        %convert_element_type3A = arith.extui %gt3A_681 : i1 to i32
        %cond3A = arith.constant 0 : i32
        %cond3A_682 = arith.cmpi ne, %convert_element_type3A, %cond3A : i32
        scf.if %cond3A_682 {
          %dma_wait3A_761 = arith.constant 0 : i32
          %dma_wait3A_762 = arith.constant 0 : i32
          %dma_wait3A_763 = tpu.memref_slice %arg10[%dma_wait3A_761, %dma_wait3A_762] : memref<24x96xi32, #tpu.memory_space<vmem>> -> memref<1x96xi32, #tpu.memory_space<vmem>>
          %dma_wait3A_764 = tpu.memref_squeeze %dma_wait3A_763 : memref<1x96xi32, #tpu.memory_space<vmem>> -> memref<96xi32, #tpu.memory_space<vmem>>
          %dma_wait3A_765 = arith.constant 0 : i32
          %dma_wait3A_766 = arith.constant 0 : i32
          %dma_wait3A_767 = tpu.memref_slice %arg9[%dma_wait3A_765, %dma_wait3A_766] : memref<10240x128xf32, #tpu.memory_space<vmem_shared>> -> memref<10240x128xf32, #tpu.memory_space<vmem_shared>>
          tpu.wait_indirect_dma semaphore(%arg19 : memref<!tpu.dma_semaphore, #tpu.memory_space<semaphore_mem>>) src(%arg12 : memref<96x128xf32, #tpu.memory_space<vmem>>) dst(%dma_wait3A_767 : memref<10240x128xf32, #tpu.memory_space<vmem_shared>>)
        } else {
        }
        %add3A_683 = arith.constant 2 : i32
        %add3A_684 = arith.addi %mul3A_680, %add3A_683 : i32
        %dma_start3A_685 = arith.constant 0 : i32
        %dma_start3A_686 = tpu.memref_slice %arg20[%add3A_684, %dma_start3A_685] : memref<24x96xi32, #tpu.memory_space<vmem>> -> memref<1x96xi32, #tpu.memory_space<vmem>>
        %dma_start3A_687 = tpu.memref_squeeze %dma_start3A_686 : memref<1x96xi32, #tpu.memory_space<vmem>> -> memref<96xi32, #tpu.memory_space<vmem>>
        %dma_start3A_688 = arith.constant 0 : i32
        %dma_start3A_689 = arith.constant 0 : i32
        %dma_start3A_690 = tpu.memref_slice %arg2[%dma_start3A_688, %dma_start3A_689] : memref<10000x128xf32, #tpu.memory_space<hbm>> -> memref<10000x128xf32, #tpu.memory_space<hbm>>
        tpu.enqueue_indirect_dma source(%dma_start3A_690 : memref<10000x128xf32, #tpu.memory_space<hbm>>) target(%arg12 : memref<96x128xf32, #tpu.memory_space<vmem>>) offsets(%dma_start3A_687 : memref<96xi32, #tpu.memory_space<vmem>>) semaphore(%arg16 : memref<!tpu.dma_semaphore, #tpu.memory_space<semaphore_mem>>)
        %dma_wait3A_691 = arith.constant 0 : i32
        %dma_wait3A_692 = arith.constant 0 : i32
        %dma_wait3A_693 = tpu.memref_slice %arg20[%dma_wait3A_691, %dma_wait3A_692] : memref<24x96xi32, #tpu.memory_space<vmem>> -> memref<1x96xi32, #tpu.memory_space<vmem>>
        %dma_wait3A_694 = tpu.memref_squeeze %dma_wait3A_693 : memref<1x96xi32, #tpu.memory_space<vmem>> -> memref<96xi32, #tpu.memory_space<vmem>>
        %dma_wait3A_695 = arith.constant 0 : i32
        %dma_wait3A_696 = arith.constant 0 : i32
        %dma_wait3A_697 = tpu.memref_slice %arg2[%dma_wait3A_695, %dma_wait3A_696] : memref<10000x128xf32, #tpu.memory_space<hbm>> -> memref<10000x128xf32, #tpu.memory_space<hbm>>
        tpu.wait_indirect_dma semaphore(%arg14 : memref<!tpu.dma_semaphore, #tpu.memory_space<semaphore_mem>>) src(%dma_wait3A_697 : memref<10000x128xf32, #tpu.memory_space<hbm>>) dst(%arg13 : memref<96x128xf32, #tpu.memory_space<vmem>>)
        %dma_start3A_698 = arith.constant 0 : i32
        %dma_start3A_699 = tpu.memref_slice %arg10[%mul3A_680, %dma_start3A_698] : memref<24x96xi32, #tpu.memory_space<vmem>> -> memref<1x96xi32, #tpu.memory_space<vmem>>
        %dma_start3A_700 = tpu.memref_squeeze %dma_start3A_699 : memref<1x96xi32, #tpu.memory_space<vmem>> -> memref<96xi32, #tpu.memory_space<vmem>>
        %dma_start3A_701 = arith.constant 0 : i32
        %dma_start3A_702 = arith.constant 0 : i32
        %dma_start3A_703 = tpu.memref_slice %arg9[%dma_start3A_701, %dma_start3A_702] : memref<10240x128xf32, #tpu.memory_space<vmem_shared>> -> memref<10240x128xf32, #tpu.memory_space<vmem_shared>>
        tpu.enqueue_indirect_dma source(%arg13 : memref<96x128xf32, #tpu.memory_space<vmem>>) target(%dma_start3A_703 : memref<10240x128xf32, #tpu.memory_space<vmem_shared>>) offsets(%dma_start3A_700 : memref<96xi32, #tpu.memory_space<vmem>>) semaphore(%arg17 : memref<!tpu.dma_semaphore, #tpu.memory_space<semaphore_mem>>) {add = true}
        %dma_wait3A_704 = arith.constant 0 : i32
        %dma_wait3A_705 = arith.constant 0 : i32
        %dma_wait3A_706 = tpu.memref_slice %arg10[%dma_wait3A_704, %dma_wait3A_705] : memref<24x96xi32, #tpu.memory_space<vmem>> -> memref<1x96xi32, #tpu.memory_space<vmem>>
        %dma_wait3A_707 = tpu.memref_squeeze %dma_wait3A_706 : memref<1x96xi32, #tpu.memory_space<vmem>> -> memref<96xi32, #tpu.memory_space<vmem>>
        %dma_wait3A_708 = arith.constant 0 : i32
        %dma_wait3A_709 = arith.constant 0 : i32
        %dma_wait3A_710 = tpu.memref_slice %arg9[%dma_wait3A_708, %dma_wait3A_709] : memref<10240x128xf32, #tpu.memory_space<vmem_shared>> -> memref<10240x128xf32, #tpu.memory_space<vmem_shared>>
        tpu.wait_indirect_dma semaphore(%arg17 : memref<!tpu.dma_semaphore, #tpu.memory_space<semaphore_mem>>) src(%arg13 : memref<96x128xf32, #tpu.memory_space<vmem>>) dst(%dma_wait3A_710 : memref<10240x128xf32, #tpu.memory_space<vmem_shared>>)
        %lt3A = arith.constant 6 : i32
        %lt3A_711 = arith.cmpi slt, %scan3A_678, %lt3A : i32
        %convert_element_type3A_712 = arith.extui %lt3A_711 : i1 to i32
        %cond3A_713 = arith.constant 0 : i32
        %cond3A_714 = arith.cmpi ne, %convert_element_type3A_712, %cond3A_713 : i32
        scf.if %cond3A_714 {
          %add3A_761 = arith.constant 3 : i32
          %add3A_762 = arith.addi %mul3A_680, %add3A_761 : i32
          %dma_start3A_763 = arith.constant 0 : i32
          %dma_start3A_764 = tpu.memref_slice %arg20[%add3A_762, %dma_start3A_763] : memref<24x96xi32, #tpu.memory_space<vmem>> -> memref<1x96xi32, #tpu.memory_space<vmem>>
          %dma_start3A_765 = tpu.memref_squeeze %dma_start3A_764 : memref<1x96xi32, #tpu.memory_space<vmem>> -> memref<96xi32, #tpu.memory_space<vmem>>
          %dma_start3A_766 = arith.constant 0 : i32
          %dma_start3A_767 = arith.constant 0 : i32
          %dma_start3A_768 = tpu.memref_slice %arg2[%dma_start3A_766, %dma_start3A_767] : memref<10000x128xf32, #tpu.memory_space<hbm>> -> memref<10000x128xf32, #tpu.memory_space<hbm>>
          tpu.enqueue_indirect_dma source(%dma_start3A_768 : memref<10000x128xf32, #tpu.memory_space<hbm>>) target(%arg13 : memref<96x128xf32, #tpu.memory_space<vmem>>) offsets(%dma_start3A_765 : memref<96xi32, #tpu.memory_space<vmem>>) semaphore(%arg14 : memref<!tpu.dma_semaphore, #tpu.memory_space<semaphore_mem>>)
        } else {
        }
        %dma_wait3A_715 = arith.constant 0 : i32
        %dma_wait3A_716 = arith.constant 0 : i32
        %dma_wait3A_717 = tpu.memref_slice %arg20[%dma_wait3A_715, %dma_wait3A_716] : memref<24x96xi32, #tpu.memory_space<vmem>> -> memref<1x96xi32, #tpu.memory_space<vmem>>
        %dma_wait3A_718 = tpu.memref_squeeze %dma_wait3A_717 : memref<1x96xi32, #tpu.memory_space<vmem>> -> memref<96xi32, #tpu.memory_space<vmem>>
        %dma_wait3A_719 = arith.constant 0 : i32
        %dma_wait3A_720 = arith.constant 0 : i32
        %dma_wait3A_721 = tpu.memref_slice %arg2[%dma_wait3A_719, %dma_wait3A_720] : memref<10000x128xf32, #tpu.memory_space<hbm>> -> memref<10000x128xf32, #tpu.memory_space<hbm>>
        tpu.wait_indirect_dma semaphore(%arg15 : memref<!tpu.dma_semaphore, #tpu.memory_space<semaphore_mem>>) src(%dma_wait3A_721 : memref<10000x128xf32, #tpu.memory_space<hbm>>) dst(%arg11 : memref<96x128xf32, #tpu.memory_space<vmem>>)
        %add3A_722 = arith.constant 1 : i32
        %add3A_723 = arith.addi %mul3A_680, %add3A_722 : i32
        %dma_start3A_724 = arith.constant 0 : i32
        %dma_start3A_725 = tpu.memref_slice %arg10[%add3A_723, %dma_start3A_724] : memref<24x96xi32, #tpu.memory_space<vmem>> -> memref<1x96xi32, #tpu.memory_space<vmem>>
        %dma_start3A_726 = tpu.memref_squeeze %dma_start3A_725 : memref<1x96xi32, #tpu.memory_space<vmem>> -> memref<96xi32, #tpu.memory_space<vmem>>
        %dma_start3A_727 = arith.constant 0 : i32
        %dma_start3A_728 = arith.constant 0 : i32
        %dma_start3A_729 = tpu.memref_slice %arg9[%dma_start3A_727, %dma_start3A_728] : memref<10240x128xf32, #tpu.memory_space<vmem_shared>> -> memref<10240x128xf32, #tpu.memory_space<vmem_shared>>
        tpu.enqueue_indirect_dma source(%arg11 : memref<96x128xf32, #tpu.memory_space<vmem>>) target(%dma_start3A_729 : memref<10240x128xf32, #tpu.memory_space<vmem_shared>>) offsets(%dma_start3A_726 : memref<96xi32, #tpu.memory_space<vmem>>) semaphore(%arg18 : memref<!tpu.dma_semaphore, #tpu.memory_space<semaphore_mem>>) {add = true}
        %add3A_730 = arith.constant 1 : i32
        %add3A_731 = arith.addi %mul3A_680, %add3A_730 : i32
        %dma_wait3A_732 = arith.constant 0 : i32
        %dma_wait3A_733 = arith.constant 0 : i32
        %dma_wait3A_734 = tpu.memref_slice %arg10[%dma_wait3A_732, %dma_wait3A_733] : memref<24x96xi32, #tpu.memory_space<vmem>> -> memref<1x96xi32, #tpu.memory_space<vmem>>
        %dma_wait3A_735 = tpu.memref_squeeze %dma_wait3A_734 : memref<1x96xi32, #tpu.memory_space<vmem>> -> memref<96xi32, #tpu.memory_space<vmem>>
        %dma_wait3A_736 = arith.constant 0 : i32
        %dma_wait3A_737 = arith.constant 0 : i32
        %dma_wait3A_738 = tpu.memref_slice %arg9[%dma_wait3A_736, %dma_wait3A_737] : memref<10240x128xf32, #tpu.memory_space<vmem_shared>> -> memref<10240x128xf32, #tpu.memory_space<vmem_shared>>
        tpu.wait_indirect_dma semaphore(%arg18 : memref<!tpu.dma_semaphore, #tpu.memory_space<semaphore_mem>>) src(%arg11 : memref<96x128xf32, #tpu.memory_space<vmem>>) dst(%dma_wait3A_738 : memref<10240x128xf32, #tpu.memory_space<vmem_shared>>)
        %lt3A_739 = arith.constant 6 : i32
        %lt3A_740 = arith.cmpi slt, %scan3A_678, %lt3A_739 : i32
        %convert_element_type3A_741 = arith.extui %lt3A_740 : i1 to i32
        %cond3A_742 = arith.constant 0 : i32
        %cond3A_743 = arith.cmpi ne, %convert_element_type3A_741, %cond3A_742 : i32
        scf.if %cond3A_743 {
          %add3A_761 = arith.constant 4 : i32
          %add3A_762 = arith.addi %mul3A_680, %add3A_761 : i32
          %dma_start3A_763 = arith.constant 0 : i32
          %dma_start3A_764 = tpu.memref_slice %arg20[%add3A_762, %dma_start3A_763] : memref<24x96xi32, #tpu.memory_space<vmem>> -> memref<1x96xi32, #tpu.memory_space<vmem>>
          %dma_start3A_765 = tpu.memref_squeeze %dma_start3A_764 : memref<1x96xi32, #tpu.memory_space<vmem>> -> memref<96xi32, #tpu.memory_space<vmem>>
          %dma_start3A_766 = arith.constant 0 : i32
          %dma_start3A_767 = arith.constant 0 : i32
          %dma_start3A_768 = tpu.memref_slice %arg2[%dma_start3A_766, %dma_start3A_767] : memref<10000x128xf32, #tpu.memory_space<hbm>> -> memref<10000x128xf32, #tpu.memory_space<hbm>>
          tpu.enqueue_indirect_dma source(%dma_start3A_768 : memref<10000x128xf32, #tpu.memory_space<hbm>>) target(%arg11 : memref<96x128xf32, #tpu.memory_space<vmem>>) offsets(%dma_start3A_765 : memref<96xi32, #tpu.memory_space<vmem>>) semaphore(%arg15 : memref<!tpu.dma_semaphore, #tpu.memory_space<semaphore_mem>>)
        } else {
        }
        %dma_wait3A_744 = arith.constant 0 : i32
        %dma_wait3A_745 = arith.constant 0 : i32
        %dma_wait3A_746 = tpu.memref_slice %arg20[%dma_wait3A_744, %dma_wait3A_745] : memref<24x96xi32, #tpu.memory_space<vmem>> -> memref<1x96xi32, #tpu.memory_space<vmem>>
        %dma_wait3A_747 = tpu.memref_squeeze %dma_wait3A_746 : memref<1x96xi32, #tpu.memory_space<vmem>> -> memref<96xi32, #tpu.memory_space<vmem>>
        %dma_wait3A_748 = arith.constant 0 : i32
        %dma_wait3A_749 = arith.constant 0 : i32
        %dma_wait3A_750 = tpu.memref_slice %arg2[%dma_wait3A_748, %dma_wait3A_749] : memref<10000x128xf32, #tpu.memory_space<hbm>> -> memref<10000x128xf32, #tpu.memory_space<hbm>>
        tpu.wait_indirect_dma semaphore(%arg16 : memref<!tpu.dma_semaphore, #tpu.memory_space<semaphore_mem>>) src(%dma_wait3A_750 : memref<10000x128xf32, #tpu.memory_space<hbm>>) dst(%arg12 : memref<96x128xf32, #tpu.memory_space<vmem>>)
        %add3A_751 = arith.constant 2 : i32
        %add3A_752 = arith.addi %mul3A_680, %add3A_751 : i32
        %dma_start3A_753 = arith.constant 0 : i32
        %dma_start3A_754 = tpu.memref_slice %arg10[%add3A_752, %dma_start3A_753] : memref<24x96xi32, #tpu.memory_space<vmem>> -> memref<1x96xi32, #tpu.memory_space<vmem>>
        %dma_start3A_755 = tpu.memref_squeeze %dma_start3A_754 : memref<1x96xi32, #tpu.memory_space<vmem>> -> memref<96xi32, #tpu.memory_space<vmem>>
        %dma_start3A_756 = arith.constant 0 : i32
        %dma_start3A_757 = arith.constant 0 : i32
        %dma_start3A_758 = tpu.memref_slice %arg9[%dma_start3A_756, %dma_start3A_757] : memref<10240x128xf32, #tpu.memory_space<vmem_shared>> -> memref<10240x128xf32, #tpu.memory_space<vmem_shared>>
        tpu.enqueue_indirect_dma source(%arg12 : memref<96x128xf32, #tpu.memory_space<vmem>>) target(%dma_start3A_758 : memref<10240x128xf32, #tpu.memory_space<vmem_shared>>) offsets(%dma_start3A_755 : memref<96xi32, #tpu.memory_space<vmem>>) semaphore(%arg19 : memref<!tpu.dma_semaphore, #tpu.memory_space<semaphore_mem>>) {add = true}
        %add3A_759 = arith.constant 2 : i32
        %add3A_760 = arith.addi %mul3A_680, %add3A_759 : i32
      }
      %scan3A_670 = arith.constant 7 : i32
      %dma_wait3A_671 = arith.constant 0 : i32
      %dma_wait3A_672 = arith.constant 0 : i32
      %dma_wait3A_673 = tpu.memref_slice %arg10[%dma_wait3A_671, %dma_wait3A_672] : memref<24x96xi32, #tpu.memory_space<vmem>> -> memref<1x96xi32, #tpu.memory_space<vmem>>
      %dma_wait3A_674 = tpu.memref_squeeze %dma_wait3A_673 : memref<1x96xi32, #tpu.memory_space<vmem>> -> memref<96xi32, #tpu.memory_space<vmem>>
      %dma_wait3A_675 = arith.constant 0 : i32
      %dma_wait3A_676 = arith.constant 0 : i32
      %dma_wait3A_677 = tpu.memref_slice %arg9[%dma_wait3A_675, %dma_wait3A_676] : memref<10240x128xf32, #tpu.memory_space<vmem_shared>> -> memref<10240x128xf32, #tpu.memory_space<vmem_shared>>
      tpu.wait_indirect_dma semaphore(%arg19 : memref<!tpu.dma_semaphore, #tpu.memory_space<semaphore_mem>>) src(%arg12 : memref<96x128xf32, #tpu.memory_space<vmem>>) dst(%dma_wait3A_677 : memref<10240x128xf32, #tpu.memory_space<vmem_shared>>)
    }
    %scan3A_283 = arith.constant 5 : i32
    %barrier3A_284 = arith.constant 0 : index
    tpu.barrier barrier_id(%barrier3A_284)
    %mul3A_285 = arith.constant 640 : i32
    %mul3A_286 = arith.muli %arg1, %mul3A_285 : i32
    %add3A_287 = arith.constant 0 : i32
    %add3A_288 = arith.addi %mul3A_286, %add3A_287 : i32
    %mul3A_289 = arith.constant 640 : i32
    %mul3A_290 = arith.muli %arg1, %mul3A_289 : i32
    %add3A_291 = arith.constant 0 : i32
    %add3A_292 = arith.addi %mul3A_290, %add3A_291 : i32
    "tpu.region"() ({
      %run_scoped3A = tpu.sem_alloc : memref<!tpu.dma_semaphore, #tpu.memory_space<semaphore_mem>>
      %dma_start3A_645 = arith.constant 0 : i32
      %dma_start3A_646 = arith.constant 0 : i32
      %dma_start3A_647 = tpu.memref_slice %arg13[%dma_start3A_645, %dma_start3A_646] : memref<96x128xf32, #tpu.memory_space<vmem>> -> memref<64x128xf32, #tpu.memory_space<vmem>>
      %dma_start3A_648 = arith.constant 0 : i32
      %dma_start3A_649 = tpu.memref_slice %arg9[%add3A_292, %dma_start3A_648] : memref<10240x128xf32, #tpu.memory_space<vmem_shared>> -> memref<64x128xf32, #tpu.memory_space<vmem_shared>>
      %dma_start3A_650 = arith.constant 0 : i32
      %dma_start3A_651 = arith.constant 0 : i32
      %dma_start3A_652 = tpu.memref_slice %arg13[%dma_start3A_650, %dma_start3A_651] : memref<96x128xf32, #tpu.memory_space<vmem>> -> memref<64x128xf32, #tpu.memory_space<vmem>>
      %dma_start3A_653 = arith.constant 0 : i32
      %dma_start3A_654 = tpu.memref_slice %arg9[%add3A_292, %dma_start3A_653] : memref<10240x128xf32, #tpu.memory_space<vmem_shared>> -> memref<64x128xf32, #tpu.memory_space<vmem_shared>>
      tpu.enqueue_dma source(%dma_start3A_654 : memref<64x128xf32, #tpu.memory_space<vmem_shared>>) target(%dma_start3A_652 : memref<64x128xf32, #tpu.memory_space<vmem>>) target_semaphore(%run_scoped3A : memref<!tpu.dma_semaphore, #tpu.memory_space<semaphore_mem>>)
      %dma_wait3A_655 = arith.constant 0 : i32
      %dma_wait3A_656 = arith.constant 0 : i32
      %dma_wait3A_657 = tpu.memref_slice %arg13[%dma_wait3A_655, %dma_wait3A_656] : memref<96x128xf32, #tpu.memory_space<vmem>> -> memref<64x128xf32, #tpu.memory_space<vmem>>
      %dma_wait3A_658 = arith.constant 0 : i32
      %dma_wait3A_659 = tpu.memref_slice %arg9[%add3A_292, %dma_wait3A_658] : memref<10240x128xf32, #tpu.memory_space<vmem_shared>> -> memref<64x128xf32, #tpu.memory_space<vmem_shared>>
      %dma_wait3A_660 = arith.constant 0 : i32
      %dma_wait3A_661 = arith.constant 0 : i32
      %dma_wait3A_662 = tpu.memref_slice %arg13[%dma_wait3A_660, %dma_wait3A_661] : memref<96x128xf32, #tpu.memory_space<vmem>> -> memref<64x128xf32, #tpu.memory_space<vmem>>
      %dma_wait3A_663 = arith.constant 0 : i32
      %dma_wait3A_664 = tpu.memref_slice %arg9[%add3A_292, %dma_wait3A_663] : memref<10240x128xf32, #tpu.memory_space<vmem_shared>> -> memref<64x128xf32, #tpu.memory_space<vmem_shared>>
      tpu.wait_dma2 semaphore(%run_scoped3A : memref<!tpu.dma_semaphore, #tpu.memory_space<semaphore_mem>>) src(%dma_wait3A_664 : memref<64x128xf32, #tpu.memory_space<vmem_shared>>) dst(%dma_wait3A_662 : memref<64x128xf32, #tpu.memory_space<vmem>>)
      tpu.yield
    }) : () -> ()
    %dma_start3A_293 = arith.constant 0 : i32
    %dma_start3A_294 = arith.constant 0 : i32
    %dma_start3A_295 = tpu.memref_slice %arg13[%dma_start3A_293, %dma_start3A_294] : memref<96x128xf32, #tpu.memory_space<vmem>> -> memref<64x128xf32, #tpu.memory_space<vmem>>
    %dma_start3A_296 = arith.constant 0 : i32
    %dma_start3A_297 = tpu.memref_slice %arg8[%arg0, %add3A_288, %dma_start3A_296] : memref<2x10240x128xf32, #tpu.memory_space<hbm>> -> memref<1x64x128xf32, #tpu.memory_space<hbm>>
    %dma_start3A_298 = tpu.memref_squeeze %dma_start3A_297 : memref<1x64x128xf32, #tpu.memory_space<hbm>> -> memref<64x128xf32, #tpu.memory_space<hbm>>
    %dma_start3A_299 = arith.constant 0 : i32
    %dma_start3A_300 = tpu.memref_slice %arg8[%arg0, %add3A_288, %dma_start3A_299] : memref<2x10240x128xf32, #tpu.memory_space<hbm>> -> memref<1x64x128xf32, #tpu.memory_space<hbm>>
    %dma_start3A_301 = tpu.memref_squeeze %dma_start3A_300 : memref<1x64x128xf32, #tpu.memory_space<hbm>> -> memref<64x128xf32, #tpu.memory_space<hbm>>
    %dma_start3A_302 = arith.constant 0 : i32
    %dma_start3A_303 = arith.constant 0 : i32
    %dma_start3A_304 = tpu.memref_slice %arg13[%dma_start3A_302, %dma_start3A_303] : memref<96x128xf32, #tpu.memory_space<vmem>> -> memref<64x128xf32, #tpu.memory_space<vmem>>
    tpu.enqueue_dma source(%dma_start3A_304 : memref<64x128xf32, #tpu.memory_space<vmem>>) target(%dma_start3A_301 : memref<64x128xf32, #tpu.memory_space<hbm>>) target_semaphore(%arg17 : memref<!tpu.dma_semaphore, #tpu.memory_space<semaphore_mem>>)
    %mul3A_305 = arith.constant 640 : i32
    %mul3A_306 = arith.muli %arg1, %mul3A_305 : i32
    %add3A_307 = arith.constant 64 : i32
    %add3A_308 = arith.addi %mul3A_306, %add3A_307 : i32
    %mul3A_309 = arith.constant 640 : i32
    %mul3A_310 = arith.muli %arg1, %mul3A_309 : i32
    %add3A_311 = arith.constant 64 : i32
    %add3A_312 = arith.addi %mul3A_310, %add3A_311 : i32
    "tpu.region"() ({
      %run_scoped3A = tpu.sem_alloc : memref<!tpu.dma_semaphore, #tpu.memory_space<semaphore_mem>>
      %dma_start3A_645 = arith.constant 0 : i32
      %dma_start3A_646 = arith.constant 0 : i32
      %dma_start3A_647 = tpu.memref_slice %arg11[%dma_start3A_645, %dma_start3A_646] : memref<96x128xf32, #tpu.memory_space<vmem>> -> memref<64x128xf32, #tpu.memory_space<vmem>>
      %dma_start3A_648 = arith.constant 0 : i32
      %dma_start3A_649 = tpu.memref_slice %arg9[%add3A_312, %dma_start3A_648] : memref<10240x128xf32, #tpu.memory_space<vmem_shared>> -> memref<64x128xf32, #tpu.memory_space<vmem_shared>>
      %dma_start3A_650 = arith.constant 0 : i32
      %dma_start3A_651 = arith.constant 0 : i32
      %dma_start3A_652 = tpu.memref_slice %arg11[%dma_start3A_650, %dma_start3A_651] : memref<96x128xf32, #tpu.memory_space<vmem>> -> memref<64x128xf32, #tpu.memory_space<vmem>>
      %dma_start3A_653 = arith.constant 0 : i32
      %dma_start3A_654 = tpu.memref_slice %arg9[%add3A_312, %dma_start3A_653] : memref<10240x128xf32, #tpu.memory_space<vmem_shared>> -> memref<64x128xf32, #tpu.memory_space<vmem_shared>>
      tpu.enqueue_dma source(%dma_start3A_654 : memref<64x128xf32, #tpu.memory_space<vmem_shared>>) target(%dma_start3A_652 : memref<64x128xf32, #tpu.memory_space<vmem>>) target_semaphore(%run_scoped3A : memref<!tpu.dma_semaphore, #tpu.memory_space<semaphore_mem>>)
      %dma_wait3A_655 = arith.constant 0 : i32
      %dma_wait3A_656 = arith.constant 0 : i32
      %dma_wait3A_657 = tpu.memref_slice %arg11[%dma_wait3A_655, %dma_wait3A_656] : memref<96x128xf32, #tpu.memory_space<vmem>> -> memref<64x128xf32, #tpu.memory_space<vmem>>
      %dma_wait3A_658 = arith.constant 0 : i32
      %dma_wait3A_659 = tpu.memref_slice %arg9[%add3A_312, %dma_wait3A_658] : memref<10240x128xf32, #tpu.memory_space<vmem_shared>> -> memref<64x128xf32, #tpu.memory_space<vmem_shared>>
      %dma_wait3A_660 = arith.constant 0 : i32
      %dma_wait3A_661 = arith.constant 0 : i32
      %dma_wait3A_662 = tpu.memref_slice %arg11[%dma_wait3A_660, %dma_wait3A_661] : memref<96x128xf32, #tpu.memory_space<vmem>> -> memref<64x128xf32, #tpu.memory_space<vmem>>
      %dma_wait3A_663 = arith.constant 0 : i32
      %dma_wait3A_664 = tpu.memref_slice %arg9[%add3A_312, %dma_wait3A_663] : memref<10240x128xf32, #tpu.memory_space<vmem_shared>> -> memref<64x128xf32, #tpu.memory_space<vmem_shared>>
      tpu.wait_dma2 semaphore(%run_scoped3A : memref<!tpu.dma_semaphore, #tpu.memory_space<semaphore_mem>>) src(%dma_wait3A_664 : memref<64x128xf32, #tpu.memory_space<vmem_shared>>) dst(%dma_wait3A_662 : memref<64x128xf32, #tpu.memory_space<vmem>>)
      tpu.yield
    }) : () -> ()
    %dma_start3A_313 = arith.constant 0 : i32
    %dma_start3A_314 = arith.constant 0 : i32
    %dma_start3A_315 = tpu.memref_slice %arg11[%dma_start3A_313, %dma_start3A_314] : memref<96x128xf32, #tpu.memory_space<vmem>> -> memref<64x128xf32, #tpu.memory_space<vmem>>
    %dma_start3A_316 = arith.constant 0 : i32
    %dma_start3A_317 = tpu.memref_slice %arg8[%arg0, %add3A_308, %dma_start3A_316] : memref<2x10240x128xf32, #tpu.memory_space<hbm>> -> memref<1x64x128xf32, #tpu.memory_space<hbm>>
    %dma_start3A_318 = tpu.memref_squeeze %dma_start3A_317 : memref<1x64x128xf32, #tpu.memory_space<hbm>> -> memref<64x128xf32, #tpu.memory_space<hbm>>
    %dma_start3A_319 = arith.constant 0 : i32
    %dma_start3A_320 = tpu.memref_slice %arg8[%arg0, %add3A_308, %dma_start3A_319] : memref<2x10240x128xf32, #tpu.memory_space<hbm>> -> memref<1x64x128xf32, #tpu.memory_space<hbm>>
    %dma_start3A_321 = tpu.memref_squeeze %dma_start3A_320 : memref<1x64x128xf32, #tpu.memory_space<hbm>> -> memref<64x128xf32, #tpu.memory_space<hbm>>
    %dma_start3A_322 = arith.constant 0 : i32
    %dma_start3A_323 = arith.constant 0 : i32
    %dma_start3A_324 = tpu.memref_slice %arg11[%dma_start3A_322, %dma_start3A_323] : memref<96x128xf32, #tpu.memory_space<vmem>> -> memref<64x128xf32, #tpu.memory_space<vmem>>
    tpu.enqueue_dma source(%dma_start3A_324 : memref<64x128xf32, #tpu.memory_space<vmem>>) target(%dma_start3A_321 : memref<64x128xf32, #tpu.memory_space<hbm>>) target_semaphore(%arg18 : memref<!tpu.dma_semaphore, #tpu.memory_space<semaphore_mem>>)
    %mul3A_325 = arith.constant 640 : i32
    %mul3A_326 = arith.muli %arg1, %mul3A_325 : i32
    %add3A_327 = arith.constant 128 : i32
    %add3A_328 = arith.addi %mul3A_326, %add3A_327 : i32
    %mul3A_329 = arith.constant 640 : i32
    %mul3A_330 = arith.muli %arg1, %mul3A_329 : i32
    %add3A_331 = arith.constant 0 : i32
    %add3A_332 = arith.addi %mul3A_330, %add3A_331 : i32
    %dma_wait3A_333 = arith.constant 0 : i32
    %dma_wait3A_334 = arith.constant 0 : i32
    %dma_wait3A_335 = tpu.memref_slice %arg13[%dma_wait3A_333, %dma_wait3A_334] : memref<96x128xf32, #tpu.memory_space<vmem>> -> memref<64x128xf32, #tpu.memory_space<vmem>>
    %dma_wait3A_336 = arith.constant 0 : i32
    %dma_wait3A_337 = tpu.memref_slice %arg8[%arg0, %add3A_332, %dma_wait3A_336] : memref<2x10240x128xf32, #tpu.memory_space<hbm>> -> memref<1x64x128xf32, #tpu.memory_space<hbm>>
    %dma_wait3A_338 = tpu.memref_squeeze %dma_wait3A_337 : memref<1x64x128xf32, #tpu.memory_space<hbm>> -> memref<64x128xf32, #tpu.memory_space<hbm>>
    %dma_wait3A_339 = arith.constant 0 : i32
    %dma_wait3A_340 = tpu.memref_slice %arg8[%arg0, %add3A_332, %dma_wait3A_339] : memref<2x10240x128xf32, #tpu.memory_space<hbm>> -> memref<1x64x128xf32, #tpu.memory_space<hbm>>
    %dma_wait3A_341 = tpu.memref_squeeze %dma_wait3A_340 : memref<1x64x128xf32, #tpu.memory_space<hbm>> -> memref<64x128xf32, #tpu.memory_space<hbm>>
    %dma_wait3A_342 = arith.constant 0 : i32
    %dma_wait3A_343 = arith.constant 0 : i32
    %dma_wait3A_344 = tpu.memref_slice %arg13[%dma_wait3A_342, %dma_wait3A_343] : memref<96x128xf32, #tpu.memory_space<vmem>> -> memref<64x128xf32, #tpu.memory_space<vmem>>
    tpu.wait_dma2 semaphore(%arg17 : memref<!tpu.dma_semaphore, #tpu.memory_space<semaphore_mem>>) src(%dma_wait3A_344 : memref<64x128xf32, #tpu.memory_space<vmem>>) dst(%dma_wait3A_341 : memref<64x128xf32, #tpu.memory_space<hbm>>)
    %mul3A_345 = arith.constant 640 : i32
    %mul3A_346 = arith.muli %arg1, %mul3A_345 : i32
    %add3A_347 = arith.constant 128 : i32
    %add3A_348 = arith.addi %mul3A_346, %add3A_347 : i32
    "tpu.region"() ({
      %run_scoped3A = tpu.sem_alloc : memref<!tpu.dma_semaphore, #tpu.memory_space<semaphore_mem>>
      %dma_start3A_645 = arith.constant 0 : i32
      %dma_start3A_646 = arith.constant 0 : i32
      %dma_start3A_647 = tpu.memref_slice %arg13[%dma_start3A_645, %dma_start3A_646] : memref<96x128xf32, #tpu.memory_space<vmem>> -> memref<64x128xf32, #tpu.memory_space<vmem>>
      %dma_start3A_648 = arith.constant 0 : i32
      %dma_start3A_649 = tpu.memref_slice %arg9[%add3A_348, %dma_start3A_648] : memref<10240x128xf32, #tpu.memory_space<vmem_shared>> -> memref<64x128xf32, #tpu.memory_space<vmem_shared>>
      %dma_start3A_650 = arith.constant 0 : i32
      %dma_start3A_651 = arith.constant 0 : i32
      %dma_start3A_652 = tpu.memref_slice %arg13[%dma_start3A_650, %dma_start3A_651] : memref<96x128xf32, #tpu.memory_space<vmem>> -> memref<64x128xf32, #tpu.memory_space<vmem>>
      %dma_start3A_653 = arith.constant 0 : i32
      %dma_start3A_654 = tpu.memref_slice %arg9[%add3A_348, %dma_start3A_653] : memref<10240x128xf32, #tpu.memory_space<vmem_shared>> -> memref<64x128xf32, #tpu.memory_space<vmem_shared>>
      tpu.enqueue_dma source(%dma_start3A_654 : memref<64x128xf32, #tpu.memory_space<vmem_shared>>) target(%dma_start3A_652 : memref<64x128xf32, #tpu.memory_space<vmem>>) target_semaphore(%run_scoped3A : memref<!tpu.dma_semaphore, #tpu.memory_space<semaphore_mem>>)
      %dma_wait3A_655 = arith.constant 0 : i32
      %dma_wait3A_656 = arith.constant 0 : i32
      %dma_wait3A_657 = tpu.memref_slice %arg13[%dma_wait3A_655, %dma_wait3A_656] : memref<96x128xf32, #tpu.memory_space<vmem>> -> memref<64x128xf32, #tpu.memory_space<vmem>>
      %dma_wait3A_658 = arith.constant 0 : i32
      %dma_wait3A_659 = tpu.memref_slice %arg9[%add3A_348, %dma_wait3A_658] : memref<10240x128xf32, #tpu.memory_space<vmem_shared>> -> memref<64x128xf32, #tpu.memory_space<vmem_shared>>
      %dma_wait3A_660 = arith.constant 0 : i32
      %dma_wait3A_661 = arith.constant 0 : i32
      %dma_wait3A_662 = tpu.memref_slice %arg13[%dma_wait3A_660, %dma_wait3A_661] : memref<96x128xf32, #tpu.memory_space<vmem>> -> memref<64x128xf32, #tpu.memory_space<vmem>>
      %dma_wait3A_663 = arith.constant 0 : i32
      %dma_wait3A_664 = tpu.memref_slice %arg9[%add3A_348, %dma_wait3A_663] : memref<10240x128xf32, #tpu.memory_space<vmem_shared>> -> memref<64x128xf32, #tpu.memory_space<vmem_shared>>
      tpu.wait_dma2 semaphore(%run_scoped3A : memref<!tpu.dma_semaphore, #tpu.memory_space<semaphore_mem>>) src(%dma_wait3A_664 : memref<64x128xf32, #tpu.memory_space<vmem_shared>>) dst(%dma_wait3A_662 : memref<64x128xf32, #tpu.memory_space<vmem>>)
      tpu.yield
    }) : () -> ()
    %dma_start3A_349 = arith.constant 0 : i32
    %dma_start3A_350 = arith.constant 0 : i32
    %dma_start3A_351 = tpu.memref_slice %arg13[%dma_start3A_349, %dma_start3A_350] : memref<96x128xf32, #tpu.memory_space<vmem>> -> memref<64x128xf32, #tpu.memory_space<vmem>>
    %dma_start3A_352 = arith.constant 0 : i32
    %dma_start3A_353 = tpu.memref_slice %arg8[%arg0, %add3A_328, %dma_start3A_352] : memref<2x10240x128xf32, #tpu.memory_space<hbm>> -> memref<1x64x128xf32, #tpu.memory_space<hbm>>
    %dma_start3A_354 = tpu.memref_squeeze %dma_start3A_353 : memref<1x64x128xf32, #tpu.memory_space<hbm>> -> memref<64x128xf32, #tpu.memory_space<hbm>>
    %dma_start3A_355 = arith.constant 0 : i32
    %dma_start3A_356 = tpu.memref_slice %arg8[%arg0, %add3A_328, %dma_start3A_355] : memref<2x10240x128xf32, #tpu.memory_space<hbm>> -> memref<1x64x128xf32, #tpu.memory_space<hbm>>
    %dma_start3A_357 = tpu.memref_squeeze %dma_start3A_356 : memref<1x64x128xf32, #tpu.memory_space<hbm>> -> memref<64x128xf32, #tpu.memory_space<hbm>>
    %dma_start3A_358 = arith.constant 0 : i32
    %dma_start3A_359 = arith.constant 0 : i32
    %dma_start3A_360 = tpu.memref_slice %arg13[%dma_start3A_358, %dma_start3A_359] : memref<96x128xf32, #tpu.memory_space<vmem>> -> memref<64x128xf32, #tpu.memory_space<vmem>>
    tpu.enqueue_dma source(%dma_start3A_360 : memref<64x128xf32, #tpu.memory_space<vmem>>) target(%dma_start3A_357 : memref<64x128xf32, #tpu.memory_space<hbm>>) target_semaphore(%arg17 : memref<!tpu.dma_semaphore, #tpu.memory_space<semaphore_mem>>)
    %mul3A_361 = arith.constant 640 : i32
    %mul3A_362 = arith.muli %arg1, %mul3A_361 : i32
    %add3A_363 = arith.constant 192 : i32
    %add3A_364 = arith.addi %mul3A_362, %add3A_363 : i32
    %mul3A_365 = arith.constant 640 : i32
    %mul3A_366 = arith.muli %arg1, %mul3A_365 : i32
    %add3A_367 = arith.constant 64 : i32
    %add3A_368 = arith.addi %mul3A_366, %add3A_367 : i32
    %dma_wait3A_369 = arith.constant 0 : i32
    %dma_wait3A_370 = arith.constant 0 : i32
    %dma_wait3A_371 = tpu.memref_slice %arg11[%dma_wait3A_369, %dma_wait3A_370] : memref<96x128xf32, #tpu.memory_space<vmem>> -> memref<64x128xf32, #tpu.memory_space<vmem>>
    %dma_wait3A_372 = arith.constant 0 : i32
    %dma_wait3A_373 = tpu.memref_slice %arg8[%arg0, %add3A_368, %dma_wait3A_372] : memref<2x10240x128xf32, #tpu.memory_space<hbm>> -> memref<1x64x128xf32, #tpu.memory_space<hbm>>
    %dma_wait3A_374 = tpu.memref_squeeze %dma_wait3A_373 : memref<1x64x128xf32, #tpu.memory_space<hbm>> -> memref<64x128xf32, #tpu.memory_space<hbm>>
    %dma_wait3A_375 = arith.constant 0 : i32
    %dma_wait3A_376 = tpu.memref_slice %arg8[%arg0, %add3A_368, %dma_wait3A_375] : memref<2x10240x128xf32, #tpu.memory_space<hbm>> -> memref<1x64x128xf32, #tpu.memory_space<hbm>>
    %dma_wait3A_377 = tpu.memref_squeeze %dma_wait3A_376 : memref<1x64x128xf32, #tpu.memory_space<hbm>> -> memref<64x128xf32, #tpu.memory_space<hbm>>
    %dma_wait3A_378 = arith.constant 0 : i32
    %dma_wait3A_379 = arith.constant 0 : i32
    %dma_wait3A_380 = tpu.memref_slice %arg11[%dma_wait3A_378, %dma_wait3A_379] : memref<96x128xf32, #tpu.memory_space<vmem>> -> memref<64x128xf32, #tpu.memory_space<vmem>>
    tpu.wait_dma2 semaphore(%arg18 : memref<!tpu.dma_semaphore, #tpu.memory_space<semaphore_mem>>) src(%dma_wait3A_380 : memref<64x128xf32, #tpu.memory_space<vmem>>) dst(%dma_wait3A_377 : memref<64x128xf32, #tpu.memory_space<hbm>>)
    %mul3A_381 = arith.constant 640 : i32
    %mul3A_382 = arith.muli %arg1, %mul3A_381 : i32
    %add3A_383 = arith.constant 192 : i32
    %add3A_384 = arith.addi %mul3A_382, %add3A_383 : i32
    "tpu.region"() ({
      %run_scoped3A = tpu.sem_alloc : memref<!tpu.dma_semaphore, #tpu.memory_space<semaphore_mem>>
      %dma_start3A_645 = arith.constant 0 : i32
      %dma_start3A_646 = arith.constant 0 : i32
      %dma_start3A_647 = tpu.memref_slice %arg11[%dma_start3A_645, %dma_start3A_646] : memref<96x128xf32, #tpu.memory_space<vmem>> -> memref<64x128xf32, #tpu.memory_space<vmem>>
      %dma_start3A_648 = arith.constant 0 : i32
      %dma_start3A_649 = tpu.memref_slice %arg9[%add3A_384, %dma_start3A_648] : memref<10240x128xf32, #tpu.memory_space<vmem_shared>> -> memref<64x128xf32, #tpu.memory_space<vmem_shared>>
      %dma_start3A_650 = arith.constant 0 : i32
      %dma_start3A_651 = arith.constant 0 : i32
      %dma_start3A_652 = tpu.memref_slice %arg11[%dma_start3A_650, %dma_start3A_651] : memref<96x128xf32, #tpu.memory_space<vmem>> -> memref<64x128xf32, #tpu.memory_space<vmem>>
      %dma_start3A_653 = arith.constant 0 : i32
      %dma_start3A_654 = tpu.memref_slice %arg9[%add3A_384, %dma_start3A_653] : memref<10240x128xf32, #tpu.memory_space<vmem_shared>> -> memref<64x128xf32, #tpu.memory_space<vmem_shared>>
      tpu.enqueue_dma source(%dma_start3A_654 : memref<64x128xf32, #tpu.memory_space<vmem_shared>>) target(%dma_start3A_652 : memref<64x128xf32, #tpu.memory_space<vmem>>) target_semaphore(%run_scoped3A : memref<!tpu.dma_semaphore, #tpu.memory_space<semaphore_mem>>)
      %dma_wait3A_655 = arith.constant 0 : i32
      %dma_wait3A_656 = arith.constant 0 : i32
      %dma_wait3A_657 = tpu.memref_slice %arg11[%dma_wait3A_655, %dma_wait3A_656] : memref<96x128xf32, #tpu.memory_space<vmem>> -> memref<64x128xf32, #tpu.memory_space<vmem>>
      %dma_wait3A_658 = arith.constant 0 : i32
      %dma_wait3A_659 = tpu.memref_slice %arg9[%add3A_384, %dma_wait3A_658] : memref<10240x128xf32, #tpu.memory_space<vmem_shared>> -> memref<64x128xf32, #tpu.memory_space<vmem_shared>>
      %dma_wait3A_660 = arith.constant 0 : i32
      %dma_wait3A_661 = arith.constant 0 : i32
      %dma_wait3A_662 = tpu.memref_slice %arg11[%dma_wait3A_660, %dma_wait3A_661] : memref<96x128xf32, #tpu.memory_space<vmem>> -> memref<64x128xf32, #tpu.memory_space<vmem>>
      %dma_wait3A_663 = arith.constant 0 : i32
      %dma_wait3A_664 = tpu.memref_slice %arg9[%add3A_384, %dma_wait3A_663] : memref<10240x128xf32, #tpu.memory_space<vmem_shared>> -> memref<64x128xf32, #tpu.memory_space<vmem_shared>>
      tpu.wait_dma2 semaphore(%run_scoped3A : memref<!tpu.dma_semaphore, #tpu.memory_space<semaphore_mem>>) src(%dma_wait3A_664 : memref<64x128xf32, #tpu.memory_space<vmem_shared>>) dst(%dma_wait3A_662 : memref<64x128xf32, #tpu.memory_space<vmem>>)
      tpu.yield
    }) : () -> ()
    %dma_start3A_385 = arith.constant 0 : i32
    %dma_start3A_386 = arith.constant 0 : i32
    %dma_start3A_387 = tpu.memref_slice %arg11[%dma_start3A_385, %dma_start3A_386] : memref<96x128xf32, #tpu.memory_space<vmem>> -> memref<64x128xf32, #tpu.memory_space<vmem>>
    %dma_start3A_388 = arith.constant 0 : i32
    %dma_start3A_389 = tpu.memref_slice %arg8[%arg0, %add3A_364, %dma_start3A_388] : memref<2x10240x128xf32, #tpu.memory_space<hbm>> -> memref<1x64x128xf32, #tpu.memory_space<hbm>>
    %dma_start3A_390 = tpu.memref_squeeze %dma_start3A_389 : memref<1x64x128xf32, #tpu.memory_space<hbm>> -> memref<64x128xf32, #tpu.memory_space<hbm>>
    %dma_start3A_391 = arith.constant 0 : i32
    %dma_start3A_392 = tpu.memref_slice %arg8[%arg0, %add3A_364, %dma_start3A_391] : memref<2x10240x128xf32, #tpu.memory_space<hbm>> -> memref<1x64x128xf32, #tpu.memory_space<hbm>>
    %dma_start3A_393 = tpu.memref_squeeze %dma_start3A_392 : memref<1x64x128xf32, #tpu.memory_space<hbm>> -> memref<64x128xf32, #tpu.memory_space<hbm>>
    %dma_start3A_394 = arith.constant 0 : i32
    %dma_start3A_395 = arith.constant 0 : i32
    %dma_start3A_396 = tpu.memref_slice %arg11[%dma_start3A_394, %dma_start3A_395] : memref<96x128xf32, #tpu.memory_space<vmem>> -> memref<64x128xf32, #tpu.memory_space<vmem>>
    tpu.enqueue_dma source(%dma_start3A_396 : memref<64x128xf32, #tpu.memory_space<vmem>>) target(%dma_start3A_393 : memref<64x128xf32, #tpu.memory_space<hbm>>) target_semaphore(%arg18 : memref<!tpu.dma_semaphore, #tpu.memory_space<semaphore_mem>>)
    %mul3A_397 = arith.constant 640 : i32
    %mul3A_398 = arith.muli %arg1, %mul3A_397 : i32
    %add3A_399 = arith.constant 256 : i32
    %add3A_400 = arith.addi %mul3A_398, %add3A_399 : i32
    %mul3A_401 = arith.constant 640 : i32
    %mul3A_402 = arith.muli %arg1, %mul3A_401 : i32
    %add3A_403 = arith.constant 128 : i32
    %add3A_404 = arith.addi %mul3A_402, %add3A_403 : i32
    %dma_wait3A_405 = arith.constant 0 : i32
    %dma_wait3A_406 = arith.constant 0 : i32
    %dma_wait3A_407 = tpu.memref_slice %arg13[%dma_wait3A_405, %dma_wait3A_406] : memref<96x128xf32, #tpu.memory_space<vmem>> -> memref<64x128xf32, #tpu.memory_space<vmem>>
    %dma_wait3A_408 = arith.constant 0 : i32
    %dma_wait3A_409 = tpu.memref_slice %arg8[%arg0, %add3A_404, %dma_wait3A_408] : memref<2x10240x128xf32, #tpu.memory_space<hbm>> -> memref<1x64x128xf32, #tpu.memory_space<hbm>>
    %dma_wait3A_410 = tpu.memref_squeeze %dma_wait3A_409 : memref<1x64x128xf32, #tpu.memory_space<hbm>> -> memref<64x128xf32, #tpu.memory_space<hbm>>
    %dma_wait3A_411 = arith.constant 0 : i32
    %dma_wait3A_412 = tpu.memref_slice %arg8[%arg0, %add3A_404, %dma_wait3A_411] : memref<2x10240x128xf32, #tpu.memory_space<hbm>> -> memref<1x64x128xf32, #tpu.memory_space<hbm>>
    %dma_wait3A_413 = tpu.memref_squeeze %dma_wait3A_412 : memref<1x64x128xf32, #tpu.memory_space<hbm>> -> memref<64x128xf32, #tpu.memory_space<hbm>>
    %dma_wait3A_414 = arith.constant 0 : i32
    %dma_wait3A_415 = arith.constant 0 : i32
    %dma_wait3A_416 = tpu.memref_slice %arg13[%dma_wait3A_414, %dma_wait3A_415] : memref<96x128xf32, #tpu.memory_space<vmem>> -> memref<64x128xf32, #tpu.memory_space<vmem>>
    tpu.wait_dma2 semaphore(%arg17 : memref<!tpu.dma_semaphore, #tpu.memory_space<semaphore_mem>>) src(%dma_wait3A_416 : memref<64x128xf32, #tpu.memory_space<vmem>>) dst(%dma_wait3A_413 : memref<64x128xf32, #tpu.memory_space<hbm>>)
    %mul3A_417 = arith.constant 640 : i32
    %mul3A_418 = arith.muli %arg1, %mul3A_417 : i32
    %add3A_419 = arith.constant 256 : i32
    %add3A_420 = arith.addi %mul3A_418, %add3A_419 : i32
    "tpu.region"() ({
      %run_scoped3A = tpu.sem_alloc : memref<!tpu.dma_semaphore, #tpu.memory_space<semaphore_mem>>
      %dma_start3A_645 = arith.constant 0 : i32
      %dma_start3A_646 = arith.constant 0 : i32
      %dma_start3A_647 = tpu.memref_slice %arg13[%dma_start3A_645, %dma_start3A_646] : memref<96x128xf32, #tpu.memory_space<vmem>> -> memref<64x128xf32, #tpu.memory_space<vmem>>
      %dma_start3A_648 = arith.constant 0 : i32
      %dma_start3A_649 = tpu.memref_slice %arg9[%add3A_420, %dma_start3A_648] : memref<10240x128xf32, #tpu.memory_space<vmem_shared>> -> memref<64x128xf32, #tpu.memory_space<vmem_shared>>
      %dma_start3A_650 = arith.constant 0 : i32
      %dma_start3A_651 = arith.constant 0 : i32
      %dma_start3A_652 = tpu.memref_slice %arg13[%dma_start3A_650, %dma_start3A_651] : memref<96x128xf32, #tpu.memory_space<vmem>> -> memref<64x128xf32, #tpu.memory_space<vmem>>
      %dma_start3A_653 = arith.constant 0 : i32
      %dma_start3A_654 = tpu.memref_slice %arg9[%add3A_420, %dma_start3A_653] : memref<10240x128xf32, #tpu.memory_space<vmem_shared>> -> memref<64x128xf32, #tpu.memory_space<vmem_shared>>
      tpu.enqueue_dma source(%dma_start3A_654 : memref<64x128xf32, #tpu.memory_space<vmem_shared>>) target(%dma_start3A_652 : memref<64x128xf32, #tpu.memory_space<vmem>>) target_semaphore(%run_scoped3A : memref<!tpu.dma_semaphore, #tpu.memory_space<semaphore_mem>>)
      %dma_wait3A_655 = arith.constant 0 : i32
      %dma_wait3A_656 = arith.constant 0 : i32
      %dma_wait3A_657 = tpu.memref_slice %arg13[%dma_wait3A_655, %dma_wait3A_656] : memref<96x128xf32, #tpu.memory_space<vmem>> -> memref<64x128xf32, #tpu.memory_space<vmem>>
      %dma_wait3A_658 = arith.constant 0 : i32
      %dma_wait3A_659 = tpu.memref_slice %arg9[%add3A_420, %dma_wait3A_658] : memref<10240x128xf32, #tpu.memory_space<vmem_shared>> -> memref<64x128xf32, #tpu.memory_space<vmem_shared>>
      %dma_wait3A_660 = arith.constant 0 : i32
      %dma_wait3A_661 = arith.constant 0 : i32
      %dma_wait3A_662 = tpu.memref_slice %arg13[%dma_wait3A_660, %dma_wait3A_661] : memref<96x128xf32, #tpu.memory_space<vmem>> -> memref<64x128xf32, #tpu.memory_space<vmem>>
      %dma_wait3A_663 = arith.constant 0 : i32
      %dma_wait3A_664 = tpu.memref_slice %arg9[%add3A_420, %dma_wait3A_663] : memref<10240x128xf32, #tpu.memory_space<vmem_shared>> -> memref<64x128xf32, #tpu.memory_space<vmem_shared>>
      tpu.wait_dma2 semaphore(%run_scoped3A : memref<!tpu.dma_semaphore, #tpu.memory_space<semaphore_mem>>) src(%dma_wait3A_664 : memref<64x128xf32, #tpu.memory_space<vmem_shared>>) dst(%dma_wait3A_662 : memref<64x128xf32, #tpu.memory_space<vmem>>)
      tpu.yield
    }) : () -> ()
    %dma_start3A_421 = arith.constant 0 : i32
    %dma_start3A_422 = arith.constant 0 : i32
    %dma_start3A_423 = tpu.memref_slice %arg13[%dma_start3A_421, %dma_start3A_422] : memref<96x128xf32, #tpu.memory_space<vmem>> -> memref<64x128xf32, #tpu.memory_space<vmem>>
    %dma_start3A_424 = arith.constant 0 : i32
    %dma_start3A_425 = tpu.memref_slice %arg8[%arg0, %add3A_400, %dma_start3A_424] : memref<2x10240x128xf32, #tpu.memory_space<hbm>> -> memref<1x64x128xf32, #tpu.memory_space<hbm>>
    %dma_start3A_426 = tpu.memref_squeeze %dma_start3A_425 : memref<1x64x128xf32, #tpu.memory_space<hbm>> -> memref<64x128xf32, #tpu.memory_space<hbm>>
    %dma_start3A_427 = arith.constant 0 : i32
    %dma_start3A_428 = tpu.memref_slice %arg8[%arg0, %add3A_400, %dma_start3A_427] : memref<2x10240x128xf32, #tpu.memory_space<hbm>> -> memref<1x64x128xf32, #tpu.memory_space<hbm>>
    %dma_start3A_429 = tpu.memref_squeeze %dma_start3A_428 : memref<1x64x128xf32, #tpu.memory_space<hbm>> -> memref<64x128xf32, #tpu.memory_space<hbm>>
    %dma_start3A_430 = arith.constant 0 : i32
    %dma_start3A_431 = arith.constant 0 : i32
    %dma_start3A_432 = tpu.memref_slice %arg13[%dma_start3A_430, %dma_start3A_431] : memref<96x128xf32, #tpu.memory_space<vmem>> -> memref<64x128xf32, #tpu.memory_space<vmem>>
    tpu.enqueue_dma source(%dma_start3A_432 : memref<64x128xf32, #tpu.memory_space<vmem>>) target(%dma_start3A_429 : memref<64x128xf32, #tpu.memory_space<hbm>>) target_semaphore(%arg17 : memref<!tpu.dma_semaphore, #tpu.memory_space<semaphore_mem>>)
    %mul3A_433 = arith.constant 640 : i32
    %mul3A_434 = arith.muli %arg1, %mul3A_433 : i32
    %add3A_435 = arith.constant 320 : i32
    %add3A_436 = arith.addi %mul3A_434, %add3A_435 : i32
    %mul3A_437 = arith.constant 640 : i32
    %mul3A_438 = arith.muli %arg1, %mul3A_437 : i32
    %add3A_439 = arith.constant 192 : i32
    %add3A_440 = arith.addi %mul3A_438, %add3A_439 : i32
    %dma_wait3A_441 = arith.constant 0 : i32
    %dma_wait3A_442 = arith.constant 0 : i32
    %dma_wait3A_443 = tpu.memref_slice %arg11[%dma_wait3A_441, %dma_wait3A_442] : memref<96x128xf32, #tpu.memory_space<vmem>> -> memref<64x128xf32, #tpu.memory_space<vmem>>
    %dma_wait3A_444 = arith.constant 0 : i32
    %dma_wait3A_445 = tpu.memref_slice %arg8[%arg0, %add3A_440, %dma_wait3A_444] : memref<2x10240x128xf32, #tpu.memory_space<hbm>> -> memref<1x64x128xf32, #tpu.memory_space<hbm>>
    %dma_wait3A_446 = tpu.memref_squeeze %dma_wait3A_445 : memref<1x64x128xf32, #tpu.memory_space<hbm>> -> memref<64x128xf32, #tpu.memory_space<hbm>>
    %dma_wait3A_447 = arith.constant 0 : i32
    %dma_wait3A_448 = tpu.memref_slice %arg8[%arg0, %add3A_440, %dma_wait3A_447] : memref<2x10240x128xf32, #tpu.memory_space<hbm>> -> memref<1x64x128xf32, #tpu.memory_space<hbm>>
    %dma_wait3A_449 = tpu.memref_squeeze %dma_wait3A_448 : memref<1x64x128xf32, #tpu.memory_space<hbm>> -> memref<64x128xf32, #tpu.memory_space<hbm>>
    %dma_wait3A_450 = arith.constant 0 : i32
    %dma_wait3A_451 = arith.constant 0 : i32
    %dma_wait3A_452 = tpu.memref_slice %arg11[%dma_wait3A_450, %dma_wait3A_451] : memref<96x128xf32, #tpu.memory_space<vmem>> -> memref<64x128xf32, #tpu.memory_space<vmem>>
    tpu.wait_dma2 semaphore(%arg18 : memref<!tpu.dma_semaphore, #tpu.memory_space<semaphore_mem>>) src(%dma_wait3A_452 : memref<64x128xf32, #tpu.memory_space<vmem>>) dst(%dma_wait3A_449 : memref<64x128xf32, #tpu.memory_space<hbm>>)
    %mul3A_453 = arith.constant 640 : i32
    %mul3A_454 = arith.muli %arg1, %mul3A_453 : i32
    %add3A_455 = arith.constant 320 : i32
    %add3A_456 = arith.addi %mul3A_454, %add3A_455 : i32
    "tpu.region"() ({
      %run_scoped3A = tpu.sem_alloc : memref<!tpu.dma_semaphore, #tpu.memory_space<semaphore_mem>>
      %dma_start3A_645 = arith.constant 0 : i32
      %dma_start3A_646 = arith.constant 0 : i32
      %dma_start3A_647 = tpu.memref_slice %arg11[%dma_start3A_645, %dma_start3A_646] : memref<96x128xf32, #tpu.memory_space<vmem>> -> memref<64x128xf32, #tpu.memory_space<vmem>>
      %dma_start3A_648 = arith.constant 0 : i32
      %dma_start3A_649 = tpu.memref_slice %arg9[%add3A_456, %dma_start3A_648] : memref<10240x128xf32, #tpu.memory_space<vmem_shared>> -> memref<64x128xf32, #tpu.memory_space<vmem_shared>>
      %dma_start3A_650 = arith.constant 0 : i32
      %dma_start3A_651 = arith.constant 0 : i32
      %dma_start3A_652 = tpu.memref_slice %arg11[%dma_start3A_650, %dma_start3A_651] : memref<96x128xf32, #tpu.memory_space<vmem>> -> memref<64x128xf32, #tpu.memory_space<vmem>>
      %dma_start3A_653 = arith.constant 0 : i32
      %dma_start3A_654 = tpu.memref_slice %arg9[%add3A_456, %dma_start3A_653] : memref<10240x128xf32, #tpu.memory_space<vmem_shared>> -> memref<64x128xf32, #tpu.memory_space<vmem_shared>>
      tpu.enqueue_dma source(%dma_start3A_654 : memref<64x128xf32, #tpu.memory_space<vmem_shared>>) target(%dma_start3A_652 : memref<64x128xf32, #tpu.memory_space<vmem>>) target_semaphore(%run_scoped3A : memref<!tpu.dma_semaphore, #tpu.memory_space<semaphore_mem>>)
      %dma_wait3A_655 = arith.constant 0 : i32
      %dma_wait3A_656 = arith.constant 0 : i32
      %dma_wait3A_657 = tpu.memref_slice %arg11[%dma_wait3A_655, %dma_wait3A_656] : memref<96x128xf32, #tpu.memory_space<vmem>> -> memref<64x128xf32, #tpu.memory_space<vmem>>
      %dma_wait3A_658 = arith.constant 0 : i32
      %dma_wait3A_659 = tpu.memref_slice %arg9[%add3A_456, %dma_wait3A_658] : memref<10240x128xf32, #tpu.memory_space<vmem_shared>> -> memref<64x128xf32, #tpu.memory_space<vmem_shared>>
      %dma_wait3A_660 = arith.constant 0 : i32
      %dma_wait3A_661 = arith.constant 0 : i32
      %dma_wait3A_662 = tpu.memref_slice %arg11[%dma_wait3A_660, %dma_wait3A_661] : memref<96x128xf32, #tpu.memory_space<vmem>> -> memref<64x128xf32, #tpu.memory_space<vmem>>
      %dma_wait3A_663 = arith.constant 0 : i32
      %dma_wait3A_664 = tpu.memref_slice %arg9[%add3A_456, %dma_wait3A_663] : memref<10240x128xf32, #tpu.memory_space<vmem_shared>> -> memref<64x128xf32, #tpu.memory_space<vmem_shared>>
      tpu.wait_dma2 semaphore(%run_scoped3A : memref<!tpu.dma_semaphore, #tpu.memory_space<semaphore_mem>>) src(%dma_wait3A_664 : memref<64x128xf32, #tpu.memory_space<vmem_shared>>) dst(%dma_wait3A_662 : memref<64x128xf32, #tpu.memory_space<vmem>>)
      tpu.yield
    }) : () -> ()
    %dma_start3A_457 = arith.constant 0 : i32
    %dma_start3A_458 = arith.constant 0 : i32
    %dma_start3A_459 = tpu.memref_slice %arg11[%dma_start3A_457, %dma_start3A_458] : memref<96x128xf32, #tpu.memory_space<vmem>> -> memref<64x128xf32, #tpu.memory_space<vmem>>
    %dma_start3A_460 = arith.constant 0 : i32
    %dma_start3A_461 = tpu.memref_slice %arg8[%arg0, %add3A_436, %dma_start3A_460] : memref<2x10240x128xf32, #tpu.memory_space<hbm>> -> memref<1x64x128xf32, #tpu.memory_space<hbm>>
    %dma_start3A_462 = tpu.memref_squeeze %dma_start3A_461 : memref<1x64x128xf32, #tpu.memory_space<hbm>> -> memref<64x128xf32, #tpu.memory_space<hbm>>
    %dma_start3A_463 = arith.constant 0 : i32
    %dma_start3A_464 = tpu.memref_slice %arg8[%arg0, %add3A_436, %dma_start3A_463] : memref<2x10240x128xf32, #tpu.memory_space<hbm>> -> memref<1x64x128xf32, #tpu.memory_space<hbm>>
    %dma_start3A_465 = tpu.memref_squeeze %dma_start3A_464 : memref<1x64x128xf32, #tpu.memory_space<hbm>> -> memref<64x128xf32, #tpu.memory_space<hbm>>
    %dma_start3A_466 = arith.constant 0 : i32
    %dma_start3A_467 = arith.constant 0 : i32
    %dma_start3A_468 = tpu.memref_slice %arg11[%dma_start3A_466, %dma_start3A_467] : memref<96x128xf32, #tpu.memory_space<vmem>> -> memref<64x128xf32, #tpu.memory_space<vmem>>
    tpu.enqueue_dma source(%dma_start3A_468 : memref<64x128xf32, #tpu.memory_space<vmem>>) target(%dma_start3A_465 : memref<64x128xf32, #tpu.memory_space<hbm>>) target_semaphore(%arg18 : memref<!tpu.dma_semaphore, #tpu.memory_space<semaphore_mem>>)
    %mul3A_469 = arith.constant 640 : i32
    %mul3A_470 = arith.muli %arg1, %mul3A_469 : i32
    %add3A_471 = arith.constant 384 : i32
    %add3A_472 = arith.addi %mul3A_470, %add3A_471 : i32
    %mul3A_473 = arith.constant 640 : i32
    %mul3A_474 = arith.muli %arg1, %mul3A_473 : i32
    %add3A_475 = arith.constant 256 : i32
    %add3A_476 = arith.addi %mul3A_474, %add3A_475 : i32
    %dma_wait3A_477 = arith.constant 0 : i32
    %dma_wait3A_478 = arith.constant 0 : i32
    %dma_wait3A_479 = tpu.memref_slice %arg13[%dma_wait3A_477, %dma_wait3A_478] : memref<96x128xf32, #tpu.memory_space<vmem>> -> memref<64x128xf32, #tpu.memory_space<vmem>>
    %dma_wait3A_480 = arith.constant 0 : i32
    %dma_wait3A_481 = tpu.memref_slice %arg8[%arg0, %add3A_476, %dma_wait3A_480] : memref<2x10240x128xf32, #tpu.memory_space<hbm>> -> memref<1x64x128xf32, #tpu.memory_space<hbm>>
    %dma_wait3A_482 = tpu.memref_squeeze %dma_wait3A_481 : memref<1x64x128xf32, #tpu.memory_space<hbm>> -> memref<64x128xf32, #tpu.memory_space<hbm>>
    %dma_wait3A_483 = arith.constant 0 : i32
    %dma_wait3A_484 = tpu.memref_slice %arg8[%arg0, %add3A_476, %dma_wait3A_483] : memref<2x10240x128xf32, #tpu.memory_space<hbm>> -> memref<1x64x128xf32, #tpu.memory_space<hbm>>
    %dma_wait3A_485 = tpu.memref_squeeze %dma_wait3A_484 : memref<1x64x128xf32, #tpu.memory_space<hbm>> -> memref<64x128xf32, #tpu.memory_space<hbm>>
    %dma_wait3A_486 = arith.constant 0 : i32
    %dma_wait3A_487 = arith.constant 0 : i32
    %dma_wait3A_488 = tpu.memref_slice %arg13[%dma_wait3A_486, %dma_wait3A_487] : memref<96x128xf32, #tpu.memory_space<vmem>> -> memref<64x128xf32, #tpu.memory_space<vmem>>
    tpu.wait_dma2 semaphore(%arg17 : memref<!tpu.dma_semaphore, #tpu.memory_space<semaphore_mem>>) src(%dma_wait3A_488 : memref<64x128xf32, #tpu.memory_space<vmem>>) dst(%dma_wait3A_485 : memref<64x128xf32, #tpu.memory_space<hbm>>)
    %mul3A_489 = arith.constant 640 : i32
    %mul3A_490 = arith.muli %arg1, %mul3A_489 : i32
    %add3A_491 = arith.constant 384 : i32
    %add3A_492 = arith.addi %mul3A_490, %add3A_491 : i32
    "tpu.region"() ({
      %run_scoped3A = tpu.sem_alloc : memref<!tpu.dma_semaphore, #tpu.memory_space<semaphore_mem>>
      %dma_start3A_645 = arith.constant 0 : i32
      %dma_start3A_646 = arith.constant 0 : i32
      %dma_start3A_647 = tpu.memref_slice %arg13[%dma_start3A_645, %dma_start3A_646] : memref<96x128xf32, #tpu.memory_space<vmem>> -> memref<64x128xf32, #tpu.memory_space<vmem>>
      %dma_start3A_648 = arith.constant 0 : i32
      %dma_start3A_649 = tpu.memref_slice %arg9[%add3A_492, %dma_start3A_648] : memref<10240x128xf32, #tpu.memory_space<vmem_shared>> -> memref<64x128xf32, #tpu.memory_space<vmem_shared>>
      %dma_start3A_650 = arith.constant 0 : i32
      %dma_start3A_651 = arith.constant 0 : i32
      %dma_start3A_652 = tpu.memref_slice %arg13[%dma_start3A_650, %dma_start3A_651] : memref<96x128xf32, #tpu.memory_space<vmem>> -> memref<64x128xf32, #tpu.memory_space<vmem>>
      %dma_start3A_653 = arith.constant 0 : i32
      %dma_start3A_654 = tpu.memref_slice %arg9[%add3A_492, %dma_start3A_653] : memref<10240x128xf32, #tpu.memory_space<vmem_shared>> -> memref<64x128xf32, #tpu.memory_space<vmem_shared>>
      tpu.enqueue_dma source(%dma_start3A_654 : memref<64x128xf32, #tpu.memory_space<vmem_shared>>) target(%dma_start3A_652 : memref<64x128xf32, #tpu.memory_space<vmem>>) target_semaphore(%run_scoped3A : memref<!tpu.dma_semaphore, #tpu.memory_space<semaphore_mem>>)
      %dma_wait3A_655 = arith.constant 0 : i32
      %dma_wait3A_656 = arith.constant 0 : i32
      %dma_wait3A_657 = tpu.memref_slice %arg13[%dma_wait3A_655, %dma_wait3A_656] : memref<96x128xf32, #tpu.memory_space<vmem>> -> memref<64x128xf32, #tpu.memory_space<vmem>>
      %dma_wait3A_658 = arith.constant 0 : i32
      %dma_wait3A_659 = tpu.memref_slice %arg9[%add3A_492, %dma_wait3A_658] : memref<10240x128xf32, #tpu.memory_space<vmem_shared>> -> memref<64x128xf32, #tpu.memory_space<vmem_shared>>
      %dma_wait3A_660 = arith.constant 0 : i32
      %dma_wait3A_661 = arith.constant 0 : i32
      %dma_wait3A_662 = tpu.memref_slice %arg13[%dma_wait3A_660, %dma_wait3A_661] : memref<96x128xf32, #tpu.memory_space<vmem>> -> memref<64x128xf32, #tpu.memory_space<vmem>>
      %dma_wait3A_663 = arith.constant 0 : i32
      %dma_wait3A_664 = tpu.memref_slice %arg9[%add3A_492, %dma_wait3A_663] : memref<10240x128xf32, #tpu.memory_space<vmem_shared>> -> memref<64x128xf32, #tpu.memory_space<vmem_shared>>
      tpu.wait_dma2 semaphore(%run_scoped3A : memref<!tpu.dma_semaphore, #tpu.memory_space<semaphore_mem>>) src(%dma_wait3A_664 : memref<64x128xf32, #tpu.memory_space<vmem_shared>>) dst(%dma_wait3A_662 : memref<64x128xf32, #tpu.memory_space<vmem>>)
      tpu.yield
    }) : () -> ()
    %dma_start3A_493 = arith.constant 0 : i32
    %dma_start3A_494 = arith.constant 0 : i32
    %dma_start3A_495 = tpu.memref_slice %arg13[%dma_start3A_493, %dma_start3A_494] : memref<96x128xf32, #tpu.memory_space<vmem>> -> memref<64x128xf32, #tpu.memory_space<vmem>>
    %dma_start3A_496 = arith.constant 0 : i32
    %dma_start3A_497 = tpu.memref_slice %arg8[%arg0, %add3A_472, %dma_start3A_496] : memref<2x10240x128xf32, #tpu.memory_space<hbm>> -> memref<1x64x128xf32, #tpu.memory_space<hbm>>
    %dma_start3A_498 = tpu.memref_squeeze %dma_start3A_497 : memref<1x64x128xf32, #tpu.memory_space<hbm>> -> memref<64x128xf32, #tpu.memory_space<hbm>>
    %dma_start3A_499 = arith.constant 0 : i32
    %dma_start3A_500 = tpu.memref_slice %arg8[%arg0, %add3A_472, %dma_start3A_499] : memref<2x10240x128xf32, #tpu.memory_space<hbm>> -> memref<1x64x128xf32, #tpu.memory_space<hbm>>
    %dma_start3A_501 = tpu.memref_squeeze %dma_start3A_500 : memref<1x64x128xf32, #tpu.memory_space<hbm>> -> memref<64x128xf32, #tpu.memory_space<hbm>>
    %dma_start3A_502 = arith.constant 0 : i32
    %dma_start3A_503 = arith.constant 0 : i32
    %dma_start3A_504 = tpu.memref_slice %arg13[%dma_start3A_502, %dma_start3A_503] : memref<96x128xf32, #tpu.memory_space<vmem>> -> memref<64x128xf32, #tpu.memory_space<vmem>>
    tpu.enqueue_dma source(%dma_start3A_504 : memref<64x128xf32, #tpu.memory_space<vmem>>) target(%dma_start3A_501 : memref<64x128xf32, #tpu.memory_space<hbm>>) target_semaphore(%arg17 : memref<!tpu.dma_semaphore, #tpu.memory_space<semaphore_mem>>)
    %mul3A_505 = arith.constant 640 : i32
    %mul3A_506 = arith.muli %arg1, %mul3A_505 : i32
    %add3A_507 = arith.constant 448 : i32
    %add3A_508 = arith.addi %mul3A_506, %add3A_507 : i32
    %mul3A_509 = arith.constant 640 : i32
    %mul3A_510 = arith.muli %arg1, %mul3A_509 : i32
    %add3A_511 = arith.constant 320 : i32
    %add3A_512 = arith.addi %mul3A_510, %add3A_511 : i32
    %dma_wait3A_513 = arith.constant 0 : i32
    %dma_wait3A_514 = arith.constant 0 : i32
    %dma_wait3A_515 = tpu.memref_slice %arg11[%dma_wait3A_513, %dma_wait3A_514] : memref<96x128xf32, #tpu.memory_space<vmem>> -> memref<64x128xf32, #tpu.memory_space<vmem>>
    %dma_wait3A_516 = arith.constant 0 : i32
    %dma_wait3A_517 = tpu.memref_slice %arg8[%arg0, %add3A_512, %dma_wait3A_516] : memref<2x10240x128xf32, #tpu.memory_space<hbm>> -> memref<1x64x128xf32, #tpu.memory_space<hbm>>
    %dma_wait3A_518 = tpu.memref_squeeze %dma_wait3A_517 : memref<1x64x128xf32, #tpu.memory_space<hbm>> -> memref<64x128xf32, #tpu.memory_space<hbm>>
    %dma_wait3A_519 = arith.constant 0 : i32
    %dma_wait3A_520 = tpu.memref_slice %arg8[%arg0, %add3A_512, %dma_wait3A_519] : memref<2x10240x128xf32, #tpu.memory_space<hbm>> -> memref<1x64x128xf32, #tpu.memory_space<hbm>>
    %dma_wait3A_521 = tpu.memref_squeeze %dma_wait3A_520 : memref<1x64x128xf32, #tpu.memory_space<hbm>> -> memref<64x128xf32, #tpu.memory_space<hbm>>
    %dma_wait3A_522 = arith.constant 0 : i32
    %dma_wait3A_523 = arith.constant 0 : i32
    %dma_wait3A_524 = tpu.memref_slice %arg11[%dma_wait3A_522, %dma_wait3A_523] : memref<96x128xf32, #tpu.memory_space<vmem>> -> memref<64x128xf32, #tpu.memory_space<vmem>>
    tpu.wait_dma2 semaphore(%arg18 : memref<!tpu.dma_semaphore, #tpu.memory_space<semaphore_mem>>) src(%dma_wait3A_524 : memref<64x128xf32, #tpu.memory_space<vmem>>) dst(%dma_wait3A_521 : memref<64x128xf32, #tpu.memory_space<hbm>>)
    %mul3A_525 = arith.constant 640 : i32
    %mul3A_526 = arith.muli %arg1, %mul3A_525 : i32
    %add3A_527 = arith.constant 448 : i32
    %add3A_528 = arith.addi %mul3A_526, %add3A_527 : i32
    "tpu.region"() ({
      %run_scoped3A = tpu.sem_alloc : memref<!tpu.dma_semaphore, #tpu.memory_space<semaphore_mem>>
      %dma_start3A_645 = arith.constant 0 : i32
      %dma_start3A_646 = arith.constant 0 : i32
      %dma_start3A_647 = tpu.memref_slice %arg11[%dma_start3A_645, %dma_start3A_646] : memref<96x128xf32, #tpu.memory_space<vmem>> -> memref<64x128xf32, #tpu.memory_space<vmem>>
      %dma_start3A_648 = arith.constant 0 : i32
      %dma_start3A_649 = tpu.memref_slice %arg9[%add3A_528, %dma_start3A_648] : memref<10240x128xf32, #tpu.memory_space<vmem_shared>> -> memref<64x128xf32, #tpu.memory_space<vmem_shared>>
      %dma_start3A_650 = arith.constant 0 : i32
      %dma_start3A_651 = arith.constant 0 : i32
      %dma_start3A_652 = tpu.memref_slice %arg11[%dma_start3A_650, %dma_start3A_651] : memref<96x128xf32, #tpu.memory_space<vmem>> -> memref<64x128xf32, #tpu.memory_space<vmem>>
      %dma_start3A_653 = arith.constant 0 : i32
      %dma_start3A_654 = tpu.memref_slice %arg9[%add3A_528, %dma_start3A_653] : memref<10240x128xf32, #tpu.memory_space<vmem_shared>> -> memref<64x128xf32, #tpu.memory_space<vmem_shared>>
      tpu.enqueue_dma source(%dma_start3A_654 : memref<64x128xf32, #tpu.memory_space<vmem_shared>>) target(%dma_start3A_652 : memref<64x128xf32, #tpu.memory_space<vmem>>) target_semaphore(%run_scoped3A : memref<!tpu.dma_semaphore, #tpu.memory_space<semaphore_mem>>)
      %dma_wait3A_655 = arith.constant 0 : i32
      %dma_wait3A_656 = arith.constant 0 : i32
      %dma_wait3A_657 = tpu.memref_slice %arg11[%dma_wait3A_655, %dma_wait3A_656] : memref<96x128xf32, #tpu.memory_space<vmem>> -> memref<64x128xf32, #tpu.memory_space<vmem>>
      %dma_wait3A_658 = arith.constant 0 : i32
      %dma_wait3A_659 = tpu.memref_slice %arg9[%add3A_528, %dma_wait3A_658] : memref<10240x128xf32, #tpu.memory_space<vmem_shared>> -> memref<64x128xf32, #tpu.memory_space<vmem_shared>>
      %dma_wait3A_660 = arith.constant 0 : i32
      %dma_wait3A_661 = arith.constant 0 : i32
      %dma_wait3A_662 = tpu.memref_slice %arg11[%dma_wait3A_660, %dma_wait3A_661] : memref<96x128xf32, #tpu.memory_space<vmem>> -> memref<64x128xf32, #tpu.memory_space<vmem>>
      %dma_wait3A_663 = arith.constant 0 : i32
      %dma_wait3A_664 = tpu.memref_slice %arg9[%add3A_528, %dma_wait3A_663] : memref<10240x128xf32, #tpu.memory_space<vmem_shared>> -> memref<64x128xf32, #tpu.memory_space<vmem_shared>>
      tpu.wait_dma2 semaphore(%run_scoped3A : memref<!tpu.dma_semaphore, #tpu.memory_space<semaphore_mem>>) src(%dma_wait3A_664 : memref<64x128xf32, #tpu.memory_space<vmem_shared>>) dst(%dma_wait3A_662 : memref<64x128xf32, #tpu.memory_space<vmem>>)
      tpu.yield
    }) : () -> ()
    %dma_start3A_529 = arith.constant 0 : i32
    %dma_start3A_530 = arith.constant 0 : i32
    %dma_start3A_531 = tpu.memref_slice %arg11[%dma_start3A_529, %dma_start3A_530] : memref<96x128xf32, #tpu.memory_space<vmem>> -> memref<64x128xf32, #tpu.memory_space<vmem>>
    %dma_start3A_532 = arith.constant 0 : i32
    %dma_start3A_533 = tpu.memref_slice %arg8[%arg0, %add3A_508, %dma_start3A_532] : memref<2x10240x128xf32, #tpu.memory_space<hbm>> -> memref<1x64x128xf32, #tpu.memory_space<hbm>>
    %dma_start3A_534 = tpu.memref_squeeze %dma_start3A_533 : memref<1x64x128xf32, #tpu.memory_space<hbm>> -> memref<64x128xf32, #tpu.memory_space<hbm>>
    %dma_start3A_535 = arith.constant 0 : i32
    %dma_start3A_536 = tpu.memref_slice %arg8[%arg0, %add3A_508, %dma_start3A_535] : memref<2x10240x128xf32, #tpu.memory_space<hbm>> -> memref<1x64x128xf32, #tpu.memory_space<hbm>>
    %dma_start3A_537 = tpu.memref_squeeze %dma_start3A_536 : memref<1x64x128xf32, #tpu.memory_space<hbm>> -> memref<64x128xf32, #tpu.memory_space<hbm>>
    %dma_start3A_538 = arith.constant 0 : i32
    %dma_start3A_539 = arith.constant 0 : i32
    %dma_start3A_540 = tpu.memref_slice %arg11[%dma_start3A_538, %dma_start3A_539] : memref<96x128xf32, #tpu.memory_space<vmem>> -> memref<64x128xf32, #tpu.memory_space<vmem>>
    tpu.enqueue_dma source(%dma_start3A_540 : memref<64x128xf32, #tpu.memory_space<vmem>>) target(%dma_start3A_537 : memref<64x128xf32, #tpu.memory_space<hbm>>) target_semaphore(%arg18 : memref<!tpu.dma_semaphore, #tpu.memory_space<semaphore_mem>>)
    %mul3A_541 = arith.constant 640 : i32
    %mul3A_542 = arith.muli %arg1, %mul3A_541 : i32
    %add3A_543 = arith.constant 512 : i32
    %add3A_544 = arith.addi %mul3A_542, %add3A_543 : i32
    %mul3A_545 = arith.constant 640 : i32
    %mul3A_546 = arith.muli %arg1, %mul3A_545 : i32
    %add3A_547 = arith.constant 384 : i32
    %add3A_548 = arith.addi %mul3A_546, %add3A_547 : i32
    %dma_wait3A_549 = arith.constant 0 : i32
    %dma_wait3A_550 = arith.constant 0 : i32
    %dma_wait3A_551 = tpu.memref_slice %arg13[%dma_wait3A_549, %dma_wait3A_550] : memref<96x128xf32, #tpu.memory_space<vmem>> -> memref<64x128xf32, #tpu.memory_space<vmem>>
    %dma_wait3A_552 = arith.constant 0 : i32
    %dma_wait3A_553 = tpu.memref_slice %arg8[%arg0, %add3A_548, %dma_wait3A_552] : memref<2x10240x128xf32, #tpu.memory_space<hbm>> -> memref<1x64x128xf32, #tpu.memory_space<hbm>>
    %dma_wait3A_554 = tpu.memref_squeeze %dma_wait3A_553 : memref<1x64x128xf32, #tpu.memory_space<hbm>> -> memref<64x128xf32, #tpu.memory_space<hbm>>
    %dma_wait3A_555 = arith.constant 0 : i32
    %dma_wait3A_556 = tpu.memref_slice %arg8[%arg0, %add3A_548, %dma_wait3A_555] : memref<2x10240x128xf32, #tpu.memory_space<hbm>> -> memref<1x64x128xf32, #tpu.memory_space<hbm>>
    %dma_wait3A_557 = tpu.memref_squeeze %dma_wait3A_556 : memref<1x64x128xf32, #tpu.memory_space<hbm>> -> memref<64x128xf32, #tpu.memory_space<hbm>>
    %dma_wait3A_558 = arith.constant 0 : i32
    %dma_wait3A_559 = arith.constant 0 : i32
    %dma_wait3A_560 = tpu.memref_slice %arg13[%dma_wait3A_558, %dma_wait3A_559] : memref<96x128xf32, #tpu.memory_space<vmem>> -> memref<64x128xf32, #tpu.memory_space<vmem>>
    tpu.wait_dma2 semaphore(%arg17 : memref<!tpu.dma_semaphore, #tpu.memory_space<semaphore_mem>>) src(%dma_wait3A_560 : memref<64x128xf32, #tpu.memory_space<vmem>>) dst(%dma_wait3A_557 : memref<64x128xf32, #tpu.memory_space<hbm>>)
    %mul3A_561 = arith.constant 640 : i32
    %mul3A_562 = arith.muli %arg1, %mul3A_561 : i32
    %add3A_563 = arith.constant 512 : i32
    %add3A_564 = arith.addi %mul3A_562, %add3A_563 : i32
    "tpu.region"() ({
      %run_scoped3A = tpu.sem_alloc : memref<!tpu.dma_semaphore, #tpu.memory_space<semaphore_mem>>
      %dma_start3A_645 = arith.constant 0 : i32
      %dma_start3A_646 = arith.constant 0 : i32
      %dma_start3A_647 = tpu.memref_slice %arg13[%dma_start3A_645, %dma_start3A_646] : memref<96x128xf32, #tpu.memory_space<vmem>> -> memref<64x128xf32, #tpu.memory_space<vmem>>
      %dma_start3A_648 = arith.constant 0 : i32
      %dma_start3A_649 = tpu.memref_slice %arg9[%add3A_564, %dma_start3A_648] : memref<10240x128xf32, #tpu.memory_space<vmem_shared>> -> memref<64x128xf32, #tpu.memory_space<vmem_shared>>
      %dma_start3A_650 = arith.constant 0 : i32
      %dma_start3A_651 = arith.constant 0 : i32
      %dma_start3A_652 = tpu.memref_slice %arg13[%dma_start3A_650, %dma_start3A_651] : memref<96x128xf32, #tpu.memory_space<vmem>> -> memref<64x128xf32, #tpu.memory_space<vmem>>
      %dma_start3A_653 = arith.constant 0 : i32
      %dma_start3A_654 = tpu.memref_slice %arg9[%add3A_564, %dma_start3A_653] : memref<10240x128xf32, #tpu.memory_space<vmem_shared>> -> memref<64x128xf32, #tpu.memory_space<vmem_shared>>
      tpu.enqueue_dma source(%dma_start3A_654 : memref<64x128xf32, #tpu.memory_space<vmem_shared>>) target(%dma_start3A_652 : memref<64x128xf32, #tpu.memory_space<vmem>>) target_semaphore(%run_scoped3A : memref<!tpu.dma_semaphore, #tpu.memory_space<semaphore_mem>>)
      %dma_wait3A_655 = arith.constant 0 : i32
      %dma_wait3A_656 = arith.constant 0 : i32
      %dma_wait3A_657 = tpu.memref_slice %arg13[%dma_wait3A_655, %dma_wait3A_656] : memref<96x128xf32, #tpu.memory_space<vmem>> -> memref<64x128xf32, #tpu.memory_space<vmem>>
      %dma_wait3A_658 = arith.constant 0 : i32
      %dma_wait3A_659 = tpu.memref_slice %arg9[%add3A_564, %dma_wait3A_658] : memref<10240x128xf32, #tpu.memory_space<vmem_shared>> -> memref<64x128xf32, #tpu.memory_space<vmem_shared>>
      %dma_wait3A_660 = arith.constant 0 : i32
      %dma_wait3A_661 = arith.constant 0 : i32
      %dma_wait3A_662 = tpu.memref_slice %arg13[%dma_wait3A_660, %dma_wait3A_661] : memref<96x128xf32, #tpu.memory_space<vmem>> -> memref<64x128xf32, #tpu.memory_space<vmem>>
      %dma_wait3A_663 = arith.constant 0 : i32
      %dma_wait3A_664 = tpu.memref_slice %arg9[%add3A_564, %dma_wait3A_663] : memref<10240x128xf32, #tpu.memory_space<vmem_shared>> -> memref<64x128xf32, #tpu.memory_space<vmem_shared>>
      tpu.wait_dma2 semaphore(%run_scoped3A : memref<!tpu.dma_semaphore, #tpu.memory_space<semaphore_mem>>) src(%dma_wait3A_664 : memref<64x128xf32, #tpu.memory_space<vmem_shared>>) dst(%dma_wait3A_662 : memref<64x128xf32, #tpu.memory_space<vmem>>)
      tpu.yield
    }) : () -> ()
    %dma_start3A_565 = arith.constant 0 : i32
    %dma_start3A_566 = arith.constant 0 : i32
    %dma_start3A_567 = tpu.memref_slice %arg13[%dma_start3A_565, %dma_start3A_566] : memref<96x128xf32, #tpu.memory_space<vmem>> -> memref<64x128xf32, #tpu.memory_space<vmem>>
    %dma_start3A_568 = arith.constant 0 : i32
    %dma_start3A_569 = tpu.memref_slice %arg8[%arg0, %add3A_544, %dma_start3A_568] : memref<2x10240x128xf32, #tpu.memory_space<hbm>> -> memref<1x64x128xf32, #tpu.memory_space<hbm>>
    %dma_start3A_570 = tpu.memref_squeeze %dma_start3A_569 : memref<1x64x128xf32, #tpu.memory_space<hbm>> -> memref<64x128xf32, #tpu.memory_space<hbm>>
    %dma_start3A_571 = arith.constant 0 : i32
    %dma_start3A_572 = tpu.memref_slice %arg8[%arg0, %add3A_544, %dma_start3A_571] : memref<2x10240x128xf32, #tpu.memory_space<hbm>> -> memref<1x64x128xf32, #tpu.memory_space<hbm>>
    %dma_start3A_573 = tpu.memref_squeeze %dma_start3A_572 : memref<1x64x128xf32, #tpu.memory_space<hbm>> -> memref<64x128xf32, #tpu.memory_space<hbm>>
    %dma_start3A_574 = arith.constant 0 : i32
    %dma_start3A_575 = arith.constant 0 : i32
    %dma_start3A_576 = tpu.memref_slice %arg13[%dma_start3A_574, %dma_start3A_575] : memref<96x128xf32, #tpu.memory_space<vmem>> -> memref<64x128xf32, #tpu.memory_space<vmem>>
    tpu.enqueue_dma source(%dma_start3A_576 : memref<64x128xf32, #tpu.memory_space<vmem>>) target(%dma_start3A_573 : memref<64x128xf32, #tpu.memory_space<hbm>>) target_semaphore(%arg17 : memref<!tpu.dma_semaphore, #tpu.memory_space<semaphore_mem>>)
    %mul3A_577 = arith.constant 640 : i32
    %mul3A_578 = arith.muli %arg1, %mul3A_577 : i32
    %add3A_579 = arith.constant 576 : i32
    %add3A_580 = arith.addi %mul3A_578, %add3A_579 : i32
    %mul3A_581 = arith.constant 640 : i32
    %mul3A_582 = arith.muli %arg1, %mul3A_581 : i32
    %add3A_583 = arith.constant 448 : i32
    %add3A_584 = arith.addi %mul3A_582, %add3A_583 : i32
    %dma_wait3A_585 = arith.constant 0 : i32
    %dma_wait3A_586 = arith.constant 0 : i32
    %dma_wait3A_587 = tpu.memref_slice %arg11[%dma_wait3A_585, %dma_wait3A_586] : memref<96x128xf32, #tpu.memory_space<vmem>> -> memref<64x128xf32, #tpu.memory_space<vmem>>
    %dma_wait3A_588 = arith.constant 0 : i32
    %dma_wait3A_589 = tpu.memref_slice %arg8[%arg0, %add3A_584, %dma_wait3A_588] : memref<2x10240x128xf32, #tpu.memory_space<hbm>> -> memref<1x64x128xf32, #tpu.memory_space<hbm>>
    %dma_wait3A_590 = tpu.memref_squeeze %dma_wait3A_589 : memref<1x64x128xf32, #tpu.memory_space<hbm>> -> memref<64x128xf32, #tpu.memory_space<hbm>>
    %dma_wait3A_591 = arith.constant 0 : i32
    %dma_wait3A_592 = tpu.memref_slice %arg8[%arg0, %add3A_584, %dma_wait3A_591] : memref<2x10240x128xf32, #tpu.memory_space<hbm>> -> memref<1x64x128xf32, #tpu.memory_space<hbm>>
    %dma_wait3A_593 = tpu.memref_squeeze %dma_wait3A_592 : memref<1x64x128xf32, #tpu.memory_space<hbm>> -> memref<64x128xf32, #tpu.memory_space<hbm>>
    %dma_wait3A_594 = arith.constant 0 : i32
    %dma_wait3A_595 = arith.constant 0 : i32
    %dma_wait3A_596 = tpu.memref_slice %arg11[%dma_wait3A_594, %dma_wait3A_595] : memref<96x128xf32, #tpu.memory_space<vmem>> -> memref<64x128xf32, #tpu.memory_space<vmem>>
    tpu.wait_dma2 semaphore(%arg18 : memref<!tpu.dma_semaphore, #tpu.memory_space<semaphore_mem>>) src(%dma_wait3A_596 : memref<64x128xf32, #tpu.memory_space<vmem>>) dst(%dma_wait3A_593 : memref<64x128xf32, #tpu.memory_space<hbm>>)
    %mul3A_597 = arith.constant 640 : i32
    %mul3A_598 = arith.muli %arg1, %mul3A_597 : i32
    %add3A_599 = arith.constant 576 : i32
    %add3A_600 = arith.addi %mul3A_598, %add3A_599 : i32
    "tpu.region"() ({
      %run_scoped3A = tpu.sem_alloc : memref<!tpu.dma_semaphore, #tpu.memory_space<semaphore_mem>>
      %dma_start3A_645 = arith.constant 0 : i32
      %dma_start3A_646 = arith.constant 0 : i32
      %dma_start3A_647 = tpu.memref_slice %arg11[%dma_start3A_645, %dma_start3A_646] : memref<96x128xf32, #tpu.memory_space<vmem>> -> memref<64x128xf32, #tpu.memory_space<vmem>>
      %dma_start3A_648 = arith.constant 0 : i32
      %dma_start3A_649 = tpu.memref_slice %arg9[%add3A_600, %dma_start3A_648] : memref<10240x128xf32, #tpu.memory_space<vmem_shared>> -> memref<64x128xf32, #tpu.memory_space<vmem_shared>>
      %dma_start3A_650 = arith.constant 0 : i32
      %dma_start3A_651 = arith.constant 0 : i32
      %dma_start3A_652 = tpu.memref_slice %arg11[%dma_start3A_650, %dma_start3A_651] : memref<96x128xf32, #tpu.memory_space<vmem>> -> memref<64x128xf32, #tpu.memory_space<vmem>>
      %dma_start3A_653 = arith.constant 0 : i32
      %dma_start3A_654 = tpu.memref_slice %arg9[%add3A_600, %dma_start3A_653] : memref<10240x128xf32, #tpu.memory_space<vmem_shared>> -> memref<64x128xf32, #tpu.memory_space<vmem_shared>>
      tpu.enqueue_dma source(%dma_start3A_654 : memref<64x128xf32, #tpu.memory_space<vmem_shared>>) target(%dma_start3A_652 : memref<64x128xf32, #tpu.memory_space<vmem>>) target_semaphore(%run_scoped3A : memref<!tpu.dma_semaphore, #tpu.memory_space<semaphore_mem>>)
      %dma_wait3A_655 = arith.constant 0 : i32
      %dma_wait3A_656 = arith.constant 0 : i32
      %dma_wait3A_657 = tpu.memref_slice %arg11[%dma_wait3A_655, %dma_wait3A_656] : memref<96x128xf32, #tpu.memory_space<vmem>> -> memref<64x128xf32, #tpu.memory_space<vmem>>
      %dma_wait3A_658 = arith.constant 0 : i32
      %dma_wait3A_659 = tpu.memref_slice %arg9[%add3A_600, %dma_wait3A_658] : memref<10240x128xf32, #tpu.memory_space<vmem_shared>> -> memref<64x128xf32, #tpu.memory_space<vmem_shared>>
      %dma_wait3A_660 = arith.constant 0 : i32
      %dma_wait3A_661 = arith.constant 0 : i32
      %dma_wait3A_662 = tpu.memref_slice %arg11[%dma_wait3A_660, %dma_wait3A_661] : memref<96x128xf32, #tpu.memory_space<vmem>> -> memref<64x128xf32, #tpu.memory_space<vmem>>
      %dma_wait3A_663 = arith.constant 0 : i32
      %dma_wait3A_664 = tpu.memref_slice %arg9[%add3A_600, %dma_wait3A_663] : memref<10240x128xf32, #tpu.memory_space<vmem_shared>> -> memref<64x128xf32, #tpu.memory_space<vmem_shared>>
      tpu.wait_dma2 semaphore(%run_scoped3A : memref<!tpu.dma_semaphore, #tpu.memory_space<semaphore_mem>>) src(%dma_wait3A_664 : memref<64x128xf32, #tpu.memory_space<vmem_shared>>) dst(%dma_wait3A_662 : memref<64x128xf32, #tpu.memory_space<vmem>>)
      tpu.yield
    }) : () -> ()
    %dma_start3A_601 = arith.constant 0 : i32
    %dma_start3A_602 = arith.constant 0 : i32
    %dma_start3A_603 = tpu.memref_slice %arg11[%dma_start3A_601, %dma_start3A_602] : memref<96x128xf32, #tpu.memory_space<vmem>> -> memref<64x128xf32, #tpu.memory_space<vmem>>
    %dma_start3A_604 = arith.constant 0 : i32
    %dma_start3A_605 = tpu.memref_slice %arg8[%arg0, %add3A_580, %dma_start3A_604] : memref<2x10240x128xf32, #tpu.memory_space<hbm>> -> memref<1x64x128xf32, #tpu.memory_space<hbm>>
    %dma_start3A_606 = tpu.memref_squeeze %dma_start3A_605 : memref<1x64x128xf32, #tpu.memory_space<hbm>> -> memref<64x128xf32, #tpu.memory_space<hbm>>
    %dma_start3A_607 = arith.constant 0 : i32
    %dma_start3A_608 = tpu.memref_slice %arg8[%arg0, %add3A_580, %dma_start3A_607] : memref<2x10240x128xf32, #tpu.memory_space<hbm>> -> memref<1x64x128xf32, #tpu.memory_space<hbm>>
    %dma_start3A_609 = tpu.memref_squeeze %dma_start3A_608 : memref<1x64x128xf32, #tpu.memory_space<hbm>> -> memref<64x128xf32, #tpu.memory_space<hbm>>
    %dma_start3A_610 = arith.constant 0 : i32
    %dma_start3A_611 = arith.constant 0 : i32
    %dma_start3A_612 = tpu.memref_slice %arg11[%dma_start3A_610, %dma_start3A_611] : memref<96x128xf32, #tpu.memory_space<vmem>> -> memref<64x128xf32, #tpu.memory_space<vmem>>
    tpu.enqueue_dma source(%dma_start3A_612 : memref<64x128xf32, #tpu.memory_space<vmem>>) target(%dma_start3A_609 : memref<64x128xf32, #tpu.memory_space<hbm>>) target_semaphore(%arg18 : memref<!tpu.dma_semaphore, #tpu.memory_space<semaphore_mem>>)
    %mul3A_613 = arith.constant 640 : i32
    %mul3A_614 = arith.muli %arg1, %mul3A_613 : i32
    %add3A_615 = arith.constant 512 : i32
    %add3A_616 = arith.addi %mul3A_614, %add3A_615 : i32
    %dma_wait3A_617 = arith.constant 0 : i32
    %dma_wait3A_618 = arith.constant 0 : i32
    %dma_wait3A_619 = tpu.memref_slice %arg13[%dma_wait3A_617, %dma_wait3A_618] : memref<96x128xf32, #tpu.memory_space<vmem>> -> memref<64x128xf32, #tpu.memory_space<vmem>>
    %dma_wait3A_620 = arith.constant 0 : i32
    %dma_wait3A_621 = tpu.memref_slice %arg8[%arg0, %add3A_616, %dma_wait3A_620] : memref<2x10240x128xf32, #tpu.memory_space<hbm>> -> memref<1x64x128xf32, #tpu.memory_space<hbm>>
    %dma_wait3A_622 = tpu.memref_squeeze %dma_wait3A_621 : memref<1x64x128xf32, #tpu.memory_space<hbm>> -> memref<64x128xf32, #tpu.memory_space<hbm>>
    %dma_wait3A_623 = arith.constant 0 : i32
    %dma_wait3A_624 = tpu.memref_slice %arg8[%arg0, %add3A_616, %dma_wait3A_623] : memref<2x10240x128xf32, #tpu.memory_space<hbm>> -> memref<1x64x128xf32, #tpu.memory_space<hbm>>
    %dma_wait3A_625 = tpu.memref_squeeze %dma_wait3A_624 : memref<1x64x128xf32, #tpu.memory_space<hbm>> -> memref<64x128xf32, #tpu.memory_space<hbm>>
    %dma_wait3A_626 = arith.constant 0 : i32
    %dma_wait3A_627 = arith.constant 0 : i32
    %dma_wait3A_628 = tpu.memref_slice %arg13[%dma_wait3A_626, %dma_wait3A_627] : memref<96x128xf32, #tpu.memory_space<vmem>> -> memref<64x128xf32, #tpu.memory_space<vmem>>
    tpu.wait_dma2 semaphore(%arg17 : memref<!tpu.dma_semaphore, #tpu.memory_space<semaphore_mem>>) src(%dma_wait3A_628 : memref<64x128xf32, #tpu.memory_space<vmem>>) dst(%dma_wait3A_625 : memref<64x128xf32, #tpu.memory_space<hbm>>)
    %mul3A_629 = arith.constant 640 : i32
    %mul3A_630 = arith.muli %arg1, %mul3A_629 : i32
    %add3A_631 = arith.constant 576 : i32
    %add3A_632 = arith.addi %mul3A_630, %add3A_631 : i32
    %dma_wait3A_633 = arith.constant 0 : i32
    %dma_wait3A_634 = arith.constant 0 : i32
    %dma_wait3A_635 = tpu.memref_slice %arg11[%dma_wait3A_633, %dma_wait3A_634] : memref<96x128xf32, #tpu.memory_space<vmem>> -> memref<64x128xf32, #tpu.memory_space<vmem>>
    %dma_wait3A_636 = arith.constant 0 : i32
    %dma_wait3A_637 = tpu.memref_slice %arg8[%arg0, %add3A_632, %dma_wait3A_636] : memref<2x10240x128xf32, #tpu.memory_space<hbm>> -> memref<1x64x128xf32, #tpu.memory_space<hbm>>
    %dma_wait3A_638 = tpu.memref_squeeze %dma_wait3A_637 : memref<1x64x128xf32, #tpu.memory_space<hbm>> -> memref<64x128xf32, #tpu.memory_space<hbm>>
    %dma_wait3A_639 = arith.constant 0 : i32
    %dma_wait3A_640 = tpu.memref_slice %arg8[%arg0, %add3A_632, %dma_wait3A_639] : memref<2x10240x128xf32, #tpu.memory_space<hbm>> -> memref<1x64x128xf32, #tpu.memory_space<hbm>>
    %dma_wait3A_641 = tpu.memref_squeeze %dma_wait3A_640 : memref<1x64x128xf32, #tpu.memory_space<hbm>> -> memref<64x128xf32, #tpu.memory_space<hbm>>
    %dma_wait3A_642 = arith.constant 0 : i32
    %dma_wait3A_643 = arith.constant 0 : i32
    %dma_wait3A_644 = tpu.memref_slice %arg11[%dma_wait3A_642, %dma_wait3A_643] : memref<96x128xf32, #tpu.memory_space<vmem>> -> memref<64x128xf32, #tpu.memory_space<vmem>>
    tpu.wait_dma2 semaphore(%arg18 : memref<!tpu.dma_semaphore, #tpu.memory_space<semaphore_mem>>) src(%dma_wait3A_644 : memref<64x128xf32, #tpu.memory_space<vmem>>) dst(%dma_wait3A_641 : memref<64x128xf32, #tpu.memory_space<hbm>>)
    return
  }
}

#map = affine_map<(d0, d1) -> (0, 0)>
#map1 = affine_map<(d0, d1) -> (0)>
#map2 = affine_map<(d0, d1) -> (0, 0, 0)>
module attributes {stable_mosaic.version = 14 : i64} {
  func.func @body(%arg0: i32, %arg1: i32, %arg2: memref<10000x128xf32, #tpu.memory_space<hbm>>, %arg3: memref<3840x96xi32, #tpu.memory_space<hbm>>, %arg4: memref<3840x96xi32, #tpu.memory_space<hbm>>, %arg5: memref<96x128xf32, #tpu.memory_space<hbm>>, %arg6: memref<640xf32, #tpu.memory_space<hbm>>, %arg7: memref<96xf32, #tpu.memory_space<hbm>>, %arg8: memref<2x10240x128xf32, #tpu.memory_space<hbm>>, %arg9: memref<10240xf32, #tpu.memory_space<hbm>>, %arg10: memref<10240xf32, #tpu.memory_space<hbm>>, %arg11: memref<10240x128xf32, #tpu.memory_space<vmem_shared>>, %arg12: memref<640xf32, #tpu.memory_space<vmem>>, %arg13: memref<10240xf32, #tpu.memory_space<vmem_shared>>, %arg14: memref<24x96xi32, #tpu.memory_space<vmem>>, %arg15: memref<96xf32, #tpu.memory_space<vmem>>, %arg16: memref<96x128xf32, #tpu.memory_space<vmem>>, %arg17: memref<96x128xf32, #tpu.memory_space<vmem>>, %arg18: memref<96x128xf32, #tpu.memory_space<vmem>>, %arg19: memref<!tpu.dma_semaphore, #tpu.memory_space<semaphore_mem>>, %arg20: memref<!tpu.dma_semaphore, #tpu.memory_space<semaphore_mem>>, %arg21: memref<!tpu.dma_semaphore, #tpu.memory_space<semaphore_mem>>, %arg22: memref<!tpu.dma_semaphore, #tpu.memory_space<semaphore_mem>>, %arg23: memref<!tpu.dma_semaphore, #tpu.memory_space<semaphore_mem>>, %arg24: memref<!tpu.dma_semaphore, #tpu.memory_space<semaphore_mem>>, %arg25: memref<24x96xi32, #tpu.memory_space<vmem>>) attributes {dimension_semantics = [#tpu.dimension_semantics<core_parallel>, #tpu.dimension_semantics<subcore_parallel>], iteration_bounds = array<i64: 2, 16>, scalar_prefetch = 0 : i64, scratch_operands = 15 : i64, tpu.core_type = #tpu.core_type<sc_vector_subcore>, window_params = [{transform_indices = #map}, {transform_indices = #map}, {transform_indices = #map}, {transform_indices = #map}, {transform_indices = #map1}, {transform_indices = #map1}, {transform_indices = #map2}, {transform_indices = #map1}, {transform_indices = #map1}]} {
    %mul3A = arith.constant 16 : i32
    %mul3A_0 = arith.muli %arg0, %mul3A : i32
    %add3A = arith.addi %mul3A_0, %arg1 : i32
    "tpu.region"() ({
      %run_scoped3A = tpu.sem_alloc : memref<!tpu.dma_semaphore, #tpu.memory_space<semaphore_mem>>
      tpu.enqueue_dma source(%arg5 : memref<96x128xf32, #tpu.memory_space<hbm>>) target(%arg18 : memref<96x128xf32, #tpu.memory_space<vmem>>) target_semaphore(%run_scoped3A : memref<!tpu.dma_semaphore, #tpu.memory_space<semaphore_mem>>)
      tpu.wait_dma2 semaphore(%run_scoped3A : memref<!tpu.dma_semaphore, #tpu.memory_space<semaphore_mem>>) src(%arg5 : memref<96x128xf32, #tpu.memory_space<hbm>>) dst(%arg18 : memref<96x128xf32, #tpu.memory_space<vmem>>)
      tpu.yield
    }) : () -> ()
    %mul3A_1 = arith.constant 640 : i32
    %mul3A_2 = arith.muli %arg1, %mul3A_1 : i32
    %add3A_3 = arith.constant 0 : i32
    %add3A_4 = arith.addi %mul3A_2, %add3A_3 : i32
    %dma_start3A = arith.constant 0 : i32
    %dma_start3A_5 = arith.constant 0 : i32
    %dma_start3A_6 = tpu.memref_slice %arg18[%dma_start3A, %dma_start3A_5] : memref<96x128xf32, #tpu.memory_space<vmem>> -> memref<64x128xf32, #tpu.memory_space<vmem>>
    %dma_start3A_7 = arith.constant 0 : i32
    %dma_start3A_8 = tpu.memref_slice %arg11[%add3A_4, %dma_start3A_7] : memref<10240x128xf32, #tpu.memory_space<vmem_shared>> -> memref<64x128xf32, #tpu.memory_space<vmem_shared>>
    %dma_start3A_9 = arith.constant 0 : i32
    %dma_start3A_10 = tpu.memref_slice %arg11[%add3A_4, %dma_start3A_9] : memref<10240x128xf32, #tpu.memory_space<vmem_shared>> -> memref<64x128xf32, #tpu.memory_space<vmem_shared>>
    %dma_start3A_11 = arith.constant 0 : i32
    %dma_start3A_12 = arith.constant 0 : i32
    %dma_start3A_13 = tpu.memref_slice %arg18[%dma_start3A_11, %dma_start3A_12] : memref<96x128xf32, #tpu.memory_space<vmem>> -> memref<64x128xf32, #tpu.memory_space<vmem>>
    tpu.enqueue_dma source(%dma_start3A_13 : memref<64x128xf32, #tpu.memory_space<vmem>>) target(%dma_start3A_10 : memref<64x128xf32, #tpu.memory_space<vmem_shared>>) target_semaphore(%arg19 : memref<!tpu.dma_semaphore, #tpu.memory_space<semaphore_mem>>)
    %mul3A_14 = arith.constant 640 : i32
    %mul3A_15 = arith.muli %arg1, %mul3A_14 : i32
    %add3A_16 = arith.constant 64 : i32
    %add3A_17 = arith.addi %mul3A_15, %add3A_16 : i32
    %dma_start3A_18 = arith.constant 0 : i32
    %dma_start3A_19 = arith.constant 0 : i32
    %dma_start3A_20 = tpu.memref_slice %arg18[%dma_start3A_18, %dma_start3A_19] : memref<96x128xf32, #tpu.memory_space<vmem>> -> memref<64x128xf32, #tpu.memory_space<vmem>>
    %dma_start3A_21 = arith.constant 0 : i32
    %dma_start3A_22 = tpu.memref_slice %arg11[%add3A_17, %dma_start3A_21] : memref<10240x128xf32, #tpu.memory_space<vmem_shared>> -> memref<64x128xf32, #tpu.memory_space<vmem_shared>>
    %dma_start3A_23 = arith.constant 0 : i32
    %dma_start3A_24 = tpu.memref_slice %arg11[%add3A_17, %dma_start3A_23] : memref<10240x128xf32, #tpu.memory_space<vmem_shared>> -> memref<64x128xf32, #tpu.memory_space<vmem_shared>>
    %dma_start3A_25 = arith.constant 0 : i32
    %dma_start3A_26 = arith.constant 0 : i32
    %dma_start3A_27 = tpu.memref_slice %arg18[%dma_start3A_25, %dma_start3A_26] : memref<96x128xf32, #tpu.memory_space<vmem>> -> memref<64x128xf32, #tpu.memory_space<vmem>>
    tpu.enqueue_dma source(%dma_start3A_27 : memref<64x128xf32, #tpu.memory_space<vmem>>) target(%dma_start3A_24 : memref<64x128xf32, #tpu.memory_space<vmem_shared>>) target_semaphore(%arg19 : memref<!tpu.dma_semaphore, #tpu.memory_space<semaphore_mem>>)
    %mul3A_28 = arith.constant 640 : i32
    %mul3A_29 = arith.muli %arg1, %mul3A_28 : i32
    %add3A_30 = arith.constant 128 : i32
    %add3A_31 = arith.addi %mul3A_29, %add3A_30 : i32
    %dma_start3A_32 = arith.constant 0 : i32
    %dma_start3A_33 = arith.constant 0 : i32
    %dma_start3A_34 = tpu.memref_slice %arg18[%dma_start3A_32, %dma_start3A_33] : memref<96x128xf32, #tpu.memory_space<vmem>> -> memref<64x128xf32, #tpu.memory_space<vmem>>
    %dma_start3A_35 = arith.constant 0 : i32
    %dma_start3A_36 = tpu.memref_slice %arg11[%add3A_31, %dma_start3A_35] : memref<10240x128xf32, #tpu.memory_space<vmem_shared>> -> memref<64x128xf32, #tpu.memory_space<vmem_shared>>
    %dma_start3A_37 = arith.constant 0 : i32
    %dma_start3A_38 = tpu.memref_slice %arg11[%add3A_31, %dma_start3A_37] : memref<10240x128xf32, #tpu.memory_space<vmem_shared>> -> memref<64x128xf32, #tpu.memory_space<vmem_shared>>
    %dma_start3A_39 = arith.constant 0 : i32
    %dma_start3A_40 = arith.constant 0 : i32
    %dma_start3A_41 = tpu.memref_slice %arg18[%dma_start3A_39, %dma_start3A_40] : memref<96x128xf32, #tpu.memory_space<vmem>> -> memref<64x128xf32, #tpu.memory_space<vmem>>
    tpu.enqueue_dma source(%dma_start3A_41 : memref<64x128xf32, #tpu.memory_space<vmem>>) target(%dma_start3A_38 : memref<64x128xf32, #tpu.memory_space<vmem_shared>>) target_semaphore(%arg19 : memref<!tpu.dma_semaphore, #tpu.memory_space<semaphore_mem>>)
    %mul3A_42 = arith.constant 640 : i32
    %mul3A_43 = arith.muli %arg1, %mul3A_42 : i32
    %add3A_44 = arith.constant 192 : i32
    %add3A_45 = arith.addi %mul3A_43, %add3A_44 : i32
    %dma_start3A_46 = arith.constant 0 : i32
    %dma_start3A_47 = arith.constant 0 : i32
    %dma_start3A_48 = tpu.memref_slice %arg18[%dma_start3A_46, %dma_start3A_47] : memref<96x128xf32, #tpu.memory_space<vmem>> -> memref<64x128xf32, #tpu.memory_space<vmem>>
    %dma_start3A_49 = arith.constant 0 : i32
    %dma_start3A_50 = tpu.memref_slice %arg11[%add3A_45, %dma_start3A_49] : memref<10240x128xf32, #tpu.memory_space<vmem_shared>> -> memref<64x128xf32, #tpu.memory_space<vmem_shared>>
    %dma_start3A_51 = arith.constant 0 : i32
    %dma_start3A_52 = tpu.memref_slice %arg11[%add3A_45, %dma_start3A_51] : memref<10240x128xf32, #tpu.memory_space<vmem_shared>> -> memref<64x128xf32, #tpu.memory_space<vmem_shared>>
    %dma_start3A_53 = arith.constant 0 : i32
    %dma_start3A_54 = arith.constant 0 : i32
    %dma_start3A_55 = tpu.memref_slice %arg18[%dma_start3A_53, %dma_start3A_54] : memref<96x128xf32, #tpu.memory_space<vmem>> -> memref<64x128xf32, #tpu.memory_space<vmem>>
    tpu.enqueue_dma source(%dma_start3A_55 : memref<64x128xf32, #tpu.memory_space<vmem>>) target(%dma_start3A_52 : memref<64x128xf32, #tpu.memory_space<vmem_shared>>) target_semaphore(%arg19 : memref<!tpu.dma_semaphore, #tpu.memory_space<semaphore_mem>>)
    %mul3A_56 = arith.constant 640 : i32
    %mul3A_57 = arith.muli %arg1, %mul3A_56 : i32
    %add3A_58 = arith.constant 256 : i32
    %add3A_59 = arith.addi %mul3A_57, %add3A_58 : i32
    %dma_start3A_60 = arith.constant 0 : i32
    %dma_start3A_61 = arith.constant 0 : i32
    %dma_start3A_62 = tpu.memref_slice %arg18[%dma_start3A_60, %dma_start3A_61] : memref<96x128xf32, #tpu.memory_space<vmem>> -> memref<64x128xf32, #tpu.memory_space<vmem>>
    %dma_start3A_63 = arith.constant 0 : i32
    %dma_start3A_64 = tpu.memref_slice %arg11[%add3A_59, %dma_start3A_63] : memref<10240x128xf32, #tpu.memory_space<vmem_shared>> -> memref<64x128xf32, #tpu.memory_space<vmem_shared>>
    %dma_start3A_65 = arith.constant 0 : i32
    %dma_start3A_66 = tpu.memref_slice %arg11[%add3A_59, %dma_start3A_65] : memref<10240x128xf32, #tpu.memory_space<vmem_shared>> -> memref<64x128xf32, #tpu.memory_space<vmem_shared>>
    %dma_start3A_67 = arith.constant 0 : i32
    %dma_start3A_68 = arith.constant 0 : i32
    %dma_start3A_69 = tpu.memref_slice %arg18[%dma_start3A_67, %dma_start3A_68] : memref<96x128xf32, #tpu.memory_space<vmem>> -> memref<64x128xf32, #tpu.memory_space<vmem>>
    tpu.enqueue_dma source(%dma_start3A_69 : memref<64x128xf32, #tpu.memory_space<vmem>>) target(%dma_start3A_66 : memref<64x128xf32, #tpu.memory_space<vmem_shared>>) target_semaphore(%arg19 : memref<!tpu.dma_semaphore, #tpu.memory_space<semaphore_mem>>)
    %mul3A_70 = arith.constant 640 : i32
    %mul3A_71 = arith.muli %arg1, %mul3A_70 : i32
    %add3A_72 = arith.constant 320 : i32
    %add3A_73 = arith.addi %mul3A_71, %add3A_72 : i32
    %dma_start3A_74 = arith.constant 0 : i32
    %dma_start3A_75 = arith.constant 0 : i32
    %dma_start3A_76 = tpu.memref_slice %arg18[%dma_start3A_74, %dma_start3A_75] : memref<96x128xf32, #tpu.memory_space<vmem>> -> memref<64x128xf32, #tpu.memory_space<vmem>>
    %dma_start3A_77 = arith.constant 0 : i32
    %dma_start3A_78 = tpu.memref_slice %arg11[%add3A_73, %dma_start3A_77] : memref<10240x128xf32, #tpu.memory_space<vmem_shared>> -> memref<64x128xf32, #tpu.memory_space<vmem_shared>>
    %dma_start3A_79 = arith.constant 0 : i32
    %dma_start3A_80 = tpu.memref_slice %arg11[%add3A_73, %dma_start3A_79] : memref<10240x128xf32, #tpu.memory_space<vmem_shared>> -> memref<64x128xf32, #tpu.memory_space<vmem_shared>>
    %dma_start3A_81 = arith.constant 0 : i32
    %dma_start3A_82 = arith.constant 0 : i32
    %dma_start3A_83 = tpu.memref_slice %arg18[%dma_start3A_81, %dma_start3A_82] : memref<96x128xf32, #tpu.memory_space<vmem>> -> memref<64x128xf32, #tpu.memory_space<vmem>>
    tpu.enqueue_dma source(%dma_start3A_83 : memref<64x128xf32, #tpu.memory_space<vmem>>) target(%dma_start3A_80 : memref<64x128xf32, #tpu.memory_space<vmem_shared>>) target_semaphore(%arg19 : memref<!tpu.dma_semaphore, #tpu.memory_space<semaphore_mem>>)
    %mul3A_84 = arith.constant 640 : i32
    %mul3A_85 = arith.muli %arg1, %mul3A_84 : i32
    %add3A_86 = arith.constant 384 : i32
    %add3A_87 = arith.addi %mul3A_85, %add3A_86 : i32
    %dma_start3A_88 = arith.constant 0 : i32
    %dma_start3A_89 = arith.constant 0 : i32
    %dma_start3A_90 = tpu.memref_slice %arg18[%dma_start3A_88, %dma_start3A_89] : memref<96x128xf32, #tpu.memory_space<vmem>> -> memref<64x128xf32, #tpu.memory_space<vmem>>
    %dma_start3A_91 = arith.constant 0 : i32
    %dma_start3A_92 = tpu.memref_slice %arg11[%add3A_87, %dma_start3A_91] : memref<10240x128xf32, #tpu.memory_space<vmem_shared>> -> memref<64x128xf32, #tpu.memory_space<vmem_shared>>
    %dma_start3A_93 = arith.constant 0 : i32
    %dma_start3A_94 = tpu.memref_slice %arg11[%add3A_87, %dma_start3A_93] : memref<10240x128xf32, #tpu.memory_space<vmem_shared>> -> memref<64x128xf32, #tpu.memory_space<vmem_shared>>
    %dma_start3A_95 = arith.constant 0 : i32
    %dma_start3A_96 = arith.constant 0 : i32
    %dma_start3A_97 = tpu.memref_slice %arg18[%dma_start3A_95, %dma_start3A_96] : memref<96x128xf32, #tpu.memory_space<vmem>> -> memref<64x128xf32, #tpu.memory_space<vmem>>
    tpu.enqueue_dma source(%dma_start3A_97 : memref<64x128xf32, #tpu.memory_space<vmem>>) target(%dma_start3A_94 : memref<64x128xf32, #tpu.memory_space<vmem_shared>>) target_semaphore(%arg19 : memref<!tpu.dma_semaphore, #tpu.memory_space<semaphore_mem>>)
    %mul3A_98 = arith.constant 640 : i32
    %mul3A_99 = arith.muli %arg1, %mul3A_98 : i32
    %add3A_100 = arith.constant 448 : i32
    %add3A_101 = arith.addi %mul3A_99, %add3A_100 : i32
    %dma_start3A_102 = arith.constant 0 : i32
    %dma_start3A_103 = arith.constant 0 : i32
    %dma_start3A_104 = tpu.memref_slice %arg18[%dma_start3A_102, %dma_start3A_103] : memref<96x128xf32, #tpu.memory_space<vmem>> -> memref<64x128xf32, #tpu.memory_space<vmem>>
    %dma_start3A_105 = arith.constant 0 : i32
    %dma_start3A_106 = tpu.memref_slice %arg11[%add3A_101, %dma_start3A_105] : memref<10240x128xf32, #tpu.memory_space<vmem_shared>> -> memref<64x128xf32, #tpu.memory_space<vmem_shared>>
    %dma_start3A_107 = arith.constant 0 : i32
    %dma_start3A_108 = tpu.memref_slice %arg11[%add3A_101, %dma_start3A_107] : memref<10240x128xf32, #tpu.memory_space<vmem_shared>> -> memref<64x128xf32, #tpu.memory_space<vmem_shared>>
    %dma_start3A_109 = arith.constant 0 : i32
    %dma_start3A_110 = arith.constant 0 : i32
    %dma_start3A_111 = tpu.memref_slice %arg18[%dma_start3A_109, %dma_start3A_110] : memref<96x128xf32, #tpu.memory_space<vmem>> -> memref<64x128xf32, #tpu.memory_space<vmem>>
    tpu.enqueue_dma source(%dma_start3A_111 : memref<64x128xf32, #tpu.memory_space<vmem>>) target(%dma_start3A_108 : memref<64x128xf32, #tpu.memory_space<vmem_shared>>) target_semaphore(%arg19 : memref<!tpu.dma_semaphore, #tpu.memory_space<semaphore_mem>>)
    %mul3A_112 = arith.constant 640 : i32
    %mul3A_113 = arith.muli %arg1, %mul3A_112 : i32
    %add3A_114 = arith.constant 512 : i32
    %add3A_115 = arith.addi %mul3A_113, %add3A_114 : i32
    %dma_start3A_116 = arith.constant 0 : i32
    %dma_start3A_117 = arith.constant 0 : i32
    %dma_start3A_118 = tpu.memref_slice %arg18[%dma_start3A_116, %dma_start3A_117] : memref<96x128xf32, #tpu.memory_space<vmem>> -> memref<64x128xf32, #tpu.memory_space<vmem>>
    %dma_start3A_119 = arith.constant 0 : i32
    %dma_start3A_120 = tpu.memref_slice %arg11[%add3A_115, %dma_start3A_119] : memref<10240x128xf32, #tpu.memory_space<vmem_shared>> -> memref<64x128xf32, #tpu.memory_space<vmem_shared>>
    %dma_start3A_121 = arith.constant 0 : i32
    %dma_start3A_122 = tpu.memref_slice %arg11[%add3A_115, %dma_start3A_121] : memref<10240x128xf32, #tpu.memory_space<vmem_shared>> -> memref<64x128xf32, #tpu.memory_space<vmem_shared>>
    %dma_start3A_123 = arith.constant 0 : i32
    %dma_start3A_124 = arith.constant 0 : i32
    %dma_start3A_125 = tpu.memref_slice %arg18[%dma_start3A_123, %dma_start3A_124] : memref<96x128xf32, #tpu.memory_space<vmem>> -> memref<64x128xf32, #tpu.memory_space<vmem>>
    tpu.enqueue_dma source(%dma_start3A_125 : memref<64x128xf32, #tpu.memory_space<vmem>>) target(%dma_start3A_122 : memref<64x128xf32, #tpu.memory_space<vmem_shared>>) target_semaphore(%arg19 : memref<!tpu.dma_semaphore, #tpu.memory_space<semaphore_mem>>)
    %mul3A_126 = arith.constant 640 : i32
    %mul3A_127 = arith.muli %arg1, %mul3A_126 : i32
    %add3A_128 = arith.constant 576 : i32
    %add3A_129 = arith.addi %mul3A_127, %add3A_128 : i32
    %dma_start3A_130 = arith.constant 0 : i32
    %dma_start3A_131 = arith.constant 0 : i32
    %dma_start3A_132 = tpu.memref_slice %arg18[%dma_start3A_130, %dma_start3A_131] : memref<96x128xf32, #tpu.memory_space<vmem>> -> memref<64x128xf32, #tpu.memory_space<vmem>>
    %dma_start3A_133 = arith.constant 0 : i32
    %dma_start3A_134 = tpu.memref_slice %arg11[%add3A_129, %dma_start3A_133] : memref<10240x128xf32, #tpu.memory_space<vmem_shared>> -> memref<64x128xf32, #tpu.memory_space<vmem_shared>>
    %dma_start3A_135 = arith.constant 0 : i32
    %dma_start3A_136 = tpu.memref_slice %arg11[%add3A_129, %dma_start3A_135] : memref<10240x128xf32, #tpu.memory_space<vmem_shared>> -> memref<64x128xf32, #tpu.memory_space<vmem_shared>>
    %dma_start3A_137 = arith.constant 0 : i32
    %dma_start3A_138 = arith.constant 0 : i32
    %dma_start3A_139 = tpu.memref_slice %arg18[%dma_start3A_137, %dma_start3A_138] : memref<96x128xf32, #tpu.memory_space<vmem>> -> memref<64x128xf32, #tpu.memory_space<vmem>>
    tpu.enqueue_dma source(%dma_start3A_139 : memref<64x128xf32, #tpu.memory_space<vmem>>) target(%dma_start3A_136 : memref<64x128xf32, #tpu.memory_space<vmem_shared>>) target_semaphore(%arg19 : memref<!tpu.dma_semaphore, #tpu.memory_space<semaphore_mem>>)
    %mul3A_140 = arith.constant 640 : i32
    %mul3A_141 = arith.muli %arg1, %mul3A_140 : i32
    %add3A_142 = arith.constant 0 : i32
    %add3A_143 = arith.addi %mul3A_141, %add3A_142 : i32
    %dma_wait3A = arith.constant 0 : i32
    %dma_wait3A_144 = arith.constant 0 : i32
    %dma_wait3A_145 = tpu.memref_slice %arg18[%dma_wait3A, %dma_wait3A_144] : memref<96x128xf32, #tpu.memory_space<vmem>> -> memref<64x128xf32, #tpu.memory_space<vmem>>
    %dma_wait3A_146 = arith.constant 0 : i32
    %dma_wait3A_147 = tpu.memref_slice %arg11[%add3A_143, %dma_wait3A_146] : memref<10240x128xf32, #tpu.memory_space<vmem_shared>> -> memref<64x128xf32, #tpu.memory_space<vmem_shared>>
    %dma_wait3A_148 = arith.constant 0 : i32
    %dma_wait3A_149 = tpu.memref_slice %arg11[%add3A_143, %dma_wait3A_148] : memref<10240x128xf32, #tpu.memory_space<vmem_shared>> -> memref<64x128xf32, #tpu.memory_space<vmem_shared>>
    %dma_wait3A_150 = arith.constant 0 : i32
    %dma_wait3A_151 = arith.constant 0 : i32
    %dma_wait3A_152 = tpu.memref_slice %arg18[%dma_wait3A_150, %dma_wait3A_151] : memref<96x128xf32, #tpu.memory_space<vmem>> -> memref<64x128xf32, #tpu.memory_space<vmem>>
    tpu.wait_dma2 semaphore(%arg19 : memref<!tpu.dma_semaphore, #tpu.memory_space<semaphore_mem>>) src(%dma_wait3A_152 : memref<64x128xf32, #tpu.memory_space<vmem>>) dst(%dma_wait3A_149 : memref<64x128xf32, #tpu.memory_space<vmem_shared>>)
    %mul3A_153 = arith.constant 640 : i32
    %mul3A_154 = arith.muli %arg1, %mul3A_153 : i32
    %add3A_155 = arith.constant 64 : i32
    %add3A_156 = arith.addi %mul3A_154, %add3A_155 : i32
    %dma_wait3A_157 = arith.constant 0 : i32
    %dma_wait3A_158 = arith.constant 0 : i32
    %dma_wait3A_159 = tpu.memref_slice %arg18[%dma_wait3A_157, %dma_wait3A_158] : memref<96x128xf32, #tpu.memory_space<vmem>> -> memref<64x128xf32, #tpu.memory_space<vmem>>
    %dma_wait3A_160 = arith.constant 0 : i32
    %dma_wait3A_161 = tpu.memref_slice %arg11[%add3A_156, %dma_wait3A_160] : memref<10240x128xf32, #tpu.memory_space<vmem_shared>> -> memref<64x128xf32, #tpu.memory_space<vmem_shared>>
    %dma_wait3A_162 = arith.constant 0 : i32
    %dma_wait3A_163 = tpu.memref_slice %arg11[%add3A_156, %dma_wait3A_162] : memref<10240x128xf32, #tpu.memory_space<vmem_shared>> -> memref<64x128xf32, #tpu.memory_space<vmem_shared>>
    %dma_wait3A_164 = arith.constant 0 : i32
    %dma_wait3A_165 = arith.constant 0 : i32
    %dma_wait3A_166 = tpu.memref_slice %arg18[%dma_wait3A_164, %dma_wait3A_165] : memref<96x128xf32, #tpu.memory_space<vmem>> -> memref<64x128xf32, #tpu.memory_space<vmem>>
    tpu.wait_dma2 semaphore(%arg19 : memref<!tpu.dma_semaphore, #tpu.memory_space<semaphore_mem>>) src(%dma_wait3A_166 : memref<64x128xf32, #tpu.memory_space<vmem>>) dst(%dma_wait3A_163 : memref<64x128xf32, #tpu.memory_space<vmem_shared>>)
    %mul3A_167 = arith.constant 640 : i32
    %mul3A_168 = arith.muli %arg1, %mul3A_167 : i32
    %add3A_169 = arith.constant 128 : i32
    %add3A_170 = arith.addi %mul3A_168, %add3A_169 : i32
    %dma_wait3A_171 = arith.constant 0 : i32
    %dma_wait3A_172 = arith.constant 0 : i32
    %dma_wait3A_173 = tpu.memref_slice %arg18[%dma_wait3A_171, %dma_wait3A_172] : memref<96x128xf32, #tpu.memory_space<vmem>> -> memref<64x128xf32, #tpu.memory_space<vmem>>
    %dma_wait3A_174 = arith.constant 0 : i32
    %dma_wait3A_175 = tpu.memref_slice %arg11[%add3A_170, %dma_wait3A_174] : memref<10240x128xf32, #tpu.memory_space<vmem_shared>> -> memref<64x128xf32, #tpu.memory_space<vmem_shared>>
    %dma_wait3A_176 = arith.constant 0 : i32
    %dma_wait3A_177 = tpu.memref_slice %arg11[%add3A_170, %dma_wait3A_176] : memref<10240x128xf32, #tpu.memory_space<vmem_shared>> -> memref<64x128xf32, #tpu.memory_space<vmem_shared>>
    %dma_wait3A_178 = arith.constant 0 : i32
    %dma_wait3A_179 = arith.constant 0 : i32
    %dma_wait3A_180 = tpu.memref_slice %arg18[%dma_wait3A_178, %dma_wait3A_179] : memref<96x128xf32, #tpu.memory_space<vmem>> -> memref<64x128xf32, #tpu.memory_space<vmem>>
    tpu.wait_dma2 semaphore(%arg19 : memref<!tpu.dma_semaphore, #tpu.memory_space<semaphore_mem>>) src(%dma_wait3A_180 : memref<64x128xf32, #tpu.memory_space<vmem>>) dst(%dma_wait3A_177 : memref<64x128xf32, #tpu.memory_space<vmem_shared>>)
    %mul3A_181 = arith.constant 640 : i32
    %mul3A_182 = arith.muli %arg1, %mul3A_181 : i32
    %add3A_183 = arith.constant 192 : i32
    %add3A_184 = arith.addi %mul3A_182, %add3A_183 : i32
    %dma_wait3A_185 = arith.constant 0 : i32
    %dma_wait3A_186 = arith.constant 0 : i32
    %dma_wait3A_187 = tpu.memref_slice %arg18[%dma_wait3A_185, %dma_wait3A_186] : memref<96x128xf32, #tpu.memory_space<vmem>> -> memref<64x128xf32, #tpu.memory_space<vmem>>
    %dma_wait3A_188 = arith.constant 0 : i32
    %dma_wait3A_189 = tpu.memref_slice %arg11[%add3A_184, %dma_wait3A_188] : memref<10240x128xf32, #tpu.memory_space<vmem_shared>> -> memref<64x128xf32, #tpu.memory_space<vmem_shared>>
    %dma_wait3A_190 = arith.constant 0 : i32
    %dma_wait3A_191 = tpu.memref_slice %arg11[%add3A_184, %dma_wait3A_190] : memref<10240x128xf32, #tpu.memory_space<vmem_shared>> -> memref<64x128xf32, #tpu.memory_space<vmem_shared>>
    %dma_wait3A_192 = arith.constant 0 : i32
    %dma_wait3A_193 = arith.constant 0 : i32
    %dma_wait3A_194 = tpu.memref_slice %arg18[%dma_wait3A_192, %dma_wait3A_193] : memref<96x128xf32, #tpu.memory_space<vmem>> -> memref<64x128xf32, #tpu.memory_space<vmem>>
    tpu.wait_dma2 semaphore(%arg19 : memref<!tpu.dma_semaphore, #tpu.memory_space<semaphore_mem>>) src(%dma_wait3A_194 : memref<64x128xf32, #tpu.memory_space<vmem>>) dst(%dma_wait3A_191 : memref<64x128xf32, #tpu.memory_space<vmem_shared>>)
    %mul3A_195 = arith.constant 640 : i32
    %mul3A_196 = arith.muli %arg1, %mul3A_195 : i32
    %add3A_197 = arith.constant 256 : i32
    %add3A_198 = arith.addi %mul3A_196, %add3A_197 : i32
    %dma_wait3A_199 = arith.constant 0 : i32
    %dma_wait3A_200 = arith.constant 0 : i32
    %dma_wait3A_201 = tpu.memref_slice %arg18[%dma_wait3A_199, %dma_wait3A_200] : memref<96x128xf32, #tpu.memory_space<vmem>> -> memref<64x128xf32, #tpu.memory_space<vmem>>
    %dma_wait3A_202 = arith.constant 0 : i32
    %dma_wait3A_203 = tpu.memref_slice %arg11[%add3A_198, %dma_wait3A_202] : memref<10240x128xf32, #tpu.memory_space<vmem_shared>> -> memref<64x128xf32, #tpu.memory_space<vmem_shared>>
    %dma_wait3A_204 = arith.constant 0 : i32
    %dma_wait3A_205 = tpu.memref_slice %arg11[%add3A_198, %dma_wait3A_204] : memref<10240x128xf32, #tpu.memory_space<vmem_shared>> -> memref<64x128xf32, #tpu.memory_space<vmem_shared>>
    %dma_wait3A_206 = arith.constant 0 : i32
    %dma_wait3A_207 = arith.constant 0 : i32
    %dma_wait3A_208 = tpu.memref_slice %arg18[%dma_wait3A_206, %dma_wait3A_207] : memref<96x128xf32, #tpu.memory_space<vmem>> -> memref<64x128xf32, #tpu.memory_space<vmem>>
    tpu.wait_dma2 semaphore(%arg19 : memref<!tpu.dma_semaphore, #tpu.memory_space<semaphore_mem>>) src(%dma_wait3A_208 : memref<64x128xf32, #tpu.memory_space<vmem>>) dst(%dma_wait3A_205 : memref<64x128xf32, #tpu.memory_space<vmem_shared>>)
    %mul3A_209 = arith.constant 640 : i32
    %mul3A_210 = arith.muli %arg1, %mul3A_209 : i32
    %add3A_211 = arith.constant 320 : i32
    %add3A_212 = arith.addi %mul3A_210, %add3A_211 : i32
    %dma_wait3A_213 = arith.constant 0 : i32
    %dma_wait3A_214 = arith.constant 0 : i32
    %dma_wait3A_215 = tpu.memref_slice %arg18[%dma_wait3A_213, %dma_wait3A_214] : memref<96x128xf32, #tpu.memory_space<vmem>> -> memref<64x128xf32, #tpu.memory_space<vmem>>
    %dma_wait3A_216 = arith.constant 0 : i32
    %dma_wait3A_217 = tpu.memref_slice %arg11[%add3A_212, %dma_wait3A_216] : memref<10240x128xf32, #tpu.memory_space<vmem_shared>> -> memref<64x128xf32, #tpu.memory_space<vmem_shared>>
    %dma_wait3A_218 = arith.constant 0 : i32
    %dma_wait3A_219 = tpu.memref_slice %arg11[%add3A_212, %dma_wait3A_218] : memref<10240x128xf32, #tpu.memory_space<vmem_shared>> -> memref<64x128xf32, #tpu.memory_space<vmem_shared>>
    %dma_wait3A_220 = arith.constant 0 : i32
    %dma_wait3A_221 = arith.constant 0 : i32
    %dma_wait3A_222 = tpu.memref_slice %arg18[%dma_wait3A_220, %dma_wait3A_221] : memref<96x128xf32, #tpu.memory_space<vmem>> -> memref<64x128xf32, #tpu.memory_space<vmem>>
    tpu.wait_dma2 semaphore(%arg19 : memref<!tpu.dma_semaphore, #tpu.memory_space<semaphore_mem>>) src(%dma_wait3A_222 : memref<64x128xf32, #tpu.memory_space<vmem>>) dst(%dma_wait3A_219 : memref<64x128xf32, #tpu.memory_space<vmem_shared>>)
    %mul3A_223 = arith.constant 640 : i32
    %mul3A_224 = arith.muli %arg1, %mul3A_223 : i32
    %add3A_225 = arith.constant 384 : i32
    %add3A_226 = arith.addi %mul3A_224, %add3A_225 : i32
    %dma_wait3A_227 = arith.constant 0 : i32
    %dma_wait3A_228 = arith.constant 0 : i32
    %dma_wait3A_229 = tpu.memref_slice %arg18[%dma_wait3A_227, %dma_wait3A_228] : memref<96x128xf32, #tpu.memory_space<vmem>> -> memref<64x128xf32, #tpu.memory_space<vmem>>
    %dma_wait3A_230 = arith.constant 0 : i32
    %dma_wait3A_231 = tpu.memref_slice %arg11[%add3A_226, %dma_wait3A_230] : memref<10240x128xf32, #tpu.memory_space<vmem_shared>> -> memref<64x128xf32, #tpu.memory_space<vmem_shared>>
    %dma_wait3A_232 = arith.constant 0 : i32
    %dma_wait3A_233 = tpu.memref_slice %arg11[%add3A_226, %dma_wait3A_232] : memref<10240x128xf32, #tpu.memory_space<vmem_shared>> -> memref<64x128xf32, #tpu.memory_space<vmem_shared>>
    %dma_wait3A_234 = arith.constant 0 : i32
    %dma_wait3A_235 = arith.constant 0 : i32
    %dma_wait3A_236 = tpu.memref_slice %arg18[%dma_wait3A_234, %dma_wait3A_235] : memref<96x128xf32, #tpu.memory_space<vmem>> -> memref<64x128xf32, #tpu.memory_space<vmem>>
    tpu.wait_dma2 semaphore(%arg19 : memref<!tpu.dma_semaphore, #tpu.memory_space<semaphore_mem>>) src(%dma_wait3A_236 : memref<64x128xf32, #tpu.memory_space<vmem>>) dst(%dma_wait3A_233 : memref<64x128xf32, #tpu.memory_space<vmem_shared>>)
    %mul3A_237 = arith.constant 640 : i32
    %mul3A_238 = arith.muli %arg1, %mul3A_237 : i32
    %add3A_239 = arith.constant 448 : i32
    %add3A_240 = arith.addi %mul3A_238, %add3A_239 : i32
    %dma_wait3A_241 = arith.constant 0 : i32
    %dma_wait3A_242 = arith.constant 0 : i32
    %dma_wait3A_243 = tpu.memref_slice %arg18[%dma_wait3A_241, %dma_wait3A_242] : memref<96x128xf32, #tpu.memory_space<vmem>> -> memref<64x128xf32, #tpu.memory_space<vmem>>
    %dma_wait3A_244 = arith.constant 0 : i32
    %dma_wait3A_245 = tpu.memref_slice %arg11[%add3A_240, %dma_wait3A_244] : memref<10240x128xf32, #tpu.memory_space<vmem_shared>> -> memref<64x128xf32, #tpu.memory_space<vmem_shared>>
    %dma_wait3A_246 = arith.constant 0 : i32
    %dma_wait3A_247 = tpu.memref_slice %arg11[%add3A_240, %dma_wait3A_246] : memref<10240x128xf32, #tpu.memory_space<vmem_shared>> -> memref<64x128xf32, #tpu.memory_space<vmem_shared>>
    %dma_wait3A_248 = arith.constant 0 : i32
    %dma_wait3A_249 = arith.constant 0 : i32
    %dma_wait3A_250 = tpu.memref_slice %arg18[%dma_wait3A_248, %dma_wait3A_249] : memref<96x128xf32, #tpu.memory_space<vmem>> -> memref<64x128xf32, #tpu.memory_space<vmem>>
    tpu.wait_dma2 semaphore(%arg19 : memref<!tpu.dma_semaphore, #tpu.memory_space<semaphore_mem>>) src(%dma_wait3A_250 : memref<64x128xf32, #tpu.memory_space<vmem>>) dst(%dma_wait3A_247 : memref<64x128xf32, #tpu.memory_space<vmem_shared>>)
    %mul3A_251 = arith.constant 640 : i32
    %mul3A_252 = arith.muli %arg1, %mul3A_251 : i32
    %add3A_253 = arith.constant 512 : i32
    %add3A_254 = arith.addi %mul3A_252, %add3A_253 : i32
    %dma_wait3A_255 = arith.constant 0 : i32
    %dma_wait3A_256 = arith.constant 0 : i32
    %dma_wait3A_257 = tpu.memref_slice %arg18[%dma_wait3A_255, %dma_wait3A_256] : memref<96x128xf32, #tpu.memory_space<vmem>> -> memref<64x128xf32, #tpu.memory_space<vmem>>
    %dma_wait3A_258 = arith.constant 0 : i32
    %dma_wait3A_259 = tpu.memref_slice %arg11[%add3A_254, %dma_wait3A_258] : memref<10240x128xf32, #tpu.memory_space<vmem_shared>> -> memref<64x128xf32, #tpu.memory_space<vmem_shared>>
    %dma_wait3A_260 = arith.constant 0 : i32
    %dma_wait3A_261 = tpu.memref_slice %arg11[%add3A_254, %dma_wait3A_260] : memref<10240x128xf32, #tpu.memory_space<vmem_shared>> -> memref<64x128xf32, #tpu.memory_space<vmem_shared>>
    %dma_wait3A_262 = arith.constant 0 : i32
    %dma_wait3A_263 = arith.constant 0 : i32
    %dma_wait3A_264 = tpu.memref_slice %arg18[%dma_wait3A_262, %dma_wait3A_263] : memref<96x128xf32, #tpu.memory_space<vmem>> -> memref<64x128xf32, #tpu.memory_space<vmem>>
    tpu.wait_dma2 semaphore(%arg19 : memref<!tpu.dma_semaphore, #tpu.memory_space<semaphore_mem>>) src(%dma_wait3A_264 : memref<64x128xf32, #tpu.memory_space<vmem>>) dst(%dma_wait3A_261 : memref<64x128xf32, #tpu.memory_space<vmem_shared>>)
    %mul3A_265 = arith.constant 640 : i32
    %mul3A_266 = arith.muli %arg1, %mul3A_265 : i32
    %add3A_267 = arith.constant 576 : i32
    %add3A_268 = arith.addi %mul3A_266, %add3A_267 : i32
    %dma_wait3A_269 = arith.constant 0 : i32
    %dma_wait3A_270 = arith.constant 0 : i32
    %dma_wait3A_271 = tpu.memref_slice %arg18[%dma_wait3A_269, %dma_wait3A_270] : memref<96x128xf32, #tpu.memory_space<vmem>> -> memref<64x128xf32, #tpu.memory_space<vmem>>
    %dma_wait3A_272 = arith.constant 0 : i32
    %dma_wait3A_273 = tpu.memref_slice %arg11[%add3A_268, %dma_wait3A_272] : memref<10240x128xf32, #tpu.memory_space<vmem_shared>> -> memref<64x128xf32, #tpu.memory_space<vmem_shared>>
    %dma_wait3A_274 = arith.constant 0 : i32
    %dma_wait3A_275 = tpu.memref_slice %arg11[%add3A_268, %dma_wait3A_274] : memref<10240x128xf32, #tpu.memory_space<vmem_shared>> -> memref<64x128xf32, #tpu.memory_space<vmem_shared>>
    %dma_wait3A_276 = arith.constant 0 : i32
    %dma_wait3A_277 = arith.constant 0 : i32
    %dma_wait3A_278 = tpu.memref_slice %arg18[%dma_wait3A_276, %dma_wait3A_277] : memref<96x128xf32, #tpu.memory_space<vmem>> -> memref<64x128xf32, #tpu.memory_space<vmem>>
    tpu.wait_dma2 semaphore(%arg19 : memref<!tpu.dma_semaphore, #tpu.memory_space<semaphore_mem>>) src(%dma_wait3A_278 : memref<64x128xf32, #tpu.memory_space<vmem>>) dst(%dma_wait3A_275 : memref<64x128xf32, #tpu.memory_space<vmem_shared>>)
    "tpu.region"() ({
      %run_scoped3A = tpu.sem_alloc : memref<!tpu.dma_semaphore, #tpu.memory_space<semaphore_mem>>
      tpu.enqueue_dma source(%arg6 : memref<640xf32, #tpu.memory_space<hbm>>) target(%arg12 : memref<640xf32, #tpu.memory_space<vmem>>) target_semaphore(%run_scoped3A : memref<!tpu.dma_semaphore, #tpu.memory_space<semaphore_mem>>)
      tpu.wait_dma2 semaphore(%run_scoped3A : memref<!tpu.dma_semaphore, #tpu.memory_space<semaphore_mem>>) src(%arg6 : memref<640xf32, #tpu.memory_space<hbm>>) dst(%arg12 : memref<640xf32, #tpu.memory_space<vmem>>)
      tpu.yield
    }) : () -> ()
    %mul3A_279 = arith.constant 640 : i32
    %mul3A_280 = arith.muli %arg1, %mul3A_279 : i32
    "tpu.region"() ({
      %run_scoped3A = tpu.sem_alloc : memref<!tpu.dma_semaphore, #tpu.memory_space<semaphore_mem>>
      %dma_start3A_656 = tpu.memref_slice %arg13[%mul3A_280] : memref<10240xf32, #tpu.memory_space<vmem_shared>> -> memref<640xf32, #tpu.memory_space<vmem_shared>>
      %dma_start3A_657 = tpu.memref_slice %arg13[%mul3A_280] : memref<10240xf32, #tpu.memory_space<vmem_shared>> -> memref<640xf32, #tpu.memory_space<vmem_shared>>
      tpu.enqueue_dma source(%arg12 : memref<640xf32, #tpu.memory_space<vmem>>) target(%dma_start3A_657 : memref<640xf32, #tpu.memory_space<vmem_shared>>) target_semaphore(%run_scoped3A : memref<!tpu.dma_semaphore, #tpu.memory_space<semaphore_mem>>)
      %dma_wait3A_658 = tpu.memref_slice %arg13[%mul3A_280] : memref<10240xf32, #tpu.memory_space<vmem_shared>> -> memref<640xf32, #tpu.memory_space<vmem_shared>>
      %dma_wait3A_659 = tpu.memref_slice %arg13[%mul3A_280] : memref<10240xf32, #tpu.memory_space<vmem_shared>> -> memref<640xf32, #tpu.memory_space<vmem_shared>>
      tpu.wait_dma2 semaphore(%run_scoped3A : memref<!tpu.dma_semaphore, #tpu.memory_space<semaphore_mem>>) src(%arg12 : memref<640xf32, #tpu.memory_space<vmem>>) dst(%dma_wait3A_659 : memref<640xf32, #tpu.memory_space<vmem_shared>>)
      tpu.yield
    }) : () -> ()
    "tpu.region"() ({
      %run_scoped3A = tpu.sem_alloc : memref<!tpu.dma_semaphore, #tpu.memory_space<semaphore_mem>>
      tpu.enqueue_dma source(%arg7 : memref<96xf32, #tpu.memory_space<hbm>>) target(%arg15 : memref<96xf32, #tpu.memory_space<vmem>>) target_semaphore(%run_scoped3A : memref<!tpu.dma_semaphore, #tpu.memory_space<semaphore_mem>>)
      tpu.wait_dma2 semaphore(%run_scoped3A : memref<!tpu.dma_semaphore, #tpu.memory_space<semaphore_mem>>) src(%arg7 : memref<96xf32, #tpu.memory_space<hbm>>) dst(%arg15 : memref<96xf32, #tpu.memory_space<vmem>>)
      tpu.yield
    }) : () -> ()
    %barrier3A = arith.constant 0 : index
    tpu.barrier barrier_id(%barrier3A)
    %scan3A = arith.constant 0 : i32
    %scan3A_281 = arith.constant 0 : i32
    %scan3A_282 = arith.constant 5 : i32
    %scan3A_283 = arith.addi %scan3A_281, %scan3A_282 : i32
    %scan3A_284 = arith.constant 1 : i32
    scf.for %scan3A_656 = %scan3A_281 to %scan3A_283 step %scan3A_284  : i32 {
      %mul3A_657 = arith.constant 5 : i32
      %mul3A_658 = arith.muli %add3A, %mul3A_657 : i32
      %add3A_659 = arith.addi %mul3A_658, %scan3A_656 : i32
      %mul3A_660 = arith.constant 24 : i32
      %mul3A_661 = arith.muli %add3A_659, %mul3A_660 : i32
      "tpu.region"() ({
        %run_scoped3A = tpu.sem_alloc : memref<!tpu.dma_semaphore, #tpu.memory_space<semaphore_mem>>
        %dma_start3A_689 = arith.constant 0 : i32
        %dma_start3A_690 = tpu.memref_slice %arg3[%mul3A_661, %dma_start3A_689] : memref<3840x96xi32, #tpu.memory_space<hbm>> -> memref<24x96xi32, #tpu.memory_space<hbm>>
        %dma_start3A_691 = arith.constant 0 : i32
        %dma_start3A_692 = tpu.memref_slice %arg3[%mul3A_661, %dma_start3A_691] : memref<3840x96xi32, #tpu.memory_space<hbm>> -> memref<24x96xi32, #tpu.memory_space<hbm>>
        tpu.enqueue_dma source(%dma_start3A_692 : memref<24x96xi32, #tpu.memory_space<hbm>>) target(%arg25 : memref<24x96xi32, #tpu.memory_space<vmem>>) target_semaphore(%run_scoped3A : memref<!tpu.dma_semaphore, #tpu.memory_space<semaphore_mem>>)
        %dma_wait3A_693 = arith.constant 0 : i32
        %dma_wait3A_694 = tpu.memref_slice %arg3[%mul3A_661, %dma_wait3A_693] : memref<3840x96xi32, #tpu.memory_space<hbm>> -> memref<24x96xi32, #tpu.memory_space<hbm>>
        %dma_wait3A_695 = arith.constant 0 : i32
        %dma_wait3A_696 = tpu.memref_slice %arg3[%mul3A_661, %dma_wait3A_695] : memref<3840x96xi32, #tpu.memory_space<hbm>> -> memref<24x96xi32, #tpu.memory_space<hbm>>
        tpu.wait_dma2 semaphore(%run_scoped3A : memref<!tpu.dma_semaphore, #tpu.memory_space<semaphore_mem>>) src(%dma_wait3A_696 : memref<24x96xi32, #tpu.memory_space<hbm>>) dst(%arg25 : memref<24x96xi32, #tpu.memory_space<vmem>>)
        tpu.yield
      }) : () -> ()
      "tpu.region"() ({
        %run_scoped3A = tpu.sem_alloc : memref<!tpu.dma_semaphore, #tpu.memory_space<semaphore_mem>>
        %dma_start3A_689 = arith.constant 0 : i32
        %dma_start3A_690 = tpu.memref_slice %arg4[%mul3A_661, %dma_start3A_689] : memref<3840x96xi32, #tpu.memory_space<hbm>> -> memref<24x96xi32, #tpu.memory_space<hbm>>
        %dma_start3A_691 = arith.constant 0 : i32
        %dma_start3A_692 = tpu.memref_slice %arg4[%mul3A_661, %dma_start3A_691] : memref<3840x96xi32, #tpu.memory_space<hbm>> -> memref<24x96xi32, #tpu.memory_space<hbm>>
        tpu.enqueue_dma source(%dma_start3A_692 : memref<24x96xi32, #tpu.memory_space<hbm>>) target(%arg14 : memref<24x96xi32, #tpu.memory_space<vmem>>) target_semaphore(%run_scoped3A : memref<!tpu.dma_semaphore, #tpu.memory_space<semaphore_mem>>)
        %dma_wait3A_693 = arith.constant 0 : i32
        %dma_wait3A_694 = tpu.memref_slice %arg4[%mul3A_661, %dma_wait3A_693] : memref<3840x96xi32, #tpu.memory_space<hbm>> -> memref<24x96xi32, #tpu.memory_space<hbm>>
        %dma_wait3A_695 = arith.constant 0 : i32
        %dma_wait3A_696 = tpu.memref_slice %arg4[%mul3A_661, %dma_wait3A_695] : memref<3840x96xi32, #tpu.memory_space<hbm>> -> memref<24x96xi32, #tpu.memory_space<hbm>>
        tpu.wait_dma2 semaphore(%run_scoped3A : memref<!tpu.dma_semaphore, #tpu.memory_space<semaphore_mem>>) src(%dma_wait3A_696 : memref<24x96xi32, #tpu.memory_space<hbm>>) dst(%arg14 : memref<24x96xi32, #tpu.memory_space<vmem>>)
        tpu.yield
      }) : () -> ()
      %dma_start3A_662 = arith.constant 0 : i32
      %dma_start3A_663 = arith.constant 0 : i32
      %dma_start3A_664 = tpu.memref_slice %arg25[%dma_start3A_662, %dma_start3A_663] : memref<24x96xi32, #tpu.memory_space<vmem>> -> memref<1x96xi32, #tpu.memory_space<vmem>>
      %dma_start3A_665 = tpu.memref_squeeze %dma_start3A_664 : memref<1x96xi32, #tpu.memory_space<vmem>> -> memref<96xi32, #tpu.memory_space<vmem>>
      %dma_start3A_666 = arith.constant 0 : i32
      %dma_start3A_667 = arith.constant 0 : i32
      %dma_start3A_668 = tpu.memref_slice %arg2[%dma_start3A_666, %dma_start3A_667] : memref<10000x128xf32, #tpu.memory_space<hbm>> -> memref<10000x128xf32, #tpu.memory_space<hbm>>
      tpu.enqueue_indirect_dma source(%dma_start3A_668 : memref<10000x128xf32, #tpu.memory_space<hbm>>) target(%arg18 : memref<96x128xf32, #tpu.memory_space<vmem>>) offsets(%dma_start3A_665 : memref<96xi32, #tpu.memory_space<vmem>>) semaphore(%arg19 : memref<!tpu.dma_semaphore, #tpu.memory_space<semaphore_mem>>)
      %dma_start3A_669 = arith.constant 1 : i32
      %dma_start3A_670 = arith.constant 0 : i32
      %dma_start3A_671 = tpu.memref_slice %arg25[%dma_start3A_669, %dma_start3A_670] : memref<24x96xi32, #tpu.memory_space<vmem>> -> memref<1x96xi32, #tpu.memory_space<vmem>>
      %dma_start3A_672 = tpu.memref_squeeze %dma_start3A_671 : memref<1x96xi32, #tpu.memory_space<vmem>> -> memref<96xi32, #tpu.memory_space<vmem>>
      %dma_start3A_673 = arith.constant 0 : i32
      %dma_start3A_674 = arith.constant 0 : i32
      %dma_start3A_675 = tpu.memref_slice %arg2[%dma_start3A_673, %dma_start3A_674] : memref<10000x128xf32, #tpu.memory_space<hbm>> -> memref<10000x128xf32, #tpu.memory_space<hbm>>
      tpu.enqueue_indirect_dma source(%dma_start3A_675 : memref<10000x128xf32, #tpu.memory_space<hbm>>) target(%arg16 : memref<96x128xf32, #tpu.memory_space<vmem>>) offsets(%dma_start3A_672 : memref<96xi32, #tpu.memory_space<vmem>>) semaphore(%arg20 : memref<!tpu.dma_semaphore, #tpu.memory_space<semaphore_mem>>)
      %scan3A_676 = arith.constant 0 : i32
      %scan3A_677 = arith.constant 0 : i32
      %scan3A_678 = arith.constant 7 : i32
      %scan3A_679 = arith.addi %scan3A_677, %scan3A_678 : i32
      %scan3A_680 = arith.constant 1 : i32
      scf.for %scan3A_689 = %scan3A_677 to %scan3A_679 step %scan3A_680  : i32 {
        %mul3A_690 = arith.constant 3 : i32
        %mul3A_691 = arith.muli %mul3A_690, %scan3A_689 : i32
        %gt3A = arith.constant 0 : i32
        %gt3A_692 = arith.cmpi sgt, %scan3A_689, %gt3A : i32
        %convert_element_type3A_693 = arith.extui %gt3A_692 : i1 to i32
        %cond3A_694 = arith.constant 0 : i32
        %cond3A_695 = arith.cmpi ne, %convert_element_type3A_693, %cond3A_694 : i32
        scf.if %cond3A_695 {
          %dma_wait3A_774 = arith.constant 0 : i32
          %dma_wait3A_775 = arith.constant 0 : i32
          %dma_wait3A_776 = tpu.memref_slice %arg14[%dma_wait3A_774, %dma_wait3A_775] : memref<24x96xi32, #tpu.memory_space<vmem>> -> memref<1x96xi32, #tpu.memory_space<vmem>>
          %dma_wait3A_777 = tpu.memref_squeeze %dma_wait3A_776 : memref<1x96xi32, #tpu.memory_space<vmem>> -> memref<96xi32, #tpu.memory_space<vmem>>
          %dma_wait3A_778 = arith.constant 0 : i32
          %dma_wait3A_779 = arith.constant 0 : i32
          %dma_wait3A_780 = tpu.memref_slice %arg11[%dma_wait3A_778, %dma_wait3A_779] : memref<10240x128xf32, #tpu.memory_space<vmem_shared>> -> memref<10240x128xf32, #tpu.memory_space<vmem_shared>>
          tpu.wait_indirect_dma semaphore(%arg24 : memref<!tpu.dma_semaphore, #tpu.memory_space<semaphore_mem>>) src(%arg17 : memref<96x128xf32, #tpu.memory_space<vmem>>) dst(%dma_wait3A_780 : memref<10240x128xf32, #tpu.memory_space<vmem_shared>>)
        } else {
        }
        %add3A_696 = arith.constant 2 : i32
        %add3A_697 = arith.addi %mul3A_691, %add3A_696 : i32
        %dma_start3A_698 = arith.constant 0 : i32
        %dma_start3A_699 = tpu.memref_slice %arg25[%add3A_697, %dma_start3A_698] : memref<24x96xi32, #tpu.memory_space<vmem>> -> memref<1x96xi32, #tpu.memory_space<vmem>>
        %dma_start3A_700 = tpu.memref_squeeze %dma_start3A_699 : memref<1x96xi32, #tpu.memory_space<vmem>> -> memref<96xi32, #tpu.memory_space<vmem>>
        %dma_start3A_701 = arith.constant 0 : i32
        %dma_start3A_702 = arith.constant 0 : i32
        %dma_start3A_703 = tpu.memref_slice %arg2[%dma_start3A_701, %dma_start3A_702] : memref<10000x128xf32, #tpu.memory_space<hbm>> -> memref<10000x128xf32, #tpu.memory_space<hbm>>
        tpu.enqueue_indirect_dma source(%dma_start3A_703 : memref<10000x128xf32, #tpu.memory_space<hbm>>) target(%arg17 : memref<96x128xf32, #tpu.memory_space<vmem>>) offsets(%dma_start3A_700 : memref<96xi32, #tpu.memory_space<vmem>>) semaphore(%arg21 : memref<!tpu.dma_semaphore, #tpu.memory_space<semaphore_mem>>)
        %dma_wait3A_704 = arith.constant 0 : i32
        %dma_wait3A_705 = arith.constant 0 : i32
        %dma_wait3A_706 = tpu.memref_slice %arg25[%dma_wait3A_704, %dma_wait3A_705] : memref<24x96xi32, #tpu.memory_space<vmem>> -> memref<1x96xi32, #tpu.memory_space<vmem>>
        %dma_wait3A_707 = tpu.memref_squeeze %dma_wait3A_706 : memref<1x96xi32, #tpu.memory_space<vmem>> -> memref<96xi32, #tpu.memory_space<vmem>>
        %dma_wait3A_708 = arith.constant 0 : i32
        %dma_wait3A_709 = arith.constant 0 : i32
        %dma_wait3A_710 = tpu.memref_slice %arg2[%dma_wait3A_708, %dma_wait3A_709] : memref<10000x128xf32, #tpu.memory_space<hbm>> -> memref<10000x128xf32, #tpu.memory_space<hbm>>
        tpu.wait_indirect_dma semaphore(%arg19 : memref<!tpu.dma_semaphore, #tpu.memory_space<semaphore_mem>>) src(%dma_wait3A_710 : memref<10000x128xf32, #tpu.memory_space<hbm>>) dst(%arg18 : memref<96x128xf32, #tpu.memory_space<vmem>>)
        %dma_start3A_711 = arith.constant 0 : i32
        %dma_start3A_712 = tpu.memref_slice %arg14[%mul3A_691, %dma_start3A_711] : memref<24x96xi32, #tpu.memory_space<vmem>> -> memref<1x96xi32, #tpu.memory_space<vmem>>
        %dma_start3A_713 = tpu.memref_squeeze %dma_start3A_712 : memref<1x96xi32, #tpu.memory_space<vmem>> -> memref<96xi32, #tpu.memory_space<vmem>>
        %dma_start3A_714 = arith.constant 0 : i32
        %dma_start3A_715 = arith.constant 0 : i32
        %dma_start3A_716 = tpu.memref_slice %arg11[%dma_start3A_714, %dma_start3A_715] : memref<10240x128xf32, #tpu.memory_space<vmem_shared>> -> memref<10240x128xf32, #tpu.memory_space<vmem_shared>>
        tpu.enqueue_indirect_dma source(%arg18 : memref<96x128xf32, #tpu.memory_space<vmem>>) target(%dma_start3A_716 : memref<10240x128xf32, #tpu.memory_space<vmem_shared>>) offsets(%dma_start3A_713 : memref<96xi32, #tpu.memory_space<vmem>>) semaphore(%arg22 : memref<!tpu.dma_semaphore, #tpu.memory_space<semaphore_mem>>) {add = true}
        "tpu.region"() ({
          %run_scoped3A = tpu.sem_alloc : memref<!tpu.dma_semaphore, #tpu.memory_space<semaphore_mem>>
          %dma_start3A_774 = arith.constant 0 : i32
          %dma_start3A_775 = tpu.memref_slice %arg14[%mul3A_691, %dma_start3A_774] : memref<24x96xi32, #tpu.memory_space<vmem>> -> memref<1x96xi32, #tpu.memory_space<vmem>>
          %dma_start3A_776 = tpu.memref_squeeze %dma_start3A_775 : memref<1x96xi32, #tpu.memory_space<vmem>> -> memref<96xi32, #tpu.memory_space<vmem>>
          %dma_start3A_777 = arith.constant 0 : i32
          %dma_start3A_778 = tpu.memref_slice %arg13[%dma_start3A_777] : memref<10240xf32, #tpu.memory_space<vmem_shared>> -> memref<10240xf32, #tpu.memory_space<vmem_shared>>
          tpu.enqueue_indirect_dma source(%arg15 : memref<96xf32, #tpu.memory_space<vmem>>) target(%dma_start3A_778 : memref<10240xf32, #tpu.memory_space<vmem_shared>>) offsets(%dma_start3A_776 : memref<96xi32, #tpu.memory_space<vmem>>) semaphore(%run_scoped3A : memref<!tpu.dma_semaphore, #tpu.memory_space<semaphore_mem>>) {add = true}
          %dma_wait3A_779 = arith.constant 0 : i32
          %dma_wait3A_780 = tpu.memref_slice %arg14[%mul3A_691, %dma_wait3A_779] : memref<24x96xi32, #tpu.memory_space<vmem>> -> memref<1x96xi32, #tpu.memory_space<vmem>>
          %dma_wait3A_781 = tpu.memref_squeeze %dma_wait3A_780 : memref<1x96xi32, #tpu.memory_space<vmem>> -> memref<96xi32, #tpu.memory_space<vmem>>
          %dma_wait3A_782 = arith.constant 0 : i32
          %dma_wait3A_783 = tpu.memref_slice %arg13[%dma_wait3A_782] : memref<10240xf32, #tpu.memory_space<vmem_shared>> -> memref<10240xf32, #tpu.memory_space<vmem_shared>>
          tpu.wait_indirect_dma semaphore(%run_scoped3A : memref<!tpu.dma_semaphore, #tpu.memory_space<semaphore_mem>>) src(%arg15 : memref<96xf32, #tpu.memory_space<vmem>>) dst(%dma_wait3A_783 : memref<10240xf32, #tpu.memory_space<vmem_shared>>)
          tpu.yield
        }) : () -> ()
        %dma_wait3A_717 = arith.constant 0 : i32
        %dma_wait3A_718 = arith.constant 0 : i32
        %dma_wait3A_719 = tpu.memref_slice %arg14[%dma_wait3A_717, %dma_wait3A_718] : memref<24x96xi32, #tpu.memory_space<vmem>> -> memref<1x96xi32, #tpu.memory_space<vmem>>
        %dma_wait3A_720 = tpu.memref_squeeze %dma_wait3A_719 : memref<1x96xi32, #tpu.memory_space<vmem>> -> memref<96xi32, #tpu.memory_space<vmem>>
        %dma_wait3A_721 = arith.constant 0 : i32
        %dma_wait3A_722 = arith.constant 0 : i32
        %dma_wait3A_723 = tpu.memref_slice %arg11[%dma_wait3A_721, %dma_wait3A_722] : memref<10240x128xf32, #tpu.memory_space<vmem_shared>> -> memref<10240x128xf32, #tpu.memory_space<vmem_shared>>
        tpu.wait_indirect_dma semaphore(%arg22 : memref<!tpu.dma_semaphore, #tpu.memory_space<semaphore_mem>>) src(%arg18 : memref<96x128xf32, #tpu.memory_space<vmem>>) dst(%dma_wait3A_723 : memref<10240x128xf32, #tpu.memory_space<vmem_shared>>)
        %lt3A = arith.constant 6 : i32
        %lt3A_724 = arith.cmpi slt, %scan3A_689, %lt3A : i32
        %convert_element_type3A_725 = arith.extui %lt3A_724 : i1 to i32
        %cond3A_726 = arith.constant 0 : i32
        %cond3A_727 = arith.cmpi ne, %convert_element_type3A_725, %cond3A_726 : i32
        scf.if %cond3A_727 {
          %add3A_774 = arith.constant 3 : i32
          %add3A_775 = arith.addi %mul3A_691, %add3A_774 : i32
          %dma_start3A_776 = arith.constant 0 : i32
          %dma_start3A_777 = tpu.memref_slice %arg25[%add3A_775, %dma_start3A_776] : memref<24x96xi32, #tpu.memory_space<vmem>> -> memref<1x96xi32, #tpu.memory_space<vmem>>
          %dma_start3A_778 = tpu.memref_squeeze %dma_start3A_777 : memref<1x96xi32, #tpu.memory_space<vmem>> -> memref<96xi32, #tpu.memory_space<vmem>>
          %dma_start3A_779 = arith.constant 0 : i32
          %dma_start3A_780 = arith.constant 0 : i32
          %dma_start3A_781 = tpu.memref_slice %arg2[%dma_start3A_779, %dma_start3A_780] : memref<10000x128xf32, #tpu.memory_space<hbm>> -> memref<10000x128xf32, #tpu.memory_space<hbm>>
          tpu.enqueue_indirect_dma source(%dma_start3A_781 : memref<10000x128xf32, #tpu.memory_space<hbm>>) target(%arg18 : memref<96x128xf32, #tpu.memory_space<vmem>>) offsets(%dma_start3A_778 : memref<96xi32, #tpu.memory_space<vmem>>) semaphore(%arg19 : memref<!tpu.dma_semaphore, #tpu.memory_space<semaphore_mem>>)
        } else {
        }
        %dma_wait3A_728 = arith.constant 0 : i32
        %dma_wait3A_729 = arith.constant 0 : i32
        %dma_wait3A_730 = tpu.memref_slice %arg25[%dma_wait3A_728, %dma_wait3A_729] : memref<24x96xi32, #tpu.memory_space<vmem>> -> memref<1x96xi32, #tpu.memory_space<vmem>>
        %dma_wait3A_731 = tpu.memref_squeeze %dma_wait3A_730 : memref<1x96xi32, #tpu.memory_space<vmem>> -> memref<96xi32, #tpu.memory_space<vmem>>
        %dma_wait3A_732 = arith.constant 0 : i32
        %dma_wait3A_733 = arith.constant 0 : i32
        %dma_wait3A_734 = tpu.memref_slice %arg2[%dma_wait3A_732, %dma_wait3A_733] : memref<10000x128xf32, #tpu.memory_space<hbm>> -> memref<10000x128xf32, #tpu.memory_space<hbm>>
        tpu.wait_indirect_dma semaphore(%arg20 : memref<!tpu.dma_semaphore, #tpu.memory_space<semaphore_mem>>) src(%dma_wait3A_734 : memref<10000x128xf32, #tpu.memory_space<hbm>>) dst(%arg16 : memref<96x128xf32, #tpu.memory_space<vmem>>)
        %add3A_735 = arith.constant 1 : i32
        %add3A_736 = arith.addi %mul3A_691, %add3A_735 : i32
        %dma_start3A_737 = arith.constant 0 : i32
        %dma_start3A_738 = tpu.memref_slice %arg14[%add3A_736, %dma_start3A_737] : memref<24x96xi32, #tpu.memory_space<vmem>> -> memref<1x96xi32, #tpu.memory_space<vmem>>
        %dma_start3A_739 = tpu.memref_squeeze %dma_start3A_738 : memref<1x96xi32, #tpu.memory_space<vmem>> -> memref<96xi32, #tpu.memory_space<vmem>>
        %dma_start3A_740 = arith.constant 0 : i32
        %dma_start3A_741 = arith.constant 0 : i32
        %dma_start3A_742 = tpu.memref_slice %arg11[%dma_start3A_740, %dma_start3A_741] : memref<10240x128xf32, #tpu.memory_space<vmem_shared>> -> memref<10240x128xf32, #tpu.memory_space<vmem_shared>>
        tpu.enqueue_indirect_dma source(%arg16 : memref<96x128xf32, #tpu.memory_space<vmem>>) target(%dma_start3A_742 : memref<10240x128xf32, #tpu.memory_space<vmem_shared>>) offsets(%dma_start3A_739 : memref<96xi32, #tpu.memory_space<vmem>>) semaphore(%arg23 : memref<!tpu.dma_semaphore, #tpu.memory_space<semaphore_mem>>) {add = true}
        %add3A_743 = arith.constant 1 : i32
        %add3A_744 = arith.addi %mul3A_691, %add3A_743 : i32
        "tpu.region"() ({
          %run_scoped3A = tpu.sem_alloc : memref<!tpu.dma_semaphore, #tpu.memory_space<semaphore_mem>>
          %dma_start3A_774 = arith.constant 0 : i32
          %dma_start3A_775 = tpu.memref_slice %arg14[%add3A_744, %dma_start3A_774] : memref<24x96xi32, #tpu.memory_space<vmem>> -> memref<1x96xi32, #tpu.memory_space<vmem>>
          %dma_start3A_776 = tpu.memref_squeeze %dma_start3A_775 : memref<1x96xi32, #tpu.memory_space<vmem>> -> memref<96xi32, #tpu.memory_space<vmem>>
          %dma_start3A_777 = arith.constant 0 : i32
          %dma_start3A_778 = tpu.memref_slice %arg13[%dma_start3A_777] : memref<10240xf32, #tpu.memory_space<vmem_shared>> -> memref<10240xf32, #tpu.memory_space<vmem_shared>>
          tpu.enqueue_indirect_dma source(%arg15 : memref<96xf32, #tpu.memory_space<vmem>>) target(%dma_start3A_778 : memref<10240xf32, #tpu.memory_space<vmem_shared>>) offsets(%dma_start3A_776 : memref<96xi32, #tpu.memory_space<vmem>>) semaphore(%run_scoped3A : memref<!tpu.dma_semaphore, #tpu.memory_space<semaphore_mem>>) {add = true}
          %dma_wait3A_779 = arith.constant 0 : i32
          %dma_wait3A_780 = tpu.memref_slice %arg14[%add3A_744, %dma_wait3A_779] : memref<24x96xi32, #tpu.memory_space<vmem>> -> memref<1x96xi32, #tpu.memory_space<vmem>>
          %dma_wait3A_781 = tpu.memref_squeeze %dma_wait3A_780 : memref<1x96xi32, #tpu.memory_space<vmem>> -> memref<96xi32, #tpu.memory_space<vmem>>
          %dma_wait3A_782 = arith.constant 0 : i32
          %dma_wait3A_783 = tpu.memref_slice %arg13[%dma_wait3A_782] : memref<10240xf32, #tpu.memory_space<vmem_shared>> -> memref<10240xf32, #tpu.memory_space<vmem_shared>>
          tpu.wait_indirect_dma semaphore(%run_scoped3A : memref<!tpu.dma_semaphore, #tpu.memory_space<semaphore_mem>>) src(%arg15 : memref<96xf32, #tpu.memory_space<vmem>>) dst(%dma_wait3A_783 : memref<10240xf32, #tpu.memory_space<vmem_shared>>)
          tpu.yield
        }) : () -> ()
        %dma_wait3A_745 = arith.constant 0 : i32
        %dma_wait3A_746 = arith.constant 0 : i32
        %dma_wait3A_747 = tpu.memref_slice %arg14[%dma_wait3A_745, %dma_wait3A_746] : memref<24x96xi32, #tpu.memory_space<vmem>> -> memref<1x96xi32, #tpu.memory_space<vmem>>
        %dma_wait3A_748 = tpu.memref_squeeze %dma_wait3A_747 : memref<1x96xi32, #tpu.memory_space<vmem>> -> memref<96xi32, #tpu.memory_space<vmem>>
        %dma_wait3A_749 = arith.constant 0 : i32
        %dma_wait3A_750 = arith.constant 0 : i32
        %dma_wait3A_751 = tpu.memref_slice %arg11[%dma_wait3A_749, %dma_wait3A_750] : memref<10240x128xf32, #tpu.memory_space<vmem_shared>> -> memref<10240x128xf32, #tpu.memory_space<vmem_shared>>
        tpu.wait_indirect_dma semaphore(%arg23 : memref<!tpu.dma_semaphore, #tpu.memory_space<semaphore_mem>>) src(%arg16 : memref<96x128xf32, #tpu.memory_space<vmem>>) dst(%dma_wait3A_751 : memref<10240x128xf32, #tpu.memory_space<vmem_shared>>)
        %lt3A_752 = arith.constant 6 : i32
        %lt3A_753 = arith.cmpi slt, %scan3A_689, %lt3A_752 : i32
        %convert_element_type3A_754 = arith.extui %lt3A_753 : i1 to i32
        %cond3A_755 = arith.constant 0 : i32
        %cond3A_756 = arith.cmpi ne, %convert_element_type3A_754, %cond3A_755 : i32
        scf.if %cond3A_756 {
          %add3A_774 = arith.constant 4 : i32
          %add3A_775 = arith.addi %mul3A_691, %add3A_774 : i32
          %dma_start3A_776 = arith.constant 0 : i32
          %dma_start3A_777 = tpu.memref_slice %arg25[%add3A_775, %dma_start3A_776] : memref<24x96xi32, #tpu.memory_space<vmem>> -> memref<1x96xi32, #tpu.memory_space<vmem>>
          %dma_start3A_778 = tpu.memref_squeeze %dma_start3A_777 : memref<1x96xi32, #tpu.memory_space<vmem>> -> memref<96xi32, #tpu.memory_space<vmem>>
          %dma_start3A_779 = arith.constant 0 : i32
          %dma_start3A_780 = arith.constant 0 : i32
          %dma_start3A_781 = tpu.memref_slice %arg2[%dma_start3A_779, %dma_start3A_780] : memref<10000x128xf32, #tpu.memory_space<hbm>> -> memref<10000x128xf32, #tpu.memory_space<hbm>>
          tpu.enqueue_indirect_dma source(%dma_start3A_781 : memref<10000x128xf32, #tpu.memory_space<hbm>>) target(%arg16 : memref<96x128xf32, #tpu.memory_space<vmem>>) offsets(%dma_start3A_778 : memref<96xi32, #tpu.memory_space<vmem>>) semaphore(%arg20 : memref<!tpu.dma_semaphore, #tpu.memory_space<semaphore_mem>>)
        } else {
        }
        %dma_wait3A_757 = arith.constant 0 : i32
        %dma_wait3A_758 = arith.constant 0 : i32
        %dma_wait3A_759 = tpu.memref_slice %arg25[%dma_wait3A_757, %dma_wait3A_758] : memref<24x96xi32, #tpu.memory_space<vmem>> -> memref<1x96xi32, #tpu.memory_space<vmem>>
        %dma_wait3A_760 = tpu.memref_squeeze %dma_wait3A_759 : memref<1x96xi32, #tpu.memory_space<vmem>> -> memref<96xi32, #tpu.memory_space<vmem>>
        %dma_wait3A_761 = arith.constant 0 : i32
        %dma_wait3A_762 = arith.constant 0 : i32
        %dma_wait3A_763 = tpu.memref_slice %arg2[%dma_wait3A_761, %dma_wait3A_762] : memref<10000x128xf32, #tpu.memory_space<hbm>> -> memref<10000x128xf32, #tpu.memory_space<hbm>>
        tpu.wait_indirect_dma semaphore(%arg21 : memref<!tpu.dma_semaphore, #tpu.memory_space<semaphore_mem>>) src(%dma_wait3A_763 : memref<10000x128xf32, #tpu.memory_space<hbm>>) dst(%arg17 : memref<96x128xf32, #tpu.memory_space<vmem>>)
        %add3A_764 = arith.constant 2 : i32
        %add3A_765 = arith.addi %mul3A_691, %add3A_764 : i32
        %dma_start3A_766 = arith.constant 0 : i32
        %dma_start3A_767 = tpu.memref_slice %arg14[%add3A_765, %dma_start3A_766] : memref<24x96xi32, #tpu.memory_space<vmem>> -> memref<1x96xi32, #tpu.memory_space<vmem>>
        %dma_start3A_768 = tpu.memref_squeeze %dma_start3A_767 : memref<1x96xi32, #tpu.memory_space<vmem>> -> memref<96xi32, #tpu.memory_space<vmem>>
        %dma_start3A_769 = arith.constant 0 : i32
        %dma_start3A_770 = arith.constant 0 : i32
        %dma_start3A_771 = tpu.memref_slice %arg11[%dma_start3A_769, %dma_start3A_770] : memref<10240x128xf32, #tpu.memory_space<vmem_shared>> -> memref<10240x128xf32, #tpu.memory_space<vmem_shared>>
        tpu.enqueue_indirect_dma source(%arg17 : memref<96x128xf32, #tpu.memory_space<vmem>>) target(%dma_start3A_771 : memref<10240x128xf32, #tpu.memory_space<vmem_shared>>) offsets(%dma_start3A_768 : memref<96xi32, #tpu.memory_space<vmem>>) semaphore(%arg24 : memref<!tpu.dma_semaphore, #tpu.memory_space<semaphore_mem>>) {add = true}
        %add3A_772 = arith.constant 2 : i32
        %add3A_773 = arith.addi %mul3A_691, %add3A_772 : i32
        "tpu.region"() ({
          %run_scoped3A = tpu.sem_alloc : memref<!tpu.dma_semaphore, #tpu.memory_space<semaphore_mem>>
          %dma_start3A_774 = arith.constant 0 : i32
          %dma_start3A_775 = tpu.memref_slice %arg14[%add3A_773, %dma_start3A_774] : memref<24x96xi32, #tpu.memory_space<vmem>> -> memref<1x96xi32, #tpu.memory_space<vmem>>
          %dma_start3A_776 = tpu.memref_squeeze %dma_start3A_775 : memref<1x96xi32, #tpu.memory_space<vmem>> -> memref<96xi32, #tpu.memory_space<vmem>>
          %dma_start3A_777 = arith.constant 0 : i32
          %dma_start3A_778 = tpu.memref_slice %arg13[%dma_start3A_777] : memref<10240xf32, #tpu.memory_space<vmem_shared>> -> memref<10240xf32, #tpu.memory_space<vmem_shared>>
          tpu.enqueue_indirect_dma source(%arg15 : memref<96xf32, #tpu.memory_space<vmem>>) target(%dma_start3A_778 : memref<10240xf32, #tpu.memory_space<vmem_shared>>) offsets(%dma_start3A_776 : memref<96xi32, #tpu.memory_space<vmem>>) semaphore(%run_scoped3A : memref<!tpu.dma_semaphore, #tpu.memory_space<semaphore_mem>>) {add = true}
          %dma_wait3A_779 = arith.constant 0 : i32
          %dma_wait3A_780 = tpu.memref_slice %arg14[%add3A_773, %dma_wait3A_779] : memref<24x96xi32, #tpu.memory_space<vmem>> -> memref<1x96xi32, #tpu.memory_space<vmem>>
          %dma_wait3A_781 = tpu.memref_squeeze %dma_wait3A_780 : memref<1x96xi32, #tpu.memory_space<vmem>> -> memref<96xi32, #tpu.memory_space<vmem>>
          %dma_wait3A_782 = arith.constant 0 : i32
          %dma_wait3A_783 = tpu.memref_slice %arg13[%dma_wait3A_782] : memref<10240xf32, #tpu.memory_space<vmem_shared>> -> memref<10240xf32, #tpu.memory_space<vmem_shared>>
          tpu.wait_indirect_dma semaphore(%run_scoped3A : memref<!tpu.dma_semaphore, #tpu.memory_space<semaphore_mem>>) src(%arg15 : memref<96xf32, #tpu.memory_space<vmem>>) dst(%dma_wait3A_783 : memref<10240xf32, #tpu.memory_space<vmem_shared>>)
          tpu.yield
        }) : () -> ()
      }
      %scan3A_681 = arith.constant 7 : i32
      %dma_wait3A_682 = arith.constant 0 : i32
      %dma_wait3A_683 = arith.constant 0 : i32
      %dma_wait3A_684 = tpu.memref_slice %arg14[%dma_wait3A_682, %dma_wait3A_683] : memref<24x96xi32, #tpu.memory_space<vmem>> -> memref<1x96xi32, #tpu.memory_space<vmem>>
      %dma_wait3A_685 = tpu.memref_squeeze %dma_wait3A_684 : memref<1x96xi32, #tpu.memory_space<vmem>> -> memref<96xi32, #tpu.memory_space<vmem>>
      %dma_wait3A_686 = arith.constant 0 : i32
      %dma_wait3A_687 = arith.constant 0 : i32
      %dma_wait3A_688 = tpu.memref_slice %arg11[%dma_wait3A_686, %dma_wait3A_687] : memref<10240x128xf32, #tpu.memory_space<vmem_shared>> -> memref<10240x128xf32, #tpu.memory_space<vmem_shared>>
      tpu.wait_indirect_dma semaphore(%arg24 : memref<!tpu.dma_semaphore, #tpu.memory_space<semaphore_mem>>) src(%arg17 : memref<96x128xf32, #tpu.memory_space<vmem>>) dst(%dma_wait3A_688 : memref<10240x128xf32, #tpu.memory_space<vmem_shared>>)
    }
    %scan3A_285 = arith.constant 5 : i32
    %barrier3A_286 = arith.constant 0 : index
    tpu.barrier barrier_id(%barrier3A_286)
    %mul3A_287 = arith.constant 640 : i32
    %mul3A_288 = arith.muli %arg1, %mul3A_287 : i32
    %add3A_289 = arith.constant 0 : i32
    %add3A_290 = arith.addi %mul3A_288, %add3A_289 : i32
    %mul3A_291 = arith.constant 640 : i32
    %mul3A_292 = arith.muli %arg1, %mul3A_291 : i32
    %add3A_293 = arith.constant 0 : i32
    %add3A_294 = arith.addi %mul3A_292, %add3A_293 : i32
    "tpu.region"() ({
      %run_scoped3A = tpu.sem_alloc : memref<!tpu.dma_semaphore, #tpu.memory_space<semaphore_mem>>
      %dma_start3A_656 = arith.constant 0 : i32
      %dma_start3A_657 = arith.constant 0 : i32
      %dma_start3A_658 = tpu.memref_slice %arg18[%dma_start3A_656, %dma_start3A_657] : memref<96x128xf32, #tpu.memory_space<vmem>> -> memref<64x128xf32, #tpu.memory_space<vmem>>
      %dma_start3A_659 = arith.constant 0 : i32
      %dma_start3A_660 = tpu.memref_slice %arg11[%add3A_294, %dma_start3A_659] : memref<10240x128xf32, #tpu.memory_space<vmem_shared>> -> memref<64x128xf32, #tpu.memory_space<vmem_shared>>
      %dma_start3A_661 = arith.constant 0 : i32
      %dma_start3A_662 = arith.constant 0 : i32
      %dma_start3A_663 = tpu.memref_slice %arg18[%dma_start3A_661, %dma_start3A_662] : memref<96x128xf32, #tpu.memory_space<vmem>> -> memref<64x128xf32, #tpu.memory_space<vmem>>
      %dma_start3A_664 = arith.constant 0 : i32
      %dma_start3A_665 = tpu.memref_slice %arg11[%add3A_294, %dma_start3A_664] : memref<10240x128xf32, #tpu.memory_space<vmem_shared>> -> memref<64x128xf32, #tpu.memory_space<vmem_shared>>
      tpu.enqueue_dma source(%dma_start3A_665 : memref<64x128xf32, #tpu.memory_space<vmem_shared>>) target(%dma_start3A_663 : memref<64x128xf32, #tpu.memory_space<vmem>>) target_semaphore(%run_scoped3A : memref<!tpu.dma_semaphore, #tpu.memory_space<semaphore_mem>>)
      %dma_wait3A_666 = arith.constant 0 : i32
      %dma_wait3A_667 = arith.constant 0 : i32
      %dma_wait3A_668 = tpu.memref_slice %arg18[%dma_wait3A_666, %dma_wait3A_667] : memref<96x128xf32, #tpu.memory_space<vmem>> -> memref<64x128xf32, #tpu.memory_space<vmem>>
      %dma_wait3A_669 = arith.constant 0 : i32
      %dma_wait3A_670 = tpu.memref_slice %arg11[%add3A_294, %dma_wait3A_669] : memref<10240x128xf32, #tpu.memory_space<vmem_shared>> -> memref<64x128xf32, #tpu.memory_space<vmem_shared>>
      %dma_wait3A_671 = arith.constant 0 : i32
      %dma_wait3A_672 = arith.constant 0 : i32
      %dma_wait3A_673 = tpu.memref_slice %arg18[%dma_wait3A_671, %dma_wait3A_672] : memref<96x128xf32, #tpu.memory_space<vmem>> -> memref<64x128xf32, #tpu.memory_space<vmem>>
      %dma_wait3A_674 = arith.constant 0 : i32
      %dma_wait3A_675 = tpu.memref_slice %arg11[%add3A_294, %dma_wait3A_674] : memref<10240x128xf32, #tpu.memory_space<vmem_shared>> -> memref<64x128xf32, #tpu.memory_space<vmem_shared>>
      tpu.wait_dma2 semaphore(%run_scoped3A : memref<!tpu.dma_semaphore, #tpu.memory_space<semaphore_mem>>) src(%dma_wait3A_675 : memref<64x128xf32, #tpu.memory_space<vmem_shared>>) dst(%dma_wait3A_673 : memref<64x128xf32, #tpu.memory_space<vmem>>)
      tpu.yield
    }) : () -> ()
    %dma_start3A_295 = arith.constant 0 : i32
    %dma_start3A_296 = arith.constant 0 : i32
    %dma_start3A_297 = tpu.memref_slice %arg18[%dma_start3A_295, %dma_start3A_296] : memref<96x128xf32, #tpu.memory_space<vmem>> -> memref<64x128xf32, #tpu.memory_space<vmem>>
    %dma_start3A_298 = arith.constant 0 : i32
    %dma_start3A_299 = tpu.memref_slice %arg8[%arg0, %add3A_290, %dma_start3A_298] : memref<2x10240x128xf32, #tpu.memory_space<hbm>> -> memref<1x64x128xf32, #tpu.memory_space<hbm>>
    %dma_start3A_300 = tpu.memref_squeeze %dma_start3A_299 : memref<1x64x128xf32, #tpu.memory_space<hbm>> -> memref<64x128xf32, #tpu.memory_space<hbm>>
    %dma_start3A_301 = arith.constant 0 : i32
    %dma_start3A_302 = tpu.memref_slice %arg8[%arg0, %add3A_290, %dma_start3A_301] : memref<2x10240x128xf32, #tpu.memory_space<hbm>> -> memref<1x64x128xf32, #tpu.memory_space<hbm>>
    %dma_start3A_303 = tpu.memref_squeeze %dma_start3A_302 : memref<1x64x128xf32, #tpu.memory_space<hbm>> -> memref<64x128xf32, #tpu.memory_space<hbm>>
    %dma_start3A_304 = arith.constant 0 : i32
    %dma_start3A_305 = arith.constant 0 : i32
    %dma_start3A_306 = tpu.memref_slice %arg18[%dma_start3A_304, %dma_start3A_305] : memref<96x128xf32, #tpu.memory_space<vmem>> -> memref<64x128xf32, #tpu.memory_space<vmem>>
    tpu.enqueue_dma source(%dma_start3A_306 : memref<64x128xf32, #tpu.memory_space<vmem>>) target(%dma_start3A_303 : memref<64x128xf32, #tpu.memory_space<hbm>>) target_semaphore(%arg22 : memref<!tpu.dma_semaphore, #tpu.memory_space<semaphore_mem>>)
    %mul3A_307 = arith.constant 640 : i32
    %mul3A_308 = arith.muli %arg1, %mul3A_307 : i32
    %add3A_309 = arith.constant 64 : i32
    %add3A_310 = arith.addi %mul3A_308, %add3A_309 : i32
    %mul3A_311 = arith.constant 640 : i32
    %mul3A_312 = arith.muli %arg1, %mul3A_311 : i32
    %add3A_313 = arith.constant 64 : i32
    %add3A_314 = arith.addi %mul3A_312, %add3A_313 : i32
    "tpu.region"() ({
      %run_scoped3A = tpu.sem_alloc : memref<!tpu.dma_semaphore, #tpu.memory_space<semaphore_mem>>
      %dma_start3A_656 = arith.constant 0 : i32
      %dma_start3A_657 = arith.constant 0 : i32
      %dma_start3A_658 = tpu.memref_slice %arg16[%dma_start3A_656, %dma_start3A_657] : memref<96x128xf32, #tpu.memory_space<vmem>> -> memref<64x128xf32, #tpu.memory_space<vmem>>
      %dma_start3A_659 = arith.constant 0 : i32
      %dma_start3A_660 = tpu.memref_slice %arg11[%add3A_314, %dma_start3A_659] : memref<10240x128xf32, #tpu.memory_space<vmem_shared>> -> memref<64x128xf32, #tpu.memory_space<vmem_shared>>
      %dma_start3A_661 = arith.constant 0 : i32
      %dma_start3A_662 = arith.constant 0 : i32
      %dma_start3A_663 = tpu.memref_slice %arg16[%dma_start3A_661, %dma_start3A_662] : memref<96x128xf32, #tpu.memory_space<vmem>> -> memref<64x128xf32, #tpu.memory_space<vmem>>
      %dma_start3A_664 = arith.constant 0 : i32
      %dma_start3A_665 = tpu.memref_slice %arg11[%add3A_314, %dma_start3A_664] : memref<10240x128xf32, #tpu.memory_space<vmem_shared>> -> memref<64x128xf32, #tpu.memory_space<vmem_shared>>
      tpu.enqueue_dma source(%dma_start3A_665 : memref<64x128xf32, #tpu.memory_space<vmem_shared>>) target(%dma_start3A_663 : memref<64x128xf32, #tpu.memory_space<vmem>>) target_semaphore(%run_scoped3A : memref<!tpu.dma_semaphore, #tpu.memory_space<semaphore_mem>>)
      %dma_wait3A_666 = arith.constant 0 : i32
      %dma_wait3A_667 = arith.constant 0 : i32
      %dma_wait3A_668 = tpu.memref_slice %arg16[%dma_wait3A_666, %dma_wait3A_667] : memref<96x128xf32, #tpu.memory_space<vmem>> -> memref<64x128xf32, #tpu.memory_space<vmem>>
      %dma_wait3A_669 = arith.constant 0 : i32
      %dma_wait3A_670 = tpu.memref_slice %arg11[%add3A_314, %dma_wait3A_669] : memref<10240x128xf32, #tpu.memory_space<vmem_shared>> -> memref<64x128xf32, #tpu.memory_space<vmem_shared>>
      %dma_wait3A_671 = arith.constant 0 : i32
      %dma_wait3A_672 = arith.constant 0 : i32
      %dma_wait3A_673 = tpu.memref_slice %arg16[%dma_wait3A_671, %dma_wait3A_672] : memref<96x128xf32, #tpu.memory_space<vmem>> -> memref<64x128xf32, #tpu.memory_space<vmem>>
      %dma_wait3A_674 = arith.constant 0 : i32
      %dma_wait3A_675 = tpu.memref_slice %arg11[%add3A_314, %dma_wait3A_674] : memref<10240x128xf32, #tpu.memory_space<vmem_shared>> -> memref<64x128xf32, #tpu.memory_space<vmem_shared>>
      tpu.wait_dma2 semaphore(%run_scoped3A : memref<!tpu.dma_semaphore, #tpu.memory_space<semaphore_mem>>) src(%dma_wait3A_675 : memref<64x128xf32, #tpu.memory_space<vmem_shared>>) dst(%dma_wait3A_673 : memref<64x128xf32, #tpu.memory_space<vmem>>)
      tpu.yield
    }) : () -> ()
    %dma_start3A_315 = arith.constant 0 : i32
    %dma_start3A_316 = arith.constant 0 : i32
    %dma_start3A_317 = tpu.memref_slice %arg16[%dma_start3A_315, %dma_start3A_316] : memref<96x128xf32, #tpu.memory_space<vmem>> -> memref<64x128xf32, #tpu.memory_space<vmem>>
    %dma_start3A_318 = arith.constant 0 : i32
    %dma_start3A_319 = tpu.memref_slice %arg8[%arg0, %add3A_310, %dma_start3A_318] : memref<2x10240x128xf32, #tpu.memory_space<hbm>> -> memref<1x64x128xf32, #tpu.memory_space<hbm>>
    %dma_start3A_320 = tpu.memref_squeeze %dma_start3A_319 : memref<1x64x128xf32, #tpu.memory_space<hbm>> -> memref<64x128xf32, #tpu.memory_space<hbm>>
    %dma_start3A_321 = arith.constant 0 : i32
    %dma_start3A_322 = tpu.memref_slice %arg8[%arg0, %add3A_310, %dma_start3A_321] : memref<2x10240x128xf32, #tpu.memory_space<hbm>> -> memref<1x64x128xf32, #tpu.memory_space<hbm>>
    %dma_start3A_323 = tpu.memref_squeeze %dma_start3A_322 : memref<1x64x128xf32, #tpu.memory_space<hbm>> -> memref<64x128xf32, #tpu.memory_space<hbm>>
    %dma_start3A_324 = arith.constant 0 : i32
    %dma_start3A_325 = arith.constant 0 : i32
    %dma_start3A_326 = tpu.memref_slice %arg16[%dma_start3A_324, %dma_start3A_325] : memref<96x128xf32, #tpu.memory_space<vmem>> -> memref<64x128xf32, #tpu.memory_space<vmem>>
    tpu.enqueue_dma source(%dma_start3A_326 : memref<64x128xf32, #tpu.memory_space<vmem>>) target(%dma_start3A_323 : memref<64x128xf32, #tpu.memory_space<hbm>>) target_semaphore(%arg23 : memref<!tpu.dma_semaphore, #tpu.memory_space<semaphore_mem>>)
    %mul3A_327 = arith.constant 640 : i32
    %mul3A_328 = arith.muli %arg1, %mul3A_327 : i32
    %add3A_329 = arith.constant 128 : i32
    %add3A_330 = arith.addi %mul3A_328, %add3A_329 : i32
    %mul3A_331 = arith.constant 640 : i32
    %mul3A_332 = arith.muli %arg1, %mul3A_331 : i32
    %add3A_333 = arith.constant 0 : i32
    %add3A_334 = arith.addi %mul3A_332, %add3A_333 : i32
    %dma_wait3A_335 = arith.constant 0 : i32
    %dma_wait3A_336 = arith.constant 0 : i32
    %dma_wait3A_337 = tpu.memref_slice %arg18[%dma_wait3A_335, %dma_wait3A_336] : memref<96x128xf32, #tpu.memory_space<vmem>> -> memref<64x128xf32, #tpu.memory_space<vmem>>
    %dma_wait3A_338 = arith.constant 0 : i32
    %dma_wait3A_339 = tpu.memref_slice %arg8[%arg0, %add3A_334, %dma_wait3A_338] : memref<2x10240x128xf32, #tpu.memory_space<hbm>> -> memref<1x64x128xf32, #tpu.memory_space<hbm>>
    %dma_wait3A_340 = tpu.memref_squeeze %dma_wait3A_339 : memref<1x64x128xf32, #tpu.memory_space<hbm>> -> memref<64x128xf32, #tpu.memory_space<hbm>>
    %dma_wait3A_341 = arith.constant 0 : i32
    %dma_wait3A_342 = tpu.memref_slice %arg8[%arg0, %add3A_334, %dma_wait3A_341] : memref<2x10240x128xf32, #tpu.memory_space<hbm>> -> memref<1x64x128xf32, #tpu.memory_space<hbm>>
    %dma_wait3A_343 = tpu.memref_squeeze %dma_wait3A_342 : memref<1x64x128xf32, #tpu.memory_space<hbm>> -> memref<64x128xf32, #tpu.memory_space<hbm>>
    %dma_wait3A_344 = arith.constant 0 : i32
    %dma_wait3A_345 = arith.constant 0 : i32
    %dma_wait3A_346 = tpu.memref_slice %arg18[%dma_wait3A_344, %dma_wait3A_345] : memref<96x128xf32, #tpu.memory_space<vmem>> -> memref<64x128xf32, #tpu.memory_space<vmem>>
    tpu.wait_dma2 semaphore(%arg22 : memref<!tpu.dma_semaphore, #tpu.memory_space<semaphore_mem>>) src(%dma_wait3A_346 : memref<64x128xf32, #tpu.memory_space<vmem>>) dst(%dma_wait3A_343 : memref<64x128xf32, #tpu.memory_space<hbm>>)
    %mul3A_347 = arith.constant 640 : i32
    %mul3A_348 = arith.muli %arg1, %mul3A_347 : i32
    %add3A_349 = arith.constant 128 : i32
    %add3A_350 = arith.addi %mul3A_348, %add3A_349 : i32
    "tpu.region"() ({
      %run_scoped3A = tpu.sem_alloc : memref<!tpu.dma_semaphore, #tpu.memory_space<semaphore_mem>>
      %dma_start3A_656 = arith.constant 0 : i32
      %dma_start3A_657 = arith.constant 0 : i32
      %dma_start3A_658 = tpu.memref_slice %arg18[%dma_start3A_656, %dma_start3A_657] : memref<96x128xf32, #tpu.memory_space<vmem>> -> memref<64x128xf32, #tpu.memory_space<vmem>>
      %dma_start3A_659 = arith.constant 0 : i32
      %dma_start3A_660 = tpu.memref_slice %arg11[%add3A_350, %dma_start3A_659] : memref<10240x128xf32, #tpu.memory_space<vmem_shared>> -> memref<64x128xf32, #tpu.memory_space<vmem_shared>>
      %dma_start3A_661 = arith.constant 0 : i32
      %dma_start3A_662 = arith.constant 0 : i32
      %dma_start3A_663 = tpu.memref_slice %arg18[%dma_start3A_661, %dma_start3A_662] : memref<96x128xf32, #tpu.memory_space<vmem>> -> memref<64x128xf32, #tpu.memory_space<vmem>>
      %dma_start3A_664 = arith.constant 0 : i32
      %dma_start3A_665 = tpu.memref_slice %arg11[%add3A_350, %dma_start3A_664] : memref<10240x128xf32, #tpu.memory_space<vmem_shared>> -> memref<64x128xf32, #tpu.memory_space<vmem_shared>>
      tpu.enqueue_dma source(%dma_start3A_665 : memref<64x128xf32, #tpu.memory_space<vmem_shared>>) target(%dma_start3A_663 : memref<64x128xf32, #tpu.memory_space<vmem>>) target_semaphore(%run_scoped3A : memref<!tpu.dma_semaphore, #tpu.memory_space<semaphore_mem>>)
      %dma_wait3A_666 = arith.constant 0 : i32
      %dma_wait3A_667 = arith.constant 0 : i32
      %dma_wait3A_668 = tpu.memref_slice %arg18[%dma_wait3A_666, %dma_wait3A_667] : memref<96x128xf32, #tpu.memory_space<vmem>> -> memref<64x128xf32, #tpu.memory_space<vmem>>
      %dma_wait3A_669 = arith.constant 0 : i32
      %dma_wait3A_670 = tpu.memref_slice %arg11[%add3A_350, %dma_wait3A_669] : memref<10240x128xf32, #tpu.memory_space<vmem_shared>> -> memref<64x128xf32, #tpu.memory_space<vmem_shared>>
      %dma_wait3A_671 = arith.constant 0 : i32
      %dma_wait3A_672 = arith.constant 0 : i32
      %dma_wait3A_673 = tpu.memref_slice %arg18[%dma_wait3A_671, %dma_wait3A_672] : memref<96x128xf32, #tpu.memory_space<vmem>> -> memref<64x128xf32, #tpu.memory_space<vmem>>
      %dma_wait3A_674 = arith.constant 0 : i32
      %dma_wait3A_675 = tpu.memref_slice %arg11[%add3A_350, %dma_wait3A_674] : memref<10240x128xf32, #tpu.memory_space<vmem_shared>> -> memref<64x128xf32, #tpu.memory_space<vmem_shared>>
      tpu.wait_dma2 semaphore(%run_scoped3A : memref<!tpu.dma_semaphore, #tpu.memory_space<semaphore_mem>>) src(%dma_wait3A_675 : memref<64x128xf32, #tpu.memory_space<vmem_shared>>) dst(%dma_wait3A_673 : memref<64x128xf32, #tpu.memory_space<vmem>>)
      tpu.yield
    }) : () -> ()
    %dma_start3A_351 = arith.constant 0 : i32
    %dma_start3A_352 = arith.constant 0 : i32
    %dma_start3A_353 = tpu.memref_slice %arg18[%dma_start3A_351, %dma_start3A_352] : memref<96x128xf32, #tpu.memory_space<vmem>> -> memref<64x128xf32, #tpu.memory_space<vmem>>
    %dma_start3A_354 = arith.constant 0 : i32
    %dma_start3A_355 = tpu.memref_slice %arg8[%arg0, %add3A_330, %dma_start3A_354] : memref<2x10240x128xf32, #tpu.memory_space<hbm>> -> memref<1x64x128xf32, #tpu.memory_space<hbm>>
    %dma_start3A_356 = tpu.memref_squeeze %dma_start3A_355 : memref<1x64x128xf32, #tpu.memory_space<hbm>> -> memref<64x128xf32, #tpu.memory_space<hbm>>
    %dma_start3A_357 = arith.constant 0 : i32
    %dma_start3A_358 = tpu.memref_slice %arg8[%arg0, %add3A_330, %dma_start3A_357] : memref<2x10240x128xf32, #tpu.memory_space<hbm>> -> memref<1x64x128xf32, #tpu.memory_space<hbm>>
    %dma_start3A_359 = tpu.memref_squeeze %dma_start3A_358 : memref<1x64x128xf32, #tpu.memory_space<hbm>> -> memref<64x128xf32, #tpu.memory_space<hbm>>
    %dma_start3A_360 = arith.constant 0 : i32
    %dma_start3A_361 = arith.constant 0 : i32
    %dma_start3A_362 = tpu.memref_slice %arg18[%dma_start3A_360, %dma_start3A_361] : memref<96x128xf32, #tpu.memory_space<vmem>> -> memref<64x128xf32, #tpu.memory_space<vmem>>
    tpu.enqueue_dma source(%dma_start3A_362 : memref<64x128xf32, #tpu.memory_space<vmem>>) target(%dma_start3A_359 : memref<64x128xf32, #tpu.memory_space<hbm>>) target_semaphore(%arg22 : memref<!tpu.dma_semaphore, #tpu.memory_space<semaphore_mem>>)
    %mul3A_363 = arith.constant 640 : i32
    %mul3A_364 = arith.muli %arg1, %mul3A_363 : i32
    %add3A_365 = arith.constant 192 : i32
    %add3A_366 = arith.addi %mul3A_364, %add3A_365 : i32
    %mul3A_367 = arith.constant 640 : i32
    %mul3A_368 = arith.muli %arg1, %mul3A_367 : i32
    %add3A_369 = arith.constant 64 : i32
    %add3A_370 = arith.addi %mul3A_368, %add3A_369 : i32
    %dma_wait3A_371 = arith.constant 0 : i32
    %dma_wait3A_372 = arith.constant 0 : i32
    %dma_wait3A_373 = tpu.memref_slice %arg16[%dma_wait3A_371, %dma_wait3A_372] : memref<96x128xf32, #tpu.memory_space<vmem>> -> memref<64x128xf32, #tpu.memory_space<vmem>>
    %dma_wait3A_374 = arith.constant 0 : i32
    %dma_wait3A_375 = tpu.memref_slice %arg8[%arg0, %add3A_370, %dma_wait3A_374] : memref<2x10240x128xf32, #tpu.memory_space<hbm>> -> memref<1x64x128xf32, #tpu.memory_space<hbm>>
    %dma_wait3A_376 = tpu.memref_squeeze %dma_wait3A_375 : memref<1x64x128xf32, #tpu.memory_space<hbm>> -> memref<64x128xf32, #tpu.memory_space<hbm>>
    %dma_wait3A_377 = arith.constant 0 : i32
    %dma_wait3A_378 = tpu.memref_slice %arg8[%arg0, %add3A_370, %dma_wait3A_377] : memref<2x10240x128xf32, #tpu.memory_space<hbm>> -> memref<1x64x128xf32, #tpu.memory_space<hbm>>
    %dma_wait3A_379 = tpu.memref_squeeze %dma_wait3A_378 : memref<1x64x128xf32, #tpu.memory_space<hbm>> -> memref<64x128xf32, #tpu.memory_space<hbm>>
    %dma_wait3A_380 = arith.constant 0 : i32
    %dma_wait3A_381 = arith.constant 0 : i32
    %dma_wait3A_382 = tpu.memref_slice %arg16[%dma_wait3A_380, %dma_wait3A_381] : memref<96x128xf32, #tpu.memory_space<vmem>> -> memref<64x128xf32, #tpu.memory_space<vmem>>
    tpu.wait_dma2 semaphore(%arg23 : memref<!tpu.dma_semaphore, #tpu.memory_space<semaphore_mem>>) src(%dma_wait3A_382 : memref<64x128xf32, #tpu.memory_space<vmem>>) dst(%dma_wait3A_379 : memref<64x128xf32, #tpu.memory_space<hbm>>)
    %mul3A_383 = arith.constant 640 : i32
    %mul3A_384 = arith.muli %arg1, %mul3A_383 : i32
    %add3A_385 = arith.constant 192 : i32
    %add3A_386 = arith.addi %mul3A_384, %add3A_385 : i32
    "tpu.region"() ({
      %run_scoped3A = tpu.sem_alloc : memref<!tpu.dma_semaphore, #tpu.memory_space<semaphore_mem>>
      %dma_start3A_656 = arith.constant 0 : i32
      %dma_start3A_657 = arith.constant 0 : i32
      %dma_start3A_658 = tpu.memref_slice %arg16[%dma_start3A_656, %dma_start3A_657] : memref<96x128xf32, #tpu.memory_space<vmem>> -> memref<64x128xf32, #tpu.memory_space<vmem>>
      %dma_start3A_659 = arith.constant 0 : i32
      %dma_start3A_660 = tpu.memref_slice %arg11[%add3A_386, %dma_start3A_659] : memref<10240x128xf32, #tpu.memory_space<vmem_shared>> -> memref<64x128xf32, #tpu.memory_space<vmem_shared>>
      %dma_start3A_661 = arith.constant 0 : i32
      %dma_start3A_662 = arith.constant 0 : i32
      %dma_start3A_663 = tpu.memref_slice %arg16[%dma_start3A_661, %dma_start3A_662] : memref<96x128xf32, #tpu.memory_space<vmem>> -> memref<64x128xf32, #tpu.memory_space<vmem>>
      %dma_start3A_664 = arith.constant 0 : i32
      %dma_start3A_665 = tpu.memref_slice %arg11[%add3A_386, %dma_start3A_664] : memref<10240x128xf32, #tpu.memory_space<vmem_shared>> -> memref<64x128xf32, #tpu.memory_space<vmem_shared>>
      tpu.enqueue_dma source(%dma_start3A_665 : memref<64x128xf32, #tpu.memory_space<vmem_shared>>) target(%dma_start3A_663 : memref<64x128xf32, #tpu.memory_space<vmem>>) target_semaphore(%run_scoped3A : memref<!tpu.dma_semaphore, #tpu.memory_space<semaphore_mem>>)
      %dma_wait3A_666 = arith.constant 0 : i32
      %dma_wait3A_667 = arith.constant 0 : i32
      %dma_wait3A_668 = tpu.memref_slice %arg16[%dma_wait3A_666, %dma_wait3A_667] : memref<96x128xf32, #tpu.memory_space<vmem>> -> memref<64x128xf32, #tpu.memory_space<vmem>>
      %dma_wait3A_669 = arith.constant 0 : i32
      %dma_wait3A_670 = tpu.memref_slice %arg11[%add3A_386, %dma_wait3A_669] : memref<10240x128xf32, #tpu.memory_space<vmem_shared>> -> memref<64x128xf32, #tpu.memory_space<vmem_shared>>
      %dma_wait3A_671 = arith.constant 0 : i32
      %dma_wait3A_672 = arith.constant 0 : i32
      %dma_wait3A_673 = tpu.memref_slice %arg16[%dma_wait3A_671, %dma_wait3A_672] : memref<96x128xf32, #tpu.memory_space<vmem>> -> memref<64x128xf32, #tpu.memory_space<vmem>>
      %dma_wait3A_674 = arith.constant 0 : i32
      %dma_wait3A_675 = tpu.memref_slice %arg11[%add3A_386, %dma_wait3A_674] : memref<10240x128xf32, #tpu.memory_space<vmem_shared>> -> memref<64x128xf32, #tpu.memory_space<vmem_shared>>
      tpu.wait_dma2 semaphore(%run_scoped3A : memref<!tpu.dma_semaphore, #tpu.memory_space<semaphore_mem>>) src(%dma_wait3A_675 : memref<64x128xf32, #tpu.memory_space<vmem_shared>>) dst(%dma_wait3A_673 : memref<64x128xf32, #tpu.memory_space<vmem>>)
      tpu.yield
    }) : () -> ()
    %dma_start3A_387 = arith.constant 0 : i32
    %dma_start3A_388 = arith.constant 0 : i32
    %dma_start3A_389 = tpu.memref_slice %arg16[%dma_start3A_387, %dma_start3A_388] : memref<96x128xf32, #tpu.memory_space<vmem>> -> memref<64x128xf32, #tpu.memory_space<vmem>>
    %dma_start3A_390 = arith.constant 0 : i32
    %dma_start3A_391 = tpu.memref_slice %arg8[%arg0, %add3A_366, %dma_start3A_390] : memref<2x10240x128xf32, #tpu.memory_space<hbm>> -> memref<1x64x128xf32, #tpu.memory_space<hbm>>
    %dma_start3A_392 = tpu.memref_squeeze %dma_start3A_391 : memref<1x64x128xf32, #tpu.memory_space<hbm>> -> memref<64x128xf32, #tpu.memory_space<hbm>>
    %dma_start3A_393 = arith.constant 0 : i32
    %dma_start3A_394 = tpu.memref_slice %arg8[%arg0, %add3A_366, %dma_start3A_393] : memref<2x10240x128xf32, #tpu.memory_space<hbm>> -> memref<1x64x128xf32, #tpu.memory_space<hbm>>
    %dma_start3A_395 = tpu.memref_squeeze %dma_start3A_394 : memref<1x64x128xf32, #tpu.memory_space<hbm>> -> memref<64x128xf32, #tpu.memory_space<hbm>>
    %dma_start3A_396 = arith.constant 0 : i32
    %dma_start3A_397 = arith.constant 0 : i32
    %dma_start3A_398 = tpu.memref_slice %arg16[%dma_start3A_396, %dma_start3A_397] : memref<96x128xf32, #tpu.memory_space<vmem>> -> memref<64x128xf32, #tpu.memory_space<vmem>>
    tpu.enqueue_dma source(%dma_start3A_398 : memref<64x128xf32, #tpu.memory_space<vmem>>) target(%dma_start3A_395 : memref<64x128xf32, #tpu.memory_space<hbm>>) target_semaphore(%arg23 : memref<!tpu.dma_semaphore, #tpu.memory_space<semaphore_mem>>)
    %mul3A_399 = arith.constant 640 : i32
    %mul3A_400 = arith.muli %arg1, %mul3A_399 : i32
    %add3A_401 = arith.constant 256 : i32
    %add3A_402 = arith.addi %mul3A_400, %add3A_401 : i32
    %mul3A_403 = arith.constant 640 : i32
    %mul3A_404 = arith.muli %arg1, %mul3A_403 : i32
    %add3A_405 = arith.constant 128 : i32
    %add3A_406 = arith.addi %mul3A_404, %add3A_405 : i32
    %dma_wait3A_407 = arith.constant 0 : i32
    %dma_wait3A_408 = arith.constant 0 : i32
    %dma_wait3A_409 = tpu.memref_slice %arg18[%dma_wait3A_407, %dma_wait3A_408] : memref<96x128xf32, #tpu.memory_space<vmem>> -> memref<64x128xf32, #tpu.memory_space<vmem>>
    %dma_wait3A_410 = arith.constant 0 : i32
    %dma_wait3A_411 = tpu.memref_slice %arg8[%arg0, %add3A_406, %dma_wait3A_410] : memref<2x10240x128xf32, #tpu.memory_space<hbm>> -> memref<1x64x128xf32, #tpu.memory_space<hbm>>
    %dma_wait3A_412 = tpu.memref_squeeze %dma_wait3A_411 : memref<1x64x128xf32, #tpu.memory_space<hbm>> -> memref<64x128xf32, #tpu.memory_space<hbm>>
    %dma_wait3A_413 = arith.constant 0 : i32
    %dma_wait3A_414 = tpu.memref_slice %arg8[%arg0, %add3A_406, %dma_wait3A_413] : memref<2x10240x128xf32, #tpu.memory_space<hbm>> -> memref<1x64x128xf32, #tpu.memory_space<hbm>>
    %dma_wait3A_415 = tpu.memref_squeeze %dma_wait3A_414 : memref<1x64x128xf32, #tpu.memory_space<hbm>> -> memref<64x128xf32, #tpu.memory_space<hbm>>
    %dma_wait3A_416 = arith.constant 0 : i32
    %dma_wait3A_417 = arith.constant 0 : i32
    %dma_wait3A_418 = tpu.memref_slice %arg18[%dma_wait3A_416, %dma_wait3A_417] : memref<96x128xf32, #tpu.memory_space<vmem>> -> memref<64x128xf32, #tpu.memory_space<vmem>>
    tpu.wait_dma2 semaphore(%arg22 : memref<!tpu.dma_semaphore, #tpu.memory_space<semaphore_mem>>) src(%dma_wait3A_418 : memref<64x128xf32, #tpu.memory_space<vmem>>) dst(%dma_wait3A_415 : memref<64x128xf32, #tpu.memory_space<hbm>>)
    %mul3A_419 = arith.constant 640 : i32
    %mul3A_420 = arith.muli %arg1, %mul3A_419 : i32
    %add3A_421 = arith.constant 256 : i32
    %add3A_422 = arith.addi %mul3A_420, %add3A_421 : i32
    "tpu.region"() ({
      %run_scoped3A = tpu.sem_alloc : memref<!tpu.dma_semaphore, #tpu.memory_space<semaphore_mem>>
      %dma_start3A_656 = arith.constant 0 : i32
      %dma_start3A_657 = arith.constant 0 : i32
      %dma_start3A_658 = tpu.memref_slice %arg18[%dma_start3A_656, %dma_start3A_657] : memref<96x128xf32, #tpu.memory_space<vmem>> -> memref<64x128xf32, #tpu.memory_space<vmem>>
      %dma_start3A_659 = arith.constant 0 : i32
      %dma_start3A_660 = tpu.memref_slice %arg11[%add3A_422, %dma_start3A_659] : memref<10240x128xf32, #tpu.memory_space<vmem_shared>> -> memref<64x128xf32, #tpu.memory_space<vmem_shared>>
      %dma_start3A_661 = arith.constant 0 : i32
      %dma_start3A_662 = arith.constant 0 : i32
      %dma_start3A_663 = tpu.memref_slice %arg18[%dma_start3A_661, %dma_start3A_662] : memref<96x128xf32, #tpu.memory_space<vmem>> -> memref<64x128xf32, #tpu.memory_space<vmem>>
      %dma_start3A_664 = arith.constant 0 : i32
      %dma_start3A_665 = tpu.memref_slice %arg11[%add3A_422, %dma_start3A_664] : memref<10240x128xf32, #tpu.memory_space<vmem_shared>> -> memref<64x128xf32, #tpu.memory_space<vmem_shared>>
      tpu.enqueue_dma source(%dma_start3A_665 : memref<64x128xf32, #tpu.memory_space<vmem_shared>>) target(%dma_start3A_663 : memref<64x128xf32, #tpu.memory_space<vmem>>) target_semaphore(%run_scoped3A : memref<!tpu.dma_semaphore, #tpu.memory_space<semaphore_mem>>)
      %dma_wait3A_666 = arith.constant 0 : i32
      %dma_wait3A_667 = arith.constant 0 : i32
      %dma_wait3A_668 = tpu.memref_slice %arg18[%dma_wait3A_666, %dma_wait3A_667] : memref<96x128xf32, #tpu.memory_space<vmem>> -> memref<64x128xf32, #tpu.memory_space<vmem>>
      %dma_wait3A_669 = arith.constant 0 : i32
      %dma_wait3A_670 = tpu.memref_slice %arg11[%add3A_422, %dma_wait3A_669] : memref<10240x128xf32, #tpu.memory_space<vmem_shared>> -> memref<64x128xf32, #tpu.memory_space<vmem_shared>>
      %dma_wait3A_671 = arith.constant 0 : i32
      %dma_wait3A_672 = arith.constant 0 : i32
      %dma_wait3A_673 = tpu.memref_slice %arg18[%dma_wait3A_671, %dma_wait3A_672] : memref<96x128xf32, #tpu.memory_space<vmem>> -> memref<64x128xf32, #tpu.memory_space<vmem>>
      %dma_wait3A_674 = arith.constant 0 : i32
      %dma_wait3A_675 = tpu.memref_slice %arg11[%add3A_422, %dma_wait3A_674] : memref<10240x128xf32, #tpu.memory_space<vmem_shared>> -> memref<64x128xf32, #tpu.memory_space<vmem_shared>>
      tpu.wait_dma2 semaphore(%run_scoped3A : memref<!tpu.dma_semaphore, #tpu.memory_space<semaphore_mem>>) src(%dma_wait3A_675 : memref<64x128xf32, #tpu.memory_space<vmem_shared>>) dst(%dma_wait3A_673 : memref<64x128xf32, #tpu.memory_space<vmem>>)
      tpu.yield
    }) : () -> ()
    %dma_start3A_423 = arith.constant 0 : i32
    %dma_start3A_424 = arith.constant 0 : i32
    %dma_start3A_425 = tpu.memref_slice %arg18[%dma_start3A_423, %dma_start3A_424] : memref<96x128xf32, #tpu.memory_space<vmem>> -> memref<64x128xf32, #tpu.memory_space<vmem>>
    %dma_start3A_426 = arith.constant 0 : i32
    %dma_start3A_427 = tpu.memref_slice %arg8[%arg0, %add3A_402, %dma_start3A_426] : memref<2x10240x128xf32, #tpu.memory_space<hbm>> -> memref<1x64x128xf32, #tpu.memory_space<hbm>>
    %dma_start3A_428 = tpu.memref_squeeze %dma_start3A_427 : memref<1x64x128xf32, #tpu.memory_space<hbm>> -> memref<64x128xf32, #tpu.memory_space<hbm>>
    %dma_start3A_429 = arith.constant 0 : i32
    %dma_start3A_430 = tpu.memref_slice %arg8[%arg0, %add3A_402, %dma_start3A_429] : memref<2x10240x128xf32, #tpu.memory_space<hbm>> -> memref<1x64x128xf32, #tpu.memory_space<hbm>>
    %dma_start3A_431 = tpu.memref_squeeze %dma_start3A_430 : memref<1x64x128xf32, #tpu.memory_space<hbm>> -> memref<64x128xf32, #tpu.memory_space<hbm>>
    %dma_start3A_432 = arith.constant 0 : i32
    %dma_start3A_433 = arith.constant 0 : i32
    %dma_start3A_434 = tpu.memref_slice %arg18[%dma_start3A_432, %dma_start3A_433] : memref<96x128xf32, #tpu.memory_space<vmem>> -> memref<64x128xf32, #tpu.memory_space<vmem>>
    tpu.enqueue_dma source(%dma_start3A_434 : memref<64x128xf32, #tpu.memory_space<vmem>>) target(%dma_start3A_431 : memref<64x128xf32, #tpu.memory_space<hbm>>) target_semaphore(%arg22 : memref<!tpu.dma_semaphore, #tpu.memory_space<semaphore_mem>>)
    %mul3A_435 = arith.constant 640 : i32
    %mul3A_436 = arith.muli %arg1, %mul3A_435 : i32
    %add3A_437 = arith.constant 320 : i32
    %add3A_438 = arith.addi %mul3A_436, %add3A_437 : i32
    %mul3A_439 = arith.constant 640 : i32
    %mul3A_440 = arith.muli %arg1, %mul3A_439 : i32
    %add3A_441 = arith.constant 192 : i32
    %add3A_442 = arith.addi %mul3A_440, %add3A_441 : i32
    %dma_wait3A_443 = arith.constant 0 : i32
    %dma_wait3A_444 = arith.constant 0 : i32
    %dma_wait3A_445 = tpu.memref_slice %arg16[%dma_wait3A_443, %dma_wait3A_444] : memref<96x128xf32, #tpu.memory_space<vmem>> -> memref<64x128xf32, #tpu.memory_space<vmem>>
    %dma_wait3A_446 = arith.constant 0 : i32
    %dma_wait3A_447 = tpu.memref_slice %arg8[%arg0, %add3A_442, %dma_wait3A_446] : memref<2x10240x128xf32, #tpu.memory_space<hbm>> -> memref<1x64x128xf32, #tpu.memory_space<hbm>>
    %dma_wait3A_448 = tpu.memref_squeeze %dma_wait3A_447 : memref<1x64x128xf32, #tpu.memory_space<hbm>> -> memref<64x128xf32, #tpu.memory_space<hbm>>
    %dma_wait3A_449 = arith.constant 0 : i32
    %dma_wait3A_450 = tpu.memref_slice %arg8[%arg0, %add3A_442, %dma_wait3A_449] : memref<2x10240x128xf32, #tpu.memory_space<hbm>> -> memref<1x64x128xf32, #tpu.memory_space<hbm>>
    %dma_wait3A_451 = tpu.memref_squeeze %dma_wait3A_450 : memref<1x64x128xf32, #tpu.memory_space<hbm>> -> memref<64x128xf32, #tpu.memory_space<hbm>>
    %dma_wait3A_452 = arith.constant 0 : i32
    %dma_wait3A_453 = arith.constant 0 : i32
    %dma_wait3A_454 = tpu.memref_slice %arg16[%dma_wait3A_452, %dma_wait3A_453] : memref<96x128xf32, #tpu.memory_space<vmem>> -> memref<64x128xf32, #tpu.memory_space<vmem>>
    tpu.wait_dma2 semaphore(%arg23 : memref<!tpu.dma_semaphore, #tpu.memory_space<semaphore_mem>>) src(%dma_wait3A_454 : memref<64x128xf32, #tpu.memory_space<vmem>>) dst(%dma_wait3A_451 : memref<64x128xf32, #tpu.memory_space<hbm>>)
    %mul3A_455 = arith.constant 640 : i32
    %mul3A_456 = arith.muli %arg1, %mul3A_455 : i32
    %add3A_457 = arith.constant 320 : i32
    %add3A_458 = arith.addi %mul3A_456, %add3A_457 : i32
    "tpu.region"() ({
      %run_scoped3A = tpu.sem_alloc : memref<!tpu.dma_semaphore, #tpu.memory_space<semaphore_mem>>
      %dma_start3A_656 = arith.constant 0 : i32
      %dma_start3A_657 = arith.constant 0 : i32
      %dma_start3A_658 = tpu.memref_slice %arg16[%dma_start3A_656, %dma_start3A_657] : memref<96x128xf32, #tpu.memory_space<vmem>> -> memref<64x128xf32, #tpu.memory_space<vmem>>
      %dma_start3A_659 = arith.constant 0 : i32
      %dma_start3A_660 = tpu.memref_slice %arg11[%add3A_458, %dma_start3A_659] : memref<10240x128xf32, #tpu.memory_space<vmem_shared>> -> memref<64x128xf32, #tpu.memory_space<vmem_shared>>
      %dma_start3A_661 = arith.constant 0 : i32
      %dma_start3A_662 = arith.constant 0 : i32
      %dma_start3A_663 = tpu.memref_slice %arg16[%dma_start3A_661, %dma_start3A_662] : memref<96x128xf32, #tpu.memory_space<vmem>> -> memref<64x128xf32, #tpu.memory_space<vmem>>
      %dma_start3A_664 = arith.constant 0 : i32
      %dma_start3A_665 = tpu.memref_slice %arg11[%add3A_458, %dma_start3A_664] : memref<10240x128xf32, #tpu.memory_space<vmem_shared>> -> memref<64x128xf32, #tpu.memory_space<vmem_shared>>
      tpu.enqueue_dma source(%dma_start3A_665 : memref<64x128xf32, #tpu.memory_space<vmem_shared>>) target(%dma_start3A_663 : memref<64x128xf32, #tpu.memory_space<vmem>>) target_semaphore(%run_scoped3A : memref<!tpu.dma_semaphore, #tpu.memory_space<semaphore_mem>>)
      %dma_wait3A_666 = arith.constant 0 : i32
      %dma_wait3A_667 = arith.constant 0 : i32
      %dma_wait3A_668 = tpu.memref_slice %arg16[%dma_wait3A_666, %dma_wait3A_667] : memref<96x128xf32, #tpu.memory_space<vmem>> -> memref<64x128xf32, #tpu.memory_space<vmem>>
      %dma_wait3A_669 = arith.constant 0 : i32
      %dma_wait3A_670 = tpu.memref_slice %arg11[%add3A_458, %dma_wait3A_669] : memref<10240x128xf32, #tpu.memory_space<vmem_shared>> -> memref<64x128xf32, #tpu.memory_space<vmem_shared>>
      %dma_wait3A_671 = arith.constant 0 : i32
      %dma_wait3A_672 = arith.constant 0 : i32
      %dma_wait3A_673 = tpu.memref_slice %arg16[%dma_wait3A_671, %dma_wait3A_672] : memref<96x128xf32, #tpu.memory_space<vmem>> -> memref<64x128xf32, #tpu.memory_space<vmem>>
      %dma_wait3A_674 = arith.constant 0 : i32
      %dma_wait3A_675 = tpu.memref_slice %arg11[%add3A_458, %dma_wait3A_674] : memref<10240x128xf32, #tpu.memory_space<vmem_shared>> -> memref<64x128xf32, #tpu.memory_space<vmem_shared>>
      tpu.wait_dma2 semaphore(%run_scoped3A : memref<!tpu.dma_semaphore, #tpu.memory_space<semaphore_mem>>) src(%dma_wait3A_675 : memref<64x128xf32, #tpu.memory_space<vmem_shared>>) dst(%dma_wait3A_673 : memref<64x128xf32, #tpu.memory_space<vmem>>)
      tpu.yield
    }) : () -> ()
    %dma_start3A_459 = arith.constant 0 : i32
    %dma_start3A_460 = arith.constant 0 : i32
    %dma_start3A_461 = tpu.memref_slice %arg16[%dma_start3A_459, %dma_start3A_460] : memref<96x128xf32, #tpu.memory_space<vmem>> -> memref<64x128xf32, #tpu.memory_space<vmem>>
    %dma_start3A_462 = arith.constant 0 : i32
    %dma_start3A_463 = tpu.memref_slice %arg8[%arg0, %add3A_438, %dma_start3A_462] : memref<2x10240x128xf32, #tpu.memory_space<hbm>> -> memref<1x64x128xf32, #tpu.memory_space<hbm>>
    %dma_start3A_464 = tpu.memref_squeeze %dma_start3A_463 : memref<1x64x128xf32, #tpu.memory_space<hbm>> -> memref<64x128xf32, #tpu.memory_space<hbm>>
    %dma_start3A_465 = arith.constant 0 : i32
    %dma_start3A_466 = tpu.memref_slice %arg8[%arg0, %add3A_438, %dma_start3A_465] : memref<2x10240x128xf32, #tpu.memory_space<hbm>> -> memref<1x64x128xf32, #tpu.memory_space<hbm>>
    %dma_start3A_467 = tpu.memref_squeeze %dma_start3A_466 : memref<1x64x128xf32, #tpu.memory_space<hbm>> -> memref<64x128xf32, #tpu.memory_space<hbm>>
    %dma_start3A_468 = arith.constant 0 : i32
    %dma_start3A_469 = arith.constant 0 : i32
    %dma_start3A_470 = tpu.memref_slice %arg16[%dma_start3A_468, %dma_start3A_469] : memref<96x128xf32, #tpu.memory_space<vmem>> -> memref<64x128xf32, #tpu.memory_space<vmem>>
    tpu.enqueue_dma source(%dma_start3A_470 : memref<64x128xf32, #tpu.memory_space<vmem>>) target(%dma_start3A_467 : memref<64x128xf32, #tpu.memory_space<hbm>>) target_semaphore(%arg23 : memref<!tpu.dma_semaphore, #tpu.memory_space<semaphore_mem>>)
    %mul3A_471 = arith.constant 640 : i32
    %mul3A_472 = arith.muli %arg1, %mul3A_471 : i32
    %add3A_473 = arith.constant 384 : i32
    %add3A_474 = arith.addi %mul3A_472, %add3A_473 : i32
    %mul3A_475 = arith.constant 640 : i32
    %mul3A_476 = arith.muli %arg1, %mul3A_475 : i32
    %add3A_477 = arith.constant 256 : i32
    %add3A_478 = arith.addi %mul3A_476, %add3A_477 : i32
    %dma_wait3A_479 = arith.constant 0 : i32
    %dma_wait3A_480 = arith.constant 0 : i32
    %dma_wait3A_481 = tpu.memref_slice %arg18[%dma_wait3A_479, %dma_wait3A_480] : memref<96x128xf32, #tpu.memory_space<vmem>> -> memref<64x128xf32, #tpu.memory_space<vmem>>
    %dma_wait3A_482 = arith.constant 0 : i32
    %dma_wait3A_483 = tpu.memref_slice %arg8[%arg0, %add3A_478, %dma_wait3A_482] : memref<2x10240x128xf32, #tpu.memory_space<hbm>> -> memref<1x64x128xf32, #tpu.memory_space<hbm>>
    %dma_wait3A_484 = tpu.memref_squeeze %dma_wait3A_483 : memref<1x64x128xf32, #tpu.memory_space<hbm>> -> memref<64x128xf32, #tpu.memory_space<hbm>>
    %dma_wait3A_485 = arith.constant 0 : i32
    %dma_wait3A_486 = tpu.memref_slice %arg8[%arg0, %add3A_478, %dma_wait3A_485] : memref<2x10240x128xf32, #tpu.memory_space<hbm>> -> memref<1x64x128xf32, #tpu.memory_space<hbm>>
    %dma_wait3A_487 = tpu.memref_squeeze %dma_wait3A_486 : memref<1x64x128xf32, #tpu.memory_space<hbm>> -> memref<64x128xf32, #tpu.memory_space<hbm>>
    %dma_wait3A_488 = arith.constant 0 : i32
    %dma_wait3A_489 = arith.constant 0 : i32
    %dma_wait3A_490 = tpu.memref_slice %arg18[%dma_wait3A_488, %dma_wait3A_489] : memref<96x128xf32, #tpu.memory_space<vmem>> -> memref<64x128xf32, #tpu.memory_space<vmem>>
    tpu.wait_dma2 semaphore(%arg22 : memref<!tpu.dma_semaphore, #tpu.memory_space<semaphore_mem>>) src(%dma_wait3A_490 : memref<64x128xf32, #tpu.memory_space<vmem>>) dst(%dma_wait3A_487 : memref<64x128xf32, #tpu.memory_space<hbm>>)
    %mul3A_491 = arith.constant 640 : i32
    %mul3A_492 = arith.muli %arg1, %mul3A_491 : i32
    %add3A_493 = arith.constant 384 : i32
    %add3A_494 = arith.addi %mul3A_492, %add3A_493 : i32
    "tpu.region"() ({
      %run_scoped3A = tpu.sem_alloc : memref<!tpu.dma_semaphore, #tpu.memory_space<semaphore_mem>>
      %dma_start3A_656 = arith.constant 0 : i32
      %dma_start3A_657 = arith.constant 0 : i32
      %dma_start3A_658 = tpu.memref_slice %arg18[%dma_start3A_656, %dma_start3A_657] : memref<96x128xf32, #tpu.memory_space<vmem>> -> memref<64x128xf32, #tpu.memory_space<vmem>>
      %dma_start3A_659 = arith.constant 0 : i32
      %dma_start3A_660 = tpu.memref_slice %arg11[%add3A_494, %dma_start3A_659] : memref<10240x128xf32, #tpu.memory_space<vmem_shared>> -> memref<64x128xf32, #tpu.memory_space<vmem_shared>>
      %dma_start3A_661 = arith.constant 0 : i32
      %dma_start3A_662 = arith.constant 0 : i32
      %dma_start3A_663 = tpu.memref_slice %arg18[%dma_start3A_661, %dma_start3A_662] : memref<96x128xf32, #tpu.memory_space<vmem>> -> memref<64x128xf32, #tpu.memory_space<vmem>>
      %dma_start3A_664 = arith.constant 0 : i32
      %dma_start3A_665 = tpu.memref_slice %arg11[%add3A_494, %dma_start3A_664] : memref<10240x128xf32, #tpu.memory_space<vmem_shared>> -> memref<64x128xf32, #tpu.memory_space<vmem_shared>>
      tpu.enqueue_dma source(%dma_start3A_665 : memref<64x128xf32, #tpu.memory_space<vmem_shared>>) target(%dma_start3A_663 : memref<64x128xf32, #tpu.memory_space<vmem>>) target_semaphore(%run_scoped3A : memref<!tpu.dma_semaphore, #tpu.memory_space<semaphore_mem>>)
      %dma_wait3A_666 = arith.constant 0 : i32
      %dma_wait3A_667 = arith.constant 0 : i32
      %dma_wait3A_668 = tpu.memref_slice %arg18[%dma_wait3A_666, %dma_wait3A_667] : memref<96x128xf32, #tpu.memory_space<vmem>> -> memref<64x128xf32, #tpu.memory_space<vmem>>
      %dma_wait3A_669 = arith.constant 0 : i32
      %dma_wait3A_670 = tpu.memref_slice %arg11[%add3A_494, %dma_wait3A_669] : memref<10240x128xf32, #tpu.memory_space<vmem_shared>> -> memref<64x128xf32, #tpu.memory_space<vmem_shared>>
      %dma_wait3A_671 = arith.constant 0 : i32
      %dma_wait3A_672 = arith.constant 0 : i32
      %dma_wait3A_673 = tpu.memref_slice %arg18[%dma_wait3A_671, %dma_wait3A_672] : memref<96x128xf32, #tpu.memory_space<vmem>> -> memref<64x128xf32, #tpu.memory_space<vmem>>
      %dma_wait3A_674 = arith.constant 0 : i32
      %dma_wait3A_675 = tpu.memref_slice %arg11[%add3A_494, %dma_wait3A_674] : memref<10240x128xf32, #tpu.memory_space<vmem_shared>> -> memref<64x128xf32, #tpu.memory_space<vmem_shared>>
      tpu.wait_dma2 semaphore(%run_scoped3A : memref<!tpu.dma_semaphore, #tpu.memory_space<semaphore_mem>>) src(%dma_wait3A_675 : memref<64x128xf32, #tpu.memory_space<vmem_shared>>) dst(%dma_wait3A_673 : memref<64x128xf32, #tpu.memory_space<vmem>>)
      tpu.yield
    }) : () -> ()
    %dma_start3A_495 = arith.constant 0 : i32
    %dma_start3A_496 = arith.constant 0 : i32
    %dma_start3A_497 = tpu.memref_slice %arg18[%dma_start3A_495, %dma_start3A_496] : memref<96x128xf32, #tpu.memory_space<vmem>> -> memref<64x128xf32, #tpu.memory_space<vmem>>
    %dma_start3A_498 = arith.constant 0 : i32
    %dma_start3A_499 = tpu.memref_slice %arg8[%arg0, %add3A_474, %dma_start3A_498] : memref<2x10240x128xf32, #tpu.memory_space<hbm>> -> memref<1x64x128xf32, #tpu.memory_space<hbm>>
    %dma_start3A_500 = tpu.memref_squeeze %dma_start3A_499 : memref<1x64x128xf32, #tpu.memory_space<hbm>> -> memref<64x128xf32, #tpu.memory_space<hbm>>
    %dma_start3A_501 = arith.constant 0 : i32
    %dma_start3A_502 = tpu.memref_slice %arg8[%arg0, %add3A_474, %dma_start3A_501] : memref<2x10240x128xf32, #tpu.memory_space<hbm>> -> memref<1x64x128xf32, #tpu.memory_space<hbm>>
    %dma_start3A_503 = tpu.memref_squeeze %dma_start3A_502 : memref<1x64x128xf32, #tpu.memory_space<hbm>> -> memref<64x128xf32, #tpu.memory_space<hbm>>
    %dma_start3A_504 = arith.constant 0 : i32
    %dma_start3A_505 = arith.constant 0 : i32
    %dma_start3A_506 = tpu.memref_slice %arg18[%dma_start3A_504, %dma_start3A_505] : memref<96x128xf32, #tpu.memory_space<vmem>> -> memref<64x128xf32, #tpu.memory_space<vmem>>
    tpu.enqueue_dma source(%dma_start3A_506 : memref<64x128xf32, #tpu.memory_space<vmem>>) target(%dma_start3A_503 : memref<64x128xf32, #tpu.memory_space<hbm>>) target_semaphore(%arg22 : memref<!tpu.dma_semaphore, #tpu.memory_space<semaphore_mem>>)
    %mul3A_507 = arith.constant 640 : i32
    %mul3A_508 = arith.muli %arg1, %mul3A_507 : i32
    %add3A_509 = arith.constant 448 : i32
    %add3A_510 = arith.addi %mul3A_508, %add3A_509 : i32
    %mul3A_511 = arith.constant 640 : i32
    %mul3A_512 = arith.muli %arg1, %mul3A_511 : i32
    %add3A_513 = arith.constant 320 : i32
    %add3A_514 = arith.addi %mul3A_512, %add3A_513 : i32
    %dma_wait3A_515 = arith.constant 0 : i32
    %dma_wait3A_516 = arith.constant 0 : i32
    %dma_wait3A_517 = tpu.memref_slice %arg16[%dma_wait3A_515, %dma_wait3A_516] : memref<96x128xf32, #tpu.memory_space<vmem>> -> memref<64x128xf32, #tpu.memory_space<vmem>>
    %dma_wait3A_518 = arith.constant 0 : i32
    %dma_wait3A_519 = tpu.memref_slice %arg8[%arg0, %add3A_514, %dma_wait3A_518] : memref<2x10240x128xf32, #tpu.memory_space<hbm>> -> memref<1x64x128xf32, #tpu.memory_space<hbm>>
    %dma_wait3A_520 = tpu.memref_squeeze %dma_wait3A_519 : memref<1x64x128xf32, #tpu.memory_space<hbm>> -> memref<64x128xf32, #tpu.memory_space<hbm>>
    %dma_wait3A_521 = arith.constant 0 : i32
    %dma_wait3A_522 = tpu.memref_slice %arg8[%arg0, %add3A_514, %dma_wait3A_521] : memref<2x10240x128xf32, #tpu.memory_space<hbm>> -> memref<1x64x128xf32, #tpu.memory_space<hbm>>
    %dma_wait3A_523 = tpu.memref_squeeze %dma_wait3A_522 : memref<1x64x128xf32, #tpu.memory_space<hbm>> -> memref<64x128xf32, #tpu.memory_space<hbm>>
    %dma_wait3A_524 = arith.constant 0 : i32
    %dma_wait3A_525 = arith.constant 0 : i32
    %dma_wait3A_526 = tpu.memref_slice %arg16[%dma_wait3A_524, %dma_wait3A_525] : memref<96x128xf32, #tpu.memory_space<vmem>> -> memref<64x128xf32, #tpu.memory_space<vmem>>
    tpu.wait_dma2 semaphore(%arg23 : memref<!tpu.dma_semaphore, #tpu.memory_space<semaphore_mem>>) src(%dma_wait3A_526 : memref<64x128xf32, #tpu.memory_space<vmem>>) dst(%dma_wait3A_523 : memref<64x128xf32, #tpu.memory_space<hbm>>)
    %mul3A_527 = arith.constant 640 : i32
    %mul3A_528 = arith.muli %arg1, %mul3A_527 : i32
    %add3A_529 = arith.constant 448 : i32
    %add3A_530 = arith.addi %mul3A_528, %add3A_529 : i32
    "tpu.region"() ({
      %run_scoped3A = tpu.sem_alloc : memref<!tpu.dma_semaphore, #tpu.memory_space<semaphore_mem>>
      %dma_start3A_656 = arith.constant 0 : i32
      %dma_start3A_657 = arith.constant 0 : i32
      %dma_start3A_658 = tpu.memref_slice %arg16[%dma_start3A_656, %dma_start3A_657] : memref<96x128xf32, #tpu.memory_space<vmem>> -> memref<64x128xf32, #tpu.memory_space<vmem>>
      %dma_start3A_659 = arith.constant 0 : i32
      %dma_start3A_660 = tpu.memref_slice %arg11[%add3A_530, %dma_start3A_659] : memref<10240x128xf32, #tpu.memory_space<vmem_shared>> -> memref<64x128xf32, #tpu.memory_space<vmem_shared>>
      %dma_start3A_661 = arith.constant 0 : i32
      %dma_start3A_662 = arith.constant 0 : i32
      %dma_start3A_663 = tpu.memref_slice %arg16[%dma_start3A_661, %dma_start3A_662] : memref<96x128xf32, #tpu.memory_space<vmem>> -> memref<64x128xf32, #tpu.memory_space<vmem>>
      %dma_start3A_664 = arith.constant 0 : i32
      %dma_start3A_665 = tpu.memref_slice %arg11[%add3A_530, %dma_start3A_664] : memref<10240x128xf32, #tpu.memory_space<vmem_shared>> -> memref<64x128xf32, #tpu.memory_space<vmem_shared>>
      tpu.enqueue_dma source(%dma_start3A_665 : memref<64x128xf32, #tpu.memory_space<vmem_shared>>) target(%dma_start3A_663 : memref<64x128xf32, #tpu.memory_space<vmem>>) target_semaphore(%run_scoped3A : memref<!tpu.dma_semaphore, #tpu.memory_space<semaphore_mem>>)
      %dma_wait3A_666 = arith.constant 0 : i32
      %dma_wait3A_667 = arith.constant 0 : i32
      %dma_wait3A_668 = tpu.memref_slice %arg16[%dma_wait3A_666, %dma_wait3A_667] : memref<96x128xf32, #tpu.memory_space<vmem>> -> memref<64x128xf32, #tpu.memory_space<vmem>>
      %dma_wait3A_669 = arith.constant 0 : i32
      %dma_wait3A_670 = tpu.memref_slice %arg11[%add3A_530, %dma_wait3A_669] : memref<10240x128xf32, #tpu.memory_space<vmem_shared>> -> memref<64x128xf32, #tpu.memory_space<vmem_shared>>
      %dma_wait3A_671 = arith.constant 0 : i32
      %dma_wait3A_672 = arith.constant 0 : i32
      %dma_wait3A_673 = tpu.memref_slice %arg16[%dma_wait3A_671, %dma_wait3A_672] : memref<96x128xf32, #tpu.memory_space<vmem>> -> memref<64x128xf32, #tpu.memory_space<vmem>>
      %dma_wait3A_674 = arith.constant 0 : i32
      %dma_wait3A_675 = tpu.memref_slice %arg11[%add3A_530, %dma_wait3A_674] : memref<10240x128xf32, #tpu.memory_space<vmem_shared>> -> memref<64x128xf32, #tpu.memory_space<vmem_shared>>
      tpu.wait_dma2 semaphore(%run_scoped3A : memref<!tpu.dma_semaphore, #tpu.memory_space<semaphore_mem>>) src(%dma_wait3A_675 : memref<64x128xf32, #tpu.memory_space<vmem_shared>>) dst(%dma_wait3A_673 : memref<64x128xf32, #tpu.memory_space<vmem>>)
      tpu.yield
    }) : () -> ()
    %dma_start3A_531 = arith.constant 0 : i32
    %dma_start3A_532 = arith.constant 0 : i32
    %dma_start3A_533 = tpu.memref_slice %arg16[%dma_start3A_531, %dma_start3A_532] : memref<96x128xf32, #tpu.memory_space<vmem>> -> memref<64x128xf32, #tpu.memory_space<vmem>>
    %dma_start3A_534 = arith.constant 0 : i32
    %dma_start3A_535 = tpu.memref_slice %arg8[%arg0, %add3A_510, %dma_start3A_534] : memref<2x10240x128xf32, #tpu.memory_space<hbm>> -> memref<1x64x128xf32, #tpu.memory_space<hbm>>
    %dma_start3A_536 = tpu.memref_squeeze %dma_start3A_535 : memref<1x64x128xf32, #tpu.memory_space<hbm>> -> memref<64x128xf32, #tpu.memory_space<hbm>>
    %dma_start3A_537 = arith.constant 0 : i32
    %dma_start3A_538 = tpu.memref_slice %arg8[%arg0, %add3A_510, %dma_start3A_537] : memref<2x10240x128xf32, #tpu.memory_space<hbm>> -> memref<1x64x128xf32, #tpu.memory_space<hbm>>
    %dma_start3A_539 = tpu.memref_squeeze %dma_start3A_538 : memref<1x64x128xf32, #tpu.memory_space<hbm>> -> memref<64x128xf32, #tpu.memory_space<hbm>>
    %dma_start3A_540 = arith.constant 0 : i32
    %dma_start3A_541 = arith.constant 0 : i32
    %dma_start3A_542 = tpu.memref_slice %arg16[%dma_start3A_540, %dma_start3A_541] : memref<96x128xf32, #tpu.memory_space<vmem>> -> memref<64x128xf32, #tpu.memory_space<vmem>>
    tpu.enqueue_dma source(%dma_start3A_542 : memref<64x128xf32, #tpu.memory_space<vmem>>) target(%dma_start3A_539 : memref<64x128xf32, #tpu.memory_space<hbm>>) target_semaphore(%arg23 : memref<!tpu.dma_semaphore, #tpu.memory_space<semaphore_mem>>)
    %mul3A_543 = arith.constant 640 : i32
    %mul3A_544 = arith.muli %arg1, %mul3A_543 : i32
    %add3A_545 = arith.constant 512 : i32
    %add3A_546 = arith.addi %mul3A_544, %add3A_545 : i32
    %mul3A_547 = arith.constant 640 : i32
    %mul3A_548 = arith.muli %arg1, %mul3A_547 : i32
    %add3A_549 = arith.constant 384 : i32
    %add3A_550 = arith.addi %mul3A_548, %add3A_549 : i32
    %dma_wait3A_551 = arith.constant 0 : i32
    %dma_wait3A_552 = arith.constant 0 : i32
    %dma_wait3A_553 = tpu.memref_slice %arg18[%dma_wait3A_551, %dma_wait3A_552] : memref<96x128xf32, #tpu.memory_space<vmem>> -> memref<64x128xf32, #tpu.memory_space<vmem>>
    %dma_wait3A_554 = arith.constant 0 : i32
    %dma_wait3A_555 = tpu.memref_slice %arg8[%arg0, %add3A_550, %dma_wait3A_554] : memref<2x10240x128xf32, #tpu.memory_space<hbm>> -> memref<1x64x128xf32, #tpu.memory_space<hbm>>
    %dma_wait3A_556 = tpu.memref_squeeze %dma_wait3A_555 : memref<1x64x128xf32, #tpu.memory_space<hbm>> -> memref<64x128xf32, #tpu.memory_space<hbm>>
    %dma_wait3A_557 = arith.constant 0 : i32
    %dma_wait3A_558 = tpu.memref_slice %arg8[%arg0, %add3A_550, %dma_wait3A_557] : memref<2x10240x128xf32, #tpu.memory_space<hbm>> -> memref<1x64x128xf32, #tpu.memory_space<hbm>>
    %dma_wait3A_559 = tpu.memref_squeeze %dma_wait3A_558 : memref<1x64x128xf32, #tpu.memory_space<hbm>> -> memref<64x128xf32, #tpu.memory_space<hbm>>
    %dma_wait3A_560 = arith.constant 0 : i32
    %dma_wait3A_561 = arith.constant 0 : i32
    %dma_wait3A_562 = tpu.memref_slice %arg18[%dma_wait3A_560, %dma_wait3A_561] : memref<96x128xf32, #tpu.memory_space<vmem>> -> memref<64x128xf32, #tpu.memory_space<vmem>>
    tpu.wait_dma2 semaphore(%arg22 : memref<!tpu.dma_semaphore, #tpu.memory_space<semaphore_mem>>) src(%dma_wait3A_562 : memref<64x128xf32, #tpu.memory_space<vmem>>) dst(%dma_wait3A_559 : memref<64x128xf32, #tpu.memory_space<hbm>>)
    %mul3A_563 = arith.constant 640 : i32
    %mul3A_564 = arith.muli %arg1, %mul3A_563 : i32
    %add3A_565 = arith.constant 512 : i32
    %add3A_566 = arith.addi %mul3A_564, %add3A_565 : i32
    "tpu.region"() ({
      %run_scoped3A = tpu.sem_alloc : memref<!tpu.dma_semaphore, #tpu.memory_space<semaphore_mem>>
      %dma_start3A_656 = arith.constant 0 : i32
      %dma_start3A_657 = arith.constant 0 : i32
      %dma_start3A_658 = tpu.memref_slice %arg18[%dma_start3A_656, %dma_start3A_657] : memref<96x128xf32, #tpu.memory_space<vmem>> -> memref<64x128xf32, #tpu.memory_space<vmem>>
      %dma_start3A_659 = arith.constant 0 : i32
      %dma_start3A_660 = tpu.memref_slice %arg11[%add3A_566, %dma_start3A_659] : memref<10240x128xf32, #tpu.memory_space<vmem_shared>> -> memref<64x128xf32, #tpu.memory_space<vmem_shared>>
      %dma_start3A_661 = arith.constant 0 : i32
      %dma_start3A_662 = arith.constant 0 : i32
      %dma_start3A_663 = tpu.memref_slice %arg18[%dma_start3A_661, %dma_start3A_662] : memref<96x128xf32, #tpu.memory_space<vmem>> -> memref<64x128xf32, #tpu.memory_space<vmem>>
      %dma_start3A_664 = arith.constant 0 : i32
      %dma_start3A_665 = tpu.memref_slice %arg11[%add3A_566, %dma_start3A_664] : memref<10240x128xf32, #tpu.memory_space<vmem_shared>> -> memref<64x128xf32, #tpu.memory_space<vmem_shared>>
      tpu.enqueue_dma source(%dma_start3A_665 : memref<64x128xf32, #tpu.memory_space<vmem_shared>>) target(%dma_start3A_663 : memref<64x128xf32, #tpu.memory_space<vmem>>) target_semaphore(%run_scoped3A : memref<!tpu.dma_semaphore, #tpu.memory_space<semaphore_mem>>)
      %dma_wait3A_666 = arith.constant 0 : i32
      %dma_wait3A_667 = arith.constant 0 : i32
      %dma_wait3A_668 = tpu.memref_slice %arg18[%dma_wait3A_666, %dma_wait3A_667] : memref<96x128xf32, #tpu.memory_space<vmem>> -> memref<64x128xf32, #tpu.memory_space<vmem>>
      %dma_wait3A_669 = arith.constant 0 : i32
      %dma_wait3A_670 = tpu.memref_slice %arg11[%add3A_566, %dma_wait3A_669] : memref<10240x128xf32, #tpu.memory_space<vmem_shared>> -> memref<64x128xf32, #tpu.memory_space<vmem_shared>>
      %dma_wait3A_671 = arith.constant 0 : i32
      %dma_wait3A_672 = arith.constant 0 : i32
      %dma_wait3A_673 = tpu.memref_slice %arg18[%dma_wait3A_671, %dma_wait3A_672] : memref<96x128xf32, #tpu.memory_space<vmem>> -> memref<64x128xf32, #tpu.memory_space<vmem>>
      %dma_wait3A_674 = arith.constant 0 : i32
      %dma_wait3A_675 = tpu.memref_slice %arg11[%add3A_566, %dma_wait3A_674] : memref<10240x128xf32, #tpu.memory_space<vmem_shared>> -> memref<64x128xf32, #tpu.memory_space<vmem_shared>>
      tpu.wait_dma2 semaphore(%run_scoped3A : memref<!tpu.dma_semaphore, #tpu.memory_space<semaphore_mem>>) src(%dma_wait3A_675 : memref<64x128xf32, #tpu.memory_space<vmem_shared>>) dst(%dma_wait3A_673 : memref<64x128xf32, #tpu.memory_space<vmem>>)
      tpu.yield
    }) : () -> ()
    %dma_start3A_567 = arith.constant 0 : i32
    %dma_start3A_568 = arith.constant 0 : i32
    %dma_start3A_569 = tpu.memref_slice %arg18[%dma_start3A_567, %dma_start3A_568] : memref<96x128xf32, #tpu.memory_space<vmem>> -> memref<64x128xf32, #tpu.memory_space<vmem>>
    %dma_start3A_570 = arith.constant 0 : i32
    %dma_start3A_571 = tpu.memref_slice %arg8[%arg0, %add3A_546, %dma_start3A_570] : memref<2x10240x128xf32, #tpu.memory_space<hbm>> -> memref<1x64x128xf32, #tpu.memory_space<hbm>>
    %dma_start3A_572 = tpu.memref_squeeze %dma_start3A_571 : memref<1x64x128xf32, #tpu.memory_space<hbm>> -> memref<64x128xf32, #tpu.memory_space<hbm>>
    %dma_start3A_573 = arith.constant 0 : i32
    %dma_start3A_574 = tpu.memref_slice %arg8[%arg0, %add3A_546, %dma_start3A_573] : memref<2x10240x128xf32, #tpu.memory_space<hbm>> -> memref<1x64x128xf32, #tpu.memory_space<hbm>>
    %dma_start3A_575 = tpu.memref_squeeze %dma_start3A_574 : memref<1x64x128xf32, #tpu.memory_space<hbm>> -> memref<64x128xf32, #tpu.memory_space<hbm>>
    %dma_start3A_576 = arith.constant 0 : i32
    %dma_start3A_577 = arith.constant 0 : i32
    %dma_start3A_578 = tpu.memref_slice %arg18[%dma_start3A_576, %dma_start3A_577] : memref<96x128xf32, #tpu.memory_space<vmem>> -> memref<64x128xf32, #tpu.memory_space<vmem>>
    tpu.enqueue_dma source(%dma_start3A_578 : memref<64x128xf32, #tpu.memory_space<vmem>>) target(%dma_start3A_575 : memref<64x128xf32, #tpu.memory_space<hbm>>) target_semaphore(%arg22 : memref<!tpu.dma_semaphore, #tpu.memory_space<semaphore_mem>>)
    %mul3A_579 = arith.constant 640 : i32
    %mul3A_580 = arith.muli %arg1, %mul3A_579 : i32
    %add3A_581 = arith.constant 576 : i32
    %add3A_582 = arith.addi %mul3A_580, %add3A_581 : i32
    %mul3A_583 = arith.constant 640 : i32
    %mul3A_584 = arith.muli %arg1, %mul3A_583 : i32
    %add3A_585 = arith.constant 448 : i32
    %add3A_586 = arith.addi %mul3A_584, %add3A_585 : i32
    %dma_wait3A_587 = arith.constant 0 : i32
    %dma_wait3A_588 = arith.constant 0 : i32
    %dma_wait3A_589 = tpu.memref_slice %arg16[%dma_wait3A_587, %dma_wait3A_588] : memref<96x128xf32, #tpu.memory_space<vmem>> -> memref<64x128xf32, #tpu.memory_space<vmem>>
    %dma_wait3A_590 = arith.constant 0 : i32
    %dma_wait3A_591 = tpu.memref_slice %arg8[%arg0, %add3A_586, %dma_wait3A_590] : memref<2x10240x128xf32, #tpu.memory_space<hbm>> -> memref<1x64x128xf32, #tpu.memory_space<hbm>>
    %dma_wait3A_592 = tpu.memref_squeeze %dma_wait3A_591 : memref<1x64x128xf32, #tpu.memory_space<hbm>> -> memref<64x128xf32, #tpu.memory_space<hbm>>
    %dma_wait3A_593 = arith.constant 0 : i32
    %dma_wait3A_594 = tpu.memref_slice %arg8[%arg0, %add3A_586, %dma_wait3A_593] : memref<2x10240x128xf32, #tpu.memory_space<hbm>> -> memref<1x64x128xf32, #tpu.memory_space<hbm>>
    %dma_wait3A_595 = tpu.memref_squeeze %dma_wait3A_594 : memref<1x64x128xf32, #tpu.memory_space<hbm>> -> memref<64x128xf32, #tpu.memory_space<hbm>>
    %dma_wait3A_596 = arith.constant 0 : i32
    %dma_wait3A_597 = arith.constant 0 : i32
    %dma_wait3A_598 = tpu.memref_slice %arg16[%dma_wait3A_596, %dma_wait3A_597] : memref<96x128xf32, #tpu.memory_space<vmem>> -> memref<64x128xf32, #tpu.memory_space<vmem>>
    tpu.wait_dma2 semaphore(%arg23 : memref<!tpu.dma_semaphore, #tpu.memory_space<semaphore_mem>>) src(%dma_wait3A_598 : memref<64x128xf32, #tpu.memory_space<vmem>>) dst(%dma_wait3A_595 : memref<64x128xf32, #tpu.memory_space<hbm>>)
    %mul3A_599 = arith.constant 640 : i32
    %mul3A_600 = arith.muli %arg1, %mul3A_599 : i32
    %add3A_601 = arith.constant 576 : i32
    %add3A_602 = arith.addi %mul3A_600, %add3A_601 : i32
    "tpu.region"() ({
      %run_scoped3A = tpu.sem_alloc : memref<!tpu.dma_semaphore, #tpu.memory_space<semaphore_mem>>
      %dma_start3A_656 = arith.constant 0 : i32
      %dma_start3A_657 = arith.constant 0 : i32
      %dma_start3A_658 = tpu.memref_slice %arg16[%dma_start3A_656, %dma_start3A_657] : memref<96x128xf32, #tpu.memory_space<vmem>> -> memref<64x128xf32, #tpu.memory_space<vmem>>
      %dma_start3A_659 = arith.constant 0 : i32
      %dma_start3A_660 = tpu.memref_slice %arg11[%add3A_602, %dma_start3A_659] : memref<10240x128xf32, #tpu.memory_space<vmem_shared>> -> memref<64x128xf32, #tpu.memory_space<vmem_shared>>
      %dma_start3A_661 = arith.constant 0 : i32
      %dma_start3A_662 = arith.constant 0 : i32
      %dma_start3A_663 = tpu.memref_slice %arg16[%dma_start3A_661, %dma_start3A_662] : memref<96x128xf32, #tpu.memory_space<vmem>> -> memref<64x128xf32, #tpu.memory_space<vmem>>
      %dma_start3A_664 = arith.constant 0 : i32
      %dma_start3A_665 = tpu.memref_slice %arg11[%add3A_602, %dma_start3A_664] : memref<10240x128xf32, #tpu.memory_space<vmem_shared>> -> memref<64x128xf32, #tpu.memory_space<vmem_shared>>
      tpu.enqueue_dma source(%dma_start3A_665 : memref<64x128xf32, #tpu.memory_space<vmem_shared>>) target(%dma_start3A_663 : memref<64x128xf32, #tpu.memory_space<vmem>>) target_semaphore(%run_scoped3A : memref<!tpu.dma_semaphore, #tpu.memory_space<semaphore_mem>>)
      %dma_wait3A_666 = arith.constant 0 : i32
      %dma_wait3A_667 = arith.constant 0 : i32
      %dma_wait3A_668 = tpu.memref_slice %arg16[%dma_wait3A_666, %dma_wait3A_667] : memref<96x128xf32, #tpu.memory_space<vmem>> -> memref<64x128xf32, #tpu.memory_space<vmem>>
      %dma_wait3A_669 = arith.constant 0 : i32
      %dma_wait3A_670 = tpu.memref_slice %arg11[%add3A_602, %dma_wait3A_669] : memref<10240x128xf32, #tpu.memory_space<vmem_shared>> -> memref<64x128xf32, #tpu.memory_space<vmem_shared>>
      %dma_wait3A_671 = arith.constant 0 : i32
      %dma_wait3A_672 = arith.constant 0 : i32
      %dma_wait3A_673 = tpu.memref_slice %arg16[%dma_wait3A_671, %dma_wait3A_672] : memref<96x128xf32, #tpu.memory_space<vmem>> -> memref<64x128xf32, #tpu.memory_space<vmem>>
      %dma_wait3A_674 = arith.constant 0 : i32
      %dma_wait3A_675 = tpu.memref_slice %arg11[%add3A_602, %dma_wait3A_674] : memref<10240x128xf32, #tpu.memory_space<vmem_shared>> -> memref<64x128xf32, #tpu.memory_space<vmem_shared>>
      tpu.wait_dma2 semaphore(%run_scoped3A : memref<!tpu.dma_semaphore, #tpu.memory_space<semaphore_mem>>) src(%dma_wait3A_675 : memref<64x128xf32, #tpu.memory_space<vmem_shared>>) dst(%dma_wait3A_673 : memref<64x128xf32, #tpu.memory_space<vmem>>)
      tpu.yield
    }) : () -> ()
    %dma_start3A_603 = arith.constant 0 : i32
    %dma_start3A_604 = arith.constant 0 : i32
    %dma_start3A_605 = tpu.memref_slice %arg16[%dma_start3A_603, %dma_start3A_604] : memref<96x128xf32, #tpu.memory_space<vmem>> -> memref<64x128xf32, #tpu.memory_space<vmem>>
    %dma_start3A_606 = arith.constant 0 : i32
    %dma_start3A_607 = tpu.memref_slice %arg8[%arg0, %add3A_582, %dma_start3A_606] : memref<2x10240x128xf32, #tpu.memory_space<hbm>> -> memref<1x64x128xf32, #tpu.memory_space<hbm>>
    %dma_start3A_608 = tpu.memref_squeeze %dma_start3A_607 : memref<1x64x128xf32, #tpu.memory_space<hbm>> -> memref<64x128xf32, #tpu.memory_space<hbm>>
    %dma_start3A_609 = arith.constant 0 : i32
    %dma_start3A_610 = tpu.memref_slice %arg8[%arg0, %add3A_582, %dma_start3A_609] : memref<2x10240x128xf32, #tpu.memory_space<hbm>> -> memref<1x64x128xf32, #tpu.memory_space<hbm>>
    %dma_start3A_611 = tpu.memref_squeeze %dma_start3A_610 : memref<1x64x128xf32, #tpu.memory_space<hbm>> -> memref<64x128xf32, #tpu.memory_space<hbm>>
    %dma_start3A_612 = arith.constant 0 : i32
    %dma_start3A_613 = arith.constant 0 : i32
    %dma_start3A_614 = tpu.memref_slice %arg16[%dma_start3A_612, %dma_start3A_613] : memref<96x128xf32, #tpu.memory_space<vmem>> -> memref<64x128xf32, #tpu.memory_space<vmem>>
    tpu.enqueue_dma source(%dma_start3A_614 : memref<64x128xf32, #tpu.memory_space<vmem>>) target(%dma_start3A_611 : memref<64x128xf32, #tpu.memory_space<hbm>>) target_semaphore(%arg23 : memref<!tpu.dma_semaphore, #tpu.memory_space<semaphore_mem>>)
    %mul3A_615 = arith.constant 640 : i32
    %mul3A_616 = arith.muli %arg1, %mul3A_615 : i32
    %add3A_617 = arith.constant 512 : i32
    %add3A_618 = arith.addi %mul3A_616, %add3A_617 : i32
    %dma_wait3A_619 = arith.constant 0 : i32
    %dma_wait3A_620 = arith.constant 0 : i32
    %dma_wait3A_621 = tpu.memref_slice %arg18[%dma_wait3A_619, %dma_wait3A_620] : memref<96x128xf32, #tpu.memory_space<vmem>> -> memref<64x128xf32, #tpu.memory_space<vmem>>
    %dma_wait3A_622 = arith.constant 0 : i32
    %dma_wait3A_623 = tpu.memref_slice %arg8[%arg0, %add3A_618, %dma_wait3A_622] : memref<2x10240x128xf32, #tpu.memory_space<hbm>> -> memref<1x64x128xf32, #tpu.memory_space<hbm>>
    %dma_wait3A_624 = tpu.memref_squeeze %dma_wait3A_623 : memref<1x64x128xf32, #tpu.memory_space<hbm>> -> memref<64x128xf32, #tpu.memory_space<hbm>>
    %dma_wait3A_625 = arith.constant 0 : i32
    %dma_wait3A_626 = tpu.memref_slice %arg8[%arg0, %add3A_618, %dma_wait3A_625] : memref<2x10240x128xf32, #tpu.memory_space<hbm>> -> memref<1x64x128xf32, #tpu.memory_space<hbm>>
    %dma_wait3A_627 = tpu.memref_squeeze %dma_wait3A_626 : memref<1x64x128xf32, #tpu.memory_space<hbm>> -> memref<64x128xf32, #tpu.memory_space<hbm>>
    %dma_wait3A_628 = arith.constant 0 : i32
    %dma_wait3A_629 = arith.constant 0 : i32
    %dma_wait3A_630 = tpu.memref_slice %arg18[%dma_wait3A_628, %dma_wait3A_629] : memref<96x128xf32, #tpu.memory_space<vmem>> -> memref<64x128xf32, #tpu.memory_space<vmem>>
    tpu.wait_dma2 semaphore(%arg22 : memref<!tpu.dma_semaphore, #tpu.memory_space<semaphore_mem>>) src(%dma_wait3A_630 : memref<64x128xf32, #tpu.memory_space<vmem>>) dst(%dma_wait3A_627 : memref<64x128xf32, #tpu.memory_space<hbm>>)
    %mul3A_631 = arith.constant 640 : i32
    %mul3A_632 = arith.muli %arg1, %mul3A_631 : i32
    %add3A_633 = arith.constant 576 : i32
    %add3A_634 = arith.addi %mul3A_632, %add3A_633 : i32
    %dma_wait3A_635 = arith.constant 0 : i32
    %dma_wait3A_636 = arith.constant 0 : i32
    %dma_wait3A_637 = tpu.memref_slice %arg16[%dma_wait3A_635, %dma_wait3A_636] : memref<96x128xf32, #tpu.memory_space<vmem>> -> memref<64x128xf32, #tpu.memory_space<vmem>>
    %dma_wait3A_638 = arith.constant 0 : i32
    %dma_wait3A_639 = tpu.memref_slice %arg8[%arg0, %add3A_634, %dma_wait3A_638] : memref<2x10240x128xf32, #tpu.memory_space<hbm>> -> memref<1x64x128xf32, #tpu.memory_space<hbm>>
    %dma_wait3A_640 = tpu.memref_squeeze %dma_wait3A_639 : memref<1x64x128xf32, #tpu.memory_space<hbm>> -> memref<64x128xf32, #tpu.memory_space<hbm>>
    %dma_wait3A_641 = arith.constant 0 : i32
    %dma_wait3A_642 = tpu.memref_slice %arg8[%arg0, %add3A_634, %dma_wait3A_641] : memref<2x10240x128xf32, #tpu.memory_space<hbm>> -> memref<1x64x128xf32, #tpu.memory_space<hbm>>
    %dma_wait3A_643 = tpu.memref_squeeze %dma_wait3A_642 : memref<1x64x128xf32, #tpu.memory_space<hbm>> -> memref<64x128xf32, #tpu.memory_space<hbm>>
    %dma_wait3A_644 = arith.constant 0 : i32
    %dma_wait3A_645 = arith.constant 0 : i32
    %dma_wait3A_646 = tpu.memref_slice %arg16[%dma_wait3A_644, %dma_wait3A_645] : memref<96x128xf32, #tpu.memory_space<vmem>> -> memref<64x128xf32, #tpu.memory_space<vmem>>
    tpu.wait_dma2 semaphore(%arg23 : memref<!tpu.dma_semaphore, #tpu.memory_space<semaphore_mem>>) src(%dma_wait3A_646 : memref<64x128xf32, #tpu.memory_space<vmem>>) dst(%dma_wait3A_643 : memref<64x128xf32, #tpu.memory_space<hbm>>)
    %mul3A_647 = arith.constant 640 : i32
    %mul3A_648 = arith.muli %arg1, %mul3A_647 : i32
    "tpu.region"() ({
      %run_scoped3A = tpu.sem_alloc : memref<!tpu.dma_semaphore, #tpu.memory_space<semaphore_mem>>
      %dma_start3A_656 = tpu.memref_slice %arg13[%mul3A_648] : memref<10240xf32, #tpu.memory_space<vmem_shared>> -> memref<640xf32, #tpu.memory_space<vmem_shared>>
      %dma_start3A_657 = tpu.memref_slice %arg13[%mul3A_648] : memref<10240xf32, #tpu.memory_space<vmem_shared>> -> memref<640xf32, #tpu.memory_space<vmem_shared>>
      tpu.enqueue_dma source(%dma_start3A_657 : memref<640xf32, #tpu.memory_space<vmem_shared>>) target(%arg12 : memref<640xf32, #tpu.memory_space<vmem>>) target_semaphore(%run_scoped3A : memref<!tpu.dma_semaphore, #tpu.memory_space<semaphore_mem>>)
      %dma_wait3A_658 = tpu.memref_slice %arg13[%mul3A_648] : memref<10240xf32, #tpu.memory_space<vmem_shared>> -> memref<640xf32, #tpu.memory_space<vmem_shared>>
      %dma_wait3A_659 = tpu.memref_slice %arg13[%mul3A_648] : memref<10240xf32, #tpu.memory_space<vmem_shared>> -> memref<640xf32, #tpu.memory_space<vmem_shared>>
      tpu.wait_dma2 semaphore(%run_scoped3A : memref<!tpu.dma_semaphore, #tpu.memory_space<semaphore_mem>>) src(%dma_wait3A_659 : memref<640xf32, #tpu.memory_space<vmem_shared>>) dst(%arg12 : memref<640xf32, #tpu.memory_space<vmem>>)
      tpu.yield
    }) : () -> ()
    %eq3A = arith.constant 0 : i32
    %eq3A_649 = arith.cmpi eq, %arg0, %eq3A : i32
    %convert_element_type3A = arith.extui %eq3A_649 : i1 to i32
    %cond3A = arith.constant 0 : i32
    %cond3A_650 = arith.cmpi ne, %convert_element_type3A, %cond3A : i32
    scf.if %cond3A_650 {
      %mul3A_656 = arith.constant 640 : i32
      %mul3A_657 = arith.muli %arg1, %mul3A_656 : i32
      "tpu.region"() ({
        %run_scoped3A = tpu.sem_alloc : memref<!tpu.dma_semaphore, #tpu.memory_space<semaphore_mem>>
        %dma_start3A_658 = tpu.memref_slice %arg9[%mul3A_657] : memref<10240xf32, #tpu.memory_space<hbm>> -> memref<640xf32, #tpu.memory_space<hbm>>
        %dma_start3A_659 = tpu.memref_slice %arg9[%mul3A_657] : memref<10240xf32, #tpu.memory_space<hbm>> -> memref<640xf32, #tpu.memory_space<hbm>>
        tpu.enqueue_dma source(%arg12 : memref<640xf32, #tpu.memory_space<vmem>>) target(%dma_start3A_659 : memref<640xf32, #tpu.memory_space<hbm>>) target_semaphore(%run_scoped3A : memref<!tpu.dma_semaphore, #tpu.memory_space<semaphore_mem>>)
        %dma_wait3A_660 = tpu.memref_slice %arg9[%mul3A_657] : memref<10240xf32, #tpu.memory_space<hbm>> -> memref<640xf32, #tpu.memory_space<hbm>>
        %dma_wait3A_661 = tpu.memref_slice %arg9[%mul3A_657] : memref<10240xf32, #tpu.memory_space<hbm>> -> memref<640xf32, #tpu.memory_space<hbm>>
        tpu.wait_dma2 semaphore(%run_scoped3A : memref<!tpu.dma_semaphore, #tpu.memory_space<semaphore_mem>>) src(%arg12 : memref<640xf32, #tpu.memory_space<vmem>>) dst(%dma_wait3A_661 : memref<640xf32, #tpu.memory_space<hbm>>)
        tpu.yield
      }) : () -> ()
    } else {
    }
    %eq3A_651 = arith.constant 1 : i32
    %eq3A_652 = arith.cmpi eq, %arg0, %eq3A_651 : i32
    %convert_element_type3A_653 = arith.extui %eq3A_652 : i1 to i32
    %cond3A_654 = arith.constant 0 : i32
    %cond3A_655 = arith.cmpi ne, %convert_element_type3A_653, %cond3A_654 : i32
    scf.if %cond3A_655 {
      %mul3A_656 = arith.constant 640 : i32
      %mul3A_657 = arith.muli %arg1, %mul3A_656 : i32
      "tpu.region"() ({
        %run_scoped3A = tpu.sem_alloc : memref<!tpu.dma_semaphore, #tpu.memory_space<semaphore_mem>>
        %dma_start3A_658 = tpu.memref_slice %arg10[%mul3A_657] : memref<10240xf32, #tpu.memory_space<hbm>> -> memref<640xf32, #tpu.memory_space<hbm>>
        %dma_start3A_659 = tpu.memref_slice %arg10[%mul3A_657] : memref<10240xf32, #tpu.memory_space<hbm>> -> memref<640xf32, #tpu.memory_space<hbm>>
        tpu.enqueue_dma source(%arg12 : memref<640xf32, #tpu.memory_space<vmem>>) target(%dma_start3A_659 : memref<640xf32, #tpu.memory_space<hbm>>) target_semaphore(%run_scoped3A : memref<!tpu.dma_semaphore, #tpu.memory_space<semaphore_mem>>)
        %dma_wait3A_660 = tpu.memref_slice %arg10[%mul3A_657] : memref<10240xf32, #tpu.memory_space<hbm>> -> memref<640xf32, #tpu.memory_space<hbm>>
        %dma_wait3A_661 = tpu.memref_slice %arg10[%mul3A_657] : memref<10240xf32, #tpu.memory_space<hbm>> -> memref<640xf32, #tpu.memory_space<hbm>>
        tpu.wait_dma2 semaphore(%run_scoped3A : memref<!tpu.dma_semaphore, #tpu.memory_space<semaphore_mem>>) src(%arg12 : memref<640xf32, #tpu.memory_space<vmem>>) dst(%dma_wait3A_661 : memref<640xf32, #tpu.memory_space<hbm>>)
        tpu.yield
      }) : () -> ()
    } else {
    }
    return
  }
}

module attributes {stable_mosaic.version = 14 : i64} {
  func.func @_dense_body(%arg0: i32, %arg1: memref<1000x128xf32, #tpu.memory_space<vmem>>, %arg2: memref<1000x128xf32, #tpu.memory_space<vmem>>, %arg3: memref<1000x1xf32, #tpu.memory_space<vmem>>, %arg4: memref<1000x1xf32, #tpu.memory_space<vmem>>, %arg5: memref<1000x128xf32, #tpu.memory_space<vmem>>, %arg6: memref<128x128xf32, #tpu.memory_space<vmem>>, %arg7: memref<128x128xf32, #tpu.memory_space<vmem>>, %arg8: memref<1x128xf32, #tpu.memory_space<vmem>>, %arg9: memref<1000x128xf32, #tpu.memory_space<vmem>>) attributes {dimension_semantics = [#tpu.dimension_semantics<arbitrary>], iteration_bounds = array<i64: 10>, scalar_prefetch = 0 : i64, scratch_operands = 0 : i64, tpu.core_type = #tpu.core_type<tc>, window_params = [{transform_indices = @transform_0, window_bounds = array<i64: 1000, 128>}, {transform_indices = @transform_1, window_bounds = array<i64: 1000, 128>}, {transform_indices = @transform_2, window_bounds = array<i64: 1000, 1>}, {transform_indices = @transform_3, window_bounds = array<i64: 1000, 1>}, {transform_indices = @transform_4, window_bounds = array<i64: 1000, 128>}, {pipeline_mode = #tpu.pipeline_mode<synchronous>, transform_indices = @transform_5, window_bounds = array<i64: 128, 128>}, {pipeline_mode = #tpu.pipeline_mode<synchronous>, transform_indices = @transform_6, window_bounds = array<i64: 128, 128>}, {pipeline_mode = #tpu.pipeline_mode<synchronous>, transform_indices = @transform_7, window_bounds = array<i64: 1, 128>}, {transform_indices = @transform_8, window_bounds = array<i64: 1000, 128>}]} {
    %get3A = arith.constant 0 : index
    %get3A_0 = arith.constant 0 : index
    %get3A_1 = vector.load %arg3[%get3A, %get3A_0] : memref<1000x1xf32, #tpu.memory_space<vmem>>, vector<1000x1xf32>
    %get3A_2 = arith.constant 0 : index
    %get3A_3 = arith.constant 0 : index
    %get3A_4 = vector.load %arg4[%get3A_2, %get3A_3] : memref<1000x1xf32, #tpu.memory_space<vmem>>, vector<1000x1xf32>
    %add3A = arith.addf %get3A_1, %get3A_4 : vector<1000x1xf32>
    %max3A = arith.constant 1.000000e+00 : f32
    %max3A_5 = vector.broadcast %max3A : f32 to vector<1000x1xf32>
    %max3A_6 = arith.maximumf %add3A, %max3A_5 : vector<1000x1xf32>
    %div3A = arith.constant 1.000000e+00 : f32
    %div3A_7 = vector.broadcast %div3A : f32 to vector<1000x1xf32>
    %div3A_8 = arith.divf %div3A_7, %max3A_6 : vector<1000x1xf32>
    %get3A_9 = arith.constant 0 : index
    %get3A_10 = arith.constant 0 : index
    %get3A_11 = vector.load %arg1[%get3A_9, %get3A_10] : memref<1000x128xf32, #tpu.memory_space<vmem>>, vector<1000x128xf32>
    %get3A_12 = arith.constant 0 : index
    %get3A_13 = arith.constant 0 : index
    %get3A_14 = vector.load %arg2[%get3A_12, %get3A_13] : memref<1000x128xf32, #tpu.memory_space<vmem>>, vector<1000x128xf32>
    %add3A_15 = arith.addf %get3A_11, %get3A_14 : vector<1000x128xf32>
    %mul3A = vector.broadcast %div3A_8 : vector<1000x1xf32> to vector<1000x128xf32>
    %mul3A_16 = arith.mulf %add3A_15, %mul3A : vector<1000x128xf32>
    %get3A_17 = arith.constant 0 : index
    %get3A_18 = arith.constant 0 : index
    %get3A_19 = vector.load %arg6[%get3A_17, %get3A_18] : memref<128x128xf32, #tpu.memory_space<vmem>>, vector<128x128xf32>
    %dot_general3A = arith.constant dense<0.000000e+00> : vector<1000x128xf32>
    %dot_general3A_20 = tpu.matmul %mul3A_16, %get3A_19, %dot_general3A {dimension_numbers = #tpu.dot_dimension_numbers<[1], [1], [0], [0], [0, 0, 1, 0], [], []>, transpose_lhs_hint = false} : vector<1000x128xf32>, vector<128x128xf32>, vector<1000x128xf32> -> vector<1000x128xf32>
    %get3A_21 = arith.constant 0 : index
    %get3A_22 = arith.constant 0 : index
    %get3A_23 = vector.load %arg5[%get3A_21, %get3A_22] : memref<1000x128xf32, #tpu.memory_space<vmem>>, vector<1000x128xf32>
    %get3A_24 = arith.constant 0 : index
    %get3A_25 = arith.constant 0 : index
    %get3A_26 = vector.load %arg7[%get3A_24, %get3A_25] : memref<128x128xf32, #tpu.memory_space<vmem>>, vector<128x128xf32>
    %dot_general3A_27 = arith.constant dense<0.000000e+00> : vector<1000x128xf32>
    %dot_general3A_28 = tpu.matmul %get3A_23, %get3A_26, %dot_general3A_27 {dimension_numbers = #tpu.dot_dimension_numbers<[1], [1], [0], [0], [0, 0, 1, 0], [], []>, transpose_lhs_hint = false} : vector<1000x128xf32>, vector<128x128xf32>, vector<1000x128xf32> -> vector<1000x128xf32>
    %add3A_29 = arith.addf %dot_general3A_20, %dot_general3A_28 : vector<1000x128xf32>
    %get3A_30 = arith.constant 0 : index
    %get3A_31 = arith.constant 0 : index
    %get3A_32 = vector.load %arg8[%get3A_30, %get3A_31] : memref<1x128xf32, #tpu.memory_space<vmem>>, vector<1x128xf32>
    %add3A_33 = vector.broadcast %get3A_32 : vector<1x128xf32> to vector<1000x128xf32>
    %add3A_34 = arith.addf %add3A_29, %add3A_33 : vector<1000x128xf32>
    %mul3A_35 = arith.mulf %add3A_34, %add3A_34 : vector<1000x128xf32>
    %reduce_sum3A = arith.constant dense<0.000000e+00> : vector<1000xf32>
    %reduce_sum3A_36 = vector.multi_reduction <add>, %mul3A_35, %reduce_sum3A [1] : vector<1000x128xf32> to vector<1000xf32>
    %broadcast_in_dim3A = vector.shape_cast %reduce_sum3A_36 : vector<1000xf32> to vector<1000x1xf32>
    %sqrt3A = math.sqrt %broadcast_in_dim3A : vector<1000x1xf32>
    %max3A_37 = arith.constant 9.99999996E-13 : f32
    %max3A_38 = vector.broadcast %max3A_37 : f32 to vector<1000x1xf32>
    %max3A_39 = arith.maximumf %sqrt3A, %max3A_38 : vector<1000x1xf32>
    %div3A_40 = vector.broadcast %max3A_39 : vector<1000x1xf32> to vector<1000x128xf32>
    %div3A_41 = arith.divf %add3A_34, %div3A_40 : vector<1000x128xf32>
    %ge3A = arith.constant 0.000000e+00 : f32
    %ge3A_42 = vector.broadcast %ge3A : f32 to vector<1000x128xf32>
    %ge3A_43 = arith.cmpf oge, %div3A_41, %ge3A_42 : vector<1000x128xf32>
    %mul3A_44 = arith.constant 2.000000e-01 : f32
    %mul3A_45 = vector.broadcast %mul3A_44 : f32 to vector<1000x128xf32>
    %mul3A_46 = arith.mulf %mul3A_45, %div3A_41 : vector<1000x128xf32>
    %select_n3A = arith.select %ge3A_43, %div3A_41, %mul3A_46 : vector<1000x128xi1>, vector<1000x128xf32>
    %swap3A = arith.constant 0 : index
    %swap3A_47 = arith.constant 0 : index
    %swap3A_48 = vector.load %arg9[%swap3A, %swap3A_47] : memref<1000x128xf32, #tpu.memory_space<vmem>>, vector<1000x128xf32>
    tpu.vector_store %arg9[%swap3A, %swap3A_47], %select_n3A {strides = array<i32>} : memref<1000x128xf32, #tpu.memory_space<vmem>>, vector<1000x128xf32>,
    return
  }
  func.func @transform_0(%arg0: i32) -> (i32, i32) {
    %c0_i32 = arith.constant 0 : i32
    %c0_i32_0 = arith.constant 0 : i32
    return %arg0, %c0_i32 : i32, i32
  }
  func.func @transform_1(%arg0: i32) -> (i32, i32) {
    %c0_i32 = arith.constant 0 : i32
    %c0_i32_0 = arith.constant 0 : i32
    return %arg0, %c0_i32 : i32, i32
  }
  func.func @transform_2(%arg0: i32) -> (i32, i32) {
    %c0_i32 = arith.constant 0 : i32
    %c0_i32_0 = arith.constant 0 : i32
    return %arg0, %c0_i32 : i32, i32
  }
  func.func @transform_3(%arg0: i32) -> (i32, i32) {
    %c0_i32 = arith.constant 0 : i32
    %c0_i32_0 = arith.constant 0 : i32
    return %arg0, %c0_i32 : i32, i32
  }
  func.func @transform_4(%arg0: i32) -> (i32, i32) {
    %c0_i32 = arith.constant 0 : i32
    %c0_i32_0 = arith.constant 0 : i32
    return %arg0, %c0_i32 : i32, i32
  }
  func.func @transform_5(%arg0: i32) -> (i32, i32) {
    %c0_i32 = arith.constant 0 : i32
    %c0_i32_0 = arith.constant 0 : i32
    %c0_i32_1 = arith.constant 0 : i32
    return %c0_i32, %c0_i32_0 : i32, i32
  }
  func.func @transform_6(%arg0: i32) -> (i32, i32) {
    %c0_i32 = arith.constant 0 : i32
    %c0_i32_0 = arith.constant 0 : i32
    %c0_i32_1 = arith.constant 0 : i32
    return %c0_i32, %c0_i32_0 : i32, i32
  }
  func.func @transform_7(%arg0: i32) -> (i32, i32) {
    %c0_i32 = arith.constant 0 : i32
    %c0_i32_0 = arith.constant 0 : i32
    %c0_i32_1 = arith.constant 0 : i32
    return %c0_i32, %c0_i32_0 : i32, i32
  }
  func.func @transform_8(%arg0: i32) -> (i32, i32) {
    %c0_i32 = arith.constant 0 : i32
    %c0_i32_0 = arith.constant 0 : i32
    return %arg0, %c0_i32 : i32, i32
  }
}

module attributes {stable_mosaic.version = 14 : i64} {
  func.func @_dense_body(%arg0: i32, %arg1: memref<1000x128xf32, #tpu.memory_space<vmem>>, %arg2: memref<1000x128xf32, #tpu.memory_space<vmem>>, %arg3: memref<1000x1xf32, #tpu.memory_space<vmem>>, %arg4: memref<1000x1xf32, #tpu.memory_space<vmem>>, %arg5: memref<1000x128xf32, #tpu.memory_space<vmem>>, %arg6: memref<128x128xf32, #tpu.memory_space<vmem>>, %arg7: memref<128x128xf32, #tpu.memory_space<vmem>>, %arg8: memref<1x128xf32, #tpu.memory_space<vmem>>, %arg9: memref<1000x128xf32, #tpu.memory_space<vmem>>) attributes {dimension_semantics = [#tpu.dimension_semantics<arbitrary>], iteration_bounds = array<i64: 10>, scalar_prefetch = 0 : i64, scratch_operands = 0 : i64, tpu.core_type = #tpu.core_type<tc>, window_params = [{transform_indices = @transform_0, window_bounds = array<i64: 1000, 128>}, {transform_indices = @transform_1, window_bounds = array<i64: 1000, 128>}, {transform_indices = @transform_2, window_bounds = array<i64: 1000, 1>}, {transform_indices = @transform_3, window_bounds = array<i64: 1000, 1>}, {transform_indices = @transform_4, window_bounds = array<i64: 1000, 128>}, {pipeline_mode = #tpu.pipeline_mode<synchronous>, transform_indices = @transform_5, window_bounds = array<i64: 128, 128>}, {pipeline_mode = #tpu.pipeline_mode<synchronous>, transform_indices = @transform_6, window_bounds = array<i64: 128, 128>}, {pipeline_mode = #tpu.pipeline_mode<synchronous>, transform_indices = @transform_7, window_bounds = array<i64: 1, 128>}, {transform_indices = @transform_8, window_bounds = array<i64: 1000, 128>}]} {
    %get3A = arith.constant 0 : index
    %get3A_0 = arith.constant 0 : index
    %get3A_1 = vector.load %arg3[%get3A, %get3A_0] : memref<1000x1xf32, #tpu.memory_space<vmem>>, vector<1000x1xf32>
    %get3A_2 = arith.constant 0 : index
    %get3A_3 = arith.constant 0 : index
    %get3A_4 = vector.load %arg4[%get3A_2, %get3A_3] : memref<1000x1xf32, #tpu.memory_space<vmem>>, vector<1000x1xf32>
    %add3A = arith.addf %get3A_1, %get3A_4 : vector<1000x1xf32>
    %max3A = arith.constant 1.000000e+00 : f32
    %max3A_5 = vector.broadcast %max3A : f32 to vector<1000x1xf32>
    %max3A_6 = arith.maximumf %add3A, %max3A_5 : vector<1000x1xf32>
    %div3A = arith.constant 1.000000e+00 : f32
    %div3A_7 = vector.broadcast %div3A : f32 to vector<1000x1xf32>
    %div3A_8 = arith.divf %div3A_7, %max3A_6 : vector<1000x1xf32>
    %get3A_9 = arith.constant 0 : index
    %get3A_10 = arith.constant 0 : index
    %get3A_11 = vector.load %arg1[%get3A_9, %get3A_10] : memref<1000x128xf32, #tpu.memory_space<vmem>>, vector<1000x128xf32>
    %get3A_12 = arith.constant 0 : index
    %get3A_13 = arith.constant 0 : index
    %get3A_14 = vector.load %arg2[%get3A_12, %get3A_13] : memref<1000x128xf32, #tpu.memory_space<vmem>>, vector<1000x128xf32>
    %add3A_15 = arith.addf %get3A_11, %get3A_14 : vector<1000x128xf32>
    %mul3A = vector.broadcast %div3A_8 : vector<1000x1xf32> to vector<1000x128xf32>
    %mul3A_16 = arith.mulf %add3A_15, %mul3A : vector<1000x128xf32>
    %get3A_17 = arith.constant 0 : index
    %get3A_18 = arith.constant 0 : index
    %get3A_19 = vector.load %arg6[%get3A_17, %get3A_18] : memref<128x128xf32, #tpu.memory_space<vmem>>, vector<128x128xf32>
    %dot_general3A = arith.constant dense<0.000000e+00> : vector<1000x128xf32>
    %dot_general3A_20 = tpu.matmul %mul3A_16, %get3A_19, %dot_general3A {dimension_numbers = #tpu.dot_dimension_numbers<[1], [1], [0], [0], [0, 0, 1, 0], [], []>, transpose_lhs_hint = false} : vector<1000x128xf32>, vector<128x128xf32>, vector<1000x128xf32> -> vector<1000x128xf32>
    %get3A_21 = arith.constant 0 : index
    %get3A_22 = arith.constant 0 : index
    %get3A_23 = vector.load %arg5[%get3A_21, %get3A_22] : memref<1000x128xf32, #tpu.memory_space<vmem>>, vector<1000x128xf32>
    %get3A_24 = arith.constant 0 : index
    %get3A_25 = arith.constant 0 : index
    %get3A_26 = vector.load %arg7[%get3A_24, %get3A_25] : memref<128x128xf32, #tpu.memory_space<vmem>>, vector<128x128xf32>
    %dot_general3A_27 = arith.constant dense<0.000000e+00> : vector<1000x128xf32>
    %dot_general3A_28 = tpu.matmul %get3A_23, %get3A_26, %dot_general3A_27 {dimension_numbers = #tpu.dot_dimension_numbers<[1], [1], [0], [0], [0, 0, 1, 0], [], []>, transpose_lhs_hint = false} : vector<1000x128xf32>, vector<128x128xf32>, vector<1000x128xf32> -> vector<1000x128xf32>
    %add3A_29 = arith.addf %dot_general3A_20, %dot_general3A_28 : vector<1000x128xf32>
    %get3A_30 = arith.constant 0 : index
    %get3A_31 = arith.constant 0 : index
    %get3A_32 = vector.load %arg8[%get3A_30, %get3A_31] : memref<1x128xf32, #tpu.memory_space<vmem>>, vector<1x128xf32>
    %add3A_33 = vector.broadcast %get3A_32 : vector<1x128xf32> to vector<1000x128xf32>
    %add3A_34 = arith.addf %add3A_29, %add3A_33 : vector<1000x128xf32>
    %mul3A_35 = arith.mulf %add3A_34, %add3A_34 : vector<1000x128xf32>
    %reduce_sum3A = arith.constant dense<0.000000e+00> : vector<1000xf32>
    %reduce_sum3A_36 = vector.multi_reduction <add>, %mul3A_35, %reduce_sum3A [1] : vector<1000x128xf32> to vector<1000xf32>
    %broadcast_in_dim3A = vector.shape_cast %reduce_sum3A_36 : vector<1000xf32> to vector<1000x1xf32>
    %sqrt3A = math.sqrt %broadcast_in_dim3A : vector<1000x1xf32>
    %max3A_37 = arith.constant 9.99999996E-13 : f32
    %max3A_38 = vector.broadcast %max3A_37 : f32 to vector<1000x1xf32>
    %max3A_39 = arith.maximumf %sqrt3A, %max3A_38 : vector<1000x1xf32>
    %div3A_40 = vector.broadcast %max3A_39 : vector<1000x1xf32> to vector<1000x128xf32>
    %div3A_41 = arith.divf %add3A_34, %div3A_40 : vector<1000x128xf32>
    %ge3A = arith.constant 0.000000e+00 : f32
    %ge3A_42 = vector.broadcast %ge3A : f32 to vector<1000x128xf32>
    %ge3A_43 = arith.cmpf oge, %div3A_41, %ge3A_42 : vector<1000x128xf32>
    %mul3A_44 = arith.constant 2.000000e-01 : f32
    %mul3A_45 = vector.broadcast %mul3A_44 : f32 to vector<1000x128xf32>
    %mul3A_46 = arith.mulf %mul3A_45, %div3A_41 : vector<1000x128xf32>
    %select_n3A = arith.select %ge3A_43, %div3A_41, %mul3A_46 : vector<1000x128xi1>, vector<1000x128xf32>
    %swap3A = arith.constant 0 : index
    %swap3A_47 = arith.constant 0 : index
    %swap3A_48 = vector.load %arg9[%swap3A, %swap3A_47] : memref<1000x128xf32, #tpu.memory_space<vmem>>, vector<1000x128xf32>
    tpu.vector_store %arg9[%swap3A, %swap3A_47], %select_n3A {strides = array<i32>} : memref<1000x128xf32, #tpu.memory_space<vmem>>, vector<1000x128xf32>,
    return
  }
  func.func @transform_0(%arg0: i32) -> (i32, i32) {
    %c0_i32 = arith.constant 0 : i32
    %c0_i32_0 = arith.constant 0 : i32
    return %arg0, %c0_i32 : i32, i32
  }
  func.func @transform_1(%arg0: i32) -> (i32, i32) {
    %c0_i32 = arith.constant 0 : i32
    %c0_i32_0 = arith.constant 0 : i32
    return %arg0, %c0_i32 : i32, i32
  }
  func.func @transform_2(%arg0: i32) -> (i32, i32) {
    %c0_i32 = arith.constant 0 : i32
    %c0_i32_0 = arith.constant 0 : i32
    return %arg0, %c0_i32 : i32, i32
  }
  func.func @transform_3(%arg0: i32) -> (i32, i32) {
    %c0_i32 = arith.constant 0 : i32
    %c0_i32_0 = arith.constant 0 : i32
    return %arg0, %c0_i32 : i32, i32
  }
  func.func @transform_4(%arg0: i32) -> (i32, i32) {
    %c0_i32 = arith.constant 0 : i32
    %c0_i32_0 = arith.constant 0 : i32
    return %arg0, %c0_i32 : i32, i32
  }
  func.func @transform_5(%arg0: i32) -> (i32, i32) {
    %c0_i32 = arith.constant 0 : i32
    %c0_i32_0 = arith.constant 0 : i32
    %c0_i32_1 = arith.constant 0 : i32
    return %c0_i32, %c0_i32_0 : i32, i32
  }
  func.func @transform_6(%arg0: i32) -> (i32, i32) {
    %c0_i32 = arith.constant 0 : i32
    %c0_i32_0 = arith.constant 0 : i32
    %c0_i32_1 = arith.constant 0 : i32
    return %c0_i32, %c0_i32_0 : i32, i32
  }
  func.func @transform_7(%arg0: i32) -> (i32, i32) {
    %c0_i32 = arith.constant 0 : i32
    %c0_i32_0 = arith.constant 0 : i32
    %c0_i32_1 = arith.constant 0 : i32
    return %c0_i32, %c0_i32_0 : i32, i32
  }
  func.func @transform_8(%arg0: i32) -> (i32, i32) {
    %c0_i32 = arith.constant 0 : i32
    %c0_i32_0 = arith.constant 0 : i32
    return %arg0, %c0_i32 : i32, i32
  }
}

</mosaic_0001>

<sc_bundles>
// kernel: kernel.6.cloned.1.call-start
scs
__scs_entry_jumppad:
0x0: {  	(pc) =	sbr.rel $0x88, $3  }
0x1: {  	(tag) =	ssettag $0x0;
	lr =	simm.s32 $0x1  }
0x2: {  	[smem:$0x3F99] =	sst lr;
	_ =	strace $0xD0000000  }
0x3: {  	_ = 	snop  }
0x4: {  	_ = 	snop  }
0x5: {  	_ = 	snop  }
0x6: {  	_ = 	snop  }
0x7: {  	_ = 	snop  }
__scs_overlays_trampoline_lowered:
0x8: {  	[smem:$0x3FA8] =	sst s0  }
0x9: {  	[smem:$0x3FA9] =	sst s1  }
0xa: {  	[smem:$0x3FAA] =	sst s2  }
0xb: {  	[smem:$0x3FAB] =	sst s3  }
0xc: {  	[smem:$0x3FAC] =	sst s4  }
0xd: {  	[smem:$0x3FAD] =	sst s5  }
0xe: {  	[smem:$0x3FAE] =	sst s6  }
0xf: {  	[smem:$0x3FAF] =	sst s7  }
0x10: {  	[smem:$0x3FB0] =	sst s8  }
0x11: {  	[smem:$0x3FB1] =	sst s9;
	s0 =	simm.s32 @!p0 $0x0  }
0x12: {  	s1 =	sld [smem:$0x3F97];
	s0 =	simm.s32 @p0 $0x1  }
0x13: {  	[smem:$0x3FB2] =	sst s0;
	s0 =	simm.s32 @!p1 $0x0  }
0x14: {  	s2 =	sld [smem:$0x3F96];
	s0 =	simm.s32 @p1 $0x1  }
0x15: {  	[smem:$0x3FB3] =	sst s0;
	s0 =	simm.s32 @!p2 $0x0  }
0x16: {  	s3 =	sld [smem:$0x3FDB];
	s0 =	simm.s32 @p2 $0x1  }
0x17: {  	s4 =	simm.s32 $0x1BF5;
	[smem:$0x3FB5] =	sst s0  }
0x18: {  	s0 =	sld [smem:$0x3F98];
	_ =	swait.ge [sflag:s4], $0x0  }
0x19: {  	s7 =	sld [smem:$0x3F99]  }
0x1a: {  	s8 =	sadd.s32 $0xFFFFE003, lr  }
0x1b: {  	s9 =	sadd.s32 $0xFFFFFEF7, lr;
	s5 =	simm.s32 $0xFFFFFFFF;
	p2 =	slt.u32 s8, $0xFFFFF086  }
0x1c: {  	p1 =	slt.u32 s9, $0xF7A;
	s5 =	simm.s32 @!p2 $0x0  }
0x1d: {  	s5 =	simm.s32 @p1 $0x1;
	p0 =	seq.s32 s7, s2  }
0x1e: {  	s7 =	smul.u32 @!p0 $0xF7A, s2;
	p2 =	seq.s32 @!p0 s5, $0x0  }
0x1f: {  	s9 =	smul.u32 $0xF7A, s1;
	s8 =	simm.s32 @!p0 $0x1BF5;
	p2 =	por !p2, p0  }
0x20: {  	[sflag:s8] =	ssyncset.s32 @!p0 $0xFFFFF086;
	s6 =	sadd.s32 @!p0 s3, s7;
	s7 =	simm.s32 @!p0 $0x108  }
0x21: {  	s3 =	sadd.s32 s3, s9;
	s6 =	sadd.s32 @!p0 $0x88, s6;
	s7 =	simm.s32 @p2 $0x1082  }
0x22: {  	[simem:s7], [sflag:s8] =	dma.local @!p0 [hbm:s6], $0xF7A  }
0x23: {  	s9 =	sor.u32 $0xD0000000, s2;
	s6 =	simm.s32 $0x108;
	_ =	swait.ge @!p0 [sflag:s8], $0x0  }
0x24: {  	s3 =	sadd.s32 $0x88, s3;
	s6 =	simm.s32 @!p1 $0x1082;
	[sflag:s4] =	ssyncset.s32 $0xFFFFF086  }
0x25: {  	[simem:s6], [sflag:s4] =	dma.local [hbm:s3], $0xF7A  }
0x26: {  	[smem:$0x3F99] =	sst s1;
	(tag) =	ssettag s2;
	_ =	strace s9  }
0x27: {  	s1 =	sld [smem:$0x3FA9]  }
0x28: {  	s2 =	sld [smem:$0x3FAA]  }
0x29: {  	s4 =	sld [smem:$0x3FAC]  }
0x2a: {  	p0 =	seq.s32 s5, $0x0;
	s5 =	sld [smem:$0x3FAD]  }
0x2b: {  	s6 =	sld [smem:$0x3FAE]  }
0x2c: {  	s7 =	sld [smem:$0x3FAF]  }
0x2d: {  	s3 =	simm.s32 $0x108;
	s8 =	sld [smem:$0x3FB0]  }
0x2e: {  	s3 =	simm.s32 @!p0 $0x1082;
	s9 =	sld [smem:$0x3FB1]  }
0x2f: {  	lr =	sadd.s32 s0, s3;
	s0 =	sld [smem:$0x3FA8]  }
0x30: {  	s3 =	sld [smem:$0x3FAB]  }
0x31: {  	[smem:$0x3FB4] =	sst s10  }
0x32: {  	s10 =	sld [smem:$0x3FB2];
	_ =	sdelay $0x3  }
0x33: {  	p0 =	seq.s32 s10, $0x1;
	s10 =	sld [smem:$0x3FB4];
	_ =	sdelay $0x3  }
0x34: {  	[smem:$0x3FB4] =	sst s10  }
0x35: {  	s10 =	sld [smem:$0x3FB3];
	_ =	sdelay $0x3  }
0x36: {  	p1 =	seq.s32 s10, $0x1;
	s10 =	sld [smem:$0x3FB4];
	_ =	sdelay $0x3  }
0x37: {  	[smem:$0x3FB4] =	sst s10  }
0x38: {  	s10 =	sld [smem:$0x3FB5]  }
0x39: {  	_ = 	snop;
	(pc) =	sbr.ind lr, $3  }
0x3a: {  	_ = 	snop  }
0x3b: {  	_ = 	snop  }
0x3c: {  	p2 =	seq.s32 s10, $0x1;
	s10 =	sld [smem:$0x3FB4]  }
0x3d: {  	_ =	shalt  }
0x3e: {  	_ =	shalt  }
0x3f: {  	_ =	shalt  }
0x40: {  	_ =	shalt  }
0x41: {  	_ =	shalt  }
0x42: {  	_ =	shalt  }
0x43: {  	_ =	shalt  }
0x44: {  	_ =	shalt  }
0x45: {  	_ =	shalt  }
0x46: {  	_ =	shalt  }
0x47: {  	_ =	shalt  }
0x48: {  	_ =	shalt  }
0x49: {  	_ =	shalt  }
0x4a: {  	_ =	shalt  }
0x4b: {  	_ =	shalt  }
0x4c: {  	_ =	shalt  }
0x4d: {  	_ =	shalt  }
0x4e: {  	_ =	shalt  }
0x4f: {  	_ =	shalt  }
0x50: {  	_ =	shalt  }
0x51: {  	_ =	shalt  }
0x52: {  	_ =	shalt  }
0x53: {  	_ =	shalt  }
0x54: {  	_ =	shalt  }
0x55: {  	_ =	shalt  }
0x56: {  	_ =	shalt  }
0x57: {  	_ =	shalt  }
0x58: {  	_ =	shalt  }
0x59: {  	_ =	shalt  }
0x5a: {  	_ =	shalt  }
0x5b: {  	_ =	shalt  }
0x5c: {  	_ =	shalt  }
0x5d: {  	_ =	shalt  }
0x5e: {  	_ =	shalt  }
0x5f: {  	_ =	shalt  }
0x60: {  	_ =	shalt  }
0x61: {  	_ =	shalt  }
0x62: {  	_ =	shalt  }
0x63: {  	_ =	shalt  }
0x64: {  	_ =	shalt  }
0x65: {  	_ =	shalt  }
0x66: {  	_ =	shalt  }
0x67: {  	_ =	shalt  }
0x68: {  	_ =	shalt  }
0x69: {  	_ =	shalt  }
0x6a: {  	_ =	shalt  }
0x6b: {  	_ =	shalt  }
0x6c: {  	_ =	shalt  }
0x6d: {  	_ =	shalt  }
0x6e: {  	_ =	shalt  }
0x6f: {  	_ =	shalt  }
0x70: {  	_ =	shalt  }
0x71: {  	_ =	shalt  }
0x72: {  	_ =	shalt  }
0x73: {  	_ =	shalt  }
0x74: {  	_ =	shalt  }
0x75: {  	_ =	shalt  }
0x76: {  	_ =	shalt  }
0x77: {  	_ =	shalt  }
0x78: {  	_ =	shalt  }
0x79: {  	_ =	shalt  }
0x7a: {  	_ =	shalt  }
0x7b: {  	_ =	shalt  }
0x7c: {  	_ =	shalt  }
0x7d: {  	_ =	shalt  }
0x7e: {  	_ =	shalt  }
0x7f: {  	_ =	shalt  }
0x80: {  	_ =	shalt  }
0x81: {  	_ =	shalt  }
0x82: {  	_ =	shalt  }
0x83: {  	_ =	shalt  }
0x84: {  	_ =	shalt  }
0x85: {  	_ =	shalt  }
0x86: {  	_ =	shalt  }
0x87: {  	_ =	shalt  }
.Lfunc_end0:
.L_simem_size_0:
called_computation_lowered:
.L_overlay_start_0:
0x88: {  	s2 =	sld [smem:$0x3FD9]  }
0x89: {  	s3 =	sld [smem:$0x3FFE];
	_ =	sdelay $0x1  }
0x8a: {  	s1 =	srdreg.scid  }
0x8b: {  	s0 =	sand.u32 $0x1, s1  }
0x8c: {  	s17 =	sshll.u32 s0, $0xA;
	s2 =	sadd.s32 s3, s2  }
0x8d: {  	s2 =	sadd.s32 s2, s17  }
0x8e: {  	[smem:$0x3FC0] =	sst s2  }
0x8f: {  	_ = 	snop  }
0x90: {  	s2 =	sld [smem:$0x3FC9]  }
0x91: {  	s18 =	sld [smem:$0x3FD0];
	(tm) =	ssettm $0x1  }
0x92: {  	s4 =	sld [smem:$0x3FFB];
	_ =	sdelay $0x3  }
0x93: {  	_ =	strace s4  }
0x94: {  	s4 =	sld [smem:$0x3FFC];
	_ =	sdelay $0x3  }
0x95: {  	_ =	strace s4  }
0x96: {  	s4 =	sld [smem:$0x3FFD];
	_ =	sdelay $0x3  }
0x97: {  	_ =	strace s4  }
0x98: {  	_ =	strace $0x8FFFFFFF  }
0x99: {  	s19 =	sld [smem:$0x3FDB];
	_ =	sdelay $0x1  }
0x9a: {  	s5 =	simm.s32 $_scs_section_size  }
0x9b: {  	s6 =	simm.s32 $_size__tile_overlayer_lowered;
	s7 =	simm.s32 $_tile_overlayer_lowered  }
0x9c: {  	s22 =	simm.s32 $0x1BFF;
	s21 =	sshll.u32 s7, $0x1;
	s4 =	sadd.s32 s5, s19  }
0x9d: {  	s8 =	simm.s32 $0x0;
	s20 =	sshll.u32 s6, $0x1;
	s6 =	sadd.s32 s21, s4  }
0x9e: {  	[timem:s8], [sflag:s22] =	dma.local [hbm:s6], s20  }
0x9f: {  	_ =	swait.ge [sflag:s22], s20  }
0xa0: {  	s5 =	ssub.s32 $0x0, s20;
	[sflag:s22] =	ssyncset.done $0x0  }
0xa1: {  	[sflag:s22] =	ssyncadd.s32 s5;
	_ =	sdelay $0x1  }
0xa2: {  	s23 =	simm.s32 $0x1B8B  }
0xa3: {  	_ =	swait.ge [sflag:s23], $0x1  }
0xa4: {  	[sflag:s23] =	ssyncset.done $0x0  }
0xa5: {  	s25 =	simm.s32 $0x1B8E;
	s24 =	sld [smem:$0x3FFE];
	[sflag:s23] =	ssyncadd.s32 $0xFFFFFFFF  }
0xa6: {  	s26 =	simm.s32 $execute0_lowered;
	[smem:$0x3FD2] =	sst s25  }
0xa7: {  	s6 =	sshll.u32 s26, $0x1;
	_ =	strace $0x80000046;
	[dreg:$0x1] =	wrdreg $0xFFFFFFFF  }
0xa8: {  	s28 =	simm.s32 $_size_execute0_lowered;
	s4 =	sadd.s32 s4, s6;
	[dreg:$0x0] =	wrdreg $0x0  }
0xa9: {  	s6 =	sshll.u32 s28, $0x1;
	[dreg:$0x2] =	wrdreg s4  }
0xaa: {  	[dreg:$0x3] =	wrdreg s6  }
0xab: {  	[dreg:$0x4] =	wrdreg $0xC0  }
0xac: {  	_ =	task [dreg:s8], $0x5FFFF  }
0xad: {  	[dreg:$0x1] =	wrdreg $0xFFFFFFFF  }
0xae: {  	[dreg:$0x0] =	wrdreg $0x60  }
0xaf: {  	[dreg:$0x2] =	wrdreg s2  }
0xb0: {  	[dreg:$0x3] =	wrdreg s24  }
0xb1: {  	[dreg:$0x4] =	wrdreg s18  }
0xb2: {  	[dreg:$0x5] =	wrdreg $0x0  }
0xb3: {  	[dreg:$0x6] =	wrdreg $0x142800  }
0xb4: {  	[dreg:$0x7] =	wrdreg $0x9  }
0xb5: {  	_ =	task.clear_ibuf [dreg:s8], $0x8FFFF;
	_ =	strace $0x90000046  }
0xb6: {  	s29 =	simm.s32 $0x9;
	_ =	strace $0x80000048  }
0xb7: {  	_ =	swait.ge [sflag:s29], $0x1  }
0xb8: {  	[sflag:s29] =	ssyncadd.s32 $0xFFFFFFFF  }
0xb9: {  	_ =	strace $0x90000048  }
0xba: {  	_ =	sfence  }
0xbb: {  	s30 =	sld [smem:$0x0];
	_ =	sdelay $0x2  }
0xbc: {  	s31 =	sshll.u32 s1, $0xD;
	s1 =	sshrl.u32 s1, $0x2  }
0xbd: {  	s3 =	sand.u32 $0x4000, s31;
	s1 =	sadd.s32 s1, s30  }
0xbe: {  	s0 =	sor.u32 s3, s0;
	s1 =	sshll.u32 s1, $0x11  }
0xbf: {  	s0 =	sor.u32 s1, s0  }
0xc0: {  	s0 =	sadd.s32 $0x8F2B, s0  }
0xc1: {  	[sflag:s0] =	ssyncadd.remote.s32 $0x1  }
0xc2: {  	_ =	sfence.sel $0xFFFF  }
0xc3: {  	[dreg:$0x0] =	wrdreg $0xFFFFFFFF;
	(pc) =	sbr.abs _section_cstart, $3  }
0xc4: {  	[dreg:$0x1] =	wrdreg $0xFFFFFFFF  }
0xc5: {  	_ =	task.clear_ibuf [dreg:s8], $0x2FFFF;
	_ =	strace $0x9FFFFFFF  }
0xc6: {  	(tm) =	ssettm $0x7FFFFFFF  }
0xc7: {  	_ =	shalt  }
tec
execute0_lowered:
.L_overlay_start_1:
0x0: {  	(tag) =	ssettag $0x1  }
0x1: {  	s2 =	rddreg [dreg:$0x1]  }
0x2: {  	s5 =	rddreg [dreg:$0x2]  }
0x3: {  	s0 =	srdreg.scid;
	s1 =	stileid.u32;
	s3 =	simm.s32 $0x0  }
0x4: {  	s28 =	simm.s32 $0x3;
	s29 =	simm.s32 $0x14600;
	s30 =	simm.s32 $0x6  }
0x5: {  	s4 =	sand.u32 $0x1, s0;
	s0 =	smul.u32 $0x280, s1;
	[smem:$0x7FF] =	sst s3  }
0x6: {  	s6 =	sadd.s32 $0x21800, s2;
	s9 =	sadd.s32 $0x71800, s2;
	s13 =	ssub.s32 $0x2, s4  }
0x7: {  	s10 =	smul.u32 $0x14000, s1;
	p0 =	seq.s32 s4, $0x1;
	s7 =	sshrl.u32 s13, $0x1  }
0x8: {  	s8 =	sshll.u32 s0, $0x7;
	s5 =	smov.u32 @p0 s9;
	s3 =	ssub.s32 s13, s7  }
0x9: {  	s7 =	sor.u32 $0x2000, s8;
	s11 =	sadd.s32 $0x4000, s8;
	s12 =	sadd.s32 $0x6000, s8  }
0xa: {  	s13 =	smul.u32 $0x140000, s4;
	s15 =	sadd.s32 $0x8000, s8;
	s22 =	sadd.s32 $0xA000, s8  }
0xb: {  	s19 =	sadd.s32 $0xC000, s8;
	s23 =	sadd.s32 $0xE000, s8;
	s21 =	sadd.s32 $0x10000, s8  }
0xc: {  	s8 =	sadd.s32 $0x12000, s8;
	s10 =	sadd.s32 s10, s13;
	s14 =	sadd.s32 s13, s7  }
0xd: {  	s17 =	sadd.s32 s13, s11;
	s18 =	sadd.s32 s13, s15;
	s20 =	sadd.s32 s13, s22  }
0xe: {  	s26 =	sadd.s32 s13, s19;
	s10 =	sshrl.u32 s10, $0x3;
	s14 =	sshrl.u32 s14, $0x3  }
0xf: {  	s16 =	sshrl.u32 s17, $0x3;
	s25 =	sshrl.u32 s20, $0x3;
	s10 =	sadd.s32 s6, s10  }
0x10: {  	s20 =	sshrl.u32 s0, $0x3;
	s14 =	sadd.s32 s6, s14;
	[dreg:$0x6] =	wrdreg s10  }
0x11: {  	s17 =	sadd.s32 s13, s12;
	s5 =	sadd.s32 s5, s20;
	[dreg:$0x7] =	wrdreg s14  }
0x12: {  	s10 =	sadd.s32 s6, s16;
	s14 =	sshrl.u32 s18, $0x3;
	[dreg:$0x10] =	wrdreg s5  }
0x13: {  	s16 =	sadd.s32 s13, s21;
	s18 =	sadd.s32 s13, s8;
	[dreg:$0x8] =	wrdreg s10  }
0x14: {  	s24 =	sadd.s32 s6, s14;
	s14 =	sadd.s32 s13, s23;
	s13 =	rddreg [dreg:$0x3]  }
0x15: {  	s4 =	sshll.u32 s4, $0x4;
	s10 =	sshrl.u32 s17, $0x3;
	[dreg:$0xa] =	wrdreg s24  }
0x16: {  	s10 =	sadd.s32 s6, s10;
	s9 =	sshrl.u32 s14, $0x3;
	s14 =	rddreg [dreg:$0x4]  }
0x17: {  	s17 =	sshrl.u32 s16, $0x3;
	[dreg:$0x9] =	wrdreg s10;
	s10 =	sadd.s32 s6, s25  }
0x18: {  	s24 =	smul.u32 $0x50000, s1;
	s9 =	sadd.s32 s6, s9;
	[dreg:$0xb] =	wrdreg s10  }
0x19: {  	s10 =	sshrl.u32 s26, $0x3;
	[dreg:$0xd] =	wrdreg s9;
	s9 =	sadd.s32 s6, s17  }
0x1a: {  	s16 =	sadd.s32 s11, s13;
	s10 =	sadd.s32 s6, s10;
	[dreg:$0xe] =	wrdreg s9  }
0x1b: {  	s20 =	sadd.s32 s12, s13;
	s9 =	sshrl.u32 s18, $0x3;
	[dreg:$0xc] =	wrdreg s10  }
0x1c: {  	s25 =	sadd.s32 $0x21200, s2;
	s10 =	rddreg [dreg:$0x0];
	s6 =	sadd.s32 s6, s9  }
0x1d: {  	s17 =	sadd.s32 $0x2E00, s2;
	s26 =	sadd.s32 $0x21000, s2;
	[dreg:$0xf] =	wrdreg s6  }
0x1e: {  	s5 =	sshrl.u32 s24, $0x2;
	_ =	strace $0x80000047;
	[dreg:$0x11] =	wrdreg s25  }
0x1f: {  	s18 =	sadd.s32 $0x11E00, s2;
	s2 =	sadd.s32 $0x20E00, s2;
	[dreg:$0x12] =	wrdreg s26  }
0x20: {  	s22 =	sadd.s32 s22, s13;
	s6 =	sadd.s32 s5, s13;
	[dreg:$0x13] =	wrdreg s2  }
0x21: {  	s12 =	sadd.s32 s21, s13;
	s9 =	sadd.s32 s7, s13;
	[dreg:$0x14] =	wrdreg s6  }
0x22: {  	s31 =	sadd.s32 s8, s13;
	s8 =	simm.s32 $0x15100;
	[dreg:$0x15] =	wrdreg s9  }
0x23: {  	s11 =	simm.s32 $0x14500;
	s21 =	simm.s32 $0x18180;
	[dreg:$0x16] =	wrdreg s16  }
0x24: {  	s24 =	sadd.s32 s15, s13;
	s15 =	simm.s32 $0x60;
	[dreg:$0x17] =	wrdreg s20  }
0x25: {  	s7 =	sadd.s32 s23, s13;
	s23 =	simm.s32 $0x2;
	[dreg:$0x18] =	wrdreg s24  }
0x26: {  	s5 =	simm.s32 $0x7;
	s2 =	sor.u32 s1, s4;
	[dreg:$0x19] =	wrdreg s22  }
0x27: {  	s26 =	sadd.s32 s19, s13;
	s16 =	sadd.s32 s0, s14;
	[dreg:$0x1b] =	wrdreg s7  }
0x28: {  	s0 =	simm.s32 $0x0;
	s25 =	smax.u32 s3, $0x1;
	[dreg:$0x1c] =	wrdreg s12  }
0x29: {  	s4 =	simm.s32 $0x1B180;
	s6 =	simm.s32 $0x1;
	[dreg:$0x1d] =	wrdreg s31  }
0x2a: {  	s20 =	simm.s32 $0x14000;
	s1 =	simm.s32 $0x0;
	[dreg:$0x1f] =	wrdreg s25  }
0x2b: {  	s9 =	simm.s32 $0x1E180;
	s19 =	simm.s32 $0x15180;
	[smem:$0x7FD] =	sst s1  }
0x2c: {  	s3 =	simm.s32 $0x4;
	s24 =	simm.s32 $0x14580;
	[dreg:$0x1a] =	wrdreg s26  }
0x2d: {  	s2 =	smul.u32 $0x5, s2;
	s25 =	simm.s32 $0x5;
	[dreg:$0x1e] =	wrdreg s16  }
.LBB2_1:
0x2e: {  	s1 =	rddreg [dreg:$0x11]  }
0x2f: {  	[tilespmem:s4], [sflag:$0x7] =	stream.linear.gather [hbm4b:s1+s0], $0x3000, $0x38;
	[tilespmem:$0x1ED80] =	vst v63  }
0x30: {  	_ =	swait.ge [sflag:s5], $0x3000  }
0x31: {  	[sflag:s5] =	ssyncset.done $0x0  }
0x32: {  	s1 =	rddreg [dreg:$0x14];
	[sflag:s5] =	ssyncadd.s32 $0xFFFFD000  }
0x33: {  	[spmem:s1] =	stream.linear.scatter [tilespmem:s4], [sflag:$0x1], $0x2000, $0x38;
	[tilespmem:$0x1ED80] =	vst v63  }
0x34: {  	s1 =	rddreg [dreg:$0x15]  }
0x35: {  	[spmem:s1] =	stream.linear.scatter [tilespmem:s4], [sflag:$0x1], $0x2000, $0x38;
	[tilespmem:$0x1ED80] =	vst v63  }
0x36: {  	s1 =	rddreg [dreg:$0x16]  }
0x37: {  	[spmem:s1] =	stream.linear.scatter [tilespmem:s4], [sflag:$0x1], $0x2000, $0x38;
	[tilespmem:$0x1ED80] =	vst v63  }
0x38: {  	s1 =	rddreg [dreg:$0x17]  }
0x39: {  	[spmem:s1] =	stream.linear.scatter [tilespmem:s4], [sflag:$0x1], $0x2000, $0x38;
	[tilespmem:$0x1ED80] =	vst v63  }
0x3a: {  	s1 =	rddreg [dreg:$0x18]  }
0x3b: {  	[spmem:s1] =	stream.linear.scatter [tilespmem:s4], [sflag:$0x1], $0x2000, $0x38;
	[tilespmem:$0x1ED80] =	vst v63  }
0x3c: {  	_ = 	snop  }
0x3d: {  	[spmem:s22] =	stream.linear.scatter [tilespmem:s4], [sflag:$0x1], $0x2000, $0x38;
	[tilespmem:$0x1ED80] =	vst v63  }
0x3e: {  	_ = 	snop  }
0x3f: {  	[spmem:s26] =	stream.linear.scatter [tilespmem:s4], [sflag:$0x1], $0x2000, $0x38;
	[tilespmem:$0x1ED80] =	vst v63  }
0x40: {  	_ = 	snop  }
0x41: {  	[spmem:s7] =	stream.linear.scatter [tilespmem:s4], [sflag:$0x1], $0x2000, $0x38;
	[tilespmem:$0x1ED80] =	vst v63  }
0x42: {  	_ = 	snop  }
0x43: {  	[spmem:s12] =	stream.linear.scatter [tilespmem:s4], [sflag:$0x1], $0x2000, $0x38;
	[tilespmem:$0x1ED80] =	vst v63  }
0x44: {  	_ = 	snop  }
0x45: {  	[spmem:s31] =	stream.linear.scatter [tilespmem:s4], [sflag:$0x1], $0x2000, $0x38;
	[tilespmem:$0x1ED80] =	vst v63  }
0x46: {  	_ =	swait.ge [sflag:s6], $0x2000  }
0x47: {  	[sflag:s6] =	ssyncset.done $0x0  }
0x48: {  	[sflag:s6] =	ssyncadd.s32 $0xFFFFE000  }
0x49: {  	_ =	swait.ge [sflag:s6], $0x2000  }
0x4a: {  	[sflag:s6] =	ssyncset.done $0x0  }
0x4b: {  	[sflag:s6] =	ssyncadd.s32 $0xFFFFE000  }
0x4c: {  	_ =	swait.ge [sflag:s6], $0x2000  }
0x4d: {  	[sflag:s6] =	ssyncset.done $0x0  }
0x4e: {  	[sflag:s6] =	ssyncadd.s32 $0xFFFFE000  }
0x4f: {  	_ =	swait.ge [sflag:s6], $0x2000  }
0x50: {  	[sflag:s6] =	ssyncset.done $0x0  }
0x51: {  	[sflag:s6] =	ssyncadd.s32 $0xFFFFE000  }
0x52: {  	_ =	swait.ge [sflag:s6], $0x2000  }
0x53: {  	[sflag:s6] =	ssyncset.done $0x0  }
0x54: {  	[sflag:s6] =	ssyncadd.s32 $0xFFFFE000  }
0x55: {  	_ =	swait.ge [sflag:s6], $0x2000  }
0x56: {  	[sflag:s6] =	ssyncset.done $0x0  }
0x57: {  	[sflag:s6] =	ssyncadd.s32 $0xFFFFE000  }
0x58: {  	_ =	swait.ge [sflag:s6], $0x2000  }
0x59: {  	[sflag:s6] =	ssyncset.done $0x0  }
0x5a: {  	[sflag:s6] =	ssyncadd.s32 $0xFFFFE000  }
0x5b: {  	_ =	swait.ge [sflag:s6], $0x2000  }
0x5c: {  	[sflag:s6] =	ssyncset.done $0x0  }
0x5d: {  	[sflag:s6] =	ssyncadd.s32 $0xFFFFE000  }
0x5e: {  	_ =	swait.ge [sflag:s6], $0x2000  }
0x5f: {  	[sflag:s6] =	ssyncset.done $0x0  }
0x60: {  	[sflag:s6] =	ssyncadd.s32 $0xFFFFE000  }
0x61: {  	_ =	swait.ge [sflag:s6], $0x2000  }
0x62: {  	[sflag:s6] =	ssyncset.done $0x0  }
0x63: {  	s26 =	rddreg [dreg:$0x12];
	[sflag:s6] =	ssyncadd.s32 $0xFFFFE000  }
0x64: {  	[tilespmem:s20], [sflag:$0x7] =	stream.linear.gather [hbm4b:s26+s0], $0x280, $0x38;
	[tilespmem:$0x1ED80] =	vst v63  }
0x65: {  	_ =	swait.ge [sflag:s5], $0x280  }
0x66: {  	[sflag:s5] =	ssyncset.done $0x0  }
0x67: {  	[sflag:s5] =	ssyncadd.s32 $0xFFFFFD80  }
0x68: {  	[spmem:s16] =	stream.linear.scatter [tilespmem:s20], [sflag:$0x7], $0x280, $0x38;
	[tilespmem:$0x1ED80] =	vst v63  }
0x69: {  	_ =	swait.ge [sflag:s5], $0x280  }
0x6a: {  	[sflag:s5] =	ssyncset.done $0x0  }
0x6b: {  	s31 =	rddreg [dreg:$0x13];
	[sflag:s5] =	ssyncadd.s32 $0xFFFFFD80  }
0x6c: {  	[tilespmem:s8], [sflag:$0x7] =	stream.linear.gather [hbm4b:s31+s0], $0x80, $0x38;
	[tilespmem:$0x1ED80] =	vst v63  }
0x6d: {  	_ =	swait.ge [sflag:s5], $0x80  }
0x6e: {  	s22 =	simm.s32 $0x1E300;
	[sflag:s5] =	ssyncset.done $0x0  }
0x6f: {  	s12 =	simm.s32 $0x0;
	s26 =	simm.s32 $0x1E380;
	[sflag:s5] =	ssyncadd.s32 $0xFFFFFF80  }
0x70: {  	s16 =	simm.s32 $0x1E200;
	s20 =	simm.s32 $0x1E280;
	[bflag:$0x0] =	sbarrier.arrive $0xFFFF  }
.LBB2_2:
0x71: {  	s0 =	sadd.s32 s2, s12  }
0x72: {  	s0 =	smul.u32 $0x180, s0;
	_ =	sdelay $0x1  }
0x73: {  	s1 =	simm.s32 $0x0;
	s7 =	sadd.s32 s17, s0  }
0x74: {  	[tilespmem:s9], [sflag:$0x7] =	stream.linear.gather [hbm4b:s7+s1], $0xC00, $0x38;
	[tilespmem:$0x1ED80] =	vst v63  }
0x75: {  	_ =	swait.ge [sflag:s5], $0xC00  }
0x76: {  	[sflag:s5] =	ssyncset.done $0x0  }
0x77: {  	s0 =	sadd.s32 s18, s0;
	[sflag:s5] =	ssyncadd.s32 $0xFFFFF400  }
0x78: {  	[tilespmem:s11], [sflag:$0x7] =	stream.linear.gather [hbm4b:s0+s1], $0xC00, $0x38;
	[tilespmem:$0x1ED80] =	vst v63  }
0x79: {  	_ =	swait.ge [sflag:s5], $0xC00  }
0x7a: {  	[sflag:s5] =	ssyncset.done $0x0  }
0x7b: {  	[sflag:s5] =	ssyncadd.s32 $0xFFFFF400  }
0x7c: {  	[tilespmem:s4], [sflag:$0x1] =	stream.indirect.gather [hbm4b:s10+s15], $0x80, s9, s15, $0xb8;
	[tilespmem:$0x1ED80] =	vst v63  }
0x7d: {  	_ = 	snop  }
0x7e: {  	[tilespmem:s19], [sflag:$0x2] =	stream.indirect.gather [hbm4b:s10+s15], $0x80, s16, s15, $0xb8;
	[tilespmem:$0x1ED80] =	vst v63  }
0x7f: {  	_ = 	snop  }
0x80: {  	[tilespmem:s21], [sflag:$0x3] =	stream.indirect.gather [hbm4b:s10+s15], $0x80, s20, s15, $0xb8;
	[tilespmem:$0x1ED80] =	vst v63  }
0x81: {  	_ =	swait.ge [sflag:s6], $0x3000  }
0x82: {  	[sflag:s6] =	ssyncset.done $0x0  }
0x83: {  	[sflag:s6] =	ssyncadd.s32 $0xFFFFD000  }
0x84: {  	[spmem:s13] =	stream.indirect.scatter.add.f32 [tilespmem:s4], [sflag:$0x4], $0x80, s11, s15, $0xb8;
	[tilespmem:$0x1ED80] =	vst v63  }
0x85: {  	_ = 	snop  }
0x86: {  	[spmem:s14] =	stream.indirect.scatter.add.f32 [tilespmem:s8], [sflag:$0x7], $0x1, s11, s15, $0xb8;
	[tilespmem:$0x1ED80] =	vst v63  }
0x87: {  	_ =	swait.ge [sflag:s5], $0x60  }
0x88: {  	[sflag:s5] =	ssyncset.done $0x0  }
0x89: {  	[sflag:s5] =	ssyncadd.s32 $0xFFFFFFA0  }
0x8a: {  	_ =	swait.ge [sflag:s3], $0x3000  }
0x8b: {  	[sflag:s3] =	ssyncset.done $0x0  }
0x8c: {  	[sflag:s3] =	ssyncadd.s32 $0xFFFFD000  }
0x8d: {  	[tilespmem:s4], [sflag:$0x1] =	stream.indirect.gather [hbm4b:s10+s15], $0x80, s22, s15, $0xb8;
	[tilespmem:$0x1ED80] =	vst v63  }
0x8e: {  	_ =	swait.ge [sflag:s23], $0x3000  }
0x8f: {  	[sflag:s23] =	ssyncset.done $0x0  }
0x90: {  	[sflag:s23] =	ssyncadd.s32 $0xFFFFD000  }
0x91: {  	[spmem:s13] =	stream.indirect.scatter.add.f32 [tilespmem:s19], [sflag:$0x5], $0x80, s24, s15, $0xb8;
	[tilespmem:$0x1ED80] =	vst v63  }
0x92: {  	_ = 	snop  }
0x93: {  	[spmem:s14] =	stream.indirect.scatter.add.f32 [tilespmem:s8], [sflag:$0x7], $0x1, s24, s15, $0xb8;
	[tilespmem:$0x1ED80] =	vst v63  }
0x94: {  	_ =	swait.ge [sflag:s5], $0x60  }
0x95: {  	[sflag:s5] =	ssyncset.done $0x0  }
0x96: {  	[sflag:s5] =	ssyncadd.s32 $0xFFFFFFA0  }
0x97: {  	_ =	swait.ge [sflag:s25], $0x3000  }
0x98: {  	[sflag:s25] =	ssyncset.done $0x0  }
0x99: {  	[sflag:s25] =	ssyncadd.s32 $0xFFFFD000  }
0x9a: {  	[tilespmem:s19], [sflag:$0x2] =	stream.indirect.gather [hbm4b:s10+s15], $0x80, s26, s15, $0xb8;
	[tilespmem:$0x1ED80] =	vst v63  }
0x9b: {  	_ =	swait.ge [sflag:s28], $0x3000  }
0x9c: {  	[sflag:s28] =	ssyncset.done $0x0  }
0x9d: {  	[sflag:s28] =	ssyncadd.s32 $0xFFFFD000  }
0x9e: {  	[spmem:s13] =	stream.indirect.scatter.add.f32 [tilespmem:s21], [sflag:$0x6], $0x80, s29, s15, $0xb8;
	[tilespmem:$0x1ED80] =	vst v63  }
0x9f: {  	_ = 	snop  }
0xa0: {  	[spmem:s14] =	stream.indirect.scatter.add.f32 [tilespmem:s8], [sflag:$0x7], $0x1, s29, s15, $0xb8;
	[tilespmem:$0x1ED80] =	vst v63  }
0xa1: {  	_ =	swait.ge [sflag:s5], $0x60  }
0xa2: {  	[sflag:s5] =	ssyncset.done $0x0  }
0xa3: {  	[sflag:s5] =	ssyncadd.s32 $0xFFFFFFA0  }
0xa4: {  	_ =	swait.ge [sflag:s30], $0x3000  }
0xa5: {  	[sflag:s30] =	ssyncset.done $0x0  }
0xa6: {  	s1 =	simm.s32 $0x1E400;
	[sflag:s30] =	ssyncadd.s32 $0xFFFFD000  }
0xa7: {  	[tilespmem:s21], [sflag:$0x3] =	stream.indirect.gather [hbm4b:s10+s15], $0x80, s1, s15, $0xb8;
	[tilespmem:$0x1ED80] =	vst v63  }
0xa8: {  	_ =	swait.ge [sflag:s6], $0x3000  }
0xa9: {  	[sflag:s6] =	ssyncset.done $0x0  }
0xaa: {  	s7 =	simm.s32 $0x14680;
	[sflag:s6] =	ssyncadd.s32 $0xFFFFD000  }
0xab: {  	[spmem:s13] =	stream.indirect.scatter.add.f32 [tilespmem:s4], [sflag:$0x4], $0x80, s7, s15, $0xb8;
	[tilespmem:$0x1ED80] =	vst v63  }
0xac: {  	_ = 	snop  }
0xad: {  	[spmem:s14] =	stream.indirect.scatter.add.f32 [tilespmem:s8], [sflag:$0x7], $0x1, s7, s15, $0xb8;
	[tilespmem:$0x1ED80] =	vst v63  }
0xae: {  	_ =	swait.ge [sflag:s5], $0x60  }
0xaf: {  	[sflag:s5] =	ssyncset.done $0x0  }
0xb0: {  	[sflag:s5] =	ssyncadd.s32 $0xFFFFFFA0  }
0xb1: {  	_ =	swait.ge [sflag:s3], $0x3000  }
0xb2: {  	[sflag:s3] =	ssyncset.done $0x0  }
0xb3: {  	s31 =	simm.s32 $0x1E480;
	[sflag:s3] =	ssyncadd.s32 $0xFFFFD000  }
0xb4: {  	[tilespmem:s4], [sflag:$0x1] =	stream.indirect.gather [hbm4b:s10+s15], $0x80, s31, s15, $0xb8;
	[tilespmem:$0x1ED80] =	vst v63  }
0xb5: {  	_ =	swait.ge [sflag:s23], $0x3000  }
0xb6: {  	[sflag:s23] =	ssyncset.done $0x0  }
0xb7: {  	s1 =	simm.s32 $0x14700;
	[sflag:s23] =	ssyncadd.s32 $0xFFFFD000  }
0xb8: {  	[spmem:s13] =	stream.indirect.scatter.add.f32 [tilespmem:s19], [sflag:$0x5], $0x80, s1, s15, $0xb8;
	[tilespmem:$0x1ED80] =	vst v63  }
0xb9: {  	_ = 	snop  }
0xba: {  	[spmem:s14] =	stream.indirect.scatter.add.f32 [tilespmem:s8], [sflag:$0x7], $0x1, s1, s15, $0xb8;
	[tilespmem:$0x1ED80] =	vst v63  }
0xbb: {  	_ =	swait.ge [sflag:s5], $0x60  }
0xbc: {  	[sflag:s5] =	ssyncset.done $0x0  }
0xbd: {  	[sflag:s5] =	ssyncadd.s32 $0xFFFFFFA0  }
0xbe: {  	_ =	swait.ge [sflag:s25], $0x3000  }
0xbf: {  	[sflag:s25] =	ssyncset.done $0x0  }
0xc0: {  	s7 =	simm.s32 $0x1E500;
	[sflag:s25] =	ssyncadd.s32 $0xFFFFD000  }
0xc1: {  	[tilespmem:s19], [sflag:$0x2] =	stream.indirect.gather [hbm4b:s10+s15], $0x80, s7, s15, $0xb8;
	[tilespmem:$0x1ED80] =	vst v63  }
0xc2: {  	_ =	swait.ge [sflag:s28], $0x3000  }
0xc3: {  	[sflag:s28] =	ssyncset.done $0x0  }
0xc4: {  	s31 =	simm.s32 $0x14780;
	[sflag:s28] =	ssyncadd.s32 $0xFFFFD000  }
0xc5: {  	[spmem:s13] =	stream.indirect.scatter.add.f32 [tilespmem:s21], [sflag:$0x6], $0x80, s31, s15, $0xb8;
	[tilespmem:$0x1ED80] =	vst v63  }
0xc6: {  	_ = 	snop  }
0xc7: {  	[spmem:s14] =	stream.indirect.scatter.add.f32 [tilespmem:s8], [sflag:$0x7], $0x1, s31, s15, $0xb8;
	[tilespmem:$0x1ED80] =	vst v63  }
0xc8: {  	_ =	swait.ge [sflag:s5], $0x60  }
0xc9: {  	s0 =	simm.s32 $0x600;
	[sflag:s5] =	ssyncset.done $0x0  }
.LBB2_3:
0xca: {  	[sflag:s5] =	ssyncadd.s32 $0xFFFFFFA0;
	s1 =	smov.u32 s0;
	s0 =	sadd.s32 $0x600, s0  }
0xcb: {  	p0 =	sne.s32 s0, $0x1E00  }
0xcc: {  	_ =	swait.ge [sflag:s30], $0x3000  }
0xcd: {  	s7 =	sshra.s32 s1, $0x2;
	[sflag:s30] =	ssyncset.done $0x0  }
0xce: {  	s1 =	sadd.s32 $0x1E400, s7;
	[sflag:s30] =	ssyncadd.s32 $0xFFFFD000  }
0xcf: {  	[tilespmem:s21], [sflag:$0x3] =	stream.indirect.gather [hbm4b:s10+s15], $0x80, s1, s15, $0xb8;
	[tilespmem:$0x1ED80] =	vst v63  }
0xd0: {  	_ =	swait.ge [sflag:s6], $0x3000  }
0xd1: {  	[sflag:s6] =	ssyncset.done $0x0  }
0xd2: {  	s1 =	sadd.s32 $0x14680, s7;
	[sflag:s6] =	ssyncadd.s32 $0xFFFFD000  }
0xd3: {  	[spmem:s13] =	stream.indirect.scatter.add.f32 [tilespmem:s4], [sflag:$0x4], $0x80, s1, s15, $0xb8;
	[tilespmem:$0x1ED80] =	vst v63  }
0xd4: {  	_ = 	snop  }
0xd5: {  	[spmem:s14] =	stream.indirect.scatter.add.f32 [tilespmem:s8], [sflag:$0x7], $0x1, s1, s15, $0xb8;
	[tilespmem:$0x1ED80] =	vst v63  }
0xd6: {  	_ =	swait.ge [sflag:s5], $0x60  }
0xd7: {  	[sflag:s5] =	ssyncset.done $0x0  }
0xd8: {  	[sflag:s5] =	ssyncadd.s32 $0xFFFFFFA0  }
0xd9: {  	_ =	swait.ge [sflag:s3], $0x3000  }
0xda: {  	[sflag:s3] =	ssyncset.done $0x0  }
0xdb: {  	s1 =	sadd.s32 $0x1E480, s7;
	[sflag:s3] =	ssyncadd.s32 $0xFFFFD000  }
0xdc: {  	[tilespmem:s4], [sflag:$0x1] =	stream.indirect.gather [hbm4b:s10+s15], $0x80, s1, s15, $0xb8;
	[tilespmem:$0x1ED80] =	vst v63  }
0xdd: {  	_ =	swait.ge [sflag:s23], $0x3000  }
0xde: {  	[sflag:s23] =	ssyncset.done $0x0  }
0xdf: {  	s1 =	sadd.s32 $0x14700, s7;
	[sflag:s23] =	ssyncadd.s32 $0xFFFFD000  }
0xe0: {  	[spmem:s13] =	stream.indirect.scatter.add.f32 [tilespmem:s19], [sflag:$0x5], $0x80, s1, s15, $0xb8;
	[tilespmem:$0x1ED80] =	vst v63  }
0xe1: {  	_ = 	snop  }
0xe2: {  	[spmem:s14] =	stream.indirect.scatter.add.f32 [tilespmem:s8], [sflag:$0x7], $0x1, s1, s15, $0xb8;
	[tilespmem:$0x1ED80] =	vst v63  }
0xe3: {  	_ =	swait.ge [sflag:s5], $0x60  }
0xe4: {  	[sflag:s5] =	ssyncset.done $0x0  }
0xe5: {  	[sflag:s5] =	ssyncadd.s32 $0xFFFFFFA0  }
0xe6: {  	_ =	swait.ge [sflag:s25], $0x3000  }
0xe7: {  	[sflag:s25] =	ssyncset.done $0x0  }
0xe8: {  	s1 =	sadd.s32 $0x1E500, s7;
	[sflag:s25] =	ssyncadd.s32 $0xFFFFD000  }
0xe9: {  	[tilespmem:s19], [sflag:$0x2] =	stream.indirect.gather [hbm4b:s10+s15], $0x80, s1, s15, $0xb8;
	[tilespmem:$0x1ED80] =	vst v63  }
0xea: {  	_ =	swait.ge [sflag:s28], $0x3000  }
0xeb: {  	[sflag:s28] =	ssyncset.done $0x0  }
0xec: {  	s1 =	sadd.s32 $0x14780, s7;
	[sflag:s28] =	ssyncadd.s32 $0xFFFFD000  }
0xed: {  	[spmem:s13] =	stream.indirect.scatter.add.f32 [tilespmem:s21], [sflag:$0x6], $0x80, s1, s15, $0xb8;
	[tilespmem:$0x1ED80] =	vst v63  }
.Ltmp0:
0xee: {  	_ = 	snop;
	(pc) =	sbr.rel @p0 .LBB2_3-.Ltmp0, $4  }
0xef: {  	_ = 	snop  }
0xf0: {  	[spmem:s14] =	stream.indirect.scatter.add.f32 [tilespmem:s8], [sflag:$0x7], $0x1, s1, s15, $0xb8;
	[tilespmem:$0x1ED80] =	vst v63  }
0xf1: {  	_ =	swait.ge [sflag:s5], $0x60  }
0xf2: {  	[sflag:s5] =	ssyncset.done $0x0  }
0xf3: {  	[sflag:s5] =	ssyncadd.s32 $0xFFFFFFA0  }
0xf4: {  	_ =	swait.ge [sflag:s30], $0x3000  }
0xf5: {  	s0 =	sshra.s32 s0, $0x2;
	[sflag:s30] =	ssyncset.done $0x0  }
0xf6: {  	s1 =	sadd.s32 $0x1E400, s0;
	[sflag:s30] =	ssyncadd.s32 $0xFFFFD000  }
0xf7: {  	[tilespmem:s21], [sflag:$0x3] =	stream.indirect.gather [hbm4b:s10+s15], $0x80, s1, s15, $0xb8;
	[tilespmem:$0x1ED80] =	vst v63  }
0xf8: {  	_ =	swait.ge [sflag:s6], $0x3000  }
0xf9: {  	[sflag:s6] =	ssyncset.done $0x0  }
0xfa: {  	s7 =	sadd.s32 $0x14680, s0;
	[sflag:s6] =	ssyncadd.s32 $0xFFFFD000  }
0xfb: {  	[spmem:s13] =	stream.indirect.scatter.add.f32 [tilespmem:s4], [sflag:$0x4], $0x80, s7, s15, $0xb8;
	[tilespmem:$0x1ED80] =	vst v63  }
0xfc: {  	_ = 	snop  }
0xfd: {  	[spmem:s14] =	stream.indirect.scatter.add.f32 [tilespmem:s8], [sflag:$0x7], $0x1, s7, s15, $0xb8;
	[tilespmem:$0x1ED80] =	vst v63  }
0xfe: {  	_ =	swait.ge [sflag:s5], $0x60  }
0xff: {  	[sflag:s5] =	ssyncset.done $0x0  }
0x100: {  	[sflag:s5] =	ssyncadd.s32 $0xFFFFFFA0  }
0x101: {  	_ =	swait.ge [sflag:s3], $0x3000  }
0x102: {  	[sflag:s3] =	ssyncset.done $0x0  }
0x103: {  	[sflag:s3] =	ssyncadd.s32 $0xFFFFD000  }
0x104: {  	_ =	swait.ge [sflag:s23], $0x3000  }
0x105: {  	[sflag:s23] =	ssyncset.done $0x0  }
0x106: {  	s31 =	sadd.s32 $0x14700, s0;
	[sflag:s23] =	ssyncadd.s32 $0xFFFFD000  }
0x107: {  	[spmem:s13] =	stream.indirect.scatter.add.f32 [tilespmem:s19], [sflag:$0x5], $0x80, s31, s15, $0xb8;
	[tilespmem:$0x1ED80] =	vst v63  }
0x108: {  	_ = 	snop  }
0x109: {  	[spmem:s14] =	stream.indirect.scatter.add.f32 [tilespmem:s8], [sflag:$0x7], $0x1, s31, s15, $0xb8;
	[tilespmem:$0x1ED80] =	vst v63  }
0x10a: {  	_ =	swait.ge [sflag:s5], $0x60  }
0x10b: {  	[sflag:s5] =	ssyncset.done $0x0  }
0x10c: {  	[sflag:s5] =	ssyncadd.s32 $0xFFFFFFA0  }
0x10d: {  	_ =	swait.ge [sflag:s25], $0x3000  }
0x10e: {  	[sflag:s25] =	ssyncset.done $0x0  }
0x10f: {  	[sflag:s25] =	ssyncadd.s32 $0xFFFFD000  }
0x110: {  	_ =	swait.ge [sflag:s28], $0x3000  }
0x111: {  	[sflag:s28] =	ssyncset.done $0x0  }
0x112: {  	s0 =	sadd.s32 $0x14780, s0;
	[sflag:s28] =	ssyncadd.s32 $0xFFFFD000  }
0x113: {  	[spmem:s13] =	stream.indirect.scatter.add.f32 [tilespmem:s21], [sflag:$0x6], $0x80, s0, s15, $0xb8;
	[tilespmem:$0x1ED80] =	vst v63  }
0x114: {  	s12 =	sadd.s32 $0x1, s12  }
0x115: {  	[spmem:s14] =	stream.indirect.scatter.add.f32 [tilespmem:s8], [sflag:$0x7], $0x1, s0, s15, $0xb8;
	[tilespmem:$0x1ED80] =	vst v63  }
0x116: {  	p0 =	sne.s32 s12, $0x5;
	_ =	swait.ge [sflag:s5], $0x60  }
.Ltmp1:
0x117: {  	[sflag:s5] =	ssyncset.done $0x0;
	(pc) =	sbr.rel @p0 .LBB2_2-.Ltmp1, $4  }
0x118: {  	[sflag:s5] =	ssyncadd.s32 $0xFFFFFFA0  }
0x119: {  	_ =	swait.ge [sflag:s30], $0x3000  }
0x11a: {  	[sflag:s30] =	ssyncset.done $0x0  }
0x11b: {  	[sflag:s30] =	ssyncadd.s32 $0xFFFFD000  }
0x11c: {  	[bflag:$0x0] =	sbarrier.arrive $0xFFFF  }
0x11d: {  	s0 =	rddreg [dreg:$0x14]  }
0x11e: {  	[tilespmem:s4], [sflag:$0x7] =	stream.linear.gather [spmem:s0], $0x2000, $0x38;
	[tilespmem:$0x1ED80] =	vst v63  }
0x11f: {  	_ =	swait.ge [sflag:s5], $0x2000  }
0x120: {  	[sflag:s5] =	ssyncset.done $0x0  }
0x121: {  	s0 =	simm.s32 $0x0;
	s1 =	rddreg [dreg:$0x6];
	[sflag:s5] =	ssyncadd.s32 $0xFFFFE000  }
0x122: {  	[hbm4b:s1+s0] =	stream.linear.scatter [tilespmem:s4], [sflag:$0x4], $0x2000, $0x38;
	[tilespmem:$0x1ED80] =	vst v63  }
0x123: {  	s16 =	rddreg [dreg:$0x15]  }
0x124: {  	[tilespmem:s19], [sflag:$0x7] =	stream.linear.gather [spmem:s16], $0x2000, $0x38;
	[tilespmem:$0x1ED80] =	vst v63  }
0x125: {  	_ =	swait.ge [sflag:s5], $0x2000  }
0x126: {  	[sflag:s5] =	ssyncset.done $0x0  }
0x127: {  	s20 =	rddreg [dreg:$0x7];
	[sflag:s5] =	ssyncadd.s32 $0xFFFFE000  }
0x128: {  	[hbm4b:s20+s0] =	stream.linear.scatter [tilespmem:s19], [sflag:$0x5], $0x2000, $0x38;
	[tilespmem:$0x1ED80] =	vst v63  }
0x129: {  	_ =	swait.ge [sflag:s3], $0x2000  }
0x12a: {  	[sflag:s3] =	ssyncset.done $0x0  }
0x12b: {  	s22 =	rddreg [dreg:$0x16];
	[sflag:s3] =	ssyncadd.s32 $0xFFFFE000  }
0x12c: {  	[tilespmem:s4], [sflag:$0x7] =	stream.linear.gather [spmem:s22], $0x2000, $0x38;
	[tilespmem:$0x1ED80] =	vst v63  }
0x12d: {  	_ =	swait.ge [sflag:s5], $0x2000  }
0x12e: {  	[sflag:s5] =	ssyncset.done $0x0  }
0x12f: {  	s26 =	rddreg [dreg:$0x8];
	[sflag:s5] =	ssyncadd.s32 $0xFFFFE000  }
0x130: {  	[hbm4b:s26+s0] =	stream.linear.scatter [tilespmem:s4], [sflag:$0x4], $0x2000, $0x38;
	[tilespmem:$0x1ED80] =	vst v63  }
0x131: {  	_ =	swait.ge [sflag:s25], $0x2000  }
0x132: {  	[sflag:s25] =	ssyncset.done $0x0  }
0x133: {  	s7 =	rddreg [dreg:$0x17];
	[sflag:s25] =	ssyncadd.s32 $0xFFFFE000  }
0x134: {  	[tilespmem:s19], [sflag:$0x7] =	stream.linear.gather [spmem:s7], $0x2000, $0x38;
	[tilespmem:$0x1ED80] =	vst v63  }
0x135: {  	_ =	swait.ge [sflag:s5], $0x2000  }
0x136: {  	[sflag:s5] =	ssyncset.done $0x0  }
0x137: {  	s12 =	rddreg [dreg:$0x9];
	[sflag:s5] =	ssyncadd.s32 $0xFFFFE000  }
0x138: {  	[hbm4b:s12+s0] =	stream.linear.scatter [tilespmem:s19], [sflag:$0x5], $0x2000, $0x38;
	[tilespmem:$0x1ED80] =	vst v63  }
0x139: {  	_ =	swait.ge [sflag:s3], $0x2000  }
0x13a: {  	[sflag:s3] =	ssyncset.done $0x0  }
0x13b: {  	s16 =	rddreg [dreg:$0x18];
	[sflag:s3] =	ssyncadd.s32 $0xFFFFE000  }
0x13c: {  	[tilespmem:s4], [sflag:$0x7] =	stream.linear.gather [spmem:s16], $0x2000, $0x38;
	[tilespmem:$0x1ED80] =	vst v63  }
0x13d: {  	_ =	swait.ge [sflag:s5], $0x2000  }
0x13e: {  	[sflag:s5] =	ssyncset.done $0x0  }
0x13f: {  	s20 =	rddreg [dreg:$0xa];
	[sflag:s5] =	ssyncadd.s32 $0xFFFFE000  }
0x140: {  	[hbm4b:s20+s0] =	stream.linear.scatter [tilespmem:s4], [sflag:$0x4], $0x2000, $0x38;
	[tilespmem:$0x1ED80] =	vst v63  }
0x141: {  	_ =	swait.ge [sflag:s25], $0x2000  }
0x142: {  	[sflag:s25] =	ssyncset.done $0x0  }
0x143: {  	s22 =	rddreg [dreg:$0x19];
	[sflag:s25] =	ssyncadd.s32 $0xFFFFE000  }
0x144: {  	[tilespmem:s19], [sflag:$0x7] =	stream.linear.gather [spmem:s22], $0x2000, $0x38;
	[tilespmem:$0x1ED80] =	vst v63  }
0x145: {  	_ =	swait.ge [sflag:s5], $0x2000  }
0x146: {  	[sflag:s5] =	ssyncset.done $0x0  }
0x147: {  	s26 =	rddreg [dreg:$0xb];
	[sflag:s5] =	ssyncadd.s32 $0xFFFFE000  }
0x148: {  	[hbm4b:s26+s0] =	stream.linear.scatter [tilespmem:s19], [sflag:$0x5], $0x2000, $0x38;
	[tilespmem:$0x1ED80] =	vst v63  }
0x149: {  	_ =	swait.ge [sflag:s3], $0x2000  }
0x14a: {  	[sflag:s3] =	ssyncset.done $0x0  }
0x14b: {  	s26 =	rddreg [dreg:$0x1a];
	[sflag:s3] =	ssyncadd.s32 $0xFFFFE000  }
0x14c: {  	[tilespmem:s4], [sflag:$0x7] =	stream.linear.gather [spmem:s26], $0x2000, $0x38;
	[tilespmem:$0x1ED80] =	vst v63  }
0x14d: {  	_ =	swait.ge [sflag:s5], $0x2000  }
0x14e: {  	[sflag:s5] =	ssyncset.done $0x0  }
0x14f: {  	s7 =	rddreg [dreg:$0xc];
	[sflag:s5] =	ssyncadd.s32 $0xFFFFE000  }
0x150: {  	[hbm4b:s7+s0] =	stream.linear.scatter [tilespmem:s4], [sflag:$0x4], $0x2000, $0x38;
	[tilespmem:$0x1ED80] =	vst v63  }
0x151: {  	_ =	swait.ge [sflag:s25], $0x2000  }
0x152: {  	[sflag:s25] =	ssyncset.done $0x0  }
0x153: {  	s7 =	rddreg [dreg:$0x1b];
	[sflag:s25] =	ssyncadd.s32 $0xFFFFE000  }
0x154: {  	[tilespmem:s19], [sflag:$0x7] =	stream.linear.gather [spmem:s7], $0x2000, $0x38;
	[tilespmem:$0x1ED80] =	vst v63  }
0x155: {  	_ =	swait.ge [sflag:s5], $0x2000  }
0x156: {  	[sflag:s5] =	ssyncset.done $0x0  }
0x157: {  	s12 =	rddreg [dreg:$0xd];
	[sflag:s5] =	ssyncadd.s32 $0xFFFFE000  }
0x158: {  	[hbm4b:s12+s0] =	stream.linear.scatter [tilespmem:s19], [sflag:$0x5], $0x2000, $0x38;
	[tilespmem:$0x1ED80] =	vst v63  }
0x159: {  	_ =	swait.ge [sflag:s3], $0x2000  }
0x15a: {  	[sflag:s3] =	ssyncset.done $0x0  }
0x15b: {  	s12 =	rddreg [dreg:$0x1c];
	[sflag:s3] =	ssyncadd.s32 $0xFFFFE000  }
0x15c: {  	[tilespmem:s4], [sflag:$0x7] =	stream.linear.gather [spmem:s12], $0x2000, $0x38;
	[tilespmem:$0x1ED80] =	vst v63  }
0x15d: {  	_ =	swait.ge [sflag:s5], $0x2000  }
0x15e: {  	[sflag:s5] =	ssyncset.done $0x0  }
0x15f: {  	s16 =	rddreg [dreg:$0xe];
	[sflag:s5] =	ssyncadd.s32 $0xFFFFE000  }
0x160: {  	[hbm4b:s16+s0] =	stream.linear.scatter [tilespmem:s4], [sflag:$0x4], $0x2000, $0x38;
	[tilespmem:$0x1ED80] =	vst v63  }
0x161: {  	_ =	swait.ge [sflag:s25], $0x2000  }
0x162: {  	[sflag:s25] =	ssyncset.done $0x0  }
0x163: {  	s31 =	rddreg [dreg:$0x1d];
	[sflag:s25] =	ssyncadd.s32 $0xFFFFE000  }
0x164: {  	[tilespmem:s19], [sflag:$0x7] =	stream.linear.gather [spmem:s31], $0x2000, $0x38;
	[tilespmem:$0x1ED80] =	vst v63  }
0x165: {  	_ =	swait.ge [sflag:s5], $0x2000  }
0x166: {  	[sflag:s5] =	ssyncset.done $0x0  }
0x167: {  	s20 =	rddreg [dreg:$0xf];
	[sflag:s5] =	ssyncadd.s32 $0xFFFFE000  }
0x168: {  	[hbm4b:s20+s0] =	stream.linear.scatter [tilespmem:s19], [sflag:$0x5], $0x2000, $0x38;
	[tilespmem:$0x1ED80] =	vst v63  }
0x169: {  	_ =	swait.ge [sflag:s3], $0x2000  }
0x16a: {  	[sflag:s3] =	ssyncset.done $0x0  }
0x16b: {  	[sflag:s3] =	ssyncadd.s32 $0xFFFFE000  }
0x16c: {  	_ =	swait.ge [sflag:s25], $0x2000  }
0x16d: {  	[sflag:s25] =	ssyncset.done $0x0  }
0x16e: {  	s20 =	simm.s32 $0x14000;
	s16 =	rddreg [dreg:$0x1e];
	[sflag:s25] =	ssyncadd.s32 $0xFFFFE000  }
0x16f: {  	[tilespmem:s20], [sflag:$0x7] =	stream.linear.gather [spmem:s16], $0x280, $0x38;
	[tilespmem:$0x1ED80] =	vst v63  }
0x170: {  	_ =	swait.ge [sflag:s5], $0x280  }
0x171: {  	[sflag:s5] =	ssyncset.done $0x0  }
0x172: {  	s22 =	rddreg [dreg:$0x10];
	[sflag:s5] =	ssyncadd.s32 $0xFFFFFD80  }
0x173: {  	[hbm4b:s22+s0] =	stream.linear.scatter [tilespmem:s20], [sflag:$0x7], $0x280, $0x38;
	[tilespmem:$0x1ED80] =	vst v63  }
0x174: {  	_ =	swait.ge [sflag:s5], $0x280  }
0x175: {  	s22 =	sld [smem:$0x7FD];
	_ =	sdelay $0x2  }
0x176: {  	s1 =	rddreg [dreg:$0x1f];
	s22 =	sadd.s32 $0x1, s22  }
0x177: {  	p0 =	sne.s32 s22, s1  }
.Ltmp2:
0x178: {  	_ = 	snop;
	(pc) =	sbr.rel @p0 .LBB2_1-.Ltmp2, $3  }
0x179: {  	_ =	sdelay $0x1  }
0x17a: {  	[sflag:s5] =	ssyncset.done $0x0;
	[smem:$0x7FD] =	sst s22  }
0x17b: {  	[sflag:s5] =	ssyncadd.s32 $0xFFFFFD80;
	s22 =	rddreg [dreg:$0x19]  }
0x17c: {  	_ =	sfence.sel $0x180000  }
0x17d: {  	[bflag:$0x0] =	sbarrier.arrive $0xFFFF  }
0x17e: {  	_ =	strace $0x90000047  }
0x17f: {  	s0 =	stileid.u32;
	[bflag:$0x2] =	sbarrier.arrive $0xFFFF  }
0x180: {  	p0 =	sne.s32 s0, $0x0;
	s0 =	rddreg [dreg:$0x5]  }
0x181: {  	s0 =	sadd.s32 @!p0 $0x100000, s0  }
0x182: {  	[sflag:s0] =	ssyncadd.tile.s32 @!p0 $0x1;
	_ =	shalt  }
.Lfunc_end2:
_tile_overlayer_lowered:
.L_overlay_start_2:
0x183: {  	(tag) =	ssettag $0x2  }
0x184: {  	s0 =	rddreg [dreg:$0x0];
	s2 =	stileid.u32  }
0x185: {  	s1 =	rddreg [dreg:$0x1];
	p0 =	sne.s32 s2, $0x0  }
0x186: {  	s3 =	rddreg [dreg:$0x2];
	[bflag:$0x3] =	sbarrier.arrive $0xFFFF;
	s2 =	simm.s32 @!p0 $0x1C07  }
0x187: {  	[timem:s3], [sflag:s2] =	dma.local @!p0 [hbm:s0], s1  }
0x188: {  	s0 =	simm.s32 @!p0 $0x7  }
0x189: {  	_ =	swait.ge @!p0 [sflag:s0], s1  }
0x18a: {  	s1 =	ssub.s32 @!p0 $0x0, s1;
	[sflag:s0] =	ssyncset.done @!p0 $0x0  }
0x18b: {  	[sflag:s0] =	ssyncadd.s32 @!p0 s1  }
0x18c: {  	[bflag:$0x3] =	sbarrier.arrive $0xFFFF  }
0x18d: {  	_ =	shalt  }

// kernel: kernel.9.cloned.1.call-start
scs
__scs_entry_jumppad:
0x0: {  	(pc) =	sbr.rel $0x88, $3  }
0x1: {  	(tag) =	ssettag $0x0;
	lr =	simm.s32 $0x1  }
0x2: {  	[smem:$0x3F99] =	sst lr;
	_ =	strace $0xD0000000  }
0x3: {  	_ = 	snop  }
0x4: {  	_ = 	snop  }
0x5: {  	_ = 	snop  }
0x6: {  	_ = 	snop  }
0x7: {  	_ = 	snop  }
__scs_overlays_trampoline_lowered:
0x8: {  	[smem:$0x3FA8] =	sst s0  }
0x9: {  	[smem:$0x3FA9] =	sst s1  }
0xa: {  	[smem:$0x3FAA] =	sst s2  }
0xb: {  	[smem:$0x3FAB] =	sst s3  }
0xc: {  	[smem:$0x3FAC] =	sst s4  }
0xd: {  	[smem:$0x3FAD] =	sst s5  }
0xe: {  	[smem:$0x3FAE] =	sst s6  }
0xf: {  	[smem:$0x3FAF] =	sst s7  }
0x10: {  	[smem:$0x3FB0] =	sst s8  }
0x11: {  	[smem:$0x3FB1] =	sst s9;
	s0 =	simm.s32 @!p0 $0x0  }
0x12: {  	s1 =	sld [smem:$0x3F97];
	s0 =	simm.s32 @p0 $0x1  }
0x13: {  	[smem:$0x3FB2] =	sst s0;
	s0 =	simm.s32 @!p1 $0x0  }
0x14: {  	s2 =	sld [smem:$0x3F96];
	s0 =	simm.s32 @p1 $0x1  }
0x15: {  	[smem:$0x3FB3] =	sst s0;
	s0 =	simm.s32 @!p2 $0x0  }
0x16: {  	s3 =	sld [smem:$0x3FDB];
	s0 =	simm.s32 @p2 $0x1  }
0x17: {  	s4 =	simm.s32 $0x1BF5;
	[smem:$0x3FB5] =	sst s0  }
0x18: {  	s0 =	sld [smem:$0x3F98];
	_ =	swait.ge [sflag:s4], $0x0  }
0x19: {  	s7 =	sld [smem:$0x3F99]  }
0x1a: {  	s8 =	sadd.s32 $0xFFFFE003, lr  }
0x1b: {  	s9 =	sadd.s32 $0xFFFFFEF7, lr;
	s5 =	simm.s32 $0xFFFFFFFF;
	p2 =	slt.u32 s8, $0xFFFFF086  }
0x1c: {  	p1 =	slt.u32 s9, $0xF7A;
	s5 =	simm.s32 @!p2 $0x0  }
0x1d: {  	s5 =	simm.s32 @p1 $0x1;
	p0 =	seq.s32 s7, s2  }
0x1e: {  	s7 =	smul.u32 @!p0 $0xF7A, s2;
	p2 =	seq.s32 @!p0 s5, $0x0  }
0x1f: {  	s9 =	smul.u32 $0xF7A, s1;
	s8 =	simm.s32 @!p0 $0x1BF5;
	p2 =	por !p2, p0  }
0x20: {  	[sflag:s8] =	ssyncset.s32 @!p0 $0xFFFFF086;
	s6 =	sadd.s32 @!p0 s3, s7;
	s7 =	simm.s32 @!p0 $0x108  }
0x21: {  	s3 =	sadd.s32 s3, s9;
	s6 =	sadd.s32 @!p0 $0x88, s6;
	s7 =	simm.s32 @p2 $0x1082  }
0x22: {  	[simem:s7], [sflag:s8] =	dma.local @!p0 [hbm:s6], $0xF7A  }
0x23: {  	s9 =	sor.u32 $0xD0000000, s2;
	s6 =	simm.s32 $0x108;
	_ =	swait.ge @!p0 [sflag:s8], $0x0  }
0x24: {  	s3 =	sadd.s32 $0x88, s3;
	s6 =	simm.s32 @!p1 $0x1082;
	[sflag:s4] =	ssyncset.s32 $0xFFFFF086  }
0x25: {  	[simem:s6], [sflag:s4] =	dma.local [hbm:s3], $0xF7A  }
0x26: {  	[smem:$0x3F99] =	sst s1;
	(tag) =	ssettag s2;
	_ =	strace s9  }
0x27: {  	s1 =	sld [smem:$0x3FA9]  }
0x28: {  	s2 =	sld [smem:$0x3FAA]  }
0x29: {  	s4 =	sld [smem:$0x3FAC]  }
0x2a: {  	p0 =	seq.s32 s5, $0x0;
	s5 =	sld [smem:$0x3FAD]  }
0x2b: {  	s6 =	sld [smem:$0x3FAE]  }
0x2c: {  	s7 =	sld [smem:$0x3FAF]  }
0x2d: {  	s3 =	simm.s32 $0x108;
	s8 =	sld [smem:$0x3FB0]  }
0x2e: {  	s3 =	simm.s32 @!p0 $0x1082;
	s9 =	sld [smem:$0x3FB1]  }
0x2f: {  	lr =	sadd.s32 s0, s3;
	s0 =	sld [smem:$0x3FA8]  }
0x30: {  	s3 =	sld [smem:$0x3FAB]  }
0x31: {  	[smem:$0x3FB4] =	sst s10  }
0x32: {  	s10 =	sld [smem:$0x3FB2];
	_ =	sdelay $0x3  }
0x33: {  	p0 =	seq.s32 s10, $0x1;
	s10 =	sld [smem:$0x3FB4];
	_ =	sdelay $0x3  }
0x34: {  	[smem:$0x3FB4] =	sst s10  }
0x35: {  	s10 =	sld [smem:$0x3FB3];
	_ =	sdelay $0x3  }
0x36: {  	p1 =	seq.s32 s10, $0x1;
	s10 =	sld [smem:$0x3FB4];
	_ =	sdelay $0x3  }
0x37: {  	[smem:$0x3FB4] =	sst s10  }
0x38: {  	s10 =	sld [smem:$0x3FB5]  }
0x39: {  	_ = 	snop;
	(pc) =	sbr.ind lr, $3  }
0x3a: {  	_ = 	snop  }
0x3b: {  	_ = 	snop  }
0x3c: {  	p2 =	seq.s32 s10, $0x1;
	s10 =	sld [smem:$0x3FB4]  }
0x3d: {  	_ =	shalt  }
0x3e: {  	_ =	shalt  }
0x3f: {  	_ =	shalt  }
0x40: {  	_ =	shalt  }
0x41: {  	_ =	shalt  }
0x42: {  	_ =	shalt  }
0x43: {  	_ =	shalt  }
0x44: {  	_ =	shalt  }
0x45: {  	_ =	shalt  }
0x46: {  	_ =	shalt  }
0x47: {  	_ =	shalt  }
0x48: {  	_ =	shalt  }
0x49: {  	_ =	shalt  }
0x4a: {  	_ =	shalt  }
0x4b: {  	_ =	shalt  }
0x4c: {  	_ =	shalt  }
0x4d: {  	_ =	shalt  }
0x4e: {  	_ =	shalt  }
0x4f: {  	_ =	shalt  }
0x50: {  	_ =	shalt  }
0x51: {  	_ =	shalt  }
0x52: {  	_ =	shalt  }
0x53: {  	_ =	shalt  }
0x54: {  	_ =	shalt  }
0x55: {  	_ =	shalt  }
0x56: {  	_ =	shalt  }
0x57: {  	_ =	shalt  }
0x58: {  	_ =	shalt  }
0x59: {  	_ =	shalt  }
0x5a: {  	_ =	shalt  }
0x5b: {  	_ =	shalt  }
0x5c: {  	_ =	shalt  }
0x5d: {  	_ =	shalt  }
0x5e: {  	_ =	shalt  }
0x5f: {  	_ =	shalt  }
0x60: {  	_ =	shalt  }
0x61: {  	_ =	shalt  }
0x62: {  	_ =	shalt  }
0x63: {  	_ =	shalt  }
0x64: {  	_ =	shalt  }
0x65: {  	_ =	shalt  }
0x66: {  	_ =	shalt  }
0x67: {  	_ =	shalt  }
0x68: {  	_ =	shalt  }
0x69: {  	_ =	shalt  }
0x6a: {  	_ =	shalt  }
0x6b: {  	_ =	shalt  }
0x6c: {  	_ =	shalt  }
0x6d: {  	_ =	shalt  }
0x6e: {  	_ =	shalt  }
0x6f: {  	_ =	shalt  }
0x70: {  	_ =	shalt  }
0x71: {  	_ =	shalt  }
0x72: {  	_ =	shalt  }
0x73: {  	_ =	shalt  }
0x74: {  	_ =	shalt  }
0x75: {  	_ =	shalt  }
0x76: {  	_ =	shalt  }
0x77: {  	_ =	shalt  }
0x78: {  	_ =	shalt  }
0x79: {  	_ =	shalt  }
0x7a: {  	_ =	shalt  }
0x7b: {  	_ =	shalt  }
0x7c: {  	_ =	shalt  }
0x7d: {  	_ =	shalt  }
0x7e: {  	_ =	shalt  }
0x7f: {  	_ =	shalt  }
0x80: {  	_ =	shalt  }
0x81: {  	_ =	shalt  }
0x82: {  	_ =	shalt  }
0x83: {  	_ =	shalt  }
0x84: {  	_ =	shalt  }
0x85: {  	_ =	shalt  }
0x86: {  	_ =	shalt  }
0x87: {  	_ =	shalt  }
.Lfunc_end0:
.L_simem_size_0:
called_computation.1_lowered:
.L_overlay_start_0:
0x88: {  	s2 =	sld [smem:$0x3FD9]  }
0x89: {  	s3 =	sld [smem:$0x3FFE];
	_ =	sdelay $0x1  }
0x8a: {  	s1 =	srdreg.scid  }
0x8b: {  	s0 =	sand.u32 $0x1, s1  }
0x8c: {  	s17 =	sshll.u32 s0, $0xA;
	s2 =	sadd.s32 s3, s2  }
0x8d: {  	s2 =	sadd.s32 s2, s17  }
0x8e: {  	[smem:$0x3FC0] =	sst s2  }
0x8f: {  	_ = 	snop  }
0x90: {  	s2 =	sld [smem:$0x3FD0];
	(tm) =	ssettm $0x1  }
0x91: {  	s18 =	sld [smem:$0x3FFB];
	_ =	sdelay $0x3  }
0x92: {  	_ =	strace s18  }
0x93: {  	s3 =	sld [smem:$0x3FFC];
	_ =	sdelay $0x3  }
0x94: {  	_ =	strace s3  }
0x95: {  	s3 =	sld [smem:$0x3FFD];
	_ =	sdelay $0x3  }
0x96: {  	_ =	strace s3  }
0x97: {  	_ =	strace $0x8FFFFFFF  }
0x98: {  	s19 =	sld [smem:$0x3FDB];
	_ =	sdelay $0x1  }
0x99: {  	s4 =	simm.s32 $_scs_section_size  }
0x9a: {  	s5 =	simm.s32 $_size__tile_overlayer_lowered;
	s6 =	simm.s32 $_tile_overlayer_lowered  }
0x9b: {  	s22 =	simm.s32 $0x1BFF;
	s21 =	sshll.u32 s6, $0x1;
	s3 =	sadd.s32 s4, s19  }
0x9c: {  	s7 =	simm.s32 $0x0;
	s20 =	sshll.u32 s5, $0x1;
	s5 =	sadd.s32 s21, s3  }
0x9d: {  	[timem:s7], [sflag:s22] =	dma.local [hbm:s5], s20  }
0x9e: {  	_ =	swait.ge [sflag:s22], s20  }
0x9f: {  	s4 =	ssub.s32 $0x0, s20;
	[sflag:s22] =	ssyncset.done $0x0  }
0xa0: {  	[sflag:s22] =	ssyncadd.s32 s4;
	_ =	sdelay $0x1  }
0xa1: {  	s23 =	simm.s32 $0x1B8B  }
0xa2: {  	_ =	swait.ge [sflag:s23], $0x1  }
0xa3: {  	[sflag:s23] =	ssyncset.done $0x0  }
0xa4: {  	s25 =	simm.s32 $0x1B8E;
	s24 =	sld [smem:$0x3FFE];
	[sflag:s23] =	ssyncadd.s32 $0xFFFFFFFF  }
0xa5: {  	s26 =	simm.s32 $execute0_lowered;
	[smem:$0x3FD2] =	sst s25  }
0xa6: {  	s5 =	sshll.u32 s26, $0x1;
	_ =	strace $0x80000049;
	[dreg:$0x1] =	wrdreg $0xFFFFFFFF  }
0xa7: {  	s28 =	simm.s32 $_size_execute0_lowered;
	s3 =	sadd.s32 s3, s5;
	[dreg:$0x0] =	wrdreg $0x0  }
0xa8: {  	s5 =	sshll.u32 s28, $0x1;
	[dreg:$0x2] =	wrdreg s3  }
0xa9: {  	[dreg:$0x3] =	wrdreg s5  }
0xaa: {  	[dreg:$0x4] =	wrdreg $0xC0  }
0xab: {  	_ =	task [dreg:s7], $0x5FFFF  }
0xac: {  	[dreg:$0x1] =	wrdreg $0xFFFFFFFF  }
0xad: {  	[dreg:$0x0] =	wrdreg $0x60  }
0xae: {  	[dreg:$0x2] =	wrdreg s2  }
0xaf: {  	[dreg:$0x3] =	wrdreg s24  }
0xb0: {  	[dreg:$0x4] =	wrdreg $0x0  }
0xb1: {  	[dreg:$0x5] =	wrdreg $0x9  }
0xb2: {  	_ =	task.clear_ibuf [dreg:s7], $0x6FFFF;
	_ =	strace $0x90000049  }
0xb3: {  	s29 =	simm.s32 $0x9;
	_ =	strace $0x8000004B  }
0xb4: {  	_ =	swait.ge [sflag:s29], $0x1  }
0xb5: {  	[sflag:s29] =	ssyncadd.s32 $0xFFFFFFFF  }
0xb6: {  	_ =	strace $0x9000004B  }
0xb7: {  	_ =	sfence  }
0xb8: {  	s30 =	sld [smem:$0x0];
	_ =	sdelay $0x2  }
0xb9: {  	s31 =	sshll.u32 s1, $0xD;
	s1 =	sshrl.u32 s1, $0x2  }
0xba: {  	s3 =	sand.u32 $0x4000, s31;
	s1 =	sadd.s32 s1, s30  }
0xbb: {  	s0 =	sor.u32 s3, s0;
	s1 =	sshll.u32 s1, $0x11  }
0xbc: {  	s0 =	sor.u32 s1, s0  }
0xbd: {  	s0 =	sadd.s32 $0x8F2B, s0  }
0xbe: {  	[sflag:s0] =	ssyncadd.remote.s32 $0x1  }
0xbf: {  	_ =	sfence.sel $0xFFFF  }
0xc0: {  	[dreg:$0x0] =	wrdreg $0xFFFFFFFF;
	(pc) =	sbr.abs _section_cstart, $3  }
0xc1: {  	[dreg:$0x1] =	wrdreg $0xFFFFFFFF  }
0xc2: {  	_ =	task.clear_ibuf [dreg:s7], $0x2FFFF;
	_ =	strace $0x9FFFFFFF  }
0xc3: {  	(tm) =	ssettm $0x7FFFFFFF  }
tec
execute0_lowered:
.L_overlay_start_1:
0x0: {  	(tag) =	ssettag $0x1  }
0x1: {  	s1 =	rddreg [dreg:$0x0]  }
0x2: {  	s0 =	rddreg [dreg:$0x1]  }
0x3: {  	s2 =	rddreg [dreg:$0x2];
	s3 =	simm.s32 $0x0  }
0x4: {  	s11 =	simm.s32 $0x1DC80;
	[smem:$0x7FF] =	sst s3  }
0x5: {  	s12 =	simm.s32 $0x1DD00;
	_ =	strace $0x8000004A;
	[dreg:$0x6] =	wrdreg s11  }
0x6: {  	s13 =	simm.s32 $0x1DD80;
	[dreg:$0x7] =	wrdreg s12  }
0x7: {  	s4 =	srdreg.scid;
	s18 =	simm.s32 $0x14100;
	[dreg:$0x8] =	wrdreg s13  }
0x8: {  	s19 =	stileid.u32;
	s20 =	simm.s32 $0x1DE80;
	[dreg:$0xb] =	wrdreg s18  }
0x9: {  	s21 =	simm.s32 $0x14180;
	s22 =	simm.s32 $0x1DF00;
	[dreg:$0xc] =	wrdreg s20  }
0xa: {  	s23 =	simm.s32 $0x14200;
	s25 =	simm.s32 $0x1DF80;
	[dreg:$0xd] =	wrdreg s21  }
0xb: {  	s26 =	simm.s32 $0x14280;
	s28 =	simm.s32 $0x1AC00;
	[dreg:$0xe] =	wrdreg s22  }
0xc: {  	s29 =	simm.s32 $0x7;
	s30 =	simm.s32 $0x1;
	[dreg:$0xf] =	wrdreg s23  }
0xd: {  	s31 =	simm.s32 $0x1DC00;
	s14 =	sand.u32 $0x1, s4;
	[dreg:$0x10] =	wrdreg s25  }
0xe: {  	s6 =	smul.u32 $0x780, s19;
	[dreg:$0x11] =	wrdreg s26;
	s18 =	simm.s32 $0x1E000  }
0xf: {  	s16 =	smul.u32 $0x14000, s19;
	s21 =	simm.s32 $0x14300;
	[dreg:$0x12] =	wrdreg s18  }
0x10: {  	s9 =	sadd.s32 $0x71800, s0;
	s22 =	simm.s32 $0x1E080;
	[dreg:$0x13] =	wrdreg s21  }
0x11: {  	s4 =	smul.u32 $0x7800, s14;
	s23 =	simm.s32 $0x14380;
	[dreg:$0x14] =	wrdreg s22  }
0x12: {  	s5 =	ssub.s32 $0x2, s14;
	s25 =	simm.s32 $0x1E100;
	[dreg:$0x15] =	wrdreg s23  }
0x13: {  	s26 =	simm.s32 $0x14400;
	s15 =	sshrl.u32 s5, $0x1;
	[dreg:$0x16] =	wrdreg s25  }
0x14: {  	s11 =	sadd.s32 $0xC000, s16;
	[dreg:$0x17] =	wrdreg s26;
	s18 =	simm.s32 $0x1E180  }
0x15: {  	s12 =	sadd.s32 $0xE000, s16;
	s21 =	simm.s32 $0x14480;
	[dreg:$0x18] =	wrdreg s18  }
0x16: {  	s13 =	sadd.s32 $0x10000, s16;
	s22 =	simm.s32 $0x1E200;
	[dreg:$0x19] =	wrdreg s21  }
0x17: {  	s23 =	simm.s32 $0x14500;
	s25 =	simm.s32 $0x1E280;
	[dreg:$0x1a] =	wrdreg s22  }
0x18: {  	s26 =	simm.s32 $0x14580;
	s7 =	sadd.s32 s4, s0;
	[dreg:$0x1b] =	wrdreg s23  }
0x19: {  	s4 =	ssub.s32 s5, s15;
	s5 =	sor.u32 $0x2000, s16;
	[dreg:$0x1c] =	wrdreg s25  }
0x1a: {  	s15 =	simm.s32 $0x14080;
	[dreg:$0x1d] =	wrdreg s26;
	s21 =	simm.s32 $0x1E380  }
0x1b: {  	s25 =	smul.u32 $0x50000, s19;
	s26 =	simm.s32 $0x14680;
	[dreg:$0x9] =	wrdreg s15  }
0x1c: {  	s0 =	sadd.s32 $0x21200, s0;
	s8 =	sadd.s32 s6, s7;
	[smem:$0x7EA] =	sst s21  }
0x1d: {  	s6 =	sadd.s32 $0x4000, s16;
	s7 =	sadd.s32 $0x6000, s16;
	[smem:$0x7EF] =	sst s26  }
0x1e: {  	s15 =	smul.u32 $0x140000, s14;
	s14 =	sadd.s32 $0x12000, s16;
	[smem:$0x7F1] =	sst s0  }
0x1f: {  	s26 =	smax.u32 s4, $0x1;
	s0 =	simm.s32 $0x14000;
	s4 =	simm.s32 $0x60  }
0x20: {  	s10 =	sadd.s32 $0x2E00, s8;
	s17 =	sadd.s32 $0x11E00, s8;
	[smem:$0x7F9] =	sst s26  }
0x21: {  	s8 =	sadd.s32 $0x8000, s16;
	s19 =	sadd.s32 s6, s2;
	[dreg:$0x4] =	wrdreg s10  }
0x22: {  	s26 =	simm.s32 $0x14800;
	[dreg:$0x5] =	wrdreg s17;
	s10 =	sadd.s32 $0xA000, s16  }
0x23: {  	s17 =	simm.s32 $0x1DE00;
	s16 =	sadd.s32 s16, s15;
	s24 =	sadd.s32 s15, s5  }
0x24: {  	s20 =	sadd.s32 s15, s6;
	s18 =	sadd.s32 s15, s11;
	s22 =	sadd.s32 s15, s12  }
0x25: {  	[smem:$0x7F3] =	sst s19;
	s21 =	sadd.s32 s8, s2;
	s6 =	simm.s32 $0x17C00  }
0x26: {  	s19 =	simm.s32 $0x14900;
	[dreg:$0xa] =	wrdreg s17;
	s16 =	sshrl.u32 s16, $0x3  }
0x27: {  	s17 =	sshrl.u32 s24, $0x3;
	[smem:$0x7F5] =	sst s21;
	s16 =	sadd.s32 s9, s16  }
0x28: {  	s24 =	sadd.s32 s15, s7;
	s17 =	sadd.s32 s9, s17;
	[smem:$0x7E4] =	sst s16  }
0x29: {  	s21 =	simm.s32 $0x14A00;
	[smem:$0x7E5] =	sst s17;
	s17 =	sshrl.u32 s20, $0x3  }
0x2a: {  	s20 =	sadd.s32 s15, s8;
	s16 =	sshrl.u32 s22, $0x3;
	s22 =	sadd.s32 s10, s2  }
0x2b: {  	s8 =	simm.s32 $0x2;
	s17 =	sadd.s32 s9, s17;
	[smem:$0x7F6] =	sst s22  }
0x2c: {  	s16 =	sadd.s32 s9, s16;
	s22 =	simm.s32 $0x0;
	[smem:$0x7E6] =	sst s17  }
0x2d: {  	s17 =	sshrl.u32 s24, $0x3;
	s24 =	sadd.s32 s15, s10;
	[smem:$0x7EC] =	sst s16  }
0x2e: {  	s10 =	simm.s32 $0x3;
	[smem:$0x7FA] =	sst s22;
	s17 =	sadd.s32 s9, s17  }
0x2f: {  	[smem:$0x7E7] =	sst s17;
	s17 =	sshrl.u32 s20, $0x3;
	s20 =	simm.s32 $0x14600  }
0x30: {  	s16 =	simm.s32 $0x1E580;
	s17 =	sadd.s32 s9, s17;
	[dreg:$0x1f] =	wrdreg s20  }
0x31: {  	s20 =	sadd.s32 s7, s2;
	[smem:$0x7E8] =	sst s17;
	s17 =	sshrl.u32 s24, $0x3  }
0x32: {  	s7 =	simm.s32 $0x4;
	[smem:$0x7F4] =	sst s20;
	s17 =	sadd.s32 s9, s17  }
0x33: {  	s20 =	simm.s32 $0x14980;
	[smem:$0x7E9] =	sst s17;
	s17 =	simm.s32 $0x1E300  }
0x34: {  	[dreg:$0x1e] =	wrdreg s17;
	s17 =	sshrl.u32 s18, $0x3;
	s18 =	sadd.s32 s15, s13  }
0x35: {  	s15 =	sadd.s32 s15, s14;
	s17 =	sadd.s32 s9, s17;
	s23 =	sshrl.u32 s18, $0x3  }
0x36: {  	s15 =	sshrl.u32 s15, $0x3;
	s18 =	sadd.s32 s5, s2;
	[smem:$0x7EB] =	sst s17  }
0x37: {  	s5 =	simm.s32 $0x14C00;
	s24 =	sadd.s32 s9, s23;
	[smem:$0x7F2] =	sst s18  }
0x38: {  	s9 =	sadd.s32 s9, s15;
	s15 =	simm.s32 $0x1E400;
	[smem:$0x7ED] =	sst s24  }
0x39: {  	s17 =	sshrl.u32 s25, $0x2;
	s23 =	sadd.s32 s11, s2;
	[smem:$0x7EE] =	sst s9  }
0x3a: {  	s25 =	sadd.s32 s12, s2;
	s11 =	simm.s32 $0x6;
	[smem:$0x7F0] =	sst s15  }
0x3b: {  	s12 =	simm.s32 $0x14700;
	s18 =	simm.s32 $0x1E600;
	[smem:$0x7F7] =	sst s23  }
0x3c: {  	s24 =	sadd.s32 s17, s2;
	[smem:$0x7F8] =	sst s25;
	s25 =	sadd.s32 s13, s2  }
0x3d: {  	s23 =	sadd.s32 s14, s2;
	s9 =	simm.s32 $0x5;
	[smem:$0x7FB] =	sst s24  }
0x3e: {  	s13 =	simm.s32 $0x1E480;
	s14 =	simm.s32 $0x14780;
	[smem:$0x7FC] =	sst s25  }
0x3f: {  	s15 =	simm.s32 $0x1E500;
	s17 =	simm.s32 $0x14880;
	[smem:$0x7FD] =	sst s23  }
.LBB2_1:
0x40: {  	s22 =	sld [smem:$0x7F1];
	_ =	sdelay $0x2  }
0x41: {  	[tilespmem:s28], [sflag:$0x7] =	stream.linear.gather [hbm4b:s22+s3], $0x3000, $0x38;
	[tilespmem:$0x1E800] =	vst v63  }
0x42: {  	_ =	swait.ge [sflag:s29], $0x3000  }
0x43: {  	[sflag:s29] =	ssyncset.done $0x0  }
0x44: {  	[sflag:s29] =	ssyncadd.s32 $0xFFFFD000  }
0x45: {  	[spmem:s24] =	stream.linear.scatter [tilespmem:s28], [sflag:$0x1], $0x2000, $0x38;
	[tilespmem:$0x1E800] =	vst v63  }
0x46: {  	s24 =	sld [smem:$0x7F2];
	_ =	sdelay $0x2  }
0x47: {  	[spmem:s24] =	stream.linear.scatter [tilespmem:s28], [sflag:$0x1], $0x2000, $0x38;
	[tilespmem:$0x1E800] =	vst v63  }
0x48: {  	s24 =	sld [smem:$0x7F3];
	_ =	sdelay $0x2  }
0x49: {  	[spmem:s24] =	stream.linear.scatter [tilespmem:s28], [sflag:$0x1], $0x2000, $0x38;
	[tilespmem:$0x1E800] =	vst v63  }
0x4a: {  	s24 =	sld [smem:$0x7F4];
	_ =	sdelay $0x2  }
0x4b: {  	[spmem:s24] =	stream.linear.scatter [tilespmem:s28], [sflag:$0x1], $0x2000, $0x38;
	[tilespmem:$0x1E800] =	vst v63  }
0x4c: {  	s24 =	sld [smem:$0x7F5];
	_ =	sdelay $0x2  }
0x4d: {  	[spmem:s24] =	stream.linear.scatter [tilespmem:s28], [sflag:$0x1], $0x2000, $0x38;
	[tilespmem:$0x1E800] =	vst v63  }
0x4e: {  	s24 =	sld [smem:$0x7F6];
	_ =	sdelay $0x2  }
0x4f: {  	[spmem:s24] =	stream.linear.scatter [tilespmem:s28], [sflag:$0x1], $0x2000, $0x38;
	[tilespmem:$0x1E800] =	vst v63  }
0x50: {  	s24 =	sld [smem:$0x7F7];
	_ =	sdelay $0x2  }
0x51: {  	[spmem:s24] =	stream.linear.scatter [tilespmem:s28], [sflag:$0x1], $0x2000, $0x38;
	[tilespmem:$0x1E800] =	vst v63  }
0x52: {  	s24 =	sld [smem:$0x7F8];
	_ =	sdelay $0x2  }
0x53: {  	[spmem:s24] =	stream.linear.scatter [tilespmem:s28], [sflag:$0x1], $0x2000, $0x38;
	[tilespmem:$0x1E800] =	vst v63  }
0x54: {  	_ = 	snop  }
0x55: {  	[spmem:s25] =	stream.linear.scatter [tilespmem:s28], [sflag:$0x1], $0x2000, $0x38;
	[tilespmem:$0x1E800] =	vst v63  }
0x56: {  	_ = 	snop  }
0x57: {  	[spmem:s23] =	stream.linear.scatter [tilespmem:s28], [sflag:$0x1], $0x2000, $0x38;
	[tilespmem:$0x1E800] =	vst v63  }
0x58: {  	_ =	swait.ge [sflag:s30], $0x2000  }
0x59: {  	[sflag:s30] =	ssyncset.done $0x0  }
0x5a: {  	[sflag:s30] =	ssyncadd.s32 $0xFFFFE000  }
0x5b: {  	_ =	swait.ge [sflag:s30], $0x2000  }
0x5c: {  	[sflag:s30] =	ssyncset.done $0x0  }
0x5d: {  	[sflag:s30] =	ssyncadd.s32 $0xFFFFE000  }
0x5e: {  	_ =	swait.ge [sflag:s30], $0x2000  }
0x5f: {  	[sflag:s30] =	ssyncset.done $0x0  }
0x60: {  	[sflag:s30] =	ssyncadd.s32 $0xFFFFE000  }
0x61: {  	_ =	swait.ge [sflag:s30], $0x2000  }
0x62: {  	[sflag:s30] =	ssyncset.done $0x0  }
0x63: {  	[sflag:s30] =	ssyncadd.s32 $0xFFFFE000  }
0x64: {  	_ =	swait.ge [sflag:s30], $0x2000  }
0x65: {  	[sflag:s30] =	ssyncset.done $0x0  }
0x66: {  	[sflag:s30] =	ssyncadd.s32 $0xFFFFE000  }
0x67: {  	_ =	swait.ge [sflag:s30], $0x2000  }
0x68: {  	[sflag:s30] =	ssyncset.done $0x0  }
0x69: {  	[sflag:s30] =	ssyncadd.s32 $0xFFFFE000  }
0x6a: {  	_ =	swait.ge [sflag:s30], $0x2000  }
0x6b: {  	[sflag:s30] =	ssyncset.done $0x0  }
0x6c: {  	[sflag:s30] =	ssyncadd.s32 $0xFFFFE000  }
0x6d: {  	_ =	swait.ge [sflag:s30], $0x2000  }
0x6e: {  	[sflag:s30] =	ssyncset.done $0x0  }
0x6f: {  	[sflag:s30] =	ssyncadd.s32 $0xFFFFE000  }
0x70: {  	_ =	swait.ge [sflag:s30], $0x2000  }
0x71: {  	[sflag:s30] =	ssyncset.done $0x0  }
0x72: {  	[sflag:s30] =	ssyncadd.s32 $0xFFFFE000  }
0x73: {  	_ =	swait.ge [sflag:s30], $0x2000  }
0x74: {  	[sflag:s30] =	ssyncset.done $0x0  }
0x75: {  	[sflag:s30] =	ssyncadd.s32 $0xFFFFE000  }
0x76: {  	[bflag:$0x0] =	sbarrier.arrive $0xFFFF  }
0x77: {  	s25 =	rddreg [dreg:$0x4]  }
0x78: {  	s23 =	sadd.s32 $0x0, s25  }
0x79: {  	[tilespmem:s31], [sflag:$0x7] =	stream.linear.gather [hbm4b:s23+s3], $0xC00, $0x38;
	[tilespmem:$0x1E800] =	vst v63  }
0x7a: {  	_ =	swait.ge [sflag:s29], $0xC00  }
0x7b: {  	s22 =	rddreg [dreg:$0x5];
	[sflag:s29] =	ssyncset.done $0x0  }
0x7c: {  	[sflag:s29] =	ssyncadd.s32 $0xFFFFF400;
	s23 =	sadd.s32 $0x0, s22  }
0x7d: {  	[tilespmem:s0], [sflag:$0x7] =	stream.linear.gather [hbm4b:s23+s3], $0xC00, $0x38;
	[tilespmem:$0x1E800] =	vst v63  }
0x7e: {  	_ =	swait.ge [sflag:s29], $0xC00  }
0x7f: {  	[sflag:s29] =	ssyncset.done $0x0  }
0x80: {  	[sflag:s29] =	ssyncadd.s32 $0xFFFFF400  }
0x81: {  	[tilespmem:s28], [sflag:$0x1] =	stream.indirect.gather [hbm4b:s1+s4], $0x80, s31, s4, $0xb8;
	[tilespmem:$0x1E800] =	vst v63  }
0x82: {  	s24 =	rddreg [dreg:$0x6]  }
0x83: {  	[tilespmem:s5], [sflag:$0x2] =	stream.indirect.gather [hbm4b:s1+s4], $0x80, s24, s4, $0xb8;
	[tilespmem:$0x1E800] =	vst v63  }
0x84: {  	s25 =	rddreg [dreg:$0x7]  }
0x85: {  	[tilespmem:s6], [sflag:$0x3] =	stream.indirect.gather [hbm4b:s1+s4], $0x80, s25, s4, $0xb8;
	[tilespmem:$0x1E800] =	vst v63  }
0x86: {  	_ =	swait.ge [sflag:s30], $0x3000  }
0x87: {  	[sflag:s30] =	ssyncset.done $0x0  }
0x88: {  	[sflag:s30] =	ssyncadd.s32 $0xFFFFD000  }
0x89: {  	[spmem:s2] =	stream.indirect.scatter.add.f32 [tilespmem:s28], [sflag:$0x4], $0x80, s0, s4, $0xb8;
	[tilespmem:$0x1E800] =	vst v63  }
0x8a: {  	_ =	swait.ge [sflag:s7], $0x3000  }
0x8b: {  	[sflag:s7] =	ssyncset.done $0x0  }
0x8c: {  	s22 =	rddreg [dreg:$0x8];
	[sflag:s7] =	ssyncadd.s32 $0xFFFFD000  }
0x8d: {  	[tilespmem:s28], [sflag:$0x1] =	stream.indirect.gather [hbm4b:s1+s4], $0x80, s22, s4, $0xb8;
	[tilespmem:$0x1E800] =	vst v63  }
0x8e: {  	_ =	swait.ge [sflag:s8], $0x3000  }
0x8f: {  	[sflag:s8] =	ssyncset.done $0x0  }
0x90: {  	s24 =	rddreg [dreg:$0x9];
	[sflag:s8] =	ssyncadd.s32 $0xFFFFD000  }
0x91: {  	[spmem:s2] =	stream.indirect.scatter.add.f32 [tilespmem:s5], [sflag:$0x5], $0x80, s24, s4, $0xb8;
	[tilespmem:$0x1E800] =	vst v63  }
0x92: {  	_ =	swait.ge [sflag:s9], $0x3000  }
0x93: {  	[sflag:s9] =	ssyncset.done $0x0  }
0x94: {  	s25 =	rddreg [dreg:$0xa];
	[sflag:s9] =	ssyncadd.s32 $0xFFFFD000  }
0x95: {  	[tilespmem:s5], [sflag:$0x2] =	stream.indirect.gather [hbm4b:s1+s4], $0x80, s25, s4, $0xb8;
	[tilespmem:$0x1E800] =	vst v63  }
0x96: {  	_ =	swait.ge [sflag:s10], $0x3000  }
0x97: {  	[sflag:s10] =	ssyncset.done $0x0  }
0x98: {  	s22 =	rddreg [dreg:$0xb];
	[sflag:s10] =	ssyncadd.s32 $0xFFFFD000  }
0x99: {  	[spmem:s2] =	stream.indirect.scatter.add.f32 [tilespmem:s6], [sflag:$0x6], $0x80, s22, s4, $0xb8;
	[tilespmem:$0x1E800] =	vst v63  }
0x9a: {  	_ =	swait.ge [sflag:s11], $0x3000  }
0x9b: {  	[sflag:s11] =	ssyncset.done $0x0  }
0x9c: {  	s24 =	rddreg [dreg:$0xc];
	[sflag:s11] =	ssyncadd.s32 $0xFFFFD000  }
0x9d: {  	[tilespmem:s6], [sflag:$0x3] =	stream.indirect.gather [hbm4b:s1+s4], $0x80, s24, s4, $0xb8;
	[tilespmem:$0x1E800] =	vst v63  }
0x9e: {  	_ =	swait.ge [sflag:s30], $0x3000  }
0x9f: {  	[sflag:s30] =	ssyncset.done $0x0  }
0xa0: {  	s25 =	rddreg [dreg:$0xd];
	[sflag:s30] =	ssyncadd.s32 $0xFFFFD000  }
0xa1: {  	[spmem:s2] =	stream.indirect.scatter.add.f32 [tilespmem:s28], [sflag:$0x4], $0x80, s25, s4, $0xb8;
	[tilespmem:$0x1E800] =	vst v63  }
0xa2: {  	_ =	swait.ge [sflag:s7], $0x3000  }
0xa3: {  	[sflag:s7] =	ssyncset.done $0x0  }
0xa4: {  	s22 =	rddreg [dreg:$0xe];
	[sflag:s7] =	ssyncadd.s32 $0xFFFFD000  }
0xa5: {  	[tilespmem:s28], [sflag:$0x1] =	stream.indirect.gather [hbm4b:s1+s4], $0x80, s22, s4, $0xb8;
	[tilespmem:$0x1E800] =	vst v63  }
0xa6: {  	_ =	swait.ge [sflag:s8], $0x3000  }
0xa7: {  	[sflag:s8] =	ssyncset.done $0x0  }
0xa8: {  	s24 =	rddreg [dreg:$0xf];
	[sflag:s8] =	ssyncadd.s32 $0xFFFFD000  }
0xa9: {  	[spmem:s2] =	stream.indirect.scatter.add.f32 [tilespmem:s5], [sflag:$0x5], $0x80, s24, s4, $0xb8;
	[tilespmem:$0x1E800] =	vst v63  }
0xaa: {  	_ =	swait.ge [sflag:s9], $0x3000  }
0xab: {  	[sflag:s9] =	ssyncset.done $0x0  }
0xac: {  	s25 =	rddreg [dreg:$0x10];
	[sflag:s9] =	ssyncadd.s32 $0xFFFFD000  }
0xad: {  	[tilespmem:s5], [sflag:$0x2] =	stream.indirect.gather [hbm4b:s1+s4], $0x80, s25, s4, $0xb8;
	[tilespmem:$0x1E800] =	vst v63  }
0xae: {  	_ =	swait.ge [sflag:s10], $0x3000  }
0xaf: {  	[sflag:s10] =	ssyncset.done $0x0  }
0xb0: {  	s22 =	rddreg [dreg:$0x11];
	[sflag:s10] =	ssyncadd.s32 $0xFFFFD000  }
0xb1: {  	[spmem:s2] =	stream.indirect.scatter.add.f32 [tilespmem:s6], [sflag:$0x6], $0x80, s22, s4, $0xb8;
	[tilespmem:$0x1E800] =	vst v63  }
0xb2: {  	_ =	swait.ge [sflag:s11], $0x3000  }
0xb3: {  	[sflag:s11] =	ssyncset.done $0x0  }
0xb4: {  	s24 =	rddreg [dreg:$0x12];
	[sflag:s11] =	ssyncadd.s32 $0xFFFFD000  }
0xb5: {  	[tilespmem:s6], [sflag:$0x3] =	stream.indirect.gather [hbm4b:s1+s4], $0x80, s24, s4, $0xb8;
	[tilespmem:$0x1E800] =	vst v63  }
0xb6: {  	_ =	swait.ge [sflag:s30], $0x3000  }
0xb7: {  	[sflag:s30] =	ssyncset.done $0x0  }
0xb8: {  	s25 =	rddreg [dreg:$0x13];
	[sflag:s30] =	ssyncadd.s32 $0xFFFFD000  }
0xb9: {  	[spmem:s2] =	stream.indirect.scatter.add.f32 [tilespmem:s28], [sflag:$0x4], $0x80, s25, s4, $0xb8;
	[tilespmem:$0x1E800] =	vst v63  }
0xba: {  	_ =	swait.ge [sflag:s7], $0x3000  }
0xbb: {  	[sflag:s7] =	ssyncset.done $0x0  }
0xbc: {  	s22 =	rddreg [dreg:$0x14];
	[sflag:s7] =	ssyncadd.s32 $0xFFFFD000  }
0xbd: {  	[tilespmem:s28], [sflag:$0x1] =	stream.indirect.gather [hbm4b:s1+s4], $0x80, s22, s4, $0xb8;
	[tilespmem:$0x1E800] =	vst v63  }
0xbe: {  	_ =	swait.ge [sflag:s8], $0x3000  }
0xbf: {  	[sflag:s8] =	ssyncset.done $0x0  }
0xc0: {  	s24 =	rddreg [dreg:$0x15];
	[sflag:s8] =	ssyncadd.s32 $0xFFFFD000  }
0xc1: {  	[spmem:s2] =	stream.indirect.scatter.add.f32 [tilespmem:s5], [sflag:$0x5], $0x80, s24, s4, $0xb8;
	[tilespmem:$0x1E800] =	vst v63  }
0xc2: {  	_ =	swait.ge [sflag:s9], $0x3000  }
0xc3: {  	[sflag:s9] =	ssyncset.done $0x0  }
0xc4: {  	s25 =	rddreg [dreg:$0x16];
	[sflag:s9] =	ssyncadd.s32 $0xFFFFD000  }
0xc5: {  	[tilespmem:s5], [sflag:$0x2] =	stream.indirect.gather [hbm4b:s1+s4], $0x80, s25, s4, $0xb8;
	[tilespmem:$0x1E800] =	vst v63  }
0xc6: {  	_ =	swait.ge [sflag:s10], $0x3000  }
0xc7: {  	[sflag:s10] =	ssyncset.done $0x0  }
0xc8: {  	s22 =	rddreg [dreg:$0x17];
	[sflag:s10] =	ssyncadd.s32 $0xFFFFD000  }
0xc9: {  	[spmem:s2] =	stream.indirect.scatter.add.f32 [tilespmem:s6], [sflag:$0x6], $0x80, s22, s4, $0xb8;
	[tilespmem:$0x1E800] =	vst v63  }
0xca: {  	_ =	swait.ge [sflag:s11], $0x3000  }
0xcb: {  	[sflag:s11] =	ssyncset.done $0x0  }
0xcc: {  	s24 =	rddreg [dreg:$0x18];
	[sflag:s11] =	ssyncadd.s32 $0xFFFFD000  }
0xcd: {  	[tilespmem:s6], [sflag:$0x3] =	stream.indirect.gather [hbm4b:s1+s4], $0x80, s24, s4, $0xb8;
	[tilespmem:$0x1E800] =	vst v63  }
0xce: {  	_ =	swait.ge [sflag:s30], $0x3000  }
0xcf: {  	[sflag:s30] =	ssyncset.done $0x0  }
0xd0: {  	s25 =	rddreg [dreg:$0x19];
	[sflag:s30] =	ssyncadd.s32 $0xFFFFD000  }
0xd1: {  	[spmem:s2] =	stream.indirect.scatter.add.f32 [tilespmem:s28], [sflag:$0x4], $0x80, s25, s4, $0xb8;
	[tilespmem:$0x1E800] =	vst v63  }
0xd2: {  	_ =	swait.ge [sflag:s7], $0x3000  }
0xd3: {  	[sflag:s7] =	ssyncset.done $0x0  }
0xd4: {  	s22 =	rddreg [dreg:$0x1a];
	[sflag:s7] =	ssyncadd.s32 $0xFFFFD000  }
0xd5: {  	[tilespmem:s28], [sflag:$0x1] =	stream.indirect.gather [hbm4b:s1+s4], $0x80, s22, s4, $0xb8;
	[tilespmem:$0x1E800] =	vst v63  }
0xd6: {  	_ =	swait.ge [sflag:s8], $0x3000  }
0xd7: {  	[sflag:s8] =	ssyncset.done $0x0  }
0xd8: {  	s24 =	rddreg [dreg:$0x1b];
	[sflag:s8] =	ssyncadd.s32 $0xFFFFD000  }
0xd9: {  	[spmem:s2] =	stream.indirect.scatter.add.f32 [tilespmem:s5], [sflag:$0x5], $0x80, s24, s4, $0xb8;
	[tilespmem:$0x1E800] =	vst v63  }
0xda: {  	_ =	swait.ge [sflag:s9], $0x3000  }
0xdb: {  	[sflag:s9] =	ssyncset.done $0x0  }
0xdc: {  	s25 =	rddreg [dreg:$0x1c];
	[sflag:s9] =	ssyncadd.s32 $0xFFFFD000  }
0xdd: {  	[tilespmem:s5], [sflag:$0x2] =	stream.indirect.gather [hbm4b:s1+s4], $0x80, s25, s4, $0xb8;
	[tilespmem:$0x1E800] =	vst v63  }
0xde: {  	_ =	swait.ge [sflag:s10], $0x3000  }
0xdf: {  	[sflag:s10] =	ssyncset.done $0x0  }
0xe0: {  	s22 =	rddreg [dreg:$0x1d];
	[sflag:s10] =	ssyncadd.s32 $0xFFFFD000  }
0xe1: {  	[spmem:s2] =	stream.indirect.scatter.add.f32 [tilespmem:s6], [sflag:$0x6], $0x80, s22, s4, $0xb8;
	[tilespmem:$0x1E800] =	vst v63  }
0xe2: {  	_ =	swait.ge [sflag:s11], $0x3000  }
0xe3: {  	[sflag:s11] =	ssyncset.done $0x0  }
0xe4: {  	s24 =	rddreg [dreg:$0x1e];
	[sflag:s11] =	ssyncadd.s32 $0xFFFFD000  }
0xe5: {  	[tilespmem:s6], [sflag:$0x3] =	stream.indirect.gather [hbm4b:s1+s4], $0x80, s24, s4, $0xb8;
	[tilespmem:$0x1E800] =	vst v63  }
0xe6: {  	_ =	swait.ge [sflag:s30], $0x3000  }
0xe7: {  	[sflag:s30] =	ssyncset.done $0x0  }
0xe8: {  	s25 =	rddreg [dreg:$0x1f];
	[sflag:s30] =	ssyncadd.s32 $0xFFFFD000  }
0xe9: {  	[spmem:s2] =	stream.indirect.scatter.add.f32 [tilespmem:s28], [sflag:$0x4], $0x80, s25, s4, $0xb8;
	[tilespmem:$0x1E800] =	vst v63  }
0xea: {  	_ =	swait.ge [sflag:s7], $0x3000  }
0xeb: {  	s22 =	sld [smem:$0x7EA]  }
0xec: {  	[sflag:s7] =	ssyncset.done $0x0  }
0xed: {  	[sflag:s7] =	ssyncadd.s32 $0xFFFFD000  }
0xee: {  	[tilespmem:s28], [sflag:$0x1] =	stream.indirect.gather [hbm4b:s1+s4], $0x80, s22, s4, $0xb8;
	[tilespmem:$0x1E800] =	vst v63  }
0xef: {  	_ =	swait.ge [sflag:s8], $0x3000  }
0xf0: {  	s24 =	sld [smem:$0x7EF]  }
0xf1: {  	[sflag:s8] =	ssyncset.done $0x0  }
0xf2: {  	[sflag:s8] =	ssyncadd.s32 $0xFFFFD000  }
0xf3: {  	[spmem:s2] =	stream.indirect.scatter.add.f32 [tilespmem:s5], [sflag:$0x5], $0x80, s24, s4, $0xb8;
	[tilespmem:$0x1E800] =	vst v63  }
0xf4: {  	_ =	swait.ge [sflag:s9], $0x3000  }
0xf5: {  	s25 =	sld [smem:$0x7F0]  }
0xf6: {  	[sflag:s9] =	ssyncset.done $0x0  }
0xf7: {  	[sflag:s9] =	ssyncadd.s32 $0xFFFFD000  }
0xf8: {  	[tilespmem:s5], [sflag:$0x2] =	stream.indirect.gather [hbm4b:s1+s4], $0x80, s25, s4, $0xb8;
	[tilespmem:$0x1E800] =	vst v63  }
0xf9: {  	_ =	swait.ge [sflag:s10], $0x3000  }
0xfa: {  	[sflag:s10] =	ssyncset.done $0x0  }
0xfb: {  	[sflag:s10] =	ssyncadd.s32 $0xFFFFD000  }
0xfc: {  	[spmem:s2] =	stream.indirect.scatter.add.f32 [tilespmem:s6], [sflag:$0x6], $0x80, s12, s4, $0xb8;
	[tilespmem:$0x1E800] =	vst v63  }
0xfd: {  	_ =	swait.ge [sflag:s11], $0x3000  }
0xfe: {  	[sflag:s11] =	ssyncset.done $0x0  }
0xff: {  	[sflag:s11] =	ssyncadd.s32 $0xFFFFD000  }
0x100: {  	[tilespmem:s6], [sflag:$0x3] =	stream.indirect.gather [hbm4b:s1+s4], $0x80, s13, s4, $0xb8;
	[tilespmem:$0x1E800] =	vst v63  }
0x101: {  	_ =	swait.ge [sflag:s30], $0x3000  }
0x102: {  	[sflag:s30] =	ssyncset.done $0x0  }
0x103: {  	[sflag:s30] =	ssyncadd.s32 $0xFFFFD000  }
0x104: {  	[spmem:s2] =	stream.indirect.scatter.add.f32 [tilespmem:s28], [sflag:$0x4], $0x80, s14, s4, $0xb8;
	[tilespmem:$0x1E800] =	vst v63  }
0x105: {  	_ =	swait.ge [sflag:s7], $0x3000  }
0x106: {  	[sflag:s7] =	ssyncset.done $0x0  }
0x107: {  	[sflag:s7] =	ssyncadd.s32 $0xFFFFD000  }
0x108: {  	[tilespmem:s28], [sflag:$0x1] =	stream.indirect.gather [hbm4b:s1+s4], $0x80, s15, s4, $0xb8;
	[tilespmem:$0x1E800] =	vst v63  }
0x109: {  	_ =	swait.ge [sflag:s8], $0x3000  }
0x10a: {  	[sflag:s8] =	ssyncset.done $0x0  }
0x10b: {  	[sflag:s8] =	ssyncadd.s32 $0xFFFFD000  }
0x10c: {  	[spmem:s2] =	stream.indirect.scatter.add.f32 [tilespmem:s5], [sflag:$0x5], $0x80, s26, s4, $0xb8;
	[tilespmem:$0x1E800] =	vst v63  }
0x10d: {  	_ =	swait.ge [sflag:s9], $0x3000  }
0x10e: {  	[sflag:s9] =	ssyncset.done $0x0  }
0x10f: {  	[sflag:s9] =	ssyncadd.s32 $0xFFFFD000  }
0x110: {  	[tilespmem:s5], [sflag:$0x2] =	stream.indirect.gather [hbm4b:s1+s4], $0x80, s16, s4, $0xb8;
	[tilespmem:$0x1E800] =	vst v63  }
0x111: {  	_ =	swait.ge [sflag:s10], $0x3000  }
0x112: {  	[sflag:s10] =	ssyncset.done $0x0  }
0x113: {  	[sflag:s10] =	ssyncadd.s32 $0xFFFFD000  }
0x114: {  	[spmem:s2] =	stream.indirect.scatter.add.f32 [tilespmem:s6], [sflag:$0x6], $0x80, s17, s4, $0xb8;
	[tilespmem:$0x1E800] =	vst v63  }
0x115: {  	_ =	swait.ge [sflag:s11], $0x3000  }
0x116: {  	[sflag:s11] =	ssyncset.done $0x0  }
0x117: {  	[sflag:s11] =	ssyncadd.s32 $0xFFFFD000  }
0x118: {  	[tilespmem:s6], [sflag:$0x3] =	stream.indirect.gather [hbm4b:s1+s4], $0x80, s18, s4, $0xb8;
	[tilespmem:$0x1E800] =	vst v63  }
0x119: {  	_ =	swait.ge [sflag:s30], $0x3000  }
0x11a: {  	[sflag:s30] =	ssyncset.done $0x0  }
0x11b: {  	[sflag:s30] =	ssyncadd.s32 $0xFFFFD000  }
0x11c: {  	[spmem:s2] =	stream.indirect.scatter.add.f32 [tilespmem:s28], [sflag:$0x4], $0x80, s19, s4, $0xb8;
	[tilespmem:$0x1E800] =	vst v63  }
0x11d: {  	_ =	swait.ge [sflag:s7], $0x3000  }
0x11e: {  	[sflag:s7] =	ssyncset.done $0x0  }
0x11f: {  	[sflag:s7] =	ssyncadd.s32 $0xFFFFD000  }
0x120: {  	_ =	swait.ge [sflag:s8], $0x3000  }
0x121: {  	[sflag:s8] =	ssyncset.done $0x0  }
0x122: {  	[sflag:s8] =	ssyncadd.s32 $0xFFFFD000  }
0x123: {  	[spmem:s2] =	stream.indirect.scatter.add.f32 [tilespmem:s5], [sflag:$0x5], $0x80, s20, s4, $0xb8;
	[tilespmem:$0x1E800] =	vst v63  }
0x124: {  	_ =	swait.ge [sflag:s9], $0x3000  }
0x125: {  	[sflag:s9] =	ssyncset.done $0x0  }
0x126: {  	[sflag:s9] =	ssyncadd.s32 $0xFFFFD000  }
0x127: {  	_ =	swait.ge [sflag:s10], $0x3000  }
0x128: {  	[sflag:s10] =	ssyncset.done $0x0  }
0x129: {  	[sflag:s10] =	ssyncadd.s32 $0xFFFFD000  }
0x12a: {  	[spmem:s2] =	stream.indirect.scatter.add.f32 [tilespmem:s6], [sflag:$0x6], $0x80, s21, s4, $0xb8;
	[tilespmem:$0x1E800] =	vst v63  }
0x12b: {  	s23 =	simm.s32 $0x180;
	_ =	swait.ge [sflag:s11], $0x3000  }
0x12c: {  	s24 =	simm.s32 $0x300;
	s25 =	rddreg [dreg:$0x4];
	[sflag:s11] =	ssyncset.done $0x0  }
.LBB2_2:
0x12d: {  	[sflag:s11] =	ssyncadd.s32 $0xFFFFD000;
	s25 =	sadd.s32 s23, s25  }
0x12e: {  	[tilespmem:s31], [sflag:$0x7] =	stream.linear.gather [hbm4b:s25+s3], $0xC00, $0x38;
	[tilespmem:$0x1E800] =	vst v63  }
0x12f: {  	_ =	swait.ge [sflag:s29], $0xC00  }
0x130: {  	s25 =	rddreg [dreg:$0x5];
	[sflag:s29] =	ssyncset.done $0x0  }
0x131: {  	[sflag:s29] =	ssyncadd.s32 $0xFFFFF400;
	s25 =	sadd.s32 s23, s25  }
0x132: {  	[tilespmem:s0], [sflag:$0x7] =	stream.linear.gather [hbm4b:s25+s3], $0xC00, $0x38;
	[tilespmem:$0x1E800] =	vst v63  }
0x133: {  	_ =	swait.ge [sflag:s29], $0xC00  }
0x134: {  	[sflag:s29] =	ssyncset.done $0x0  }
0x135: {  	s22 =	smov.u32 s24;
	[sflag:s29] =	ssyncadd.s32 $0xFFFFF400  }
0x136: {  	[tilespmem:s28], [sflag:$0x1] =	stream.indirect.gather [hbm4b:s1+s4], $0x80, s31, s4, $0xb8;
	[tilespmem:$0x1E800] =	vst v63  }
0x137: {  	s23 =	smov.u32 s22;
	s22 =	rddreg [dreg:$0x6]  }
0x138: {  	[tilespmem:s5], [sflag:$0x2] =	stream.indirect.gather [hbm4b:s1+s4], $0x80, s22, s4, $0xb8;
	[tilespmem:$0x1E800] =	vst v63  }
0x139: {  	s25 =	rddreg [dreg:$0x7]  }
0x13a: {  	[tilespmem:s6], [sflag:$0x3] =	stream.indirect.gather [hbm4b:s1+s4], $0x80, s25, s4, $0xb8;
	[tilespmem:$0x1E800] =	vst v63  }
0x13b: {  	_ =	swait.ge [sflag:s30], $0x3000  }
0x13c: {  	[sflag:s30] =	ssyncset.done $0x0  }
0x13d: {  	[sflag:s30] =	ssyncadd.s32 $0xFFFFD000  }
0x13e: {  	[spmem:s2] =	stream.indirect.scatter.add.f32 [tilespmem:s28], [sflag:$0x4], $0x80, s0, s4, $0xb8;
	[tilespmem:$0x1E800] =	vst v63  }
0x13f: {  	_ =	swait.ge [sflag:s7], $0x3000  }
0x140: {  	[sflag:s7] =	ssyncset.done $0x0  }
0x141: {  	s25 =	rddreg [dreg:$0x8];
	[sflag:s7] =	ssyncadd.s32 $0xFFFFD000  }
0x142: {  	[tilespmem:s28], [sflag:$0x1] =	stream.indirect.gather [hbm4b:s1+s4], $0x80, s25, s4, $0xb8;
	[tilespmem:$0x1E800] =	vst v63  }
0x143: {  	_ =	swait.ge [sflag:s8], $0x3000  }
0x144: {  	[sflag:s8] =	ssyncset.done $0x0  }
0x145: {  	s25 =	rddreg [dreg:$0x9];
	[sflag:s8] =	ssyncadd.s32 $0xFFFFD000  }
0x146: {  	[spmem:s2] =	stream.indirect.scatter.add.f32 [tilespmem:s5], [sflag:$0x5], $0x80, s25, s4, $0xb8;
	[tilespmem:$0x1E800] =	vst v63  }
0x147: {  	_ =	swait.ge [sflag:s9], $0x3000  }
0x148: {  	[sflag:s9] =	ssyncset.done $0x0  }
0x149: {  	s25 =	rddreg [dreg:$0xa];
	[sflag:s9] =	ssyncadd.s32 $0xFFFFD000  }
0x14a: {  	[tilespmem:s5], [sflag:$0x2] =	stream.indirect.gather [hbm4b:s1+s4], $0x80, s25, s4, $0xb8;
	[tilespmem:$0x1E800] =	vst v63  }
0x14b: {  	_ =	swait.ge [sflag:s10], $0x3000  }
0x14c: {  	[sflag:s10] =	ssyncset.done $0x0  }
0x14d: {  	s25 =	rddreg [dreg:$0xb];
	[sflag:s10] =	ssyncadd.s32 $0xFFFFD000  }
0x14e: {  	[spmem:s2] =	stream.indirect.scatter.add.f32 [tilespmem:s6], [sflag:$0x6], $0x80, s25, s4, $0xb8;
	[tilespmem:$0x1E800] =	vst v63  }
0x14f: {  	_ =	swait.ge [sflag:s11], $0x3000  }
0x150: {  	[sflag:s11] =	ssyncset.done $0x0  }
0x151: {  	s25 =	rddreg [dreg:$0xc];
	[sflag:s11] =	ssyncadd.s32 $0xFFFFD000  }
0x152: {  	[tilespmem:s6], [sflag:$0x3] =	stream.indirect.gather [hbm4b:s1+s4], $0x80, s25, s4, $0xb8;
	[tilespmem:$0x1E800] =	vst v63  }
0x153: {  	_ =	swait.ge [sflag:s30], $0x3000  }
0x154: {  	[sflag:s30] =	ssyncset.done $0x0  }
0x155: {  	s25 =	rddreg [dreg:$0xd];
	[sflag:s30] =	ssyncadd.s32 $0xFFFFD000  }
0x156: {  	[spmem:s2] =	stream.indirect.scatter.add.f32 [tilespmem:s28], [sflag:$0x4], $0x80, s25, s4, $0xb8;
	[tilespmem:$0x1E800] =	vst v63  }
0x157: {  	_ =	swait.ge [sflag:s7], $0x3000  }
0x158: {  	[sflag:s7] =	ssyncset.done $0x0  }
0x159: {  	s25 =	rddreg [dreg:$0xe];
	[sflag:s7] =	ssyncadd.s32 $0xFFFFD000  }
0x15a: {  	[tilespmem:s28], [sflag:$0x1] =	stream.indirect.gather [hbm4b:s1+s4], $0x80, s25, s4, $0xb8;
	[tilespmem:$0x1E800] =	vst v63  }
0x15b: {  	_ =	swait.ge [sflag:s8], $0x3000  }
0x15c: {  	[sflag:s8] =	ssyncset.done $0x0  }
0x15d: {  	s25 =	rddreg [dreg:$0xf];
	[sflag:s8] =	ssyncadd.s32 $0xFFFFD000  }
0x15e: {  	[spmem:s2] =	stream.indirect.scatter.add.f32 [tilespmem:s5], [sflag:$0x5], $0x80, s25, s4, $0xb8;
	[tilespmem:$0x1E800] =	vst v63  }
0x15f: {  	_ =	swait.ge [sflag:s9], $0x3000  }
0x160: {  	[sflag:s9] =	ssyncset.done $0x0  }
0x161: {  	s25 =	rddreg [dreg:$0x10];
	[sflag:s9] =	ssyncadd.s32 $0xFFFFD000  }
0x162: {  	[tilespmem:s5], [sflag:$0x2] =	stream.indirect.gather [hbm4b:s1+s4], $0x80, s25, s4, $0xb8;
	[tilespmem:$0x1E800] =	vst v63  }
0x163: {  	_ =	swait.ge [sflag:s10], $0x3000  }
0x164: {  	[sflag:s10] =	ssyncset.done $0x0  }
0x165: {  	s25 =	rddreg [dreg:$0x11];
	[sflag:s10] =	ssyncadd.s32 $0xFFFFD000  }
0x166: {  	[spmem:s2] =	stream.indirect.scatter.add.f32 [tilespmem:s6], [sflag:$0x6], $0x80, s25, s4, $0xb8;
	[tilespmem:$0x1E800] =	vst v63  }
0x167: {  	_ =	swait.ge [sflag:s11], $0x3000  }
0x168: {  	[sflag:s11] =	ssyncset.done $0x0  }
0x169: {  	s25 =	rddreg [dreg:$0x12];
	[sflag:s11] =	ssyncadd.s32 $0xFFFFD000  }
0x16a: {  	[tilespmem:s6], [sflag:$0x3] =	stream.indirect.gather [hbm4b:s1+s4], $0x80, s25, s4, $0xb8;
	[tilespmem:$0x1E800] =	vst v63  }
0x16b: {  	_ =	swait.ge [sflag:s30], $0x3000  }
0x16c: {  	[sflag:s30] =	ssyncset.done $0x0  }
0x16d: {  	s25 =	rddreg [dreg:$0x13];
	[sflag:s30] =	ssyncadd.s32 $0xFFFFD000  }
0x16e: {  	[spmem:s2] =	stream.indirect.scatter.add.f32 [tilespmem:s28], [sflag:$0x4], $0x80, s25, s4, $0xb8;
	[tilespmem:$0x1E800] =	vst v63  }
0x16f: {  	_ =	swait.ge [sflag:s7], $0x3000  }
0x170: {  	[sflag:s7] =	ssyncset.done $0x0  }
0x171: {  	s25 =	rddreg [dreg:$0x14];
	[sflag:s7] =	ssyncadd.s32 $0xFFFFD000  }
0x172: {  	[tilespmem:s28], [sflag:$0x1] =	stream.indirect.gather [hbm4b:s1+s4], $0x80, s25, s4, $0xb8;
	[tilespmem:$0x1E800] =	vst v63  }
0x173: {  	_ =	swait.ge [sflag:s8], $0x3000  }
0x174: {  	[sflag:s8] =	ssyncset.done $0x0  }
0x175: {  	s25 =	rddreg [dreg:$0x15];
	[sflag:s8] =	ssyncadd.s32 $0xFFFFD000  }
0x176: {  	[spmem:s2] =	stream.indirect.scatter.add.f32 [tilespmem:s5], [sflag:$0x5], $0x80, s25, s4, $0xb8;
	[tilespmem:$0x1E800] =	vst v63  }
0x177: {  	_ =	swait.ge [sflag:s9], $0x3000  }
0x178: {  	[sflag:s9] =	ssyncset.done $0x0  }
0x179: {  	s25 =	rddreg [dreg:$0x16];
	[sflag:s9] =	ssyncadd.s32 $0xFFFFD000  }
0x17a: {  	[tilespmem:s5], [sflag:$0x2] =	stream.indirect.gather [hbm4b:s1+s4], $0x80, s25, s4, $0xb8;
	[tilespmem:$0x1E800] =	vst v63  }
0x17b: {  	_ =	swait.ge [sflag:s10], $0x3000  }
0x17c: {  	[sflag:s10] =	ssyncset.done $0x0  }
0x17d: {  	s25 =	rddreg [dreg:$0x17];
	[sflag:s10] =	ssyncadd.s32 $0xFFFFD000  }
0x17e: {  	[spmem:s2] =	stream.indirect.scatter.add.f32 [tilespmem:s6], [sflag:$0x6], $0x80, s25, s4, $0xb8;
	[tilespmem:$0x1E800] =	vst v63  }
0x17f: {  	_ =	swait.ge [sflag:s11], $0x3000  }
0x180: {  	[sflag:s11] =	ssyncset.done $0x0  }
0x181: {  	s25 =	rddreg [dreg:$0x18];
	[sflag:s11] =	ssyncadd.s32 $0xFFFFD000  }
0x182: {  	[tilespmem:s6], [sflag:$0x3] =	stream.indirect.gather [hbm4b:s1+s4], $0x80, s25, s4, $0xb8;
	[tilespmem:$0x1E800] =	vst v63  }
0x183: {  	_ =	swait.ge [sflag:s30], $0x3000  }
0x184: {  	[sflag:s30] =	ssyncset.done $0x0  }
0x185: {  	s25 =	rddreg [dreg:$0x19];
	[sflag:s30] =	ssyncadd.s32 $0xFFFFD000  }
0x186: {  	[spmem:s2] =	stream.indirect.scatter.add.f32 [tilespmem:s28], [sflag:$0x4], $0x80, s25, s4, $0xb8;
	[tilespmem:$0x1E800] =	vst v63  }
0x187: {  	_ =	swait.ge [sflag:s7], $0x3000  }
0x188: {  	[sflag:s7] =	ssyncset.done $0x0  }
0x189: {  	s25 =	rddreg [dreg:$0x1a];
	[sflag:s7] =	ssyncadd.s32 $0xFFFFD000  }
0x18a: {  	[tilespmem:s28], [sflag:$0x1] =	stream.indirect.gather [hbm4b:s1+s4], $0x80, s25, s4, $0xb8;
	[tilespmem:$0x1E800] =	vst v63  }
0x18b: {  	_ =	swait.ge [sflag:s8], $0x3000  }
0x18c: {  	[sflag:s8] =	ssyncset.done $0x0  }
0x18d: {  	s25 =	rddreg [dreg:$0x1b];
	[sflag:s8] =	ssyncadd.s32 $0xFFFFD000  }
0x18e: {  	[spmem:s2] =	stream.indirect.scatter.add.f32 [tilespmem:s5], [sflag:$0x5], $0x80, s25, s4, $0xb8;
	[tilespmem:$0x1E800] =	vst v63  }
0x18f: {  	_ =	swait.ge [sflag:s9], $0x3000  }
0x190: {  	[sflag:s9] =	ssyncset.done $0x0  }
0x191: {  	s25 =	rddreg [dreg:$0x1c];
	[sflag:s9] =	ssyncadd.s32 $0xFFFFD000  }
0x192: {  	[tilespmem:s5], [sflag:$0x2] =	stream.indirect.gather [hbm4b:s1+s4], $0x80, s25, s4, $0xb8;
	[tilespmem:$0x1E800] =	vst v63  }
0x193: {  	_ =	swait.ge [sflag:s10], $0x3000  }
0x194: {  	[sflag:s10] =	ssyncset.done $0x0  }
0x195: {  	s25 =	rddreg [dreg:$0x1d];
	[sflag:s10] =	ssyncadd.s32 $0xFFFFD000  }
0x196: {  	[spmem:s2] =	stream.indirect.scatter.add.f32 [tilespmem:s6], [sflag:$0x6], $0x80, s25, s4, $0xb8;
	[tilespmem:$0x1E800] =	vst v63  }
0x197: {  	_ =	swait.ge [sflag:s11], $0x3000  }
0x198: {  	[sflag:s11] =	ssyncset.done $0x0  }
0x199: {  	s25 =	rddreg [dreg:$0x1e];
	[sflag:s11] =	ssyncadd.s32 $0xFFFFD000  }
0x19a: {  	[tilespmem:s6], [sflag:$0x3] =	stream.indirect.gather [hbm4b:s1+s4], $0x80, s25, s4, $0xb8;
	[tilespmem:$0x1E800] =	vst v63  }
0x19b: {  	_ =	swait.ge [sflag:s30], $0x3000  }
0x19c: {  	[sflag:s30] =	ssyncset.done $0x0  }
0x19d: {  	s25 =	rddreg [dreg:$0x1f];
	[sflag:s30] =	ssyncadd.s32 $0xFFFFD000  }
0x19e: {  	[spmem:s2] =	stream.indirect.scatter.add.f32 [tilespmem:s28], [sflag:$0x4], $0x80, s25, s4, $0xb8;
	[tilespmem:$0x1E800] =	vst v63  }
0x19f: {  	_ =	swait.ge [sflag:s7], $0x3000  }
0x1a0: {  	s25 =	sld [smem:$0x7EA]  }
0x1a1: {  	[sflag:s7] =	ssyncset.done $0x0  }
0x1a2: {  	[sflag:s7] =	ssyncadd.s32 $0xFFFFD000  }
0x1a3: {  	[tilespmem:s28], [sflag:$0x1] =	stream.indirect.gather [hbm4b:s1+s4], $0x80, s25, s4, $0xb8;
	[tilespmem:$0x1E800] =	vst v63  }
0x1a4: {  	_ =	swait.ge [sflag:s8], $0x3000  }
0x1a5: {  	s25 =	sld [smem:$0x7EF]  }
0x1a6: {  	[sflag:s8] =	ssyncset.done $0x0  }
0x1a7: {  	[sflag:s8] =	ssyncadd.s32 $0xFFFFD000  }
0x1a8: {  	[spmem:s2] =	stream.indirect.scatter.add.f32 [tilespmem:s5], [sflag:$0x5], $0x80, s25, s4, $0xb8;
	[tilespmem:$0x1E800] =	vst v63  }
0x1a9: {  	_ =	swait.ge [sflag:s9], $0x3000  }
0x1aa: {  	s25 =	sld [smem:$0x7F0]  }
0x1ab: {  	[sflag:s9] =	ssyncset.done $0x0  }
0x1ac: {  	[sflag:s9] =	ssyncadd.s32 $0xFFFFD000  }
0x1ad: {  	[tilespmem:s5], [sflag:$0x2] =	stream.indirect.gather [hbm4b:s1+s4], $0x80, s25, s4, $0xb8;
	[tilespmem:$0x1E800] =	vst v63  }
0x1ae: {  	_ =	swait.ge [sflag:s10], $0x3000  }
0x1af: {  	[sflag:s10] =	ssyncset.done $0x0  }
0x1b0: {  	[sflag:s10] =	ssyncadd.s32 $0xFFFFD000  }
0x1b1: {  	[spmem:s2] =	stream.indirect.scatter.add.f32 [tilespmem:s6], [sflag:$0x6], $0x80, s12, s4, $0xb8;
	[tilespmem:$0x1E800] =	vst v63  }
0x1b2: {  	_ =	swait.ge [sflag:s11], $0x3000  }
0x1b3: {  	[sflag:s11] =	ssyncset.done $0x0  }
0x1b4: {  	[sflag:s11] =	ssyncadd.s32 $0xFFFFD000  }
0x1b5: {  	[tilespmem:s6], [sflag:$0x3] =	stream.indirect.gather [hbm4b:s1+s4], $0x80, s13, s4, $0xb8;
	[tilespmem:$0x1E800] =	vst v63  }
0x1b6: {  	_ =	swait.ge [sflag:s30], $0x3000  }
0x1b7: {  	[sflag:s30] =	ssyncset.done $0x0  }
0x1b8: {  	[sflag:s30] =	ssyncadd.s32 $0xFFFFD000  }
0x1b9: {  	[spmem:s2] =	stream.indirect.scatter.add.f32 [tilespmem:s28], [sflag:$0x4], $0x80, s14, s4, $0xb8;
	[tilespmem:$0x1E800] =	vst v63  }
0x1ba: {  	_ =	swait.ge [sflag:s7], $0x3000  }
0x1bb: {  	[sflag:s7] =	ssyncset.done $0x0  }
0x1bc: {  	[sflag:s7] =	ssyncadd.s32 $0xFFFFD000  }
0x1bd: {  	[tilespmem:s28], [sflag:$0x1] =	stream.indirect.gather [hbm4b:s1+s4], $0x80, s15, s4, $0xb8;
	[tilespmem:$0x1E800] =	vst v63  }
0x1be: {  	_ =	swait.ge [sflag:s8], $0x3000  }
0x1bf: {  	[sflag:s8] =	ssyncset.done $0x0  }
0x1c0: {  	[sflag:s8] =	ssyncadd.s32 $0xFFFFD000  }
0x1c1: {  	[spmem:s2] =	stream.indirect.scatter.add.f32 [tilespmem:s5], [sflag:$0x5], $0x80, s26, s4, $0xb8;
	[tilespmem:$0x1E800] =	vst v63  }
0x1c2: {  	_ =	swait.ge [sflag:s9], $0x3000  }
0x1c3: {  	[sflag:s9] =	ssyncset.done $0x0  }
0x1c4: {  	[sflag:s9] =	ssyncadd.s32 $0xFFFFD000  }
0x1c5: {  	[tilespmem:s5], [sflag:$0x2] =	stream.indirect.gather [hbm4b:s1+s4], $0x80, s16, s4, $0xb8;
	[tilespmem:$0x1E800] =	vst v63  }
0x1c6: {  	_ =	swait.ge [sflag:s10], $0x3000  }
0x1c7: {  	[sflag:s10] =	ssyncset.done $0x0  }
0x1c8: {  	[sflag:s10] =	ssyncadd.s32 $0xFFFFD000  }
0x1c9: {  	[spmem:s2] =	stream.indirect.scatter.add.f32 [tilespmem:s6], [sflag:$0x6], $0x80, s17, s4, $0xb8;
	[tilespmem:$0x1E800] =	vst v63  }
0x1ca: {  	_ =	swait.ge [sflag:s11], $0x3000  }
0x1cb: {  	[sflag:s11] =	ssyncset.done $0x0  }
0x1cc: {  	[sflag:s11] =	ssyncadd.s32 $0xFFFFD000  }
0x1cd: {  	[tilespmem:s6], [sflag:$0x3] =	stream.indirect.gather [hbm4b:s1+s4], $0x80, s18, s4, $0xb8;
	[tilespmem:$0x1E800] =	vst v63  }
0x1ce: {  	_ =	swait.ge [sflag:s30], $0x3000  }
0x1cf: {  	[sflag:s30] =	ssyncset.done $0x0  }
0x1d0: {  	[sflag:s30] =	ssyncadd.s32 $0xFFFFD000  }
0x1d1: {  	[spmem:s2] =	stream.indirect.scatter.add.f32 [tilespmem:s28], [sflag:$0x4], $0x80, s19, s4, $0xb8;
	[tilespmem:$0x1E800] =	vst v63  }
0x1d2: {  	_ =	swait.ge [sflag:s7], $0x3000  }
0x1d3: {  	[sflag:s7] =	ssyncset.done $0x0  }
0x1d4: {  	[sflag:s7] =	ssyncadd.s32 $0xFFFFD000  }
0x1d5: {  	_ =	swait.ge [sflag:s8], $0x3000  }
0x1d6: {  	[sflag:s8] =	ssyncset.done $0x0  }
0x1d7: {  	[sflag:s8] =	ssyncadd.s32 $0xFFFFD000  }
0x1d8: {  	[spmem:s2] =	stream.indirect.scatter.add.f32 [tilespmem:s5], [sflag:$0x5], $0x80, s20, s4, $0xb8;
	[tilespmem:$0x1E800] =	vst v63  }
0x1d9: {  	_ =	swait.ge [sflag:s9], $0x3000  }
0x1da: {  	[sflag:s9] =	ssyncset.done $0x0  }
0x1db: {  	[sflag:s9] =	ssyncadd.s32 $0xFFFFD000  }
0x1dc: {  	p0 =	sne.s32 s24, $0x600;
	_ =	swait.ge [sflag:s10], $0x3000  }
.Ltmp0:
0x1dd: {  	[sflag:s10] =	ssyncset.done $0x0;
	(pc) =	sbr.rel @p0 .LBB2_2-.Ltmp0, $4  }
0x1de: {  	[sflag:s10] =	ssyncadd.s32 $0xFFFFD000  }
0x1df: {  	[spmem:s2] =	stream.indirect.scatter.add.f32 [tilespmem:s6], [sflag:$0x6], $0x80, s21, s4, $0xb8;
	[tilespmem:$0x1E800] =	vst v63  }
0x1e0: {  	_ =	swait.ge [sflag:s11], $0x3000  }
0x1e1: {  	s24 =	sadd.s32 $0x180, s24;
	s25 =	rddreg [dreg:$0x4];
	[sflag:s11] =	ssyncset.done $0x0  }
0x1e2: {  	[sflag:s11] =	ssyncadd.s32 $0xFFFFD000;
	s22 =	sadd.s32 s23, s25  }
0x1e3: {  	[tilespmem:s31], [sflag:$0x7] =	stream.linear.gather [hbm4b:s22+s3], $0xC00, $0x38;
	[tilespmem:$0x1E800] =	vst v63  }
0x1e4: {  	_ =	swait.ge [sflag:s29], $0xC00  }
0x1e5: {  	s25 =	rddreg [dreg:$0x5];
	[sflag:s29] =	ssyncset.done $0x0  }
0x1e6: {  	[sflag:s29] =	ssyncadd.s32 $0xFFFFF400;
	s22 =	sadd.s32 s23, s25  }
0x1e7: {  	[tilespmem:s0], [sflag:$0x7] =	stream.linear.gather [hbm4b:s22+s3], $0xC00, $0x38;
	[tilespmem:$0x1E800] =	vst v63  }
0x1e8: {  	_ =	swait.ge [sflag:s29], $0xC00  }
0x1e9: {  	[sflag:s29] =	ssyncset.done $0x0  }
0x1ea: {  	[sflag:s29] =	ssyncadd.s32 $0xFFFFF400  }
0x1eb: {  	[tilespmem:s28], [sflag:$0x1] =	stream.indirect.gather [hbm4b:s1+s4], $0x80, s31, s4, $0xb8;
	[tilespmem:$0x1E800] =	vst v63  }
0x1ec: {  	s23 =	rddreg [dreg:$0x6]  }
0x1ed: {  	[tilespmem:s5], [sflag:$0x2] =	stream.indirect.gather [hbm4b:s1+s4], $0x80, s23, s4, $0xb8;
	[tilespmem:$0x1E800] =	vst v63  }
0x1ee: {  	s24 =	rddreg [dreg:$0x7]  }
0x1ef: {  	[tilespmem:s6], [sflag:$0x3] =	stream.indirect.gather [hbm4b:s1+s4], $0x80, s24, s4, $0xb8;
	[tilespmem:$0x1E800] =	vst v63  }
0x1f0: {  	_ =	swait.ge [sflag:s30], $0x3000  }
0x1f1: {  	[sflag:s30] =	ssyncset.done $0x0  }
0x1f2: {  	[sflag:s30] =	ssyncadd.s32 $0xFFFFD000  }
0x1f3: {  	[spmem:s2] =	stream.indirect.scatter.add.f32 [tilespmem:s28], [sflag:$0x4], $0x80, s0, s4, $0xb8;
	[tilespmem:$0x1E800] =	vst v63  }
0x1f4: {  	_ =	swait.ge [sflag:s7], $0x3000  }
0x1f5: {  	[sflag:s7] =	ssyncset.done $0x0  }
0x1f6: {  	s25 =	rddreg [dreg:$0x8];
	[sflag:s7] =	ssyncadd.s32 $0xFFFFD000  }
0x1f7: {  	[tilespmem:s28], [sflag:$0x1] =	stream.indirect.gather [hbm4b:s1+s4], $0x80, s25, s4, $0xb8;
	[tilespmem:$0x1E800] =	vst v63  }
0x1f8: {  	_ =	swait.ge [sflag:s8], $0x3000  }
0x1f9: {  	[sflag:s8] =	ssyncset.done $0x0  }
0x1fa: {  	s23 =	rddreg [dreg:$0x9];
	[sflag:s8] =	ssyncadd.s32 $0xFFFFD000  }
0x1fb: {  	[spmem:s2] =	stream.indirect.scatter.add.f32 [tilespmem:s5], [sflag:$0x5], $0x80, s23, s4, $0xb8;
	[tilespmem:$0x1E800] =	vst v63  }
0x1fc: {  	_ =	swait.ge [sflag:s9], $0x3000  }
0x1fd: {  	[sflag:s9] =	ssyncset.done $0x0  }
0x1fe: {  	s24 =	rddreg [dreg:$0xa];
	[sflag:s9] =	ssyncadd.s32 $0xFFFFD000  }
0x1ff: {  	[tilespmem:s5], [sflag:$0x2] =	stream.indirect.gather [hbm4b:s1+s4], $0x80, s24, s4, $0xb8;
	[tilespmem:$0x1E800] =	vst v63  }
0x200: {  	_ =	swait.ge [sflag:s10], $0x3000  }
0x201: {  	[sflag:s10] =	ssyncset.done $0x0  }
0x202: {  	s25 =	rddreg [dreg:$0xb];
	[sflag:s10] =	ssyncadd.s32 $0xFFFFD000  }
0x203: {  	[spmem:s2] =	stream.indirect.scatter.add.f32 [tilespmem:s6], [sflag:$0x6], $0x80, s25, s4, $0xb8;
	[tilespmem:$0x1E800] =	vst v63  }
0x204: {  	_ =	swait.ge [sflag:s11], $0x3000  }
0x205: {  	[sflag:s11] =	ssyncset.done $0x0  }
0x206: {  	s23 =	rddreg [dreg:$0xc];
	[sflag:s11] =	ssyncadd.s32 $0xFFFFD000  }
0x207: {  	[tilespmem:s6], [sflag:$0x3] =	stream.indirect.gather [hbm4b:s1+s4], $0x80, s23, s4, $0xb8;
	[tilespmem:$0x1E800] =	vst v63  }
0x208: {  	_ =	swait.ge [sflag:s30], $0x3000  }
0x209: {  	[sflag:s30] =	ssyncset.done $0x0  }
0x20a: {  	s24 =	rddreg [dreg:$0xd];
	[sflag:s30] =	ssyncadd.s32 $0xFFFFD000  }
0x20b: {  	[spmem:s2] =	stream.indirect.scatter.add.f32 [tilespmem:s28], [sflag:$0x4], $0x80, s24, s4, $0xb8;
	[tilespmem:$0x1E800] =	vst v63  }
0x20c: {  	_ =	swait.ge [sflag:s7], $0x3000  }
0x20d: {  	[sflag:s7] =	ssyncset.done $0x0  }
0x20e: {  	s25 =	rddreg [dreg:$0xe];
	[sflag:s7] =	ssyncadd.s32 $0xFFFFD000  }
0x20f: {  	[tilespmem:s28], [sflag:$0x1] =	stream.indirect.gather [hbm4b:s1+s4], $0x80, s25, s4, $0xb8;
	[tilespmem:$0x1E800] =	vst v63  }
0x210: {  	_ =	swait.ge [sflag:s8], $0x3000  }
0x211: {  	[sflag:s8] =	ssyncset.done $0x0  }
0x212: {  	s23 =	rddreg [dreg:$0xf];
	[sflag:s8] =	ssyncadd.s32 $0xFFFFD000  }
0x213: {  	[spmem:s2] =	stream.indirect.scatter.add.f32 [tilespmem:s5], [sflag:$0x5], $0x80, s23, s4, $0xb8;
	[tilespmem:$0x1E800] =	vst v63  }
0x214: {  	_ =	swait.ge [sflag:s9], $0x3000  }
0x215: {  	[sflag:s9] =	ssyncset.done $0x0  }
0x216: {  	s24 =	rddreg [dreg:$0x10];
	[sflag:s9] =	ssyncadd.s32 $0xFFFFD000  }
0x217: {  	[tilespmem:s5], [sflag:$0x2] =	stream.indirect.gather [hbm4b:s1+s4], $0x80, s24, s4, $0xb8;
	[tilespmem:$0x1E800] =	vst v63  }
0x218: {  	_ =	swait.ge [sflag:s10], $0x3000  }
0x219: {  	[sflag:s10] =	ssyncset.done $0x0  }
0x21a: {  	s25 =	rddreg [dreg:$0x11];
	[sflag:s10] =	ssyncadd.s32 $0xFFFFD000  }
0x21b: {  	[spmem:s2] =	stream.indirect.scatter.add.f32 [tilespmem:s6], [sflag:$0x6], $0x80, s25, s4, $0xb8;
	[tilespmem:$0x1E800] =	vst v63  }
0x21c: {  	_ =	swait.ge [sflag:s11], $0x3000  }
0x21d: {  	[sflag:s11] =	ssyncset.done $0x0  }
0x21e: {  	s23 =	rddreg [dreg:$0x12];
	[sflag:s11] =	ssyncadd.s32 $0xFFFFD000  }
0x21f: {  	[tilespmem:s6], [sflag:$0x3] =	stream.indirect.gather [hbm4b:s1+s4], $0x80, s23, s4, $0xb8;
	[tilespmem:$0x1E800] =	vst v63  }
0x220: {  	_ =	swait.ge [sflag:s30], $0x3000  }
0x221: {  	[sflag:s30] =	ssyncset.done $0x0  }
0x222: {  	s24 =	rddreg [dreg:$0x13];
	[sflag:s30] =	ssyncadd.s32 $0xFFFFD000  }
0x223: {  	[spmem:s2] =	stream.indirect.scatter.add.f32 [tilespmem:s28], [sflag:$0x4], $0x80, s24, s4, $0xb8;
	[tilespmem:$0x1E800] =	vst v63  }
0x224: {  	_ =	swait.ge [sflag:s7], $0x3000  }
0x225: {  	[sflag:s7] =	ssyncset.done $0x0  }
0x226: {  	s25 =	rddreg [dreg:$0x14];
	[sflag:s7] =	ssyncadd.s32 $0xFFFFD000  }
0x227: {  	[tilespmem:s28], [sflag:$0x1] =	stream.indirect.gather [hbm4b:s1+s4], $0x80, s25, s4, $0xb8;
	[tilespmem:$0x1E800] =	vst v63  }
0x228: {  	_ =	swait.ge [sflag:s8], $0x3000  }
0x229: {  	[sflag:s8] =	ssyncset.done $0x0  }
0x22a: {  	s23 =	rddreg [dreg:$0x15];
	[sflag:s8] =	ssyncadd.s32 $0xFFFFD000  }
0x22b: {  	[spmem:s2] =	stream.indirect.scatter.add.f32 [tilespmem:s5], [sflag:$0x5], $0x80, s23, s4, $0xb8;
	[tilespmem:$0x1E800] =	vst v63  }
0x22c: {  	_ =	swait.ge [sflag:s9], $0x3000  }
0x22d: {  	[sflag:s9] =	ssyncset.done $0x0  }
0x22e: {  	s24 =	rddreg [dreg:$0x16];
	[sflag:s9] =	ssyncadd.s32 $0xFFFFD000  }
0x22f: {  	[tilespmem:s5], [sflag:$0x2] =	stream.indirect.gather [hbm4b:s1+s4], $0x80, s24, s4, $0xb8;
	[tilespmem:$0x1E800] =	vst v63  }
0x230: {  	_ =	swait.ge [sflag:s10], $0x3000  }
0x231: {  	[sflag:s10] =	ssyncset.done $0x0  }
0x232: {  	s25 =	rddreg [dreg:$0x17];
	[sflag:s10] =	ssyncadd.s32 $0xFFFFD000  }
0x233: {  	[spmem:s2] =	stream.indirect.scatter.add.f32 [tilespmem:s6], [sflag:$0x6], $0x80, s25, s4, $0xb8;
	[tilespmem:$0x1E800] =	vst v63  }
0x234: {  	_ =	swait.ge [sflag:s11], $0x3000  }
0x235: {  	[sflag:s11] =	ssyncset.done $0x0  }
0x236: {  	s23 =	rddreg [dreg:$0x18];
	[sflag:s11] =	ssyncadd.s32 $0xFFFFD000  }
0x237: {  	[tilespmem:s6], [sflag:$0x3] =	stream.indirect.gather [hbm4b:s1+s4], $0x80, s23, s4, $0xb8;
	[tilespmem:$0x1E800] =	vst v63  }
0x238: {  	_ =	swait.ge [sflag:s30], $0x3000  }
0x239: {  	[sflag:s30] =	ssyncset.done $0x0  }
0x23a: {  	s24 =	rddreg [dreg:$0x19];
	[sflag:s30] =	ssyncadd.s32 $0xFFFFD000  }
0x23b: {  	[spmem:s2] =	stream.indirect.scatter.add.f32 [tilespmem:s28], [sflag:$0x4], $0x80, s24, s4, $0xb8;
	[tilespmem:$0x1E800] =	vst v63  }
0x23c: {  	_ =	swait.ge [sflag:s7], $0x3000  }
0x23d: {  	[sflag:s7] =	ssyncset.done $0x0  }
0x23e: {  	s25 =	rddreg [dreg:$0x1a];
	[sflag:s7] =	ssyncadd.s32 $0xFFFFD000  }
0x23f: {  	[tilespmem:s28], [sflag:$0x1] =	stream.indirect.gather [hbm4b:s1+s4], $0x80, s25, s4, $0xb8;
	[tilespmem:$0x1E800] =	vst v63  }
0x240: {  	_ =	swait.ge [sflag:s8], $0x3000  }
0x241: {  	[sflag:s8] =	ssyncset.done $0x0  }
0x242: {  	s23 =	rddreg [dreg:$0x1b];
	[sflag:s8] =	ssyncadd.s32 $0xFFFFD000  }
0x243: {  	[spmem:s2] =	stream.indirect.scatter.add.f32 [tilespmem:s5], [sflag:$0x5], $0x80, s23, s4, $0xb8;
	[tilespmem:$0x1E800] =	vst v63  }
0x244: {  	_ =	swait.ge [sflag:s9], $0x3000  }
0x245: {  	[sflag:s9] =	ssyncset.done $0x0  }
0x246: {  	s24 =	rddreg [dreg:$0x1c];
	[sflag:s9] =	ssyncadd.s32 $0xFFFFD000  }
0x247: {  	[tilespmem:s5], [sflag:$0x2] =	stream.indirect.gather [hbm4b:s1+s4], $0x80, s24, s4, $0xb8;
	[tilespmem:$0x1E800] =	vst v63  }
0x248: {  	_ =	swait.ge [sflag:s10], $0x3000  }
0x249: {  	[sflag:s10] =	ssyncset.done $0x0  }
0x24a: {  	s25 =	rddreg [dreg:$0x1d];
	[sflag:s10] =	ssyncadd.s32 $0xFFFFD000  }
0x24b: {  	[spmem:s2] =	stream.indirect.scatter.add.f32 [tilespmem:s6], [sflag:$0x6], $0x80, s25, s4, $0xb8;
	[tilespmem:$0x1E800] =	vst v63  }
0x24c: {  	_ =	swait.ge [sflag:s11], $0x3000  }
0x24d: {  	[sflag:s11] =	ssyncset.done $0x0  }
0x24e: {  	s23 =	rddreg [dreg:$0x1e];
	[sflag:s11] =	ssyncadd.s32 $0xFFFFD000  }
0x24f: {  	[tilespmem:s6], [sflag:$0x3] =	stream.indirect.gather [hbm4b:s1+s4], $0x80, s23, s4, $0xb8;
	[tilespmem:$0x1E800] =	vst v63  }
0x250: {  	_ =	swait.ge [sflag:s30], $0x3000  }
0x251: {  	[sflag:s30] =	ssyncset.done $0x0  }
0x252: {  	s24 =	rddreg [dreg:$0x1f];
	[sflag:s30] =	ssyncadd.s32 $0xFFFFD000  }
0x253: {  	[spmem:s2] =	stream.indirect.scatter.add.f32 [tilespmem:s28], [sflag:$0x4], $0x80, s24, s4, $0xb8;
	[tilespmem:$0x1E800] =	vst v63  }
0x254: {  	_ =	swait.ge [sflag:s7], $0x3000  }
0x255: {  	s25 =	sld [smem:$0x7EA]  }
0x256: {  	[sflag:s7] =	ssyncset.done $0x0  }
0x257: {  	[sflag:s7] =	ssyncadd.s32 $0xFFFFD000  }
0x258: {  	[tilespmem:s28], [sflag:$0x1] =	stream.indirect.gather [hbm4b:s1+s4], $0x80, s25, s4, $0xb8;
	[tilespmem:$0x1E800] =	vst v63  }
0x259: {  	_ =	swait.ge [sflag:s8], $0x3000  }
0x25a: {  	s23 =	sld [smem:$0x7EF]  }
0x25b: {  	[sflag:s8] =	ssyncset.done $0x0  }
0x25c: {  	[sflag:s8] =	ssyncadd.s32 $0xFFFFD000  }
0x25d: {  	[spmem:s2] =	stream.indirect.scatter.add.f32 [tilespmem:s5], [sflag:$0x5], $0x80, s23, s4, $0xb8;
	[tilespmem:$0x1E800] =	vst v63  }
0x25e: {  	_ =	swait.ge [sflag:s9], $0x3000  }
0x25f: {  	s24 =	sld [smem:$0x7F0]  }
0x260: {  	[sflag:s9] =	ssyncset.done $0x0  }
0x261: {  	[sflag:s9] =	ssyncadd.s32 $0xFFFFD000  }
0x262: {  	[tilespmem:s5], [sflag:$0x2] =	stream.indirect.gather [hbm4b:s1+s4], $0x80, s24, s4, $0xb8;
	[tilespmem:$0x1E800] =	vst v63  }
0x263: {  	_ =	swait.ge [sflag:s10], $0x3000  }
0x264: {  	[sflag:s10] =	ssyncset.done $0x0  }
0x265: {  	[sflag:s10] =	ssyncadd.s32 $0xFFFFD000  }
0x266: {  	[spmem:s2] =	stream.indirect.scatter.add.f32 [tilespmem:s6], [sflag:$0x6], $0x80, s12, s4, $0xb8;
	[tilespmem:$0x1E800] =	vst v63  }
0x267: {  	_ =	swait.ge [sflag:s11], $0x3000  }
0x268: {  	[sflag:s11] =	ssyncset.done $0x0  }
0x269: {  	[sflag:s11] =	ssyncadd.s32 $0xFFFFD000  }
0x26a: {  	[tilespmem:s6], [sflag:$0x3] =	stream.indirect.gather [hbm4b:s1+s4], $0x80, s13, s4, $0xb8;
	[tilespmem:$0x1E800] =	vst v63  }
0x26b: {  	_ =	swait.ge [sflag:s30], $0x3000  }
0x26c: {  	[sflag:s30] =	ssyncset.done $0x0  }
0x26d: {  	[sflag:s30] =	ssyncadd.s32 $0xFFFFD000  }
0x26e: {  	[spmem:s2] =	stream.indirect.scatter.add.f32 [tilespmem:s28], [sflag:$0x4], $0x80, s14, s4, $0xb8;
	[tilespmem:$0x1E800] =	vst v63  }
0x26f: {  	_ =	swait.ge [sflag:s7], $0x3000  }
0x270: {  	[sflag:s7] =	ssyncset.done $0x0  }
0x271: {  	[sflag:s7] =	ssyncadd.s32 $0xFFFFD000  }
0x272: {  	[tilespmem:s28], [sflag:$0x1] =	stream.indirect.gather [hbm4b:s1+s4], $0x80, s15, s4, $0xb8;
	[tilespmem:$0x1E800] =	vst v63  }
0x273: {  	_ =	swait.ge [sflag:s8], $0x3000  }
0x274: {  	[sflag:s8] =	ssyncset.done $0x0  }
0x275: {  	[sflag:s8] =	ssyncadd.s32 $0xFFFFD000  }
0x276: {  	[spmem:s2] =	stream.indirect.scatter.add.f32 [tilespmem:s5], [sflag:$0x5], $0x80, s26, s4, $0xb8;
	[tilespmem:$0x1E800] =	vst v63  }
0x277: {  	_ =	swait.ge [sflag:s9], $0x3000  }
0x278: {  	[sflag:s9] =	ssyncset.done $0x0  }
0x279: {  	[sflag:s9] =	ssyncadd.s32 $0xFFFFD000  }
0x27a: {  	[tilespmem:s5], [sflag:$0x2] =	stream.indirect.gather [hbm4b:s1+s4], $0x80, s16, s4, $0xb8;
	[tilespmem:$0x1E800] =	vst v63  }
0x27b: {  	_ =	swait.ge [sflag:s10], $0x3000  }
0x27c: {  	[sflag:s10] =	ssyncset.done $0x0  }
0x27d: {  	[sflag:s10] =	ssyncadd.s32 $0xFFFFD000  }
0x27e: {  	[spmem:s2] =	stream.indirect.scatter.add.f32 [tilespmem:s6], [sflag:$0x6], $0x80, s17, s4, $0xb8;
	[tilespmem:$0x1E800] =	vst v63  }
0x27f: {  	_ =	swait.ge [sflag:s11], $0x3000  }
0x280: {  	[sflag:s11] =	ssyncset.done $0x0  }
0x281: {  	[sflag:s11] =	ssyncadd.s32 $0xFFFFD000  }
0x282: {  	[tilespmem:s6], [sflag:$0x3] =	stream.indirect.gather [hbm4b:s1+s4], $0x80, s18, s4, $0xb8;
	[tilespmem:$0x1E800] =	vst v63  }
0x283: {  	_ =	swait.ge [sflag:s30], $0x3000  }
0x284: {  	[sflag:s30] =	ssyncset.done $0x0  }
0x285: {  	[sflag:s30] =	ssyncadd.s32 $0xFFFFD000  }
0x286: {  	[spmem:s2] =	stream.indirect.scatter.add.f32 [tilespmem:s28], [sflag:$0x4], $0x80, s19, s4, $0xb8;
	[tilespmem:$0x1E800] =	vst v63  }
0x287: {  	_ =	swait.ge [sflag:s7], $0x3000  }
0x288: {  	[sflag:s7] =	ssyncset.done $0x0  }
0x289: {  	[sflag:s7] =	ssyncadd.s32 $0xFFFFD000  }
0x28a: {  	_ =	swait.ge [sflag:s8], $0x3000  }
0x28b: {  	[sflag:s8] =	ssyncset.done $0x0  }
0x28c: {  	[sflag:s8] =	ssyncadd.s32 $0xFFFFD000  }
0x28d: {  	[spmem:s2] =	stream.indirect.scatter.add.f32 [tilespmem:s5], [sflag:$0x5], $0x80, s20, s4, $0xb8;
	[tilespmem:$0x1E800] =	vst v63  }
0x28e: {  	_ =	swait.ge [sflag:s9], $0x3000  }
0x28f: {  	[sflag:s9] =	ssyncset.done $0x0  }
0x290: {  	[sflag:s9] =	ssyncadd.s32 $0xFFFFD000  }
0x291: {  	_ =	swait.ge [sflag:s10], $0x3000  }
0x292: {  	[sflag:s10] =	ssyncset.done $0x0  }
0x293: {  	[sflag:s10] =	ssyncadd.s32 $0xFFFFD000  }
0x294: {  	[spmem:s2] =	stream.indirect.scatter.add.f32 [tilespmem:s6], [sflag:$0x6], $0x80, s21, s4, $0xb8;
	[tilespmem:$0x1E800] =	vst v63  }
0x295: {  	_ =	swait.ge [sflag:s11], $0x3000  }
0x296: {  	[sflag:s11] =	ssyncset.done $0x0  }
0x297: {  	[sflag:s11] =	ssyncadd.s32 $0xFFFFD000  }
0x298: {  	[bflag:$0x0] =	sbarrier.arrive $0xFFFF  }
0x299: {  	s25 =	sld [smem:$0x7FB];
	_ =	sdelay $0x2  }
0x29a: {  	[tilespmem:s28], [sflag:$0x7] =	stream.linear.gather [spmem:s25], $0x2000, $0x38;
	[tilespmem:$0x1E800] =	vst v63  }
0x29b: {  	_ =	swait.ge [sflag:s29], $0x2000  }
0x29c: {  	s23 =	sld [smem:$0x7E4]  }
0x29d: {  	[sflag:s29] =	ssyncset.done $0x0  }
0x29e: {  	s24 =	sld [smem:$0x7F2];
	[sflag:s29] =	ssyncadd.s32 $0xFFFFE000  }
0x29f: {  	[hbm4b:s23+s3] =	stream.linear.scatter [tilespmem:s28], [sflag:$0x4], $0x2000, $0x38;
	[tilespmem:$0x1E800] =	vst v63  }
0x2a0: {  	_ = 	snop  }
0x2a1: {  	[tilespmem:s5], [sflag:$0x7] =	stream.linear.gather [spmem:s24], $0x2000, $0x38;
	[tilespmem:$0x1E800] =	vst v63  }
0x2a2: {  	_ =	swait.ge [sflag:s29], $0x2000  }
0x2a3: {  	s25 =	sld [smem:$0x7E5]  }
0x2a4: {  	[sflag:s29] =	ssyncset.done $0x0  }
0x2a5: {  	[sflag:s29] =	ssyncadd.s32 $0xFFFFE000  }
0x2a6: {  	[hbm4b:s25+s3] =	stream.linear.scatter [tilespmem:s5], [sflag:$0x5], $0x2000, $0x38;
	[tilespmem:$0x1E800] =	vst v63  }
0x2a7: {  	_ =	swait.ge [sflag:s7], $0x2000  }
0x2a8: {  	s23 =	sld [smem:$0x7F3]  }
0x2a9: {  	[sflag:s7] =	ssyncset.done $0x0  }
0x2aa: {  	[sflag:s7] =	ssyncadd.s32 $0xFFFFE000  }
0x2ab: {  	[tilespmem:s28], [sflag:$0x7] =	stream.linear.gather [spmem:s23], $0x2000, $0x38;
	[tilespmem:$0x1E800] =	vst v63  }
0x2ac: {  	_ =	swait.ge [sflag:s29], $0x2000  }
0x2ad: {  	s24 =	sld [smem:$0x7E6]  }
0x2ae: {  	[sflag:s29] =	ssyncset.done $0x0  }
0x2af: {  	[sflag:s29] =	ssyncadd.s32 $0xFFFFE000  }
0x2b0: {  	[hbm4b:s24+s3] =	stream.linear.scatter [tilespmem:s28], [sflag:$0x4], $0x2000, $0x38;
	[tilespmem:$0x1E800] =	vst v63  }
0x2b1: {  	_ =	swait.ge [sflag:s9], $0x2000  }
0x2b2: {  	s25 =	sld [smem:$0x7F4]  }
0x2b3: {  	[sflag:s9] =	ssyncset.done $0x0  }
0x2b4: {  	[sflag:s9] =	ssyncadd.s32 $0xFFFFE000  }
0x2b5: {  	[tilespmem:s5], [sflag:$0x7] =	stream.linear.gather [spmem:s25], $0x2000, $0x38;
	[tilespmem:$0x1E800] =	vst v63  }
0x2b6: {  	_ =	swait.ge [sflag:s29], $0x2000  }
0x2b7: {  	s23 =	sld [smem:$0x7E7]  }
0x2b8: {  	[sflag:s29] =	ssyncset.done $0x0  }
0x2b9: {  	[sflag:s29] =	ssyncadd.s32 $0xFFFFE000  }
0x2ba: {  	[hbm4b:s23+s3] =	stream.linear.scatter [tilespmem:s5], [sflag:$0x5], $0x2000, $0x38;
	[tilespmem:$0x1E800] =	vst v63  }
0x2bb: {  	_ =	swait.ge [sflag:s7], $0x2000  }
0x2bc: {  	s24 =	sld [smem:$0x7F5]  }
0x2bd: {  	[sflag:s7] =	ssyncset.done $0x0  }
0x2be: {  	[sflag:s7] =	ssyncadd.s32 $0xFFFFE000  }
0x2bf: {  	[tilespmem:s28], [sflag:$0x7] =	stream.linear.gather [spmem:s24], $0x2000, $0x38;
	[tilespmem:$0x1E800] =	vst v63  }
0x2c0: {  	_ =	swait.ge [sflag:s29], $0x2000  }
0x2c1: {  	s25 =	sld [smem:$0x7E8]  }
0x2c2: {  	[sflag:s29] =	ssyncset.done $0x0  }
0x2c3: {  	[sflag:s29] =	ssyncadd.s32 $0xFFFFE000  }
0x2c4: {  	[hbm4b:s25+s3] =	stream.linear.scatter [tilespmem:s28], [sflag:$0x4], $0x2000, $0x38;
	[tilespmem:$0x1E800] =	vst v63  }
0x2c5: {  	_ =	swait.ge [sflag:s9], $0x2000  }
0x2c6: {  	s23 =	sld [smem:$0x7F6]  }
0x2c7: {  	[sflag:s9] =	ssyncset.done $0x0  }
0x2c8: {  	[sflag:s9] =	ssyncadd.s32 $0xFFFFE000  }
0x2c9: {  	[tilespmem:s5], [sflag:$0x7] =	stream.linear.gather [spmem:s23], $0x2000, $0x38;
	[tilespmem:$0x1E800] =	vst v63  }
0x2ca: {  	_ =	swait.ge [sflag:s29], $0x2000  }
0x2cb: {  	s24 =	sld [smem:$0x7E9]  }
0x2cc: {  	[sflag:s29] =	ssyncset.done $0x0  }
0x2cd: {  	[sflag:s29] =	ssyncadd.s32 $0xFFFFE000  }
0x2ce: {  	[hbm4b:s24+s3] =	stream.linear.scatter [tilespmem:s5], [sflag:$0x5], $0x2000, $0x38;
	[tilespmem:$0x1E800] =	vst v63  }
0x2cf: {  	_ =	swait.ge [sflag:s7], $0x2000  }
0x2d0: {  	s25 =	sld [smem:$0x7F7]  }
0x2d1: {  	[sflag:s7] =	ssyncset.done $0x0  }
0x2d2: {  	[sflag:s7] =	ssyncadd.s32 $0xFFFFE000  }
0x2d3: {  	[tilespmem:s28], [sflag:$0x7] =	stream.linear.gather [spmem:s25], $0x2000, $0x38;
	[tilespmem:$0x1E800] =	vst v63  }
0x2d4: {  	_ =	swait.ge [sflag:s29], $0x2000  }
0x2d5: {  	s23 =	sld [smem:$0x7EB]  }
0x2d6: {  	[sflag:s29] =	ssyncset.done $0x0  }
0x2d7: {  	[sflag:s29] =	ssyncadd.s32 $0xFFFFE000  }
0x2d8: {  	[hbm4b:s23+s3] =	stream.linear.scatter [tilespmem:s28], [sflag:$0x4], $0x2000, $0x38;
	[tilespmem:$0x1E800] =	vst v63  }
0x2d9: {  	_ =	swait.ge [sflag:s9], $0x2000  }
0x2da: {  	s24 =	sld [smem:$0x7F8]  }
0x2db: {  	[sflag:s9] =	ssyncset.done $0x0  }
0x2dc: {  	[sflag:s9] =	ssyncadd.s32 $0xFFFFE000  }
0x2dd: {  	[tilespmem:s5], [sflag:$0x7] =	stream.linear.gather [spmem:s24], $0x2000, $0x38;
	[tilespmem:$0x1E800] =	vst v63  }
0x2de: {  	_ =	swait.ge [sflag:s29], $0x2000  }
0x2df: {  	s25 =	sld [smem:$0x7EC]  }
0x2e0: {  	[sflag:s29] =	ssyncset.done $0x0  }
0x2e1: {  	[sflag:s29] =	ssyncadd.s32 $0xFFFFE000  }
0x2e2: {  	[hbm4b:s25+s3] =	stream.linear.scatter [tilespmem:s5], [sflag:$0x5], $0x2000, $0x38;
	[tilespmem:$0x1E800] =	vst v63  }
0x2e3: {  	_ =	swait.ge [sflag:s7], $0x2000  }
0x2e4: {  	s25 =	sld [smem:$0x7FC]  }
0x2e5: {  	[sflag:s7] =	ssyncset.done $0x0  }
0x2e6: {  	[sflag:s7] =	ssyncadd.s32 $0xFFFFE000  }
0x2e7: {  	[tilespmem:s28], [sflag:$0x7] =	stream.linear.gather [spmem:s25], $0x2000, $0x38;
	[tilespmem:$0x1E800] =	vst v63  }
0x2e8: {  	_ =	swait.ge [sflag:s29], $0x2000  }
0x2e9: {  	s23 =	sld [smem:$0x7ED]  }
0x2ea: {  	[sflag:s29] =	ssyncset.done $0x0  }
0x2eb: {  	[sflag:s29] =	ssyncadd.s32 $0xFFFFE000  }
0x2ec: {  	[hbm4b:s23+s3] =	stream.linear.scatter [tilespmem:s28], [sflag:$0x4], $0x2000, $0x38;
	[tilespmem:$0x1E800] =	vst v63  }
0x2ed: {  	_ =	swait.ge [sflag:s9], $0x2000  }
0x2ee: {  	s23 =	sld [smem:$0x7FD]  }
0x2ef: {  	[sflag:s9] =	ssyncset.done $0x0  }
0x2f0: {  	[sflag:s9] =	ssyncadd.s32 $0xFFFFE000  }
0x2f1: {  	[tilespmem:s5], [sflag:$0x7] =	stream.linear.gather [spmem:s23], $0x2000, $0x38;
	[tilespmem:$0x1E800] =	vst v63  }
0x2f2: {  	_ =	swait.ge [sflag:s29], $0x2000  }
0x2f3: {  	s24 =	sld [smem:$0x7EE]  }
0x2f4: {  	[sflag:s29] =	ssyncset.done $0x0  }
0x2f5: {  	[sflag:s29] =	ssyncadd.s32 $0xFFFFE000  }
0x2f6: {  	[hbm4b:s24+s3] =	stream.linear.scatter [tilespmem:s5], [sflag:$0x5], $0x2000, $0x38;
	[tilespmem:$0x1E800] =	vst v63  }
0x2f7: {  	_ =	swait.ge [sflag:s7], $0x2000  }
0x2f8: {  	[sflag:s7] =	ssyncset.done $0x0  }
0x2f9: {  	[sflag:s7] =	ssyncadd.s32 $0xFFFFE000  }
0x2fa: {  	_ =	swait.ge [sflag:s9], $0x2000  }
0x2fb: {  	s24 =	sld [smem:$0x7FA]  }
0x2fc: {  	s22 =	sld [smem:$0x7F9];
	_ =	sdelay $0x1  }
0x2fd: {  	s24 =	sadd.s32 $0x1, s24  }
0x2fe: {  	p0 =	sne.s32 s24, s22  }
.Ltmp1:
0x2ff: {  	_ = 	snop;
	(pc) =	sbr.rel @p0 .LBB2_1-.Ltmp1, $3  }
0x300: {  	_ =	sdelay $0x1  }
0x301: {  	[sflag:s9] =	ssyncset.done $0x0;
	[smem:$0x7FA] =	sst s24  }
0x302: {  	[sflag:s9] =	ssyncadd.s32 $0xFFFFE000;
	s24 =	sld [smem:$0x7FB]  }
0x303: {  	_ =	sfence.sel $0x180000  }
0x304: {  	[bflag:$0x0] =	sbarrier.arrive $0xFFFF  }
0x305: {  	_ =	strace $0x9000004A  }
0x306: {  	s0 =	stileid.u32;
	[bflag:$0x2] =	sbarrier.arrive $0xFFFF  }
0x307: {  	p0 =	sne.s32 s0, $0x0;
	s0 =	rddreg [dreg:$0x3]  }
0x308: {  	s0 =	sadd.s32 @!p0 $0x100000, s0  }
0x309: {  	[sflag:s0] =	ssyncadd.tile.s32 @!p0 $0x1;
	_ =	shalt  }
.Lfunc_end2:
_tile_overlayer_lowered:
.L_overlay_start_2:
0x30a: {  	(tag) =	ssettag $0x2  }
0x30b: {  	s0 =	rddreg [dreg:$0x0];
	s2 =	stileid.u32  }
0x30c: {  	s1 =	rddreg [dreg:$0x1];
	p0 =	sne.s32 s2, $0x0  }
0x30d: {  	s3 =	rddreg [dreg:$0x2];
	[bflag:$0x3] =	sbarrier.arrive $0xFFFF;
	s2 =	simm.s32 @!p0 $0x1C07  }
0x30e: {  	[timem:s3], [sflag:s2] =	dma.local @!p0 [hbm:s0], s1  }
0x30f: {  	s0 =	simm.s32 @!p0 $0x7  }
0x310: {  	_ =	swait.ge @!p0 [sflag:s0], s1  }
0x311: {  	s1 =	ssub.s32 @!p0 $0x0, s1;
	[sflag:s0] =	ssyncset.done @!p0 $0x0  }
0x312: {  	[sflag:s0] =	ssyncadd.s32 @!p0 s1  }
0x313: {  	[bflag:$0x3] =	sbarrier.arrive $0xFFFF  }
0x314: {  	_ =	shalt  }

</sc_bundles>
